<compile_context>
chip_gen: v7x
topology: tpu7x:2x2x1
jax: 0.10.2.dev20260603
libtpu: 0.0.44.dev20260713+nightly
codegen_flags: <defaults>
</compile_context>

<pallas_src>
import functools

import jax
import jax.numpy as jnp
from jax import lax
from jax.experimental import pallas as pl
from jax.experimental.pallas import tpu as pltpu
from jax.experimental.pallas import tpu_sc as plsc

N = 10000
D = 128
NC = 2
NS = 16
L = 16
NW = NC * NS
CHUNK = 128
IBLK = 16
NPAD = 10240
RPT = NPAD // NS
NKW = RPT // CHUNK


@functools.cache
def _make_agg(nch):
    mesh = plsc.VectorSubcoreMesh(
        core_axis_name="c", subcore_axis_name="s",
        num_cores=NC, num_subcores=NS)

    @functools.partial(
        pl.kernel,
        out_type=[
            jax.ShapeDtypeStruct((NC, NPAD, D), jnp.float32),
            jax.ShapeDtypeStruct((NC, NPAD), jnp.float32),
        ],
        mesh=mesh,
        scratch_types=[
            pltpu.VMEM((IBLK, CHUNK), jnp.int32),
            pltpu.VMEM((IBLK, CHUNK), jnp.int32),
            pltpu.VMEM((CHUNK, D), jnp.float32),
            pltpu.VMEM((CHUNK, D), jnp.float32),
            pltpu.VMEM((CHUNK,), jnp.float32),
            pltpu.VMEM((RPT,), jnp.float32),
            pltpu.VMEM_SHARED((NPAD, D), jnp.float32),
            pltpu.VMEM_SHARED((NPAD,), jnp.float32),
            pltpu.SemaphoreType.DMA,
            pltpu.SemaphoreType.DMA,
            pltpu.SemaphoreType.DMA,
        ],
    )
    def agg(h_hbm, src_hbm, dst_hbm, zrows_hbm, zc_hbm, ones_hbm,
            sum_hbm, cnt_hbm,
            src_v, dst_v, rows_v, rows2_v, ones_v, cz_v, acc_s, cntacc_s,
            sem0, sem1, csem):
        cid = lax.axis_index("c")
        sid = lax.axis_index("s")
        wid = sid * NC + cid
        pltpu.sync_copy(ones_hbm, ones_v)
        pltpu.sync_copy(zc_hbm, cz_v)
        pltpu.sync_copy(zrows_hbm, rows_v)
        for k in range(NKW):
            sl = pl.ds(sid * RPT + k * CHUNK, CHUNK)
            pltpu.sync_copy(rows_v, acc_s.at[sl])
        pltpu.sync_copy(cz_v, cntacc_s.at[pl.ds(sid * RPT, RPT)])
        plsc.subcore_barrier()

        bufs = (rows_v, rows2_v)
        sems = (sem0, sem1)

        def block(b, carry):
            pltpu.sync_copy(src_hbm.at[wid, pl.ds(b * IBLK, IBLK)], src_v)
            pltpu.sync_copy(dst_hbm.at[wid, pl.ds(b * IBLK, IBLK)], dst_v)
            pltpu.async_copy(h_hbm.at[src_v.at[0]], bufs[0], sems[0])
            for j in range(IBLK):
                p = j % 2
                if j + 1 < IBLK:
                    q = (j + 1) % 2
                    pltpu.async_copy(h_hbm.at[src_v.at[j + 1]], bufs[q],
                                     sems[q])
                pltpu.make_async_copy(h_hbm.at[src_v.at[j]], bufs[p],
                                      sems[p]).wait()
                if j >= 1:
                    pltpu.make_async_copy(ones_v,
                                          cntacc_s.at[dst_v.at[j - 1]],
                                          csem).wait()
                pltpu.async_copy(ones_v, cntacc_s.at[dst_v.at[j]], csem,
                                 add=True)
                pltpu.sync_copy(bufs[p], acc_s.at[dst_v.at[j]], add=True)
            pltpu.make_async_copy(ones_v, cntacc_s.at[dst_v.at[IBLK - 1]],
                                  csem).wait()
            return carry

        lax.fori_loop(0, nch // IBLK, block, 0)
        plsc.subcore_barrier()
        for k in range(NKW):
            sl = pl.ds(sid * RPT + k * CHUNK, CHUNK)
            pltpu.sync_copy(acc_s.at[sl], rows_v)
            pltpu.sync_copy(rows_v, sum_hbm.at[cid, sl])
        slc = pl.ds(sid * RPT, RPT)
        pltpu.sync_copy(cntacc_s.at[slc], cz_v)
        pltpu.sync_copy(cz_v, cnt_hbm.at[cid, slc])

    return agg


def _dense_sage(sums, cnt, h, Wl, bl, Wr):
    BR = 2000
    grid = (N // BR,)

    def body(s0_ref, s1_ref, cnt_ref, h_ref, Wl_ref, bl_ref, Wr_ref,
             o_ref):
        denom = jnp.maximum(cnt_ref[...], 1.0)
        mean = (s0_ref[0] + s1_ref[0]) / denom
        out = (jnp.dot(mean, Wl_ref[...], preferred_element_type=jnp.float32)
               + jnp.dot(h_ref[...], Wr_ref[...],
                         preferred_element_type=jnp.float32)
               + bl_ref[...])
        o_ref[...] = jnp.maximum(out, 0.0)

    rowspec = pl.BlockSpec((BR, D), lambda i: (i, 0))
    p0spec = pl.BlockSpec((1, BR, D), lambda i: (0, i, 0))
    p1spec = pl.BlockSpec((1, BR, D), lambda i: (1, i, 0))
    cntspec = pl.BlockSpec((BR, 1), lambda i: (i, 0))
    wspec = pl.BlockSpec((D, D), lambda i: (0, 0))
    bspec = pl.BlockSpec((1, D), lambda i: (0, 0))
    return pl.pallas_call(
        body, grid=grid,
        in_specs=[p0spec, p1spec, cntspec, rowspec,
                  wspec, bspec, wspec],
        out_specs=rowspec,
        out_shape=jax.ShapeDtypeStruct((N, D), jnp.float32),
    )(sums, sums, cnt, h, Wl, bl.reshape(1, D), Wr)


def _dense_final(sums, cnt, h, Wl, bl, Wr, Wm1p, bm1p, Wm2p, bm2):
    BR = 2000
    grid = (N // BR,)

    def body(s0_ref, s1_ref, cnt_ref, h_ref, Wl_ref, bl_ref, Wr_ref,
             Wm1_ref, bm1_ref, Wm2_ref, bm2_ref, emb_ref, pred_ref):
        denom = jnp.maximum(cnt_ref[...], 1.0)
        mean = (s0_ref[0] + s1_ref[0]) / denom
        emb = (jnp.dot(mean, Wl_ref[...], preferred_element_type=jnp.float32)
               + jnp.dot(h_ref[...], Wr_ref[...],
                         preferred_element_type=jnp.float32)
               + bl_ref[...])
        emb_ref[...] = emb
        h1 = jnp.maximum(emb, 0.0)
        z = jnp.maximum(
            jnp.dot(h1, Wm1_ref[...], preferred_element_type=jnp.float32)
            + bm1_ref[...], 0.0)
        pred_ref[...] = (
            jnp.dot(z, Wm2_ref[...], preferred_element_type=jnp.float32)
            + bm2_ref[...])

    rowspec = pl.BlockSpec((BR, D), lambda i: (i, 0))
    p0spec = pl.BlockSpec((1, BR, D), lambda i: (0, i, 0))
    p1spec = pl.BlockSpec((1, BR, D), lambda i: (1, i, 0))
    cntspec = pl.BlockSpec((BR, 1), lambda i: (i, 0))
    wspec = pl.BlockSpec((D, D), lambda i: (0, 0))
    bspec = pl.BlockSpec((1, D), lambda i: (0, 0))
    sspec = pl.BlockSpec((1, 1), lambda i: (0, 0))
    return pl.pallas_call(
        body, grid=grid,
        in_specs=[p0spec, p1spec, cntspec, rowspec,
                  wspec, bspec, wspec, wspec, bspec, wspec, sspec],
        out_specs=[rowspec, rowspec],
        out_shape=[jax.ShapeDtypeStruct((N, D), jnp.float32),
                   jax.ShapeDtypeStruct((N, D), jnp.float32)],
    )(sums, sums, cnt, h, Wl, bl.reshape(1, D), Wr,
      Wm1p, bm1p.reshape(1, D), Wm2p, bm2.reshape(1, 1))


def kernel(x, edge_index, Wl0, bl0, Wr0, Wl1, bl1, Wr1, Wm1, bm1, Wm2, bm2):
    E = edge_index.shape[1]
    src = edge_index[0].astype(jnp.int32)
    dst = edge_index[1].astype(jnp.int32)
    nch = -(-(-(-E // (NW * CHUNK))) // IBLK) * IBLK
    epw = nch * CHUNK
    pad = NW * epw - E
    pad_src = (jnp.arange(pad, dtype=jnp.int32) * 61) % N
    pad_dst = N + (jnp.arange(pad, dtype=jnp.int32) % L)
    srcp = jnp.concatenate([src, pad_src]).reshape(NW, nch, CHUNK)
    dstp = jnp.concatenate([dst, pad_dst]).reshape(NW, nch, CHUNK)

    zrows = jnp.zeros((CHUNK, D), jnp.float32)
    zc = jnp.zeros((RPT,), jnp.float32)
    ones = jnp.ones((CHUNK,), jnp.float32)
    Wm1p = jnp.pad(Wm1, ((0, 0), (0, D - Wm1.shape[1])))
    bm1p = jnp.pad(bm1, (0, D - bm1.shape[0]))
    Wm2p = jnp.pad(Wm2, ((0, D - Wm2.shape[0]), (0, D - Wm2.shape[1])))

    agg = _make_agg(nch)
    sums, cnts = agg(x, srcp, dstp, zrows, zc, ones)
    cnt = (cnts[0, :N] + cnts[1, :N]).reshape(N, 1)
    h0 = _dense_sage(sums, cnt, x, Wl0, bl0, Wr0)
    sums1, _ = agg(h0, srcp, dstp, zrows, zc, ones)
    emb, pred_wide = _dense_final(sums1, cnt, h0, Wl1, bl1, Wr1,
                                  Wm1p, bm1p, Wm2p, bm2)
    return emb, pred_wide[:, :1]

# --- scband reference (transcript-rebuilt; emitter-appended) ---
"""Pipeline reference for scband-gnnstack-36928128811710 (READ-ONLY COPY).

The authoritative reference and input builder live on the scoring server;
editing this copy changes nothing except your own understanding.
"""

import jax, jax.numpy as jnp
import numpy as np

N_NODES = 10000
D_IN = 128
D_H = 128
D_MLP = 64
D_OUT = 1


def setup_inputs(seed: int = 0) -> dict:
    key = jax.random.key(seed)
    ks = jax.random.split(key, 16)
    x = jax.random.normal(ks[0], (N_NODES, D_IN), dtype=jnp.float32)
    edge_index = jax.random.randint(ks[1], (2, 320000), 0, N_NODES, dtype=jnp.int64)
    s_in = 1.0 / np.sqrt(D_IN)
    s_h = 1.0 / np.sqrt(D_H)
    s_m = 1.0 / np.sqrt(D_MLP)
    # SAGEConv layer 0: lin_l (aggregated, with bias), lin_r (root, no bias)
    Wl0 = jax.random.normal(ks[2], (D_IN, D_H), dtype=jnp.float32) * s_in
    bl0 = jnp.zeros((D_H,), dtype=jnp.float32)
    Wr0 = jax.random.normal(ks[3], (D_IN, D_H), dtype=jnp.float32) * s_in
    # SAGEConv layer 1
    Wl1 = jax.random.normal(ks[4], (D_H, D_H), dtype=jnp.float32) * s_h
    bl1 = jnp.zeros((D_H,), dtype=jnp.float32)
    Wr1 = jax.random.normal(ks[5], (D_H, D_H), dtype=jnp.float32) * s_h
    # post_mp MLP
    Wm1 = jax.random.normal(ks[6], (D_H, D_MLP), dtype=jnp.float32) * s_h
    bm1 = jnp.zeros((D_MLP,), dtype=jnp.float32)
    Wm2 = jax.random.normal(ks[7], (D_MLP, D_OUT), dtype=jnp.float32) * s_m
    bm2 = jnp.zeros((D_OUT,), dtype=jnp.float32)
    return {"x": x, "edge_index": edge_index,
            "Wl0": Wl0, "bl0": bl0, "Wr0": Wr0,
            "Wl1": Wl1, "bl1": bl1, "Wr1": Wr1,
            "Wm1": Wm1, "bm1": bm1, "Wm2": Wm2, "bm2": bm2}


def _sage_conv(h, edge_index, Wl, bl, Wr):
    # PyG SAGEConv with mean aggregation:
    # out = lin_l(mean_{j in N(i)} x_j) + lin_r(x_i)
    src = edge_index[0]
    dst = edge_index[1]
    msgs = jnp.take(h, src, axis=0)
    summed = jax.ops.segment_sum(msgs, dst, num_segments=N_NODES)
    cnt = jax.ops.segment_sum(jnp.ones((edge_index.shape[1],), h.dtype), dst, num_segments=N_NODES)
    mean = summed / jnp.clip(cnt, 1.0, None)[:, None]
    return mean @ Wl + bl + h @ Wr


def reference(x, edge_index, Wl0, bl0, Wr0, Wl1, bl1, Wr1, Wm1, bm1, Wm2, bm2):
    h = x
    # layer 0
    h = _sage_conv(h, edge_index, Wl0, bl0, Wr0)
    emb = h
    h = jax.nn.relu(h)
    # dropout is identity in eval mode
    # layer 1
    h = _sage_conv(h, edge_index, Wl1, bl1, Wr1)
    emb = h
    h = jax.nn.relu(h)
    # post_mp: Linear -> Dropout(eval no-op) -> ReLU -> Linear
    pred = jax.nn.relu(h @ Wm1 + bm1) @ Wm2 + bm2
    return (emb, pred)

if __name__ == "__main__":
    import jax
    _d = setup_inputs()
    print(jax.jit(kernel)(*tuple(_d.values())))

</pallas_src>

<mosaic_0001>
#map = affine_map<(d0, d1) -> (0, 0)>
#map1 = affine_map<(d0, d1) -> (0, 0, 0)>
#map2 = affine_map<(d0, d1) -> (0)>
module attributes {stable_mosaic.version = 14 : i64} {
  func.func @agg(%arg0: i32, %arg1: i32, %arg2: memref<10000x128xf32, #tpu.memory_space<hbm>>, %arg3: memref<32x80x128xi32, #tpu.memory_space<hbm>>, %arg4: memref<32x80x128xi32, #tpu.memory_space<hbm>>, %arg5: memref<128x128xf32, #tpu.memory_space<hbm>>, %arg6: memref<640xf32, #tpu.memory_space<hbm>>, %arg7: memref<128xf32, #tpu.memory_space<hbm>>, %arg8: memref<2x10240x128xf32, #tpu.memory_space<hbm>>, %arg9: memref<2x10240xf32, #tpu.memory_space<hbm>>, %arg10: memref<16x128xi32, #tpu.memory_space<vmem>>, %arg11: memref<16x128xi32, #tpu.memory_space<vmem>>, %arg12: memref<128x128xf32, #tpu.memory_space<vmem>>, %arg13: memref<128x128xf32, #tpu.memory_space<vmem>>, %arg14: memref<128xf32, #tpu.memory_space<vmem>>, %arg15: memref<640xf32, #tpu.memory_space<vmem>>, %arg16: memref<10240x128xf32, #tpu.memory_space<vmem_shared>>, %arg17: memref<10240xf32, #tpu.memory_space<vmem_shared>>, %arg18: memref<!tpu.dma_semaphore, #tpu.memory_space<semaphore_mem>>, %arg19: memref<!tpu.dma_semaphore, #tpu.memory_space<semaphore_mem>>, %arg20: memref<!tpu.dma_semaphore, #tpu.memory_space<semaphore_mem>>) attributes {dimension_semantics = [#tpu.dimension_semantics<core_parallel>, #tpu.dimension_semantics<subcore_parallel>], iteration_bounds = array<i64: 2, 16>, scalar_prefetch = 0 : i64, scratch_operands = 11 : i64, tpu.core_type = #tpu.core_type<sc_vector_subcore>, window_params = [{transform_indices = #map}, {transform_indices = #map1}, {transform_indices = #map1}, {transform_indices = #map}, {transform_indices = #map2}, {transform_indices = #map2}, {transform_indices = #map1}, {transform_indices = #map}]} {
    %mul3A = arith.constant 2 : i32
    %mul3A_0 = arith.muli %arg1, %mul3A : i32
    %add3A = arith.addi %mul3A_0, %arg0 : i32
    "tpu.region"() ({
      %run_scoped3A = tpu.sem_alloc : memref<!tpu.dma_semaphore, #tpu.memory_space<semaphore_mem>>
      tpu.enqueue_dma source(%arg7 : memref<128xf32, #tpu.memory_space<hbm>>) target(%arg14 : memref<128xf32, #tpu.memory_space<vmem>>) target_semaphore(%run_scoped3A : memref<!tpu.dma_semaphore, #tpu.memory_space<semaphore_mem>>)
      tpu.wait_dma2 semaphore(%run_scoped3A : memref<!tpu.dma_semaphore, #tpu.memory_space<semaphore_mem>>) src(%arg7 : memref<128xf32, #tpu.memory_space<hbm>>) dst(%arg14 : memref<128xf32, #tpu.memory_space<vmem>>)
      tpu.yield
    }) : () -> ()
    "tpu.region"() ({
      %run_scoped3A = tpu.sem_alloc : memref<!tpu.dma_semaphore, #tpu.memory_space<semaphore_mem>>
      tpu.enqueue_dma source(%arg6 : memref<640xf32, #tpu.memory_space<hbm>>) target(%arg15 : memref<640xf32, #tpu.memory_space<vmem>>) target_semaphore(%run_scoped3A : memref<!tpu.dma_semaphore, #tpu.memory_space<semaphore_mem>>)
      tpu.wait_dma2 semaphore(%run_scoped3A : memref<!tpu.dma_semaphore, #tpu.memory_space<semaphore_mem>>) src(%arg6 : memref<640xf32, #tpu.memory_space<hbm>>) dst(%arg15 : memref<640xf32, #tpu.memory_space<vmem>>)
      tpu.yield
    }) : () -> ()
    "tpu.region"() ({
      %run_scoped3A = tpu.sem_alloc : memref<!tpu.dma_semaphore, #tpu.memory_space<semaphore_mem>>
      tpu.enqueue_dma source(%arg5 : memref<128x128xf32, #tpu.memory_space<hbm>>) target(%arg12 : memref<128x128xf32, #tpu.memory_space<vmem>>) target_semaphore(%run_scoped3A : memref<!tpu.dma_semaphore, #tpu.memory_space<semaphore_mem>>)
      tpu.wait_dma2 semaphore(%run_scoped3A : memref<!tpu.dma_semaphore, #tpu.memory_space<semaphore_mem>>) src(%arg5 : memref<128x128xf32, #tpu.memory_space<hbm>>) dst(%arg12 : memref<128x128xf32, #tpu.memory_space<vmem>>)
      tpu.yield
    }) : () -> ()
    %mul3A_1 = arith.constant 640 : i32
    %mul3A_2 = arith.muli %arg1, %mul3A_1 : i32
    %add3A_3 = arith.constant 0 : i32
    %add3A_4 = arith.addi %mul3A_2, %add3A_3 : i32
    "tpu.region"() ({
      %run_scoped3A = tpu.sem_alloc : memref<!tpu.dma_semaphore, #tpu.memory_space<semaphore_mem>>
      %dma_start3A = arith.constant 0 : i32
      %dma_start3A_51 = tpu.memref_slice %arg16[%add3A_4, %dma_start3A] : memref<10240x128xf32, #tpu.memory_space<vmem_shared>> -> memref<128x128xf32, #tpu.memory_space<vmem_shared>>
      %dma_start3A_52 = arith.constant 0 : i32
      %dma_start3A_53 = tpu.memref_slice %arg16[%add3A_4, %dma_start3A_52] : memref<10240x128xf32, #tpu.memory_space<vmem_shared>> -> memref<128x128xf32, #tpu.memory_space<vmem_shared>>
      tpu.enqueue_dma source(%arg12 : memref<128x128xf32, #tpu.memory_space<vmem>>) target(%dma_start3A_53 : memref<128x128xf32, #tpu.memory_space<vmem_shared>>) target_semaphore(%run_scoped3A : memref<!tpu.dma_semaphore, #tpu.memory_space<semaphore_mem>>)
      %dma_wait3A = arith.constant 0 : i32
      %dma_wait3A_54 = tpu.memref_slice %arg16[%add3A_4, %dma_wait3A] : memref<10240x128xf32, #tpu.memory_space<vmem_shared>> -> memref<128x128xf32, #tpu.memory_space<vmem_shared>>
      %dma_wait3A_55 = arith.constant 0 : i32
      %dma_wait3A_56 = tpu.memref_slice %arg16[%add3A_4, %dma_wait3A_55] : memref<10240x128xf32, #tpu.memory_space<vmem_shared>> -> memref<128x128xf32, #tpu.memory_space<vmem_shared>>
      tpu.wait_dma2 semaphore(%run_scoped3A : memref<!tpu.dma_semaphore, #tpu.memory_space<semaphore_mem>>) src(%arg12 : memref<128x128xf32, #tpu.memory_space<vmem>>) dst(%dma_wait3A_56 : memref<128x128xf32, #tpu.memory_space<vmem_shared>>)
      tpu.yield
    }) : () -> ()
    %mul3A_5 = arith.constant 640 : i32
    %mul3A_6 = arith.muli %arg1, %mul3A_5 : i32
    %add3A_7 = arith.constant 128 : i32
    %add3A_8 = arith.addi %mul3A_6, %add3A_7 : i32
    "tpu.region"() ({
      %run_scoped3A = tpu.sem_alloc : memref<!tpu.dma_semaphore, #tpu.memory_space<semaphore_mem>>
      %dma_start3A = arith.constant 0 : i32
      %dma_start3A_51 = tpu.memref_slice %arg16[%add3A_8, %dma_start3A] : memref<10240x128xf32, #tpu.memory_space<vmem_shared>> -> memref<128x128xf32, #tpu.memory_space<vmem_shared>>
      %dma_start3A_52 = arith.constant 0 : i32
      %dma_start3A_53 = tpu.memref_slice %arg16[%add3A_8, %dma_start3A_52] : memref<10240x128xf32, #tpu.memory_space<vmem_shared>> -> memref<128x128xf32, #tpu.memory_space<vmem_shared>>
      tpu.enqueue_dma source(%arg12 : memref<128x128xf32, #tpu.memory_space<vmem>>) target(%dma_start3A_53 : memref<128x128xf32, #tpu.memory_space<vmem_shared>>) target_semaphore(%run_scoped3A : memref<!tpu.dma_semaphore, #tpu.memory_space<semaphore_mem>>)
      %dma_wait3A = arith.constant 0 : i32
      %dma_wait3A_54 = tpu.memref_slice %arg16[%add3A_8, %dma_wait3A] : memref<10240x128xf32, #tpu.memory_space<vmem_shared>> -> memref<128x128xf32, #tpu.memory_space<vmem_shared>>
      %dma_wait3A_55 = arith.constant 0 : i32
      %dma_wait3A_56 = tpu.memref_slice %arg16[%add3A_8, %dma_wait3A_55] : memref<10240x128xf32, #tpu.memory_space<vmem_shared>> -> memref<128x128xf32, #tpu.memory_space<vmem_shared>>
      tpu.wait_dma2 semaphore(%run_scoped3A : memref<!tpu.dma_semaphore, #tpu.memory_space<semaphore_mem>>) src(%arg12 : memref<128x128xf32, #tpu.memory_space<vmem>>) dst(%dma_wait3A_56 : memref<128x128xf32, #tpu.memory_space<vmem_shared>>)
      tpu.yield
    }) : () -> ()
    %mul3A_9 = arith.constant 640 : i32
    %mul3A_10 = arith.muli %arg1, %mul3A_9 : i32
    %add3A_11 = arith.constant 256 : i32
    %add3A_12 = arith.addi %mul3A_10, %add3A_11 : i32
    "tpu.region"() ({
      %run_scoped3A = tpu.sem_alloc : memref<!tpu.dma_semaphore, #tpu.memory_space<semaphore_mem>>
      %dma_start3A = arith.constant 0 : i32
      %dma_start3A_51 = tpu.memref_slice %arg16[%add3A_12, %dma_start3A] : memref<10240x128xf32, #tpu.memory_space<vmem_shared>> -> memref<128x128xf32, #tpu.memory_space<vmem_shared>>
      %dma_start3A_52 = arith.constant 0 : i32
      %dma_start3A_53 = tpu.memref_slice %arg16[%add3A_12, %dma_start3A_52] : memref<10240x128xf32, #tpu.memory_space<vmem_shared>> -> memref<128x128xf32, #tpu.memory_space<vmem_shared>>
      tpu.enqueue_dma source(%arg12 : memref<128x128xf32, #tpu.memory_space<vmem>>) target(%dma_start3A_53 : memref<128x128xf32, #tpu.memory_space<vmem_shared>>) target_semaphore(%run_scoped3A : memref<!tpu.dma_semaphore, #tpu.memory_space<semaphore_mem>>)
      %dma_wait3A = arith.constant 0 : i32
      %dma_wait3A_54 = tpu.memref_slice %arg16[%add3A_12, %dma_wait3A] : memref<10240x128xf32, #tpu.memory_space<vmem_shared>> -> memref<128x128xf32, #tpu.memory_space<vmem_shared>>
      %dma_wait3A_55 = arith.constant 0 : i32
      %dma_wait3A_56 = tpu.memref_slice %arg16[%add3A_12, %dma_wait3A_55] : memref<10240x128xf32, #tpu.memory_space<vmem_shared>> -> memref<128x128xf32, #tpu.memory_space<vmem_shared>>
      tpu.wait_dma2 semaphore(%run_scoped3A : memref<!tpu.dma_semaphore, #tpu.memory_space<semaphore_mem>>) src(%arg12 : memref<128x128xf32, #tpu.memory_space<vmem>>) dst(%dma_wait3A_56 : memref<128x128xf32, #tpu.memory_space<vmem_shared>>)
      tpu.yield
    }) : () -> ()
    %mul3A_13 = arith.constant 640 : i32
    %mul3A_14 = arith.muli %arg1, %mul3A_13 : i32
    %add3A_15 = arith.constant 384 : i32
    %add3A_16 = arith.addi %mul3A_14, %add3A_15 : i32
    "tpu.region"() ({
      %run_scoped3A = tpu.sem_alloc : memref<!tpu.dma_semaphore, #tpu.memory_space<semaphore_mem>>
      %dma_start3A = arith.constant 0 : i32
      %dma_start3A_51 = tpu.memref_slice %arg16[%add3A_16, %dma_start3A] : memref<10240x128xf32, #tpu.memory_space<vmem_shared>> -> memref<128x128xf32, #tpu.memory_space<vmem_shared>>
      %dma_start3A_52 = arith.constant 0 : i32
      %dma_start3A_53 = tpu.memref_slice %arg16[%add3A_16, %dma_start3A_52] : memref<10240x128xf32, #tpu.memory_space<vmem_shared>> -> memref<128x128xf32, #tpu.memory_space<vmem_shared>>
      tpu.enqueue_dma source(%arg12 : memref<128x128xf32, #tpu.memory_space<vmem>>) target(%dma_start3A_53 : memref<128x128xf32, #tpu.memory_space<vmem_shared>>) target_semaphore(%run_scoped3A : memref<!tpu.dma_semaphore, #tpu.memory_space<semaphore_mem>>)
      %dma_wait3A = arith.constant 0 : i32
      %dma_wait3A_54 = tpu.memref_slice %arg16[%add3A_16, %dma_wait3A] : memref<10240x128xf32, #tpu.memory_space<vmem_shared>> -> memref<128x128xf32, #tpu.memory_space<vmem_shared>>
      %dma_wait3A_55 = arith.constant 0 : i32
      %dma_wait3A_56 = tpu.memref_slice %arg16[%add3A_16, %dma_wait3A_55] : memref<10240x128xf32, #tpu.memory_space<vmem_shared>> -> memref<128x128xf32, #tpu.memory_space<vmem_shared>>
      tpu.wait_dma2 semaphore(%run_scoped3A : memref<!tpu.dma_semaphore, #tpu.memory_space<semaphore_mem>>) src(%arg12 : memref<128x128xf32, #tpu.memory_space<vmem>>) dst(%dma_wait3A_56 : memref<128x128xf32, #tpu.memory_space<vmem_shared>>)
      tpu.yield
    }) : () -> ()
    %mul3A_17 = arith.constant 640 : i32
    %mul3A_18 = arith.muli %arg1, %mul3A_17 : i32
    %add3A_19 = arith.constant 512 : i32
    %add3A_20 = arith.addi %mul3A_18, %add3A_19 : i32
    "tpu.region"() ({
      %run_scoped3A = tpu.sem_alloc : memref<!tpu.dma_semaphore, #tpu.memory_space<semaphore_mem>>
      %dma_start3A = arith.constant 0 : i32
      %dma_start3A_51 = tpu.memref_slice %arg16[%add3A_20, %dma_start3A] : memref<10240x128xf32, #tpu.memory_space<vmem_shared>> -> memref<128x128xf32, #tpu.memory_space<vmem_shared>>
      %dma_start3A_52 = arith.constant 0 : i32
      %dma_start3A_53 = tpu.memref_slice %arg16[%add3A_20, %dma_start3A_52] : memref<10240x128xf32, #tpu.memory_space<vmem_shared>> -> memref<128x128xf32, #tpu.memory_space<vmem_shared>>
      tpu.enqueue_dma source(%arg12 : memref<128x128xf32, #tpu.memory_space<vmem>>) target(%dma_start3A_53 : memref<128x128xf32, #tpu.memory_space<vmem_shared>>) target_semaphore(%run_scoped3A : memref<!tpu.dma_semaphore, #tpu.memory_space<semaphore_mem>>)
      %dma_wait3A = arith.constant 0 : i32
      %dma_wait3A_54 = tpu.memref_slice %arg16[%add3A_20, %dma_wait3A] : memref<10240x128xf32, #tpu.memory_space<vmem_shared>> -> memref<128x128xf32, #tpu.memory_space<vmem_shared>>
      %dma_wait3A_55 = arith.constant 0 : i32
      %dma_wait3A_56 = tpu.memref_slice %arg16[%add3A_20, %dma_wait3A_55] : memref<10240x128xf32, #tpu.memory_space<vmem_shared>> -> memref<128x128xf32, #tpu.memory_space<vmem_shared>>
      tpu.wait_dma2 semaphore(%run_scoped3A : memref<!tpu.dma_semaphore, #tpu.memory_space<semaphore_mem>>) src(%arg12 : memref<128x128xf32, #tpu.memory_space<vmem>>) dst(%dma_wait3A_56 : memref<128x128xf32, #tpu.memory_space<vmem_shared>>)
      tpu.yield
    }) : () -> ()
    %mul3A_21 = arith.constant 640 : i32
    %mul3A_22 = arith.muli %arg1, %mul3A_21 : i32
    "tpu.region"() ({
      %run_scoped3A = tpu.sem_alloc : memref<!tpu.dma_semaphore, #tpu.memory_space<semaphore_mem>>
      %dma_start3A = tpu.memref_slice %arg17[%mul3A_22] : memref<10240xf32, #tpu.memory_space<vmem_shared>> -> memref<640xf32, #tpu.memory_space<vmem_shared>>
      %dma_start3A_51 = tpu.memref_slice %arg17[%mul3A_22] : memref<10240xf32, #tpu.memory_space<vmem_shared>> -> memref<640xf32, #tpu.memory_space<vmem_shared>>
      tpu.enqueue_dma source(%arg15 : memref<640xf32, #tpu.memory_space<vmem>>) target(%dma_start3A_51 : memref<640xf32, #tpu.memory_space<vmem_shared>>) target_semaphore(%run_scoped3A : memref<!tpu.dma_semaphore, #tpu.memory_space<semaphore_mem>>)
      %dma_wait3A = tpu.memref_slice %arg17[%mul3A_22] : memref<10240xf32, #tpu.memory_space<vmem_shared>> -> memref<640xf32, #tpu.memory_space<vmem_shared>>
      %dma_wait3A_52 = tpu.memref_slice %arg17[%mul3A_22] : memref<10240xf32, #tpu.memory_space<vmem_shared>> -> memref<640xf32, #tpu.memory_space<vmem_shared>>
      tpu.wait_dma2 semaphore(%run_scoped3A : memref<!tpu.dma_semaphore, #tpu.memory_space<semaphore_mem>>) src(%arg15 : memref<640xf32, #tpu.memory_space<vmem>>) dst(%dma_wait3A_52 : memref<640xf32, #tpu.memory_space<vmem_shared>>)
      tpu.yield
    }) : () -> ()
    %barrier3A = arith.constant 0 : index
    tpu.barrier barrier_id(%barrier3A)
    %scan3A = arith.constant 0 : i32
    %scan3A_23 = arith.constant 0 : i32
    %scan3A_24 = arith.constant 5 : i32
    %scan3A_25 = arith.addi %scan3A_23, %scan3A_24 : i32
    %scan3A_26 = arith.constant 1 : i32
    scf.for %scan3A_51 = %scan3A_23 to %scan3A_25 step %scan3A_26  : i32 {
      %mul3A_52 = arith.constant 16 : i32
      %mul3A_53 = arith.muli %scan3A_51, %mul3A_52 : i32
      "tpu.region"() ({
        %run_scoped3A_485 = tpu.sem_alloc : memref<!tpu.dma_semaphore, #tpu.memory_space<semaphore_mem>>
        %dma_start3A_486 = arith.constant 0 : i32
        %dma_start3A_487 = tpu.memref_slice %arg3[%add3A, %mul3A_53, %dma_start3A_486] : memref<32x80x128xi32, #tpu.memory_space<hbm>> -> memref<1x16x128xi32, #tpu.memory_space<hbm>>
        %dma_start3A_488 = tpu.memref_squeeze %dma_start3A_487 : memref<1x16x128xi32, #tpu.memory_space<hbm>> -> memref<16x128xi32, #tpu.memory_space<hbm>>
        %dma_start3A_489 = arith.constant 0 : i32
        %dma_start3A_490 = tpu.memref_slice %arg3[%add3A, %mul3A_53, %dma_start3A_489] : memref<32x80x128xi32, #tpu.memory_space<hbm>> -> memref<1x16x128xi32, #tpu.memory_space<hbm>>
        %dma_start3A_491 = tpu.memref_squeeze %dma_start3A_490 : memref<1x16x128xi32, #tpu.memory_space<hbm>> -> memref<16x128xi32, #tpu.memory_space<hbm>>
        tpu.enqueue_dma source(%dma_start3A_491 : memref<16x128xi32, #tpu.memory_space<hbm>>) target(%arg10 : memref<16x128xi32, #tpu.memory_space<vmem>>) target_semaphore(%run_scoped3A_485 : memref<!tpu.dma_semaphore, #tpu.memory_space<semaphore_mem>>)
        %dma_wait3A_492 = arith.constant 0 : i32
        %dma_wait3A_493 = tpu.memref_slice %arg3[%add3A, %mul3A_53, %dma_wait3A_492] : memref<32x80x128xi32, #tpu.memory_space<hbm>> -> memref<1x16x128xi32, #tpu.memory_space<hbm>>
        %dma_wait3A_494 = tpu.memref_squeeze %dma_wait3A_493 : memref<1x16x128xi32, #tpu.memory_space<hbm>> -> memref<16x128xi32, #tpu.memory_space<hbm>>
        %dma_wait3A_495 = arith.constant 0 : i32
        %dma_wait3A_496 = tpu.memref_slice %arg3[%add3A, %mul3A_53, %dma_wait3A_495] : memref<32x80x128xi32, #tpu.memory_space<hbm>> -> memref<1x16x128xi32, #tpu.memory_space<hbm>>
        %dma_wait3A_497 = tpu.memref_squeeze %dma_wait3A_496 : memref<1x16x128xi32, #tpu.memory_space<hbm>> -> memref<16x128xi32, #tpu.memory_space<hbm>>
        tpu.wait_dma2 semaphore(%run_scoped3A_485 : memref<!tpu.dma_semaphore, #tpu.memory_space<semaphore_mem>>) src(%dma_wait3A_497 : memref<16x128xi32, #tpu.memory_space<hbm>>) dst(%arg10 : memref<16x128xi32, #tpu.memory_space<vmem>>)
        tpu.yield
      }) : () -> ()
      %mul3A_54 = arith.constant 16 : i32
      %mul3A_55 = arith.muli %scan3A_51, %mul3A_54 : i32
      "tpu.region"() ({
        %run_scoped3A_485 = tpu.sem_alloc : memref<!tpu.dma_semaphore, #tpu.memory_space<semaphore_mem>>
        %dma_start3A_486 = arith.constant 0 : i32
        %dma_start3A_487 = tpu.memref_slice %arg4[%add3A, %mul3A_55, %dma_start3A_486] : memref<32x80x128xi32, #tpu.memory_space<hbm>> -> memref<1x16x128xi32, #tpu.memory_space<hbm>>
        %dma_start3A_488 = tpu.memref_squeeze %dma_start3A_487 : memref<1x16x128xi32, #tpu.memory_space<hbm>> -> memref<16x128xi32, #tpu.memory_space<hbm>>
        %dma_start3A_489 = arith.constant 0 : i32
        %dma_start3A_490 = tpu.memref_slice %arg4[%add3A, %mul3A_55, %dma_start3A_489] : memref<32x80x128xi32, #tpu.memory_space<hbm>> -> memref<1x16x128xi32, #tpu.memory_space<hbm>>
        %dma_start3A_491 = tpu.memref_squeeze %dma_start3A_490 : memref<1x16x128xi32, #tpu.memory_space<hbm>> -> memref<16x128xi32, #tpu.memory_space<hbm>>
        tpu.enqueue_dma source(%dma_start3A_491 : memref<16x128xi32, #tpu.memory_space<hbm>>) target(%arg11 : memref<16x128xi32, #tpu.memory_space<vmem>>) target_semaphore(%run_scoped3A_485 : memref<!tpu.dma_semaphore, #tpu.memory_space<semaphore_mem>>)
        %dma_wait3A_492 = arith.constant 0 : i32
        %dma_wait3A_493 = tpu.memref_slice %arg4[%add3A, %mul3A_55, %dma_wait3A_492] : memref<32x80x128xi32, #tpu.memory_space<hbm>> -> memref<1x16x128xi32, #tpu.memory_space<hbm>>
        %dma_wait3A_494 = tpu.memref_squeeze %dma_wait3A_493 : memref<1x16x128xi32, #tpu.memory_space<hbm>> -> memref<16x128xi32, #tpu.memory_space<hbm>>
        %dma_wait3A_495 = arith.constant 0 : i32
        %dma_wait3A_496 = tpu.memref_slice %arg4[%add3A, %mul3A_55, %dma_wait3A_495] : memref<32x80x128xi32, #tpu.memory_space<hbm>> -> memref<1x16x128xi32, #tpu.memory_space<hbm>>
        %dma_wait3A_497 = tpu.memref_squeeze %dma_wait3A_496 : memref<1x16x128xi32, #tpu.memory_space<hbm>> -> memref<16x128xi32, #tpu.memory_space<hbm>>
        tpu.wait_dma2 semaphore(%run_scoped3A_485 : memref<!tpu.dma_semaphore, #tpu.memory_space<semaphore_mem>>) src(%dma_wait3A_497 : memref<16x128xi32, #tpu.memory_space<hbm>>) dst(%arg11 : memref<16x128xi32, #tpu.memory_space<vmem>>)
        tpu.yield
      }) : () -> ()
      %dma_start3A = arith.constant 0 : i32
      %dma_start3A_56 = arith.constant 0 : i32
      %dma_start3A_57 = tpu.memref_slice %arg10[%dma_start3A, %dma_start3A_56] : memref<16x128xi32, #tpu.memory_space<vmem>> -> memref<1x128xi32, #tpu.memory_space<vmem>>
      %dma_start3A_58 = tpu.memref_squeeze %dma_start3A_57 : memref<1x128xi32, #tpu.memory_space<vmem>> -> memref<128xi32, #tpu.memory_space<vmem>>
      %dma_start3A_59 = arith.constant 0 : i32
      %dma_start3A_60 = arith.constant 0 : i32
      %dma_start3A_61 = tpu.memref_slice %arg2[%dma_start3A_59, %dma_start3A_60] : memref<10000x128xf32, #tpu.memory_space<hbm>> -> memref<10000x128xf32, #tpu.memory_space<hbm>>
      tpu.enqueue_indirect_dma source(%dma_start3A_61 : memref<10000x128xf32, #tpu.memory_space<hbm>>) target(%arg12 : memref<128x128xf32, #tpu.memory_space<vmem>>) offsets(%dma_start3A_58 : memref<128xi32, #tpu.memory_space<vmem>>) semaphore(%arg18 : memref<!tpu.dma_semaphore, #tpu.memory_space<semaphore_mem>>)
      %dma_start3A_62 = arith.constant 1 : i32
      %dma_start3A_63 = arith.constant 0 : i32
      %dma_start3A_64 = tpu.memref_slice %arg10[%dma_start3A_62, %dma_start3A_63] : memref<16x128xi32, #tpu.memory_space<vmem>> -> memref<1x128xi32, #tpu.memory_space<vmem>>
      %dma_start3A_65 = tpu.memref_squeeze %dma_start3A_64 : memref<1x128xi32, #tpu.memory_space<vmem>> -> memref<128xi32, #tpu.memory_space<vmem>>
      %dma_start3A_66 = arith.constant 0 : i32
      %dma_start3A_67 = arith.constant 0 : i32
      %dma_start3A_68 = tpu.memref_slice %arg2[%dma_start3A_66, %dma_start3A_67] : memref<10000x128xf32, #tpu.memory_space<hbm>> -> memref<10000x128xf32, #tpu.memory_space<hbm>>
      tpu.enqueue_indirect_dma source(%dma_start3A_68 : memref<10000x128xf32, #tpu.memory_space<hbm>>) target(%arg13 : memref<128x128xf32, #tpu.memory_space<vmem>>) offsets(%dma_start3A_65 : memref<128xi32, #tpu.memory_space<vmem>>) semaphore(%arg19 : memref<!tpu.dma_semaphore, #tpu.memory_space<semaphore_mem>>)
      %dma_wait3A = arith.constant 0 : i32
      %dma_wait3A_69 = arith.constant 0 : i32
      %dma_wait3A_70 = tpu.memref_slice %arg10[%dma_wait3A, %dma_wait3A_69] : memref<16x128xi32, #tpu.memory_space<vmem>> -> memref<1x128xi32, #tpu.memory_space<vmem>>
      %dma_wait3A_71 = tpu.memref_squeeze %dma_wait3A_70 : memref<1x128xi32, #tpu.memory_space<vmem>> -> memref<128xi32, #tpu.memory_space<vmem>>
      %dma_wait3A_72 = arith.constant 0 : i32
      %dma_wait3A_73 = arith.constant 0 : i32
      %dma_wait3A_74 = tpu.memref_slice %arg2[%dma_wait3A_72, %dma_wait3A_73] : memref<10000x128xf32, #tpu.memory_space<hbm>> -> memref<10000x128xf32, #tpu.memory_space<hbm>>
      tpu.wait_indirect_dma semaphore(%arg18 : memref<!tpu.dma_semaphore, #tpu.memory_space<semaphore_mem>>) src(%dma_wait3A_74 : memref<10000x128xf32, #tpu.memory_space<hbm>>) dst(%arg12 : memref<128x128xf32, #tpu.memory_space<vmem>>)
      %dma_start3A_75 = arith.constant 0 : i32
      %dma_start3A_76 = arith.constant 0 : i32
      %dma_start3A_77 = tpu.memref_slice %arg11[%dma_start3A_75, %dma_start3A_76] : memref<16x128xi32, #tpu.memory_space<vmem>> -> memref<1x128xi32, #tpu.memory_space<vmem>>
      %dma_start3A_78 = tpu.memref_squeeze %dma_start3A_77 : memref<1x128xi32, #tpu.memory_space<vmem>> -> memref<128xi32, #tpu.memory_space<vmem>>
      %dma_start3A_79 = arith.constant 0 : i32
      %dma_start3A_80 = tpu.memref_slice %arg17[%dma_start3A_79] : memref<10240xf32, #tpu.memory_space<vmem_shared>> -> memref<10240xf32, #tpu.memory_space<vmem_shared>>
      tpu.enqueue_indirect_dma source(%arg14 : memref<128xf32, #tpu.memory_space<vmem>>) target(%dma_start3A_80 : memref<10240xf32, #tpu.memory_space<vmem_shared>>) offsets(%dma_start3A_78 : memref<128xi32, #tpu.memory_space<vmem>>) semaphore(%arg20 : memref<!tpu.dma_semaphore, #tpu.memory_space<semaphore_mem>>) {add = true}
      %run_scoped3A = arith.constant 0 : i32
      "tpu.region"() ({
        %run_scoped3A_485 = tpu.sem_alloc : memref<!tpu.dma_semaphore, #tpu.memory_space<semaphore_mem>>
        %dma_start3A_486 = arith.constant 0 : i32
        %dma_start3A_487 = tpu.memref_slice %arg11[%run_scoped3A, %dma_start3A_486] : memref<16x128xi32, #tpu.memory_space<vmem>> -> memref<1x128xi32, #tpu.memory_space<vmem>>
        %dma_start3A_488 = tpu.memref_squeeze %dma_start3A_487 : memref<1x128xi32, #tpu.memory_space<vmem>> -> memref<128xi32, #tpu.memory_space<vmem>>
        %dma_start3A_489 = arith.constant 0 : i32
        %dma_start3A_490 = arith.constant 0 : i32
        %dma_start3A_491 = tpu.memref_slice %arg16[%dma_start3A_489, %dma_start3A_490] : memref<10240x128xf32, #tpu.memory_space<vmem_shared>> -> memref<10240x128xf32, #tpu.memory_space<vmem_shared>>
        tpu.enqueue_indirect_dma source(%arg12 : memref<128x128xf32, #tpu.memory_space<vmem>>) target(%dma_start3A_491 : memref<10240x128xf32, #tpu.memory_space<vmem_shared>>) offsets(%dma_start3A_488 : memref<128xi32, #tpu.memory_space<vmem>>) semaphore(%run_scoped3A_485 : memref<!tpu.dma_semaphore, #tpu.memory_space<semaphore_mem>>) {add = true}
        %dma_wait3A_492 = arith.constant 0 : i32
        %dma_wait3A_493 = tpu.memref_slice %arg11[%run_scoped3A, %dma_wait3A_492] : memref<16x128xi32, #tpu.memory_space<vmem>> -> memref<1x128xi32, #tpu.memory_space<vmem>>
        %dma_wait3A_494 = tpu.memref_squeeze %dma_wait3A_493 : memref<1x128xi32, #tpu.memory_space<vmem>> -> memref<128xi32, #tpu.memory_space<vmem>>
        %dma_wait3A_495 = arith.constant 0 : i32
        %dma_wait3A_496 = arith.constant 0 : i32
        %dma_wait3A_497 = tpu.memref_slice %arg16[%dma_wait3A_495, %dma_wait3A_496] : memref<10240x128xf32, #tpu.memory_space<vmem_shared>> -> memref<10240x128xf32, #tpu.memory_space<vmem_shared>>
        tpu.wait_indirect_dma semaphore(%run_scoped3A_485 : memref<!tpu.dma_semaphore, #tpu.memory_space<semaphore_mem>>) src(%arg12 : memref<128x128xf32, #tpu.memory_space<vmem>>) dst(%dma_wait3A_497 : memref<10240x128xf32, #tpu.memory_space<vmem_shared>>)
        tpu.yield
      }) : () -> ()
      %dma_start3A_81 = arith.constant 2 : i32
      %dma_start3A_82 = arith.constant 0 : i32
      %dma_start3A_83 = tpu.memref_slice %arg10[%dma_start3A_81, %dma_start3A_82] : memref<16x128xi32, #tpu.memory_space<vmem>> -> memref<1x128xi32, #tpu.memory_space<vmem>>
      %dma_start3A_84 = tpu.memref_squeeze %dma_start3A_83 : memref<1x128xi32, #tpu.memory_space<vmem>> -> memref<128xi32, #tpu.memory_space<vmem>>
      %dma_start3A_85 = arith.constant 0 : i32
      %dma_start3A_86 = arith.constant 0 : i32
      %dma_start3A_87 = tpu.memref_slice %arg2[%dma_start3A_85, %dma_start3A_86] : memref<10000x128xf32, #tpu.memory_space<hbm>> -> memref<10000x128xf32, #tpu.memory_space<hbm>>
      tpu.enqueue_indirect_dma source(%dma_start3A_87 : memref<10000x128xf32, #tpu.memory_space<hbm>>) target(%arg12 : memref<128x128xf32, #tpu.memory_space<vmem>>) offsets(%dma_start3A_84 : memref<128xi32, #tpu.memory_space<vmem>>) semaphore(%arg18 : memref<!tpu.dma_semaphore, #tpu.memory_space<semaphore_mem>>)
      %dma_wait3A_88 = arith.constant 1 : i32
      %dma_wait3A_89 = arith.constant 0 : i32
      %dma_wait3A_90 = tpu.memref_slice %arg10[%dma_wait3A_88, %dma_wait3A_89] : memref<16x128xi32, #tpu.memory_space<vmem>> -> memref<1x128xi32, #tpu.memory_space<vmem>>
      %dma_wait3A_91 = tpu.memref_squeeze %dma_wait3A_90 : memref<1x128xi32, #tpu.memory_space<vmem>> -> memref<128xi32, #tpu.memory_space<vmem>>
      %dma_wait3A_92 = arith.constant 0 : i32
      %dma_wait3A_93 = arith.constant 0 : i32
      %dma_wait3A_94 = tpu.memref_slice %arg2[%dma_wait3A_92, %dma_wait3A_93] : memref<10000x128xf32, #tpu.memory_space<hbm>> -> memref<10000x128xf32, #tpu.memory_space<hbm>>
      tpu.wait_indirect_dma semaphore(%arg19 : memref<!tpu.dma_semaphore, #tpu.memory_space<semaphore_mem>>) src(%dma_wait3A_94 : memref<10000x128xf32, #tpu.memory_space<hbm>>) dst(%arg13 : memref<128x128xf32, #tpu.memory_space<vmem>>)
      %dma_wait3A_95 = arith.constant 0 : i32
      %dma_wait3A_96 = arith.constant 0 : i32
      %dma_wait3A_97 = tpu.memref_slice %arg11[%dma_wait3A_95, %dma_wait3A_96] : memref<16x128xi32, #tpu.memory_space<vmem>> -> memref<1x128xi32, #tpu.memory_space<vmem>>
      %dma_wait3A_98 = tpu.memref_squeeze %dma_wait3A_97 : memref<1x128xi32, #tpu.memory_space<vmem>> -> memref<128xi32, #tpu.memory_space<vmem>>
      %dma_wait3A_99 = arith.constant 0 : i32
      %dma_wait3A_100 = tpu.memref_slice %arg17[%dma_wait3A_99] : memref<10240xf32, #tpu.memory_space<vmem_shared>> -> memref<10240xf32, #tpu.memory_space<vmem_shared>>
      tpu.wait_indirect_dma semaphore(%arg20 : memref<!tpu.dma_semaphore, #tpu.memory_space<semaphore_mem>>) src(%arg14 : memref<128xf32, #tpu.memory_space<vmem>>) dst(%dma_wait3A_100 : memref<10240xf32, #tpu.memory_space<vmem_shared>>)
      %dma_start3A_101 = arith.constant 1 : i32
      %dma_start3A_102 = arith.constant 0 : i32
      %dma_start3A_103 = tpu.memref_slice %arg11[%dma_start3A_101, %dma_start3A_102] : memref<16x128xi32, #tpu.memory_space<vmem>> -> memref<1x128xi32, #tpu.memory_space<vmem>>
      %dma_start3A_104 = tpu.memref_squeeze %dma_start3A_103 : memref<1x128xi32, #tpu.memory_space<vmem>> -> memref<128xi32, #tpu.memory_space<vmem>>
      %dma_start3A_105 = arith.constant 0 : i32
      %dma_start3A_106 = tpu.memref_slice %arg17[%dma_start3A_105] : memref<10240xf32, #tpu.memory_space<vmem_shared>> -> memref<10240xf32, #tpu.memory_space<vmem_shared>>
      tpu.enqueue_indirect_dma source(%arg14 : memref<128xf32, #tpu.memory_space<vmem>>) target(%dma_start3A_106 : memref<10240xf32, #tpu.memory_space<vmem_shared>>) offsets(%dma_start3A_104 : memref<128xi32, #tpu.memory_space<vmem>>) semaphore(%arg20 : memref<!tpu.dma_semaphore, #tpu.memory_space<semaphore_mem>>) {add = true}
      %run_scoped3A_107 = arith.constant 1 : i32
      "tpu.region"() ({
        %run_scoped3A_485 = tpu.sem_alloc : memref<!tpu.dma_semaphore, #tpu.memory_space<semaphore_mem>>
        %dma_start3A_486 = arith.constant 0 : i32
        %dma_start3A_487 = tpu.memref_slice %arg11[%run_scoped3A_107, %dma_start3A_486] : memref<16x128xi32, #tpu.memory_space<vmem>> -> memref<1x128xi32, #tpu.memory_space<vmem>>
        %dma_start3A_488 = tpu.memref_squeeze %dma_start3A_487 : memref<1x128xi32, #tpu.memory_space<vmem>> -> memref<128xi32, #tpu.memory_space<vmem>>
        %dma_start3A_489 = arith.constant 0 : i32
        %dma_start3A_490 = arith.constant 0 : i32
        %dma_start3A_491 = tpu.memref_slice %arg16[%dma_start3A_489, %dma_start3A_490] : memref<10240x128xf32, #tpu.memory_space<vmem_shared>> -> memref<10240x128xf32, #tpu.memory_space<vmem_shared>>
        tpu.enqueue_indirect_dma source(%arg13 : memref<128x128xf32, #tpu.memory_space<vmem>>) target(%dma_start3A_491 : memref<10240x128xf32, #tpu.memory_space<vmem_shared>>) offsets(%dma_start3A_488 : memref<128xi32, #tpu.memory_space<vmem>>) semaphore(%run_scoped3A_485 : memref<!tpu.dma_semaphore, #tpu.memory_space<semaphore_mem>>) {add = true}
        %dma_wait3A_492 = arith.constant 0 : i32
        %dma_wait3A_493 = tpu.memref_slice %arg11[%run_scoped3A_107, %dma_wait3A_492] : memref<16x128xi32, #tpu.memory_space<vmem>> -> memref<1x128xi32, #tpu.memory_space<vmem>>
        %dma_wait3A_494 = tpu.memref_squeeze %dma_wait3A_493 : memref<1x128xi32, #tpu.memory_space<vmem>> -> memref<128xi32, #tpu.memory_space<vmem>>
        %dma_wait3A_495 = arith.constant 0 : i32
        %dma_wait3A_496 = arith.constant 0 : i32
        %dma_wait3A_497 = tpu.memref_slice %arg16[%dma_wait3A_495, %dma_wait3A_496] : memref<10240x128xf32, #tpu.memory_space<vmem_shared>> -> memref<10240x128xf32, #tpu.memory_space<vmem_shared>>
        tpu.wait_indirect_dma semaphore(%run_scoped3A_485 : memref<!tpu.dma_semaphore, #tpu.memory_space<semaphore_mem>>) src(%arg13 : memref<128x128xf32, #tpu.memory_space<vmem>>) dst(%dma_wait3A_497 : memref<10240x128xf32, #tpu.memory_space<vmem_shared>>)
        tpu.yield
      }) : () -> ()
      %dma_start3A_108 = arith.constant 3 : i32
      %dma_start3A_109 = arith.constant 0 : i32
      %dma_start3A_110 = tpu.memref_slice %arg10[%dma_start3A_108, %dma_start3A_109] : memref<16x128xi32, #tpu.memory_space<vmem>> -> memref<1x128xi32, #tpu.memory_space<vmem>>
      %dma_start3A_111 = tpu.memref_squeeze %dma_start3A_110 : memref<1x128xi32, #tpu.memory_space<vmem>> -> memref<128xi32, #tpu.memory_space<vmem>>
      %dma_start3A_112 = arith.constant 0 : i32
      %dma_start3A_113 = arith.constant 0 : i32
      %dma_start3A_114 = tpu.memref_slice %arg2[%dma_start3A_112, %dma_start3A_113] : memref<10000x128xf32, #tpu.memory_space<hbm>> -> memref<10000x128xf32, #tpu.memory_space<hbm>>
      tpu.enqueue_indirect_dma source(%dma_start3A_114 : memref<10000x128xf32, #tpu.memory_space<hbm>>) target(%arg13 : memref<128x128xf32, #tpu.memory_space<vmem>>) offsets(%dma_start3A_111 : memref<128xi32, #tpu.memory_space<vmem>>) semaphore(%arg19 : memref<!tpu.dma_semaphore, #tpu.memory_space<semaphore_mem>>)
      %dma_wait3A_115 = arith.constant 2 : i32
      %dma_wait3A_116 = arith.constant 0 : i32
      %dma_wait3A_117 = tpu.memref_slice %arg10[%dma_wait3A_115, %dma_wait3A_116] : memref<16x128xi32, #tpu.memory_space<vmem>> -> memref<1x128xi32, #tpu.memory_space<vmem>>
      %dma_wait3A_118 = tpu.memref_squeeze %dma_wait3A_117 : memref<1x128xi32, #tpu.memory_space<vmem>> -> memref<128xi32, #tpu.memory_space<vmem>>
      %dma_wait3A_119 = arith.constant 0 : i32
      %dma_wait3A_120 = arith.constant 0 : i32
      %dma_wait3A_121 = tpu.memref_slice %arg2[%dma_wait3A_119, %dma_wait3A_120] : memref<10000x128xf32, #tpu.memory_space<hbm>> -> memref<10000x128xf32, #tpu.memory_space<hbm>>
      tpu.wait_indirect_dma semaphore(%arg18 : memref<!tpu.dma_semaphore, #tpu.memory_space<semaphore_mem>>) src(%dma_wait3A_121 : memref<10000x128xf32, #tpu.memory_space<hbm>>) dst(%arg12 : memref<128x128xf32, #tpu.memory_space<vmem>>)
      %dma_wait3A_122 = arith.constant 1 : i32
      %dma_wait3A_123 = arith.constant 0 : i32
      %dma_wait3A_124 = tpu.memref_slice %arg11[%dma_wait3A_122, %dma_wait3A_123] : memref<16x128xi32, #tpu.memory_space<vmem>> -> memref<1x128xi32, #tpu.memory_space<vmem>>
      %dma_wait3A_125 = tpu.memref_squeeze %dma_wait3A_124 : memref<1x128xi32, #tpu.memory_space<vmem>> -> memref<128xi32, #tpu.memory_space<vmem>>
      %dma_wait3A_126 = arith.constant 0 : i32
      %dma_wait3A_127 = tpu.memref_slice %arg17[%dma_wait3A_126] : memref<10240xf32, #tpu.memory_space<vmem_shared>> -> memref<10240xf32, #tpu.memory_space<vmem_shared>>
      tpu.wait_indirect_dma semaphore(%arg20 : memref<!tpu.dma_semaphore, #tpu.memory_space<semaphore_mem>>) src(%arg14 : memref<128xf32, #tpu.memory_space<vmem>>) dst(%dma_wait3A_127 : memref<10240xf32, #tpu.memory_space<vmem_shared>>)
      %dma_start3A_128 = arith.constant 2 : i32
      %dma_start3A_129 = arith.constant 0 : i32
      %dma_start3A_130 = tpu.memref_slice %arg11[%dma_start3A_128, %dma_start3A_129] : memref<16x128xi32, #tpu.memory_space<vmem>> -> memref<1x128xi32, #tpu.memory_space<vmem>>
      %dma_start3A_131 = tpu.memref_squeeze %dma_start3A_130 : memref<1x128xi32, #tpu.memory_space<vmem>> -> memref<128xi32, #tpu.memory_space<vmem>>
      %dma_start3A_132 = arith.constant 0 : i32
      %dma_start3A_133 = tpu.memref_slice %arg17[%dma_start3A_132] : memref<10240xf32, #tpu.memory_space<vmem_shared>> -> memref<10240xf32, #tpu.memory_space<vmem_shared>>
      tpu.enqueue_indirect_dma source(%arg14 : memref<128xf32, #tpu.memory_space<vmem>>) target(%dma_start3A_133 : memref<10240xf32, #tpu.memory_space<vmem_shared>>) offsets(%dma_start3A_131 : memref<128xi32, #tpu.memory_space<vmem>>) semaphore(%arg20 : memref<!tpu.dma_semaphore, #tpu.memory_space<semaphore_mem>>) {add = true}
      %run_scoped3A_134 = arith.constant 2 : i32
      "tpu.region"() ({
        %run_scoped3A_485 = tpu.sem_alloc : memref<!tpu.dma_semaphore, #tpu.memory_space<semaphore_mem>>
        %dma_start3A_486 = arith.constant 0 : i32
        %dma_start3A_487 = tpu.memref_slice %arg11[%run_scoped3A_134, %dma_start3A_486] : memref<16x128xi32, #tpu.memory_space<vmem>> -> memref<1x128xi32, #tpu.memory_space<vmem>>
        %dma_start3A_488 = tpu.memref_squeeze %dma_start3A_487 : memref<1x128xi32, #tpu.memory_space<vmem>> -> memref<128xi32, #tpu.memory_space<vmem>>
        %dma_start3A_489 = arith.constant 0 : i32
        %dma_start3A_490 = arith.constant 0 : i32
        %dma_start3A_491 = tpu.memref_slice %arg16[%dma_start3A_489, %dma_start3A_490] : memref<10240x128xf32, #tpu.memory_space<vmem_shared>> -> memref<10240x128xf32, #tpu.memory_space<vmem_shared>>
        tpu.enqueue_indirect_dma source(%arg12 : memref<128x128xf32, #tpu.memory_space<vmem>>) target(%dma_start3A_491 : memref<10240x128xf32, #tpu.memory_space<vmem_shared>>) offsets(%dma_start3A_488 : memref<128xi32, #tpu.memory_space<vmem>>) semaphore(%run_scoped3A_485 : memref<!tpu.dma_semaphore, #tpu.memory_space<semaphore_mem>>) {add = true}
        %dma_wait3A_492 = arith.constant 0 : i32
        %dma_wait3A_493 = tpu.memref_slice %arg11[%run_scoped3A_134, %dma_wait3A_492] : memref<16x128xi32, #tpu.memory_space<vmem>> -> memref<1x128xi32, #tpu.memory_space<vmem>>
        %dma_wait3A_494 = tpu.memref_squeeze %dma_wait3A_493 : memref<1x128xi32, #tpu.memory_space<vmem>> -> memref<128xi32, #tpu.memory_space<vmem>>
        %dma_wait3A_495 = arith.constant 0 : i32
        %dma_wait3A_496 = arith.constant 0 : i32
        %dma_wait3A_497 = tpu.memref_slice %arg16[%dma_wait3A_495, %dma_wait3A_496] : memref<10240x128xf32, #tpu.memory_space<vmem_shared>> -> memref<10240x128xf32, #tpu.memory_space<vmem_shared>>
        tpu.wait_indirect_dma semaphore(%run_scoped3A_485 : memref<!tpu.dma_semaphore, #tpu.memory_space<semaphore_mem>>) src(%arg12 : memref<128x128xf32, #tpu.memory_space<vmem>>) dst(%dma_wait3A_497 : memref<10240x128xf32, #tpu.memory_space<vmem_shared>>)
        tpu.yield
      }) : () -> ()
      %dma_start3A_135 = arith.constant 4 : i32
      %dma_start3A_136 = arith.constant 0 : i32
      %dma_start3A_137 = tpu.memref_slice %arg10[%dma_start3A_135, %dma_start3A_136] : memref<16x128xi32, #tpu.memory_space<vmem>> -> memref<1x128xi32, #tpu.memory_space<vmem>>
      %dma_start3A_138 = tpu.memref_squeeze %dma_start3A_137 : memref<1x128xi32, #tpu.memory_space<vmem>> -> memref<128xi32, #tpu.memory_space<vmem>>
      %dma_start3A_139 = arith.constant 0 : i32
      %dma_start3A_140 = arith.constant 0 : i32
      %dma_start3A_141 = tpu.memref_slice %arg2[%dma_start3A_139, %dma_start3A_140] : memref<10000x128xf32, #tpu.memory_space<hbm>> -> memref<10000x128xf32, #tpu.memory_space<hbm>>
      tpu.enqueue_indirect_dma source(%dma_start3A_141 : memref<10000x128xf32, #tpu.memory_space<hbm>>) target(%arg12 : memref<128x128xf32, #tpu.memory_space<vmem>>) offsets(%dma_start3A_138 : memref<128xi32, #tpu.memory_space<vmem>>) semaphore(%arg18 : memref<!tpu.dma_semaphore, #tpu.memory_space<semaphore_mem>>)
      %dma_wait3A_142 = arith.constant 3 : i32
      %dma_wait3A_143 = arith.constant 0 : i32
      %dma_wait3A_144 = tpu.memref_slice %arg10[%dma_wait3A_142, %dma_wait3A_143] : memref<16x128xi32, #tpu.memory_space<vmem>> -> memref<1x128xi32, #tpu.memory_space<vmem>>
      %dma_wait3A_145 = tpu.memref_squeeze %dma_wait3A_144 : memref<1x128xi32, #tpu.memory_space<vmem>> -> memref<128xi32, #tpu.memory_space<vmem>>
      %dma_wait3A_146 = arith.constant 0 : i32
      %dma_wait3A_147 = arith.constant 0 : i32
      %dma_wait3A_148 = tpu.memref_slice %arg2[%dma_wait3A_146, %dma_wait3A_147] : memref<10000x128xf32, #tpu.memory_space<hbm>> -> memref<10000x128xf32, #tpu.memory_space<hbm>>
      tpu.wait_indirect_dma semaphore(%arg19 : memref<!tpu.dma_semaphore, #tpu.memory_space<semaphore_mem>>) src(%dma_wait3A_148 : memref<10000x128xf32, #tpu.memory_space<hbm>>) dst(%arg13 : memref<128x128xf32, #tpu.memory_space<vmem>>)
      %dma_wait3A_149 = arith.constant 2 : i32
      %dma_wait3A_150 = arith.constant 0 : i32
      %dma_wait3A_151 = tpu.memref_slice %arg11[%dma_wait3A_149, %dma_wait3A_150] : memref<16x128xi32, #tpu.memory_space<vmem>> -> memref<1x128xi32, #tpu.memory_space<vmem>>
      %dma_wait3A_152 = tpu.memref_squeeze %dma_wait3A_151 : memref<1x128xi32, #tpu.memory_space<vmem>> -> memref<128xi32, #tpu.memory_space<vmem>>
      %dma_wait3A_153 = arith.constant 0 : i32
      %dma_wait3A_154 = tpu.memref_slice %arg17[%dma_wait3A_153] : memref<10240xf32, #tpu.memory_space<vmem_shared>> -> memref<10240xf32, #tpu.memory_space<vmem_shared>>
      tpu.wait_indirect_dma semaphore(%arg20 : memref<!tpu.dma_semaphore, #tpu.memory_space<semaphore_mem>>) src(%arg14 : memref<128xf32, #tpu.memory_space<vmem>>) dst(%dma_wait3A_154 : memref<10240xf32, #tpu.memory_space<vmem_shared>>)
      %dma_start3A_155 = arith.constant 3 : i32
      %dma_start3A_156 = arith.constant 0 : i32
      %dma_start3A_157 = tpu.memref_slice %arg11[%dma_start3A_155, %dma_start3A_156] : memref<16x128xi32, #tpu.memory_space<vmem>> -> memref<1x128xi32, #tpu.memory_space<vmem>>
      %dma_start3A_158 = tpu.memref_squeeze %dma_start3A_157 : memref<1x128xi32, #tpu.memory_space<vmem>> -> memref<128xi32, #tpu.memory_space<vmem>>
      %dma_start3A_159 = arith.constant 0 : i32
      %dma_start3A_160 = tpu.memref_slice %arg17[%dma_start3A_159] : memref<10240xf32, #tpu.memory_space<vmem_shared>> -> memref<10240xf32, #tpu.memory_space<vmem_shared>>
      tpu.enqueue_indirect_dma source(%arg14 : memref<128xf32, #tpu.memory_space<vmem>>) target(%dma_start3A_160 : memref<10240xf32, #tpu.memory_space<vmem_shared>>) offsets(%dma_start3A_158 : memref<128xi32, #tpu.memory_space<vmem>>) semaphore(%arg20 : memref<!tpu.dma_semaphore, #tpu.memory_space<semaphore_mem>>) {add = true}
      %run_scoped3A_161 = arith.constant 3 : i32
      "tpu.region"() ({
        %run_scoped3A_485 = tpu.sem_alloc : memref<!tpu.dma_semaphore, #tpu.memory_space<semaphore_mem>>
        %dma_start3A_486 = arith.constant 0 : i32
        %dma_start3A_487 = tpu.memref_slice %arg11[%run_scoped3A_161, %dma_start3A_486] : memref<16x128xi32, #tpu.memory_space<vmem>> -> memref<1x128xi32, #tpu.memory_space<vmem>>
        %dma_start3A_488 = tpu.memref_squeeze %dma_start3A_487 : memref<1x128xi32, #tpu.memory_space<vmem>> -> memref<128xi32, #tpu.memory_space<vmem>>
        %dma_start3A_489 = arith.constant 0 : i32
        %dma_start3A_490 = arith.constant 0 : i32
        %dma_start3A_491 = tpu.memref_slice %arg16[%dma_start3A_489, %dma_start3A_490] : memref<10240x128xf32, #tpu.memory_space<vmem_shared>> -> memref<10240x128xf32, #tpu.memory_space<vmem_shared>>
        tpu.enqueue_indirect_dma source(%arg13 : memref<128x128xf32, #tpu.memory_space<vmem>>) target(%dma_start3A_491 : memref<10240x128xf32, #tpu.memory_space<vmem_shared>>) offsets(%dma_start3A_488 : memref<128xi32, #tpu.memory_space<vmem>>) semaphore(%run_scoped3A_485 : memref<!tpu.dma_semaphore, #tpu.memory_space<semaphore_mem>>) {add = true}
        %dma_wait3A_492 = arith.constant 0 : i32
        %dma_wait3A_493 = tpu.memref_slice %arg11[%run_scoped3A_161, %dma_wait3A_492] : memref<16x128xi32, #tpu.memory_space<vmem>> -> memref<1x128xi32, #tpu.memory_space<vmem>>
        %dma_wait3A_494 = tpu.memref_squeeze %dma_wait3A_493 : memref<1x128xi32, #tpu.memory_space<vmem>> -> memref<128xi32, #tpu.memory_space<vmem>>
        %dma_wait3A_495 = arith.constant 0 : i32
        %dma_wait3A_496 = arith.constant 0 : i32
        %dma_wait3A_497 = tpu.memref_slice %arg16[%dma_wait3A_495, %dma_wait3A_496] : memref<10240x128xf32, #tpu.memory_space<vmem_shared>> -> memref<10240x128xf32, #tpu.memory_space<vmem_shared>>
        tpu.wait_indirect_dma semaphore(%run_scoped3A_485 : memref<!tpu.dma_semaphore, #tpu.memory_space<semaphore_mem>>) src(%arg13 : memref<128x128xf32, #tpu.memory_space<vmem>>) dst(%dma_wait3A_497 : memref<10240x128xf32, #tpu.memory_space<vmem_shared>>)
        tpu.yield
      }) : () -> ()
      %dma_start3A_162 = arith.constant 5 : i32
      %dma_start3A_163 = arith.constant 0 : i32
      %dma_start3A_164 = tpu.memref_slice %arg10[%dma_start3A_162, %dma_start3A_163] : memref<16x128xi32, #tpu.memory_space<vmem>> -> memref<1x128xi32, #tpu.memory_space<vmem>>
      %dma_start3A_165 = tpu.memref_squeeze %dma_start3A_164 : memref<1x128xi32, #tpu.memory_space<vmem>> -> memref<128xi32, #tpu.memory_space<vmem>>
      %dma_start3A_166 = arith.constant 0 : i32
      %dma_start3A_167 = arith.constant 0 : i32
      %dma_start3A_168 = tpu.memref_slice %arg2[%dma_start3A_166, %dma_start3A_167] : memref<10000x128xf32, #tpu.memory_space<hbm>> -> memref<10000x128xf32, #tpu.memory_space<hbm>>
      tpu.enqueue_indirect_dma source(%dma_start3A_168 : memref<10000x128xf32, #tpu.memory_space<hbm>>) target(%arg13 : memref<128x128xf32, #tpu.memory_space<vmem>>) offsets(%dma_start3A_165 : memref<128xi32, #tpu.memory_space<vmem>>) semaphore(%arg19 : memref<!tpu.dma_semaphore, #tpu.memory_space<semaphore_mem>>)
      %dma_wait3A_169 = arith.constant 4 : i32
      %dma_wait3A_170 = arith.constant 0 : i32
      %dma_wait3A_171 = tpu.memref_slice %arg10[%dma_wait3A_169, %dma_wait3A_170] : memref<16x128xi32, #tpu.memory_space<vmem>> -> memref<1x128xi32, #tpu.memory_space<vmem>>
      %dma_wait3A_172 = tpu.memref_squeeze %dma_wait3A_171 : memref<1x128xi32, #tpu.memory_space<vmem>> -> memref<128xi32, #tpu.memory_space<vmem>>
      %dma_wait3A_173 = arith.constant 0 : i32
      %dma_wait3A_174 = arith.constant 0 : i32
      %dma_wait3A_175 = tpu.memref_slice %arg2[%dma_wait3A_173, %dma_wait3A_174] : memref<10000x128xf32, #tpu.memory_space<hbm>> -> memref<10000x128xf32, #tpu.memory_space<hbm>>
      tpu.wait_indirect_dma semaphore(%arg18 : memref<!tpu.dma_semaphore, #tpu.memory_space<semaphore_mem>>) src(%dma_wait3A_175 : memref<10000x128xf32, #tpu.memory_space<hbm>>) dst(%arg12 : memref<128x128xf32, #tpu.memory_space<vmem>>)
      %dma_wait3A_176 = arith.constant 3 : i32
      %dma_wait3A_177 = arith.constant 0 : i32
      %dma_wait3A_178 = tpu.memref_slice %arg11[%dma_wait3A_176, %dma_wait3A_177] : memref<16x128xi32, #tpu.memory_space<vmem>> -> memref<1x128xi32, #tpu.memory_space<vmem>>
      %dma_wait3A_179 = tpu.memref_squeeze %dma_wait3A_178 : memref<1x128xi32, #tpu.memory_space<vmem>> -> memref<128xi32, #tpu.memory_space<vmem>>
      %dma_wait3A_180 = arith.constant 0 : i32
      %dma_wait3A_181 = tpu.memref_slice %arg17[%dma_wait3A_180] : memref<10240xf32, #tpu.memory_space<vmem_shared>> -> memref<10240xf32, #tpu.memory_space<vmem_shared>>
      tpu.wait_indirect_dma semaphore(%arg20 : memref<!tpu.dma_semaphore, #tpu.memory_space<semaphore_mem>>) src(%arg14 : memref<128xf32, #tpu.memory_space<vmem>>) dst(%dma_wait3A_181 : memref<10240xf32, #tpu.memory_space<vmem_shared>>)
      %dma_start3A_182 = arith.constant 4 : i32
      %dma_start3A_183 = arith.constant 0 : i32
      %dma_start3A_184 = tpu.memref_slice %arg11[%dma_start3A_182, %dma_start3A_183] : memref<16x128xi32, #tpu.memory_space<vmem>> -> memref<1x128xi32, #tpu.memory_space<vmem>>
      %dma_start3A_185 = tpu.memref_squeeze %dma_start3A_184 : memref<1x128xi32, #tpu.memory_space<vmem>> -> memref<128xi32, #tpu.memory_space<vmem>>
      %dma_start3A_186 = arith.constant 0 : i32
      %dma_start3A_187 = tpu.memref_slice %arg17[%dma_start3A_186] : memref<10240xf32, #tpu.memory_space<vmem_shared>> -> memref<10240xf32, #tpu.memory_space<vmem_shared>>
      tpu.enqueue_indirect_dma source(%arg14 : memref<128xf32, #tpu.memory_space<vmem>>) target(%dma_start3A_187 : memref<10240xf32, #tpu.memory_space<vmem_shared>>) offsets(%dma_start3A_185 : memref<128xi32, #tpu.memory_space<vmem>>) semaphore(%arg20 : memref<!tpu.dma_semaphore, #tpu.memory_space<semaphore_mem>>) {add = true}
      %run_scoped3A_188 = arith.constant 4 : i32
      "tpu.region"() ({
        %run_scoped3A_485 = tpu.sem_alloc : memref<!tpu.dma_semaphore, #tpu.memory_space<semaphore_mem>>
        %dma_start3A_486 = arith.constant 0 : i32
        %dma_start3A_487 = tpu.memref_slice %arg11[%run_scoped3A_188, %dma_start3A_486] : memref<16x128xi32, #tpu.memory_space<vmem>> -> memref<1x128xi32, #tpu.memory_space<vmem>>
        %dma_start3A_488 = tpu.memref_squeeze %dma_start3A_487 : memref<1x128xi32, #tpu.memory_space<vmem>> -> memref<128xi32, #tpu.memory_space<vmem>>
        %dma_start3A_489 = arith.constant 0 : i32
        %dma_start3A_490 = arith.constant 0 : i32
        %dma_start3A_491 = tpu.memref_slice %arg16[%dma_start3A_489, %dma_start3A_490] : memref<10240x128xf32, #tpu.memory_space<vmem_shared>> -> memref<10240x128xf32, #tpu.memory_space<vmem_shared>>
        tpu.enqueue_indirect_dma source(%arg12 : memref<128x128xf32, #tpu.memory_space<vmem>>) target(%dma_start3A_491 : memref<10240x128xf32, #tpu.memory_space<vmem_shared>>) offsets(%dma_start3A_488 : memref<128xi32, #tpu.memory_space<vmem>>) semaphore(%run_scoped3A_485 : memref<!tpu.dma_semaphore, #tpu.memory_space<semaphore_mem>>) {add = true}
        %dma_wait3A_492 = arith.constant 0 : i32
        %dma_wait3A_493 = tpu.memref_slice %arg11[%run_scoped3A_188, %dma_wait3A_492] : memref<16x128xi32, #tpu.memory_space<vmem>> -> memref<1x128xi32, #tpu.memory_space<vmem>>
        %dma_wait3A_494 = tpu.memref_squeeze %dma_wait3A_493 : memref<1x128xi32, #tpu.memory_space<vmem>> -> memref<128xi32, #tpu.memory_space<vmem>>
        %dma_wait3A_495 = arith.constant 0 : i32
        %dma_wait3A_496 = arith.constant 0 : i32
        %dma_wait3A_497 = tpu.memref_slice %arg16[%dma_wait3A_495, %dma_wait3A_496] : memref<10240x128xf32, #tpu.memory_space<vmem_shared>> -> memref<10240x128xf32, #tpu.memory_space<vmem_shared>>
        tpu.wait_indirect_dma semaphore(%run_scoped3A_485 : memref<!tpu.dma_semaphore, #tpu.memory_space<semaphore_mem>>) src(%arg12 : memref<128x128xf32, #tpu.memory_space<vmem>>) dst(%dma_wait3A_497 : memref<10240x128xf32, #tpu.memory_space<vmem_shared>>)
        tpu.yield
      }) : () -> ()
      %dma_start3A_189 = arith.constant 6 : i32
      %dma_start3A_190 = arith.constant 0 : i32
      %dma_start3A_191 = tpu.memref_slice %arg10[%dma_start3A_189, %dma_start3A_190] : memref<16x128xi32, #tpu.memory_space<vmem>> -> memref<1x128xi32, #tpu.memory_space<vmem>>
      %dma_start3A_192 = tpu.memref_squeeze %dma_start3A_191 : memref<1x128xi32, #tpu.memory_space<vmem>> -> memref<128xi32, #tpu.memory_space<vmem>>
      %dma_start3A_193 = arith.constant 0 : i32
      %dma_start3A_194 = arith.constant 0 : i32
      %dma_start3A_195 = tpu.memref_slice %arg2[%dma_start3A_193, %dma_start3A_194] : memref<10000x128xf32, #tpu.memory_space<hbm>> -> memref<10000x128xf32, #tpu.memory_space<hbm>>
      tpu.enqueue_indirect_dma source(%dma_start3A_195 : memref<10000x128xf32, #tpu.memory_space<hbm>>) target(%arg12 : memref<128x128xf32, #tpu.memory_space<vmem>>) offsets(%dma_start3A_192 : memref<128xi32, #tpu.memory_space<vmem>>) semaphore(%arg18 : memref<!tpu.dma_semaphore, #tpu.memory_space<semaphore_mem>>)
      %dma_wait3A_196 = arith.constant 5 : i32
      %dma_wait3A_197 = arith.constant 0 : i32
      %dma_wait3A_198 = tpu.memref_slice %arg10[%dma_wait3A_196, %dma_wait3A_197] : memref<16x128xi32, #tpu.memory_space<vmem>> -> memref<1x128xi32, #tpu.memory_space<vmem>>
      %dma_wait3A_199 = tpu.memref_squeeze %dma_wait3A_198 : memref<1x128xi32, #tpu.memory_space<vmem>> -> memref<128xi32, #tpu.memory_space<vmem>>
      %dma_wait3A_200 = arith.constant 0 : i32
      %dma_wait3A_201 = arith.constant 0 : i32
      %dma_wait3A_202 = tpu.memref_slice %arg2[%dma_wait3A_200, %dma_wait3A_201] : memref<10000x128xf32, #tpu.memory_space<hbm>> -> memref<10000x128xf32, #tpu.memory_space<hbm>>
      tpu.wait_indirect_dma semaphore(%arg19 : memref<!tpu.dma_semaphore, #tpu.memory_space<semaphore_mem>>) src(%dma_wait3A_202 : memref<10000x128xf32, #tpu.memory_space<hbm>>) dst(%arg13 : memref<128x128xf32, #tpu.memory_space<vmem>>)
      %dma_wait3A_203 = arith.constant 4 : i32
      %dma_wait3A_204 = arith.constant 0 : i32
      %dma_wait3A_205 = tpu.memref_slice %arg11[%dma_wait3A_203, %dma_wait3A_204] : memref<16x128xi32, #tpu.memory_space<vmem>> -> memref<1x128xi32, #tpu.memory_space<vmem>>
      %dma_wait3A_206 = tpu.memref_squeeze %dma_wait3A_205 : memref<1x128xi32, #tpu.memory_space<vmem>> -> memref<128xi32, #tpu.memory_space<vmem>>
      %dma_wait3A_207 = arith.constant 0 : i32
      %dma_wait3A_208 = tpu.memref_slice %arg17[%dma_wait3A_207] : memref<10240xf32, #tpu.memory_space<vmem_shared>> -> memref<10240xf32, #tpu.memory_space<vmem_shared>>
      tpu.wait_indirect_dma semaphore(%arg20 : memref<!tpu.dma_semaphore, #tpu.memory_space<semaphore_mem>>) src(%arg14 : memref<128xf32, #tpu.memory_space<vmem>>) dst(%dma_wait3A_208 : memref<10240xf32, #tpu.memory_space<vmem_shared>>)
      %dma_start3A_209 = arith.constant 5 : i32
      %dma_start3A_210 = arith.constant 0 : i32
      %dma_start3A_211 = tpu.memref_slice %arg11[%dma_start3A_209, %dma_start3A_210] : memref<16x128xi32, #tpu.memory_space<vmem>> -> memref<1x128xi32, #tpu.memory_space<vmem>>
      %dma_start3A_212 = tpu.memref_squeeze %dma_start3A_211 : memref<1x128xi32, #tpu.memory_space<vmem>> -> memref<128xi32, #tpu.memory_space<vmem>>
      %dma_start3A_213 = arith.constant 0 : i32
      %dma_start3A_214 = tpu.memref_slice %arg17[%dma_start3A_213] : memref<10240xf32, #tpu.memory_space<vmem_shared>> -> memref<10240xf32, #tpu.memory_space<vmem_shared>>
      tpu.enqueue_indirect_dma source(%arg14 : memref<128xf32, #tpu.memory_space<vmem>>) target(%dma_start3A_214 : memref<10240xf32, #tpu.memory_space<vmem_shared>>) offsets(%dma_start3A_212 : memref<128xi32, #tpu.memory_space<vmem>>) semaphore(%arg20 : memref<!tpu.dma_semaphore, #tpu.memory_space<semaphore_mem>>) {add = true}
      %run_scoped3A_215 = arith.constant 5 : i32
      "tpu.region"() ({
        %run_scoped3A_485 = tpu.sem_alloc : memref<!tpu.dma_semaphore, #tpu.memory_space<semaphore_mem>>
        %dma_start3A_486 = arith.constant 0 : i32
        %dma_start3A_487 = tpu.memref_slice %arg11[%run_scoped3A_215, %dma_start3A_486] : memref<16x128xi32, #tpu.memory_space<vmem>> -> memref<1x128xi32, #tpu.memory_space<vmem>>
        %dma_start3A_488 = tpu.memref_squeeze %dma_start3A_487 : memref<1x128xi32, #tpu.memory_space<vmem>> -> memref<128xi32, #tpu.memory_space<vmem>>
        %dma_start3A_489 = arith.constant 0 : i32
        %dma_start3A_490 = arith.constant 0 : i32
        %dma_start3A_491 = tpu.memref_slice %arg16[%dma_start3A_489, %dma_start3A_490] : memref<10240x128xf32, #tpu.memory_space<vmem_shared>> -> memref<10240x128xf32, #tpu.memory_space<vmem_shared>>
        tpu.enqueue_indirect_dma source(%arg13 : memref<128x128xf32, #tpu.memory_space<vmem>>) target(%dma_start3A_491 : memref<10240x128xf32, #tpu.memory_space<vmem_shared>>) offsets(%dma_start3A_488 : memref<128xi32, #tpu.memory_space<vmem>>) semaphore(%run_scoped3A_485 : memref<!tpu.dma_semaphore, #tpu.memory_space<semaphore_mem>>) {add = true}
        %dma_wait3A_492 = arith.constant 0 : i32
        %dma_wait3A_493 = tpu.memref_slice %arg11[%run_scoped3A_215, %dma_wait3A_492] : memref<16x128xi32, #tpu.memory_space<vmem>> -> memref<1x128xi32, #tpu.memory_space<vmem>>
        %dma_wait3A_494 = tpu.memref_squeeze %dma_wait3A_493 : memref<1x128xi32, #tpu.memory_space<vmem>> -> memref<128xi32, #tpu.memory_space<vmem>>
        %dma_wait3A_495 = arith.constant 0 : i32
        %dma_wait3A_496 = arith.constant 0 : i32
        %dma_wait3A_497 = tpu.memref_slice %arg16[%dma_wait3A_495, %dma_wait3A_496] : memref<10240x128xf32, #tpu.memory_space<vmem_shared>> -> memref<10240x128xf32, #tpu.memory_space<vmem_shared>>
        tpu.wait_indirect_dma semaphore(%run_scoped3A_485 : memref<!tpu.dma_semaphore, #tpu.memory_space<semaphore_mem>>) src(%arg13 : memref<128x128xf32, #tpu.memory_space<vmem>>) dst(%dma_wait3A_497 : memref<10240x128xf32, #tpu.memory_space<vmem_shared>>)
        tpu.yield
      }) : () -> ()
      %dma_start3A_216 = arith.constant 7 : i32
      %dma_start3A_217 = arith.constant 0 : i32
      %dma_start3A_218 = tpu.memref_slice %arg10[%dma_start3A_216, %dma_start3A_217] : memref<16x128xi32, #tpu.memory_space<vmem>> -> memref<1x128xi32, #tpu.memory_space<vmem>>
      %dma_start3A_219 = tpu.memref_squeeze %dma_start3A_218 : memref<1x128xi32, #tpu.memory_space<vmem>> -> memref<128xi32, #tpu.memory_space<vmem>>
      %dma_start3A_220 = arith.constant 0 : i32
      %dma_start3A_221 = arith.constant 0 : i32
      %dma_start3A_222 = tpu.memref_slice %arg2[%dma_start3A_220, %dma_start3A_221] : memref<10000x128xf32, #tpu.memory_space<hbm>> -> memref<10000x128xf32, #tpu.memory_space<hbm>>
      tpu.enqueue_indirect_dma source(%dma_start3A_222 : memref<10000x128xf32, #tpu.memory_space<hbm>>) target(%arg13 : memref<128x128xf32, #tpu.memory_space<vmem>>) offsets(%dma_start3A_219 : memref<128xi32, #tpu.memory_space<vmem>>) semaphore(%arg19 : memref<!tpu.dma_semaphore, #tpu.memory_space<semaphore_mem>>)
      %dma_wait3A_223 = arith.constant 6 : i32
      %dma_wait3A_224 = arith.constant 0 : i32
      %dma_wait3A_225 = tpu.memref_slice %arg10[%dma_wait3A_223, %dma_wait3A_224] : memref<16x128xi32, #tpu.memory_space<vmem>> -> memref<1x128xi32, #tpu.memory_space<vmem>>
      %dma_wait3A_226 = tpu.memref_squeeze %dma_wait3A_225 : memref<1x128xi32, #tpu.memory_space<vmem>> -> memref<128xi32, #tpu.memory_space<vmem>>
      %dma_wait3A_227 = arith.constant 0 : i32
      %dma_wait3A_228 = arith.constant 0 : i32
      %dma_wait3A_229 = tpu.memref_slice %arg2[%dma_wait3A_227, %dma_wait3A_228] : memref<10000x128xf32, #tpu.memory_space<hbm>> -> memref<10000x128xf32, #tpu.memory_space<hbm>>
      tpu.wait_indirect_dma semaphore(%arg18 : memref<!tpu.dma_semaphore, #tpu.memory_space<semaphore_mem>>) src(%dma_wait3A_229 : memref<10000x128xf32, #tpu.memory_space<hbm>>) dst(%arg12 : memref<128x128xf32, #tpu.memory_space<vmem>>)
      %dma_wait3A_230 = arith.constant 5 : i32
      %dma_wait3A_231 = arith.constant 0 : i32
      %dma_wait3A_232 = tpu.memref_slice %arg11[%dma_wait3A_230, %dma_wait3A_231] : memref<16x128xi32, #tpu.memory_space<vmem>> -> memref<1x128xi32, #tpu.memory_space<vmem>>
      %dma_wait3A_233 = tpu.memref_squeeze %dma_wait3A_232 : memref<1x128xi32, #tpu.memory_space<vmem>> -> memref<128xi32, #tpu.memory_space<vmem>>
      %dma_wait3A_234 = arith.constant 0 : i32
      %dma_wait3A_235 = tpu.memref_slice %arg17[%dma_wait3A_234] : memref<10240xf32, #tpu.memory_space<vmem_shared>> -> memref<10240xf32, #tpu.memory_space<vmem_shared>>
      tpu.wait_indirect_dma semaphore(%arg20 : memref<!tpu.dma_semaphore, #tpu.memory_space<semaphore_mem>>) src(%arg14 : memref<128xf32, #tpu.memory_space<vmem>>) dst(%dma_wait3A_235 : memref<10240xf32, #tpu.memory_space<vmem_shared>>)
      %dma_start3A_236 = arith.constant 6 : i32
      %dma_start3A_237 = arith.constant 0 : i32
      %dma_start3A_238 = tpu.memref_slice %arg11[%dma_start3A_236, %dma_start3A_237] : memref<16x128xi32, #tpu.memory_space<vmem>> -> memref<1x128xi32, #tpu.memory_space<vmem>>
      %dma_start3A_239 = tpu.memref_squeeze %dma_start3A_238 : memref<1x128xi32, #tpu.memory_space<vmem>> -> memref<128xi32, #tpu.memory_space<vmem>>
      %dma_start3A_240 = arith.constant 0 : i32
      %dma_start3A_241 = tpu.memref_slice %arg17[%dma_start3A_240] : memref<10240xf32, #tpu.memory_space<vmem_shared>> -> memref<10240xf32, #tpu.memory_space<vmem_shared>>
      tpu.enqueue_indirect_dma source(%arg14 : memref<128xf32, #tpu.memory_space<vmem>>) target(%dma_start3A_241 : memref<10240xf32, #tpu.memory_space<vmem_shared>>) offsets(%dma_start3A_239 : memref<128xi32, #tpu.memory_space<vmem>>) semaphore(%arg20 : memref<!tpu.dma_semaphore, #tpu.memory_space<semaphore_mem>>) {add = true}
      %run_scoped3A_242 = arith.constant 6 : i32
      "tpu.region"() ({
        %run_scoped3A_485 = tpu.sem_alloc : memref<!tpu.dma_semaphore, #tpu.memory_space<semaphore_mem>>
        %dma_start3A_486 = arith.constant 0 : i32
        %dma_start3A_487 = tpu.memref_slice %arg11[%run_scoped3A_242, %dma_start3A_486] : memref<16x128xi32, #tpu.memory_space<vmem>> -> memref<1x128xi32, #tpu.memory_space<vmem>>
        %dma_start3A_488 = tpu.memref_squeeze %dma_start3A_487 : memref<1x128xi32, #tpu.memory_space<vmem>> -> memref<128xi32, #tpu.memory_space<vmem>>
        %dma_start3A_489 = arith.constant 0 : i32
        %dma_start3A_490 = arith.constant 0 : i32
        %dma_start3A_491 = tpu.memref_slice %arg16[%dma_start3A_489, %dma_start3A_490] : memref<10240x128xf32, #tpu.memory_space<vmem_shared>> -> memref<10240x128xf32, #tpu.memory_space<vmem_shared>>
        tpu.enqueue_indirect_dma source(%arg12 : memref<128x128xf32, #tpu.memory_space<vmem>>) target(%dma_start3A_491 : memref<10240x128xf32, #tpu.memory_space<vmem_shared>>) offsets(%dma_start3A_488 : memref<128xi32, #tpu.memory_space<vmem>>) semaphore(%run_scoped3A_485 : memref<!tpu.dma_semaphore, #tpu.memory_space<semaphore_mem>>) {add = true}
        %dma_wait3A_492 = arith.constant 0 : i32
        %dma_wait3A_493 = tpu.memref_slice %arg11[%run_scoped3A_242, %dma_wait3A_492] : memref<16x128xi32, #tpu.memory_space<vmem>> -> memref<1x128xi32, #tpu.memory_space<vmem>>
        %dma_wait3A_494 = tpu.memref_squeeze %dma_wait3A_493 : memref<1x128xi32, #tpu.memory_space<vmem>> -> memref<128xi32, #tpu.memory_space<vmem>>
        %dma_wait3A_495 = arith.constant 0 : i32
        %dma_wait3A_496 = arith.constant 0 : i32
        %dma_wait3A_497 = tpu.memref_slice %arg16[%dma_wait3A_495, %dma_wait3A_496] : memref<10240x128xf32, #tpu.memory_space<vmem_shared>> -> memref<10240x128xf32, #tpu.memory_space<vmem_shared>>
        tpu.wait_indirect_dma semaphore(%run_scoped3A_485 : memref<!tpu.dma_semaphore, #tpu.memory_space<semaphore_mem>>) src(%arg12 : memref<128x128xf32, #tpu.memory_space<vmem>>) dst(%dma_wait3A_497 : memref<10240x128xf32, #tpu.memory_space<vmem_shared>>)
        tpu.yield
      }) : () -> ()
      %dma_start3A_243 = arith.constant 8 : i32
      %dma_start3A_244 = arith.constant 0 : i32
      %dma_start3A_245 = tpu.memref_slice %arg10[%dma_start3A_243, %dma_start3A_244] : memref<16x128xi32, #tpu.memory_space<vmem>> -> memref<1x128xi32, #tpu.memory_space<vmem>>
      %dma_start3A_246 = tpu.memref_squeeze %dma_start3A_245 : memref<1x128xi32, #tpu.memory_space<vmem>> -> memref<128xi32, #tpu.memory_space<vmem>>
      %dma_start3A_247 = arith.constant 0 : i32
      %dma_start3A_248 = arith.constant 0 : i32
      %dma_start3A_249 = tpu.memref_slice %arg2[%dma_start3A_247, %dma_start3A_248] : memref<10000x128xf32, #tpu.memory_space<hbm>> -> memref<10000x128xf32, #tpu.memory_space<hbm>>
      tpu.enqueue_indirect_dma source(%dma_start3A_249 : memref<10000x128xf32, #tpu.memory_space<hbm>>) target(%arg12 : memref<128x128xf32, #tpu.memory_space<vmem>>) offsets(%dma_start3A_246 : memref<128xi32, #tpu.memory_space<vmem>>) semaphore(%arg18 : memref<!tpu.dma_semaphore, #tpu.memory_space<semaphore_mem>>)
      %dma_wait3A_250 = arith.constant 7 : i32
      %dma_wait3A_251 = arith.constant 0 : i32
      %dma_wait3A_252 = tpu.memref_slice %arg10[%dma_wait3A_250, %dma_wait3A_251] : memref<16x128xi32, #tpu.memory_space<vmem>> -> memref<1x128xi32, #tpu.memory_space<vmem>>
      %dma_wait3A_253 = tpu.memref_squeeze %dma_wait3A_252 : memref<1x128xi32, #tpu.memory_space<vmem>> -> memref<128xi32, #tpu.memory_space<vmem>>
      %dma_wait3A_254 = arith.constant 0 : i32
      %dma_wait3A_255 = arith.constant 0 : i32
      %dma_wait3A_256 = tpu.memref_slice %arg2[%dma_wait3A_254, %dma_wait3A_255] : memref<10000x128xf32, #tpu.memory_space<hbm>> -> memref<10000x128xf32, #tpu.memory_space<hbm>>
      tpu.wait_indirect_dma semaphore(%arg19 : memref<!tpu.dma_semaphore, #tpu.memory_space<semaphore_mem>>) src(%dma_wait3A_256 : memref<10000x128xf32, #tpu.memory_space<hbm>>) dst(%arg13 : memref<128x128xf32, #tpu.memory_space<vmem>>)
      %dma_wait3A_257 = arith.constant 6 : i32
      %dma_wait3A_258 = arith.constant 0 : i32
      %dma_wait3A_259 = tpu.memref_slice %arg11[%dma_wait3A_257, %dma_wait3A_258] : memref<16x128xi32, #tpu.memory_space<vmem>> -> memref<1x128xi32, #tpu.memory_space<vmem>>
      %dma_wait3A_260 = tpu.memref_squeeze %dma_wait3A_259 : memref<1x128xi32, #tpu.memory_space<vmem>> -> memref<128xi32, #tpu.memory_space<vmem>>
      %dma_wait3A_261 = arith.constant 0 : i32
      %dma_wait3A_262 = tpu.memref_slice %arg17[%dma_wait3A_261] : memref<10240xf32, #tpu.memory_space<vmem_shared>> -> memref<10240xf32, #tpu.memory_space<vmem_shared>>
      tpu.wait_indirect_dma semaphore(%arg20 : memref<!tpu.dma_semaphore, #tpu.memory_space<semaphore_mem>>) src(%arg14 : memref<128xf32, #tpu.memory_space<vmem>>) dst(%dma_wait3A_262 : memref<10240xf32, #tpu.memory_space<vmem_shared>>)
      %dma_start3A_263 = arith.constant 7 : i32
      %dma_start3A_264 = arith.constant 0 : i32
      %dma_start3A_265 = tpu.memref_slice %arg11[%dma_start3A_263, %dma_start3A_264] : memref<16x128xi32, #tpu.memory_space<vmem>> -> memref<1x128xi32, #tpu.memory_space<vmem>>
      %dma_start3A_266 = tpu.memref_squeeze %dma_start3A_265 : memref<1x128xi32, #tpu.memory_space<vmem>> -> memref<128xi32, #tpu.memory_space<vmem>>
      %dma_start3A_267 = arith.constant 0 : i32
      %dma_start3A_268 = tpu.memref_slice %arg17[%dma_start3A_267] : memref<10240xf32, #tpu.memory_space<vmem_shared>> -> memref<10240xf32, #tpu.memory_space<vmem_shared>>
      tpu.enqueue_indirect_dma source(%arg14 : memref<128xf32, #tpu.memory_space<vmem>>) target(%dma_start3A_268 : memref<10240xf32, #tpu.memory_space<vmem_shared>>) offsets(%dma_start3A_266 : memref<128xi32, #tpu.memory_space<vmem>>) semaphore(%arg20 : memref<!tpu.dma_semaphore, #tpu.memory_space<semaphore_mem>>) {add = true}
      %run_scoped3A_269 = arith.constant 7 : i32
      "tpu.region"() ({
        %run_scoped3A_485 = tpu.sem_alloc : memref<!tpu.dma_semaphore, #tpu.memory_space<semaphore_mem>>
        %dma_start3A_486 = arith.constant 0 : i32
        %dma_start3A_487 = tpu.memref_slice %arg11[%run_scoped3A_269, %dma_start3A_486] : memref<16x128xi32, #tpu.memory_space<vmem>> -> memref<1x128xi32, #tpu.memory_space<vmem>>
        %dma_start3A_488 = tpu.memref_squeeze %dma_start3A_487 : memref<1x128xi32, #tpu.memory_space<vmem>> -> memref<128xi32, #tpu.memory_space<vmem>>
        %dma_start3A_489 = arith.constant 0 : i32
        %dma_start3A_490 = arith.constant 0 : i32
        %dma_start3A_491 = tpu.memref_slice %arg16[%dma_start3A_489, %dma_start3A_490] : memref<10240x128xf32, #tpu.memory_space<vmem_shared>> -> memref<10240x128xf32, #tpu.memory_space<vmem_shared>>
        tpu.enqueue_indirect_dma source(%arg13 : memref<128x128xf32, #tpu.memory_space<vmem>>) target(%dma_start3A_491 : memref<10240x128xf32, #tpu.memory_space<vmem_shared>>) offsets(%dma_start3A_488 : memref<128xi32, #tpu.memory_space<vmem>>) semaphore(%run_scoped3A_485 : memref<!tpu.dma_semaphore, #tpu.memory_space<semaphore_mem>>) {add = true}
        %dma_wait3A_492 = arith.constant 0 : i32
        %dma_wait3A_493 = tpu.memref_slice %arg11[%run_scoped3A_269, %dma_wait3A_492] : memref<16x128xi32, #tpu.memory_space<vmem>> -> memref<1x128xi32, #tpu.memory_space<vmem>>
        %dma_wait3A_494 = tpu.memref_squeeze %dma_wait3A_493 : memref<1x128xi32, #tpu.memory_space<vmem>> -> memref<128xi32, #tpu.memory_space<vmem>>
        %dma_wait3A_495 = arith.constant 0 : i32
        %dma_wait3A_496 = arith.constant 0 : i32
        %dma_wait3A_497 = tpu.memref_slice %arg16[%dma_wait3A_495, %dma_wait3A_496] : memref<10240x128xf32, #tpu.memory_space<vmem_shared>> -> memref<10240x128xf32, #tpu.memory_space<vmem_shared>>
        tpu.wait_indirect_dma semaphore(%run_scoped3A_485 : memref<!tpu.dma_semaphore, #tpu.memory_space<semaphore_mem>>) src(%arg13 : memref<128x128xf32, #tpu.memory_space<vmem>>) dst(%dma_wait3A_497 : memref<10240x128xf32, #tpu.memory_space<vmem_shared>>)
        tpu.yield
      }) : () -> ()
      %dma_start3A_270 = arith.constant 9 : i32
      %dma_start3A_271 = arith.constant 0 : i32
      %dma_start3A_272 = tpu.memref_slice %arg10[%dma_start3A_270, %dma_start3A_271] : memref<16x128xi32, #tpu.memory_space<vmem>> -> memref<1x128xi32, #tpu.memory_space<vmem>>
      %dma_start3A_273 = tpu.memref_squeeze %dma_start3A_272 : memref<1x128xi32, #tpu.memory_space<vmem>> -> memref<128xi32, #tpu.memory_space<vmem>>
      %dma_start3A_274 = arith.constant 0 : i32
      %dma_start3A_275 = arith.constant 0 : i32
      %dma_start3A_276 = tpu.memref_slice %arg2[%dma_start3A_274, %dma_start3A_275] : memref<10000x128xf32, #tpu.memory_space<hbm>> -> memref<10000x128xf32, #tpu.memory_space<hbm>>
      tpu.enqueue_indirect_dma source(%dma_start3A_276 : memref<10000x128xf32, #tpu.memory_space<hbm>>) target(%arg13 : memref<128x128xf32, #tpu.memory_space<vmem>>) offsets(%dma_start3A_273 : memref<128xi32, #tpu.memory_space<vmem>>) semaphore(%arg19 : memref<!tpu.dma_semaphore, #tpu.memory_space<semaphore_mem>>)
      %dma_wait3A_277 = arith.constant 8 : i32
      %dma_wait3A_278 = arith.constant 0 : i32
      %dma_wait3A_279 = tpu.memref_slice %arg10[%dma_wait3A_277, %dma_wait3A_278] : memref<16x128xi32, #tpu.memory_space<vmem>> -> memref<1x128xi32, #tpu.memory_space<vmem>>
      %dma_wait3A_280 = tpu.memref_squeeze %dma_wait3A_279 : memref<1x128xi32, #tpu.memory_space<vmem>> -> memref<128xi32, #tpu.memory_space<vmem>>
      %dma_wait3A_281 = arith.constant 0 : i32
      %dma_wait3A_282 = arith.constant 0 : i32
      %dma_wait3A_283 = tpu.memref_slice %arg2[%dma_wait3A_281, %dma_wait3A_282] : memref<10000x128xf32, #tpu.memory_space<hbm>> -> memref<10000x128xf32, #tpu.memory_space<hbm>>
      tpu.wait_indirect_dma semaphore(%arg18 : memref<!tpu.dma_semaphore, #tpu.memory_space<semaphore_mem>>) src(%dma_wait3A_283 : memref<10000x128xf32, #tpu.memory_space<hbm>>) dst(%arg12 : memref<128x128xf32, #tpu.memory_space<vmem>>)
      %dma_wait3A_284 = arith.constant 7 : i32
      %dma_wait3A_285 = arith.constant 0 : i32
      %dma_wait3A_286 = tpu.memref_slice %arg11[%dma_wait3A_284, %dma_wait3A_285] : memref<16x128xi32, #tpu.memory_space<vmem>> -> memref<1x128xi32, #tpu.memory_space<vmem>>
      %dma_wait3A_287 = tpu.memref_squeeze %dma_wait3A_286 : memref<1x128xi32, #tpu.memory_space<vmem>> -> memref<128xi32, #tpu.memory_space<vmem>>
      %dma_wait3A_288 = arith.constant 0 : i32
      %dma_wait3A_289 = tpu.memref_slice %arg17[%dma_wait3A_288] : memref<10240xf32, #tpu.memory_space<vmem_shared>> -> memref<10240xf32, #tpu.memory_space<vmem_shared>>
      tpu.wait_indirect_dma semaphore(%arg20 : memref<!tpu.dma_semaphore, #tpu.memory_space<semaphore_mem>>) src(%arg14 : memref<128xf32, #tpu.memory_space<vmem>>) dst(%dma_wait3A_289 : memref<10240xf32, #tpu.memory_space<vmem_shared>>)
      %dma_start3A_290 = arith.constant 8 : i32
      %dma_start3A_291 = arith.constant 0 : i32
      %dma_start3A_292 = tpu.memref_slice %arg11[%dma_start3A_290, %dma_start3A_291] : memref<16x128xi32, #tpu.memory_space<vmem>> -> memref<1x128xi32, #tpu.memory_space<vmem>>
      %dma_start3A_293 = tpu.memref_squeeze %dma_start3A_292 : memref<1x128xi32, #tpu.memory_space<vmem>> -> memref<128xi32, #tpu.memory_space<vmem>>
      %dma_start3A_294 = arith.constant 0 : i32
      %dma_start3A_295 = tpu.memref_slice %arg17[%dma_start3A_294] : memref<10240xf32, #tpu.memory_space<vmem_shared>> -> memref<10240xf32, #tpu.memory_space<vmem_shared>>
      tpu.enqueue_indirect_dma source(%arg14 : memref<128xf32, #tpu.memory_space<vmem>>) target(%dma_start3A_295 : memref<10240xf32, #tpu.memory_space<vmem_shared>>) offsets(%dma_start3A_293 : memref<128xi32, #tpu.memory_space<vmem>>) semaphore(%arg20 : memref<!tpu.dma_semaphore, #tpu.memory_space<semaphore_mem>>) {add = true}
      %run_scoped3A_296 = arith.constant 8 : i32
      "tpu.region"() ({
        %run_scoped3A_485 = tpu.sem_alloc : memref<!tpu.dma_semaphore, #tpu.memory_space<semaphore_mem>>
        %dma_start3A_486 = arith.constant 0 : i32
        %dma_start3A_487 = tpu.memref_slice %arg11[%run_scoped3A_296, %dma_start3A_486] : memref<16x128xi32, #tpu.memory_space<vmem>> -> memref<1x128xi32, #tpu.memory_space<vmem>>
        %dma_start3A_488 = tpu.memref_squeeze %dma_start3A_487 : memref<1x128xi32, #tpu.memory_space<vmem>> -> memref<128xi32, #tpu.memory_space<vmem>>
        %dma_start3A_489 = arith.constant 0 : i32
        %dma_start3A_490 = arith.constant 0 : i32
        %dma_start3A_491 = tpu.memref_slice %arg16[%dma_start3A_489, %dma_start3A_490] : memref<10240x128xf32, #tpu.memory_space<vmem_shared>> -> memref<10240x128xf32, #tpu.memory_space<vmem_shared>>
        tpu.enqueue_indirect_dma source(%arg12 : memref<128x128xf32, #tpu.memory_space<vmem>>) target(%dma_start3A_491 : memref<10240x128xf32, #tpu.memory_space<vmem_shared>>) offsets(%dma_start3A_488 : memref<128xi32, #tpu.memory_space<vmem>>) semaphore(%run_scoped3A_485 : memref<!tpu.dma_semaphore, #tpu.memory_space<semaphore_mem>>) {add = true}
        %dma_wait3A_492 = arith.constant 0 : i32
        %dma_wait3A_493 = tpu.memref_slice %arg11[%run_scoped3A_296, %dma_wait3A_492] : memref<16x128xi32, #tpu.memory_space<vmem>> -> memref<1x128xi32, #tpu.memory_space<vmem>>
        %dma_wait3A_494 = tpu.memref_squeeze %dma_wait3A_493 : memref<1x128xi32, #tpu.memory_space<vmem>> -> memref<128xi32, #tpu.memory_space<vmem>>
        %dma_wait3A_495 = arith.constant 0 : i32
        %dma_wait3A_496 = arith.constant 0 : i32
        %dma_wait3A_497 = tpu.memref_slice %arg16[%dma_wait3A_495, %dma_wait3A_496] : memref<10240x128xf32, #tpu.memory_space<vmem_shared>> -> memref<10240x128xf32, #tpu.memory_space<vmem_shared>>
        tpu.wait_indirect_dma semaphore(%run_scoped3A_485 : memref<!tpu.dma_semaphore, #tpu.memory_space<semaphore_mem>>) src(%arg12 : memref<128x128xf32, #tpu.memory_space<vmem>>) dst(%dma_wait3A_497 : memref<10240x128xf32, #tpu.memory_space<vmem_shared>>)
        tpu.yield
      }) : () -> ()
      %dma_start3A_297 = arith.constant 10 : i32
      %dma_start3A_298 = arith.constant 0 : i32
      %dma_start3A_299 = tpu.memref_slice %arg10[%dma_start3A_297, %dma_start3A_298] : memref<16x128xi32, #tpu.memory_space<vmem>> -> memref<1x128xi32, #tpu.memory_space<vmem>>
      %dma_start3A_300 = tpu.memref_squeeze %dma_start3A_299 : memref<1x128xi32, #tpu.memory_space<vmem>> -> memref<128xi32, #tpu.memory_space<vmem>>
      %dma_start3A_301 = arith.constant 0 : i32
      %dma_start3A_302 = arith.constant 0 : i32
      %dma_start3A_303 = tpu.memref_slice %arg2[%dma_start3A_301, %dma_start3A_302] : memref<10000x128xf32, #tpu.memory_space<hbm>> -> memref<10000x128xf32, #tpu.memory_space<hbm>>
      tpu.enqueue_indirect_dma source(%dma_start3A_303 : memref<10000x128xf32, #tpu.memory_space<hbm>>) target(%arg12 : memref<128x128xf32, #tpu.memory_space<vmem>>) offsets(%dma_start3A_300 : memref<128xi32, #tpu.memory_space<vmem>>) semaphore(%arg18 : memref<!tpu.dma_semaphore, #tpu.memory_space<semaphore_mem>>)
      %dma_wait3A_304 = arith.constant 9 : i32
      %dma_wait3A_305 = arith.constant 0 : i32
      %dma_wait3A_306 = tpu.memref_slice %arg10[%dma_wait3A_304, %dma_wait3A_305] : memref<16x128xi32, #tpu.memory_space<vmem>> -> memref<1x128xi32, #tpu.memory_space<vmem>>
      %dma_wait3A_307 = tpu.memref_squeeze %dma_wait3A_306 : memref<1x128xi32, #tpu.memory_space<vmem>> -> memref<128xi32, #tpu.memory_space<vmem>>
      %dma_wait3A_308 = arith.constant 0 : i32
      %dma_wait3A_309 = arith.constant 0 : i32
      %dma_wait3A_310 = tpu.memref_slice %arg2[%dma_wait3A_308, %dma_wait3A_309] : memref<10000x128xf32, #tpu.memory_space<hbm>> -> memref<10000x128xf32, #tpu.memory_space<hbm>>
      tpu.wait_indirect_dma semaphore(%arg19 : memref<!tpu.dma_semaphore, #tpu.memory_space<semaphore_mem>>) src(%dma_wait3A_310 : memref<10000x128xf32, #tpu.memory_space<hbm>>) dst(%arg13 : memref<128x128xf32, #tpu.memory_space<vmem>>)
      %dma_wait3A_311 = arith.constant 8 : i32
      %dma_wait3A_312 = arith.constant 0 : i32
      %dma_wait3A_313 = tpu.memref_slice %arg11[%dma_wait3A_311, %dma_wait3A_312] : memref<16x128xi32, #tpu.memory_space<vmem>> -> memref<1x128xi32, #tpu.memory_space<vmem>>
      %dma_wait3A_314 = tpu.memref_squeeze %dma_wait3A_313 : memref<1x128xi32, #tpu.memory_space<vmem>> -> memref<128xi32, #tpu.memory_space<vmem>>
      %dma_wait3A_315 = arith.constant 0 : i32
      %dma_wait3A_316 = tpu.memref_slice %arg17[%dma_wait3A_315] : memref<10240xf32, #tpu.memory_space<vmem_shared>> -> memref<10240xf32, #tpu.memory_space<vmem_shared>>
      tpu.wait_indirect_dma semaphore(%arg20 : memref<!tpu.dma_semaphore, #tpu.memory_space<semaphore_mem>>) src(%arg14 : memref<128xf32, #tpu.memory_space<vmem>>) dst(%dma_wait3A_316 : memref<10240xf32, #tpu.memory_space<vmem_shared>>)
      %dma_start3A_317 = arith.constant 9 : i32
      %dma_start3A_318 = arith.constant 0 : i32
      %dma_start3A_319 = tpu.memref_slice %arg11[%dma_start3A_317, %dma_start3A_318] : memref<16x128xi32, #tpu.memory_space<vmem>> -> memref<1x128xi32, #tpu.memory_space<vmem>>
      %dma_start3A_320 = tpu.memref_squeeze %dma_start3A_319 : memref<1x128xi32, #tpu.memory_space<vmem>> -> memref<128xi32, #tpu.memory_space<vmem>>
      %dma_start3A_321 = arith.constant 0 : i32
      %dma_start3A_322 = tpu.memref_slice %arg17[%dma_start3A_321] : memref<10240xf32, #tpu.memory_space<vmem_shared>> -> memref<10240xf32, #tpu.memory_space<vmem_shared>>
      tpu.enqueue_indirect_dma source(%arg14 : memref<128xf32, #tpu.memory_space<vmem>>) target(%dma_start3A_322 : memref<10240xf32, #tpu.memory_space<vmem_shared>>) offsets(%dma_start3A_320 : memref<128xi32, #tpu.memory_space<vmem>>) semaphore(%arg20 : memref<!tpu.dma_semaphore, #tpu.memory_space<semaphore_mem>>) {add = true}
      %run_scoped3A_323 = arith.constant 9 : i32
      "tpu.region"() ({
        %run_scoped3A_485 = tpu.sem_alloc : memref<!tpu.dma_semaphore, #tpu.memory_space<semaphore_mem>>
        %dma_start3A_486 = arith.constant 0 : i32
        %dma_start3A_487 = tpu.memref_slice %arg11[%run_scoped3A_323, %dma_start3A_486] : memref<16x128xi32, #tpu.memory_space<vmem>> -> memref<1x128xi32, #tpu.memory_space<vmem>>
        %dma_start3A_488 = tpu.memref_squeeze %dma_start3A_487 : memref<1x128xi32, #tpu.memory_space<vmem>> -> memref<128xi32, #tpu.memory_space<vmem>>
        %dma_start3A_489 = arith.constant 0 : i32
        %dma_start3A_490 = arith.constant 0 : i32
        %dma_start3A_491 = tpu.memref_slice %arg16[%dma_start3A_489, %dma_start3A_490] : memref<10240x128xf32, #tpu.memory_space<vmem_shared>> -> memref<10240x128xf32, #tpu.memory_space<vmem_shared>>
        tpu.enqueue_indirect_dma source(%arg13 : memref<128x128xf32, #tpu.memory_space<vmem>>) target(%dma_start3A_491 : memref<10240x128xf32, #tpu.memory_space<vmem_shared>>) offsets(%dma_start3A_488 : memref<128xi32, #tpu.memory_space<vmem>>) semaphore(%run_scoped3A_485 : memref<!tpu.dma_semaphore, #tpu.memory_space<semaphore_mem>>) {add = true}
        %dma_wait3A_492 = arith.constant 0 : i32
        %dma_wait3A_493 = tpu.memref_slice %arg11[%run_scoped3A_323, %dma_wait3A_492] : memref<16x128xi32, #tpu.memory_space<vmem>> -> memref<1x128xi32, #tpu.memory_space<vmem>>
        %dma_wait3A_494 = tpu.memref_squeeze %dma_wait3A_493 : memref<1x128xi32, #tpu.memory_space<vmem>> -> memref<128xi32, #tpu.memory_space<vmem>>
        %dma_wait3A_495 = arith.constant 0 : i32
        %dma_wait3A_496 = arith.constant 0 : i32
        %dma_wait3A_497 = tpu.memref_slice %arg16[%dma_wait3A_495, %dma_wait3A_496] : memref<10240x128xf32, #tpu.memory_space<vmem_shared>> -> memref<10240x128xf32, #tpu.memory_space<vmem_shared>>
        tpu.wait_indirect_dma semaphore(%run_scoped3A_485 : memref<!tpu.dma_semaphore, #tpu.memory_space<semaphore_mem>>) src(%arg13 : memref<128x128xf32, #tpu.memory_space<vmem>>) dst(%dma_wait3A_497 : memref<10240x128xf32, #tpu.memory_space<vmem_shared>>)
        tpu.yield
      }) : () -> ()
      %dma_start3A_324 = arith.constant 11 : i32
      %dma_start3A_325 = arith.constant 0 : i32
      %dma_start3A_326 = tpu.memref_slice %arg10[%dma_start3A_324, %dma_start3A_325] : memref<16x128xi32, #tpu.memory_space<vmem>> -> memref<1x128xi32, #tpu.memory_space<vmem>>
      %dma_start3A_327 = tpu.memref_squeeze %dma_start3A_326 : memref<1x128xi32, #tpu.memory_space<vmem>> -> memref<128xi32, #tpu.memory_space<vmem>>
      %dma_start3A_328 = arith.constant 0 : i32
      %dma_start3A_329 = arith.constant 0 : i32
      %dma_start3A_330 = tpu.memref_slice %arg2[%dma_start3A_328, %dma_start3A_329] : memref<10000x128xf32, #tpu.memory_space<hbm>> -> memref<10000x128xf32, #tpu.memory_space<hbm>>
      tpu.enqueue_indirect_dma source(%dma_start3A_330 : memref<10000x128xf32, #tpu.memory_space<hbm>>) target(%arg13 : memref<128x128xf32, #tpu.memory_space<vmem>>) offsets(%dma_start3A_327 : memref<128xi32, #tpu.memory_space<vmem>>) semaphore(%arg19 : memref<!tpu.dma_semaphore, #tpu.memory_space<semaphore_mem>>)
      %dma_wait3A_331 = arith.constant 10 : i32
      %dma_wait3A_332 = arith.constant 0 : i32
      %dma_wait3A_333 = tpu.memref_slice %arg10[%dma_wait3A_331, %dma_wait3A_332] : memref<16x128xi32, #tpu.memory_space<vmem>> -> memref<1x128xi32, #tpu.memory_space<vmem>>
      %dma_wait3A_334 = tpu.memref_squeeze %dma_wait3A_333 : memref<1x128xi32, #tpu.memory_space<vmem>> -> memref<128xi32, #tpu.memory_space<vmem>>
      %dma_wait3A_335 = arith.constant 0 : i32
      %dma_wait3A_336 = arith.constant 0 : i32
      %dma_wait3A_337 = tpu.memref_slice %arg2[%dma_wait3A_335, %dma_wait3A_336] : memref<10000x128xf32, #tpu.memory_space<hbm>> -> memref<10000x128xf32, #tpu.memory_space<hbm>>
      tpu.wait_indirect_dma semaphore(%arg18 : memref<!tpu.dma_semaphore, #tpu.memory_space<semaphore_mem>>) src(%dma_wait3A_337 : memref<10000x128xf32, #tpu.memory_space<hbm>>) dst(%arg12 : memref<128x128xf32, #tpu.memory_space<vmem>>)
      %dma_wait3A_338 = arith.constant 9 : i32
      %dma_wait3A_339 = arith.constant 0 : i32
      %dma_wait3A_340 = tpu.memref_slice %arg11[%dma_wait3A_338, %dma_wait3A_339] : memref<16x128xi32, #tpu.memory_space<vmem>> -> memref<1x128xi32, #tpu.memory_space<vmem>>
      %dma_wait3A_341 = tpu.memref_squeeze %dma_wait3A_340 : memref<1x128xi32, #tpu.memory_space<vmem>> -> memref<128xi32, #tpu.memory_space<vmem>>
      %dma_wait3A_342 = arith.constant 0 : i32
      %dma_wait3A_343 = tpu.memref_slice %arg17[%dma_wait3A_342] : memref<10240xf32, #tpu.memory_space<vmem_shared>> -> memref<10240xf32, #tpu.memory_space<vmem_shared>>
      tpu.wait_indirect_dma semaphore(%arg20 : memref<!tpu.dma_semaphore, #tpu.memory_space<semaphore_mem>>) src(%arg14 : memref<128xf32, #tpu.memory_space<vmem>>) dst(%dma_wait3A_343 : memref<10240xf32, #tpu.memory_space<vmem_shared>>)
      %dma_start3A_344 = arith.constant 10 : i32
      %dma_start3A_345 = arith.constant 0 : i32
      %dma_start3A_346 = tpu.memref_slice %arg11[%dma_start3A_344, %dma_start3A_345] : memref<16x128xi32, #tpu.memory_space<vmem>> -> memref<1x128xi32, #tpu.memory_space<vmem>>
      %dma_start3A_347 = tpu.memref_squeeze %dma_start3A_346 : memref<1x128xi32, #tpu.memory_space<vmem>> -> memref<128xi32, #tpu.memory_space<vmem>>
      %dma_start3A_348 = arith.constant 0 : i32
      %dma_start3A_349 = tpu.memref_slice %arg17[%dma_start3A_348] : memref<10240xf32, #tpu.memory_space<vmem_shared>> -> memref<10240xf32, #tpu.memory_space<vmem_shared>>
      tpu.enqueue_indirect_dma source(%arg14 : memref<128xf32, #tpu.memory_space<vmem>>) target(%dma_start3A_349 : memref<10240xf32, #tpu.memory_space<vmem_shared>>) offsets(%dma_start3A_347 : memref<128xi32, #tpu.memory_space<vmem>>) semaphore(%arg20 : memref<!tpu.dma_semaphore, #tpu.memory_space<semaphore_mem>>) {add = true}
      %run_scoped3A_350 = arith.constant 10 : i32
      "tpu.region"() ({
        %run_scoped3A_485 = tpu.sem_alloc : memref<!tpu.dma_semaphore, #tpu.memory_space<semaphore_mem>>
        %dma_start3A_486 = arith.constant 0 : i32
        %dma_start3A_487 = tpu.memref_slice %arg11[%run_scoped3A_350, %dma_start3A_486] : memref<16x128xi32, #tpu.memory_space<vmem>> -> memref<1x128xi32, #tpu.memory_space<vmem>>
        %dma_start3A_488 = tpu.memref_squeeze %dma_start3A_487 : memref<1x128xi32, #tpu.memory_space<vmem>> -> memref<128xi32, #tpu.memory_space<vmem>>
        %dma_start3A_489 = arith.constant 0 : i32
        %dma_start3A_490 = arith.constant 0 : i32
        %dma_start3A_491 = tpu.memref_slice %arg16[%dma_start3A_489, %dma_start3A_490] : memref<10240x128xf32, #tpu.memory_space<vmem_shared>> -> memref<10240x128xf32, #tpu.memory_space<vmem_shared>>
        tpu.enqueue_indirect_dma source(%arg12 : memref<128x128xf32, #tpu.memory_space<vmem>>) target(%dma_start3A_491 : memref<10240x128xf32, #tpu.memory_space<vmem_shared>>) offsets(%dma_start3A_488 : memref<128xi32, #tpu.memory_space<vmem>>) semaphore(%run_scoped3A_485 : memref<!tpu.dma_semaphore, #tpu.memory_space<semaphore_mem>>) {add = true}
        %dma_wait3A_492 = arith.constant 0 : i32
        %dma_wait3A_493 = tpu.memref_slice %arg11[%run_scoped3A_350, %dma_wait3A_492] : memref<16x128xi32, #tpu.memory_space<vmem>> -> memref<1x128xi32, #tpu.memory_space<vmem>>
        %dma_wait3A_494 = tpu.memref_squeeze %dma_wait3A_493 : memref<1x128xi32, #tpu.memory_space<vmem>> -> memref<128xi32, #tpu.memory_space<vmem>>
        %dma_wait3A_495 = arith.constant 0 : i32
        %dma_wait3A_496 = arith.constant 0 : i32
        %dma_wait3A_497 = tpu.memref_slice %arg16[%dma_wait3A_495, %dma_wait3A_496] : memref<10240x128xf32, #tpu.memory_space<vmem_shared>> -> memref<10240x128xf32, #tpu.memory_space<vmem_shared>>
        tpu.wait_indirect_dma semaphore(%run_scoped3A_485 : memref<!tpu.dma_semaphore, #tpu.memory_space<semaphore_mem>>) src(%arg12 : memref<128x128xf32, #tpu.memory_space<vmem>>) dst(%dma_wait3A_497 : memref<10240x128xf32, #tpu.memory_space<vmem_shared>>)
        tpu.yield
      }) : () -> ()
      %dma_start3A_351 = arith.constant 12 : i32
      %dma_start3A_352 = arith.constant 0 : i32
      %dma_start3A_353 = tpu.memref_slice %arg10[%dma_start3A_351, %dma_start3A_352] : memref<16x128xi32, #tpu.memory_space<vmem>> -> memref<1x128xi32, #tpu.memory_space<vmem>>
      %dma_start3A_354 = tpu.memref_squeeze %dma_start3A_353 : memref<1x128xi32, #tpu.memory_space<vmem>> -> memref<128xi32, #tpu.memory_space<vmem>>
      %dma_start3A_355 = arith.constant 0 : i32
      %dma_start3A_356 = arith.constant 0 : i32
      %dma_start3A_357 = tpu.memref_slice %arg2[%dma_start3A_355, %dma_start3A_356] : memref<10000x128xf32, #tpu.memory_space<hbm>> -> memref<10000x128xf32, #tpu.memory_space<hbm>>
      tpu.enqueue_indirect_dma source(%dma_start3A_357 : memref<10000x128xf32, #tpu.memory_space<hbm>>) target(%arg12 : memref<128x128xf32, #tpu.memory_space<vmem>>) offsets(%dma_start3A_354 : memref<128xi32, #tpu.memory_space<vmem>>) semaphore(%arg18 : memref<!tpu.dma_semaphore, #tpu.memory_space<semaphore_mem>>)
      %dma_wait3A_358 = arith.constant 11 : i32
      %dma_wait3A_359 = arith.constant 0 : i32
      %dma_wait3A_360 = tpu.memref_slice %arg10[%dma_wait3A_358, %dma_wait3A_359] : memref<16x128xi32, #tpu.memory_space<vmem>> -> memref<1x128xi32, #tpu.memory_space<vmem>>
      %dma_wait3A_361 = tpu.memref_squeeze %dma_wait3A_360 : memref<1x128xi32, #tpu.memory_space<vmem>> -> memref<128xi32, #tpu.memory_space<vmem>>
      %dma_wait3A_362 = arith.constant 0 : i32
      %dma_wait3A_363 = arith.constant 0 : i32
      %dma_wait3A_364 = tpu.memref_slice %arg2[%dma_wait3A_362, %dma_wait3A_363] : memref<10000x128xf32, #tpu.memory_space<hbm>> -> memref<10000x128xf32, #tpu.memory_space<hbm>>
      tpu.wait_indirect_dma semaphore(%arg19 : memref<!tpu.dma_semaphore, #tpu.memory_space<semaphore_mem>>) src(%dma_wait3A_364 : memref<10000x128xf32, #tpu.memory_space<hbm>>) dst(%arg13 : memref<128x128xf32, #tpu.memory_space<vmem>>)
      %dma_wait3A_365 = arith.constant 10 : i32
      %dma_wait3A_366 = arith.constant 0 : i32
      %dma_wait3A_367 = tpu.memref_slice %arg11[%dma_wait3A_365, %dma_wait3A_366] : memref<16x128xi32, #tpu.memory_space<vmem>> -> memref<1x128xi32, #tpu.memory_space<vmem>>
      %dma_wait3A_368 = tpu.memref_squeeze %dma_wait3A_367 : memref<1x128xi32, #tpu.memory_space<vmem>> -> memref<128xi32, #tpu.memory_space<vmem>>
      %dma_wait3A_369 = arith.constant 0 : i32
      %dma_wait3A_370 = tpu.memref_slice %arg17[%dma_wait3A_369] : memref<10240xf32, #tpu.memory_space<vmem_shared>> -> memref<10240xf32, #tpu.memory_space<vmem_shared>>
      tpu.wait_indirect_dma semaphore(%arg20 : memref<!tpu.dma_semaphore, #tpu.memory_space<semaphore_mem>>) src(%arg14 : memref<128xf32, #tpu.memory_space<vmem>>) dst(%dma_wait3A_370 : memref<10240xf32, #tpu.memory_space<vmem_shared>>)
      %dma_start3A_371 = arith.constant 11 : i32
      %dma_start3A_372 = arith.constant 0 : i32
      %dma_start3A_373 = tpu.memref_slice %arg11[%dma_start3A_371, %dma_start3A_372] : memref<16x128xi32, #tpu.memory_space<vmem>> -> memref<1x128xi32, #tpu.memory_space<vmem>>
      %dma_start3A_374 = tpu.memref_squeeze %dma_start3A_373 : memref<1x128xi32, #tpu.memory_space<vmem>> -> memref<128xi32, #tpu.memory_space<vmem>>
      %dma_start3A_375 = arith.constant 0 : i32
      %dma_start3A_376 = tpu.memref_slice %arg17[%dma_start3A_375] : memref<10240xf32, #tpu.memory_space<vmem_shared>> -> memref<10240xf32, #tpu.memory_space<vmem_shared>>
      tpu.enqueue_indirect_dma source(%arg14 : memref<128xf32, #tpu.memory_space<vmem>>) target(%dma_start3A_376 : memref<10240xf32, #tpu.memory_space<vmem_shared>>) offsets(%dma_start3A_374 : memref<128xi32, #tpu.memory_space<vmem>>) semaphore(%arg20 : memref<!tpu.dma_semaphore, #tpu.memory_space<semaphore_mem>>) {add = true}
      %run_scoped3A_377 = arith.constant 11 : i32
      "tpu.region"() ({
        %run_scoped3A_485 = tpu.sem_alloc : memref<!tpu.dma_semaphore, #tpu.memory_space<semaphore_mem>>
        %dma_start3A_486 = arith.constant 0 : i32
        %dma_start3A_487 = tpu.memref_slice %arg11[%run_scoped3A_377, %dma_start3A_486] : memref<16x128xi32, #tpu.memory_space<vmem>> -> memref<1x128xi32, #tpu.memory_space<vmem>>
        %dma_start3A_488 = tpu.memref_squeeze %dma_start3A_487 : memref<1x128xi32, #tpu.memory_space<vmem>> -> memref<128xi32, #tpu.memory_space<vmem>>
        %dma_start3A_489 = arith.constant 0 : i32
        %dma_start3A_490 = arith.constant 0 : i32
        %dma_start3A_491 = tpu.memref_slice %arg16[%dma_start3A_489, %dma_start3A_490] : memref<10240x128xf32, #tpu.memory_space<vmem_shared>> -> memref<10240x128xf32, #tpu.memory_space<vmem_shared>>
        tpu.enqueue_indirect_dma source(%arg13 : memref<128x128xf32, #tpu.memory_space<vmem>>) target(%dma_start3A_491 : memref<10240x128xf32, #tpu.memory_space<vmem_shared>>) offsets(%dma_start3A_488 : memref<128xi32, #tpu.memory_space<vmem>>) semaphore(%run_scoped3A_485 : memref<!tpu.dma_semaphore, #tpu.memory_space<semaphore_mem>>) {add = true}
        %dma_wait3A_492 = arith.constant 0 : i32
        %dma_wait3A_493 = tpu.memref_slice %arg11[%run_scoped3A_377, %dma_wait3A_492] : memref<16x128xi32, #tpu.memory_space<vmem>> -> memref<1x128xi32, #tpu.memory_space<vmem>>
        %dma_wait3A_494 = tpu.memref_squeeze %dma_wait3A_493 : memref<1x128xi32, #tpu.memory_space<vmem>> -> memref<128xi32, #tpu.memory_space<vmem>>
        %dma_wait3A_495 = arith.constant 0 : i32
        %dma_wait3A_496 = arith.constant 0 : i32
        %dma_wait3A_497 = tpu.memref_slice %arg16[%dma_wait3A_495, %dma_wait3A_496] : memref<10240x128xf32, #tpu.memory_space<vmem_shared>> -> memref<10240x128xf32, #tpu.memory_space<vmem_shared>>
        tpu.wait_indirect_dma semaphore(%run_scoped3A_485 : memref<!tpu.dma_semaphore, #tpu.memory_space<semaphore_mem>>) src(%arg13 : memref<128x128xf32, #tpu.memory_space<vmem>>) dst(%dma_wait3A_497 : memref<10240x128xf32, #tpu.memory_space<vmem_shared>>)
        tpu.yield
      }) : () -> ()
      %dma_start3A_378 = arith.constant 13 : i32
      %dma_start3A_379 = arith.constant 0 : i32
      %dma_start3A_380 = tpu.memref_slice %arg10[%dma_start3A_378, %dma_start3A_379] : memref<16x128xi32, #tpu.memory_space<vmem>> -> memref<1x128xi32, #tpu.memory_space<vmem>>
      %dma_start3A_381 = tpu.memref_squeeze %dma_start3A_380 : memref<1x128xi32, #tpu.memory_space<vmem>> -> memref<128xi32, #tpu.memory_space<vmem>>
      %dma_start3A_382 = arith.constant 0 : i32
      %dma_start3A_383 = arith.constant 0 : i32
      %dma_start3A_384 = tpu.memref_slice %arg2[%dma_start3A_382, %dma_start3A_383] : memref<10000x128xf32, #tpu.memory_space<hbm>> -> memref<10000x128xf32, #tpu.memory_space<hbm>>
      tpu.enqueue_indirect_dma source(%dma_start3A_384 : memref<10000x128xf32, #tpu.memory_space<hbm>>) target(%arg13 : memref<128x128xf32, #tpu.memory_space<vmem>>) offsets(%dma_start3A_381 : memref<128xi32, #tpu.memory_space<vmem>>) semaphore(%arg19 : memref<!tpu.dma_semaphore, #tpu.memory_space<semaphore_mem>>)
      %dma_wait3A_385 = arith.constant 12 : i32
      %dma_wait3A_386 = arith.constant 0 : i32
      %dma_wait3A_387 = tpu.memref_slice %arg10[%dma_wait3A_385, %dma_wait3A_386] : memref<16x128xi32, #tpu.memory_space<vmem>> -> memref<1x128xi32, #tpu.memory_space<vmem>>
      %dma_wait3A_388 = tpu.memref_squeeze %dma_wait3A_387 : memref<1x128xi32, #tpu.memory_space<vmem>> -> memref<128xi32, #tpu.memory_space<vmem>>
      %dma_wait3A_389 = arith.constant 0 : i32
      %dma_wait3A_390 = arith.constant 0 : i32
      %dma_wait3A_391 = tpu.memref_slice %arg2[%dma_wait3A_389, %dma_wait3A_390] : memref<10000x128xf32, #tpu.memory_space<hbm>> -> memref<10000x128xf32, #tpu.memory_space<hbm>>
      tpu.wait_indirect_dma semaphore(%arg18 : memref<!tpu.dma_semaphore, #tpu.memory_space<semaphore_mem>>) src(%dma_wait3A_391 : memref<10000x128xf32, #tpu.memory_space<hbm>>) dst(%arg12 : memref<128x128xf32, #tpu.memory_space<vmem>>)
      %dma_wait3A_392 = arith.constant 11 : i32
      %dma_wait3A_393 = arith.constant 0 : i32
      %dma_wait3A_394 = tpu.memref_slice %arg11[%dma_wait3A_392, %dma_wait3A_393] : memref<16x128xi32, #tpu.memory_space<vmem>> -> memref<1x128xi32, #tpu.memory_space<vmem>>
      %dma_wait3A_395 = tpu.memref_squeeze %dma_wait3A_394 : memref<1x128xi32, #tpu.memory_space<vmem>> -> memref<128xi32, #tpu.memory_space<vmem>>
      %dma_wait3A_396 = arith.constant 0 : i32
      %dma_wait3A_397 = tpu.memref_slice %arg17[%dma_wait3A_396] : memref<10240xf32, #tpu.memory_space<vmem_shared>> -> memref<10240xf32, #tpu.memory_space<vmem_shared>>
      tpu.wait_indirect_dma semaphore(%arg20 : memref<!tpu.dma_semaphore, #tpu.memory_space<semaphore_mem>>) src(%arg14 : memref<128xf32, #tpu.memory_space<vmem>>) dst(%dma_wait3A_397 : memref<10240xf32, #tpu.memory_space<vmem_shared>>)
      %dma_start3A_398 = arith.constant 12 : i32
      %dma_start3A_399 = arith.constant 0 : i32
      %dma_start3A_400 = tpu.memref_slice %arg11[%dma_start3A_398, %dma_start3A_399] : memref<16x128xi32, #tpu.memory_space<vmem>> -> memref<1x128xi32, #tpu.memory_space<vmem>>
      %dma_start3A_401 = tpu.memref_squeeze %dma_start3A_400 : memref<1x128xi32, #tpu.memory_space<vmem>> -> memref<128xi32, #tpu.memory_space<vmem>>
      %dma_start3A_402 = arith.constant 0 : i32
      %dma_start3A_403 = tpu.memref_slice %arg17[%dma_start3A_402] : memref<10240xf32, #tpu.memory_space<vmem_shared>> -> memref<10240xf32, #tpu.memory_space<vmem_shared>>
      tpu.enqueue_indirect_dma source(%arg14 : memref<128xf32, #tpu.memory_space<vmem>>) target(%dma_start3A_403 : memref<10240xf32, #tpu.memory_space<vmem_shared>>) offsets(%dma_start3A_401 : memref<128xi32, #tpu.memory_space<vmem>>) semaphore(%arg20 : memref<!tpu.dma_semaphore, #tpu.memory_space<semaphore_mem>>) {add = true}
      %run_scoped3A_404 = arith.constant 12 : i32
      "tpu.region"() ({
        %run_scoped3A_485 = tpu.sem_alloc : memref<!tpu.dma_semaphore, #tpu.memory_space<semaphore_mem>>
        %dma_start3A_486 = arith.constant 0 : i32
        %dma_start3A_487 = tpu.memref_slice %arg11[%run_scoped3A_404, %dma_start3A_486] : memref<16x128xi32, #tpu.memory_space<vmem>> -> memref<1x128xi32, #tpu.memory_space<vmem>>
        %dma_start3A_488 = tpu.memref_squeeze %dma_start3A_487 : memref<1x128xi32, #tpu.memory_space<vmem>> -> memref<128xi32, #tpu.memory_space<vmem>>
        %dma_start3A_489 = arith.constant 0 : i32
        %dma_start3A_490 = arith.constant 0 : i32
        %dma_start3A_491 = tpu.memref_slice %arg16[%dma_start3A_489, %dma_start3A_490] : memref<10240x128xf32, #tpu.memory_space<vmem_shared>> -> memref<10240x128xf32, #tpu.memory_space<vmem_shared>>
        tpu.enqueue_indirect_dma source(%arg12 : memref<128x128xf32, #tpu.memory_space<vmem>>) target(%dma_start3A_491 : memref<10240x128xf32, #tpu.memory_space<vmem_shared>>) offsets(%dma_start3A_488 : memref<128xi32, #tpu.memory_space<vmem>>) semaphore(%run_scoped3A_485 : memref<!tpu.dma_semaphore, #tpu.memory_space<semaphore_mem>>) {add = true}
        %dma_wait3A_492 = arith.constant 0 : i32
        %dma_wait3A_493 = tpu.memref_slice %arg11[%run_scoped3A_404, %dma_wait3A_492] : memref<16x128xi32, #tpu.memory_space<vmem>> -> memref<1x128xi32, #tpu.memory_space<vmem>>
        %dma_wait3A_494 = tpu.memref_squeeze %dma_wait3A_493 : memref<1x128xi32, #tpu.memory_space<vmem>> -> memref<128xi32, #tpu.memory_space<vmem>>
        %dma_wait3A_495 = arith.constant 0 : i32
        %dma_wait3A_496 = arith.constant 0 : i32
        %dma_wait3A_497 = tpu.memref_slice %arg16[%dma_wait3A_495, %dma_wait3A_496] : memref<10240x128xf32, #tpu.memory_space<vmem_shared>> -> memref<10240x128xf32, #tpu.memory_space<vmem_shared>>
        tpu.wait_indirect_dma semaphore(%run_scoped3A_485 : memref<!tpu.dma_semaphore, #tpu.memory_space<semaphore_mem>>) src(%arg12 : memref<128x128xf32, #tpu.memory_space<vmem>>) dst(%dma_wait3A_497 : memref<10240x128xf32, #tpu.memory_space<vmem_shared>>)
        tpu.yield
      }) : () -> ()
      %dma_start3A_405 = arith.constant 14 : i32
      %dma_start3A_406 = arith.constant 0 : i32
      %dma_start3A_407 = tpu.memref_slice %arg10[%dma_start3A_405, %dma_start3A_406] : memref<16x128xi32, #tpu.memory_space<vmem>> -> memref<1x128xi32, #tpu.memory_space<vmem>>
      %dma_start3A_408 = tpu.memref_squeeze %dma_start3A_407 : memref<1x128xi32, #tpu.memory_space<vmem>> -> memref<128xi32, #tpu.memory_space<vmem>>
      %dma_start3A_409 = arith.constant 0 : i32
      %dma_start3A_410 = arith.constant 0 : i32
      %dma_start3A_411 = tpu.memref_slice %arg2[%dma_start3A_409, %dma_start3A_410] : memref<10000x128xf32, #tpu.memory_space<hbm>> -> memref<10000x128xf32, #tpu.memory_space<hbm>>
      tpu.enqueue_indirect_dma source(%dma_start3A_411 : memref<10000x128xf32, #tpu.memory_space<hbm>>) target(%arg12 : memref<128x128xf32, #tpu.memory_space<vmem>>) offsets(%dma_start3A_408 : memref<128xi32, #tpu.memory_space<vmem>>) semaphore(%arg18 : memref<!tpu.dma_semaphore, #tpu.memory_space<semaphore_mem>>)
      %dma_wait3A_412 = arith.constant 13 : i32
      %dma_wait3A_413 = arith.constant 0 : i32
      %dma_wait3A_414 = tpu.memref_slice %arg10[%dma_wait3A_412, %dma_wait3A_413] : memref<16x128xi32, #tpu.memory_space<vmem>> -> memref<1x128xi32, #tpu.memory_space<vmem>>
      %dma_wait3A_415 = tpu.memref_squeeze %dma_wait3A_414 : memref<1x128xi32, #tpu.memory_space<vmem>> -> memref<128xi32, #tpu.memory_space<vmem>>
      %dma_wait3A_416 = arith.constant 0 : i32
      %dma_wait3A_417 = arith.constant 0 : i32
      %dma_wait3A_418 = tpu.memref_slice %arg2[%dma_wait3A_416, %dma_wait3A_417] : memref<10000x128xf32, #tpu.memory_space<hbm>> -> memref<10000x128xf32, #tpu.memory_space<hbm>>
      tpu.wait_indirect_dma semaphore(%arg19 : memref<!tpu.dma_semaphore, #tpu.memory_space<semaphore_mem>>) src(%dma_wait3A_418 : memref<10000x128xf32, #tpu.memory_space<hbm>>) dst(%arg13 : memref<128x128xf32, #tpu.memory_space<vmem>>)
      %dma_wait3A_419 = arith.constant 12 : i32
      %dma_wait3A_420 = arith.constant 0 : i32
      %dma_wait3A_421 = tpu.memref_slice %arg11[%dma_wait3A_419, %dma_wait3A_420] : memref<16x128xi32, #tpu.memory_space<vmem>> -> memref<1x128xi32, #tpu.memory_space<vmem>>
      %dma_wait3A_422 = tpu.memref_squeeze %dma_wait3A_421 : memref<1x128xi32, #tpu.memory_space<vmem>> -> memref<128xi32, #tpu.memory_space<vmem>>
      %dma_wait3A_423 = arith.constant 0 : i32
      %dma_wait3A_424 = tpu.memref_slice %arg17[%dma_wait3A_423] : memref<10240xf32, #tpu.memory_space<vmem_shared>> -> memref<10240xf32, #tpu.memory_space<vmem_shared>>
      tpu.wait_indirect_dma semaphore(%arg20 : memref<!tpu.dma_semaphore, #tpu.memory_space<semaphore_mem>>) src(%arg14 : memref<128xf32, #tpu.memory_space<vmem>>) dst(%dma_wait3A_424 : memref<10240xf32, #tpu.memory_space<vmem_shared>>)
      %dma_start3A_425 = arith.constant 13 : i32
      %dma_start3A_426 = arith.constant 0 : i32
      %dma_start3A_427 = tpu.memref_slice %arg11[%dma_start3A_425, %dma_start3A_426] : memref<16x128xi32, #tpu.memory_space<vmem>> -> memref<1x128xi32, #tpu.memory_space<vmem>>
      %dma_start3A_428 = tpu.memref_squeeze %dma_start3A_427 : memref<1x128xi32, #tpu.memory_space<vmem>> -> memref<128xi32, #tpu.memory_space<vmem>>
      %dma_start3A_429 = arith.constant 0 : i32
      %dma_start3A_430 = tpu.memref_slice %arg17[%dma_start3A_429] : memref<10240xf32, #tpu.memory_space<vmem_shared>> -> memref<10240xf32, #tpu.memory_space<vmem_shared>>
      tpu.enqueue_indirect_dma source(%arg14 : memref<128xf32, #tpu.memory_space<vmem>>) target(%dma_start3A_430 : memref<10240xf32, #tpu.memory_space<vmem_shared>>) offsets(%dma_start3A_428 : memref<128xi32, #tpu.memory_space<vmem>>) semaphore(%arg20 : memref<!tpu.dma_semaphore, #tpu.memory_space<semaphore_mem>>) {add = true}
      %run_scoped3A_431 = arith.constant 13 : i32
      "tpu.region"() ({
        %run_scoped3A_485 = tpu.sem_alloc : memref<!tpu.dma_semaphore, #tpu.memory_space<semaphore_mem>>
        %dma_start3A_486 = arith.constant 0 : i32
        %dma_start3A_487 = tpu.memref_slice %arg11[%run_scoped3A_431, %dma_start3A_486] : memref<16x128xi32, #tpu.memory_space<vmem>> -> memref<1x128xi32, #tpu.memory_space<vmem>>
        %dma_start3A_488 = tpu.memref_squeeze %dma_start3A_487 : memref<1x128xi32, #tpu.memory_space<vmem>> -> memref<128xi32, #tpu.memory_space<vmem>>
        %dma_start3A_489 = arith.constant 0 : i32
        %dma_start3A_490 = arith.constant 0 : i32
        %dma_start3A_491 = tpu.memref_slice %arg16[%dma_start3A_489, %dma_start3A_490] : memref<10240x128xf32, #tpu.memory_space<vmem_shared>> -> memref<10240x128xf32, #tpu.memory_space<vmem_shared>>
        tpu.enqueue_indirect_dma source(%arg13 : memref<128x128xf32, #tpu.memory_space<vmem>>) target(%dma_start3A_491 : memref<10240x128xf32, #tpu.memory_space<vmem_shared>>) offsets(%dma_start3A_488 : memref<128xi32, #tpu.memory_space<vmem>>) semaphore(%run_scoped3A_485 : memref<!tpu.dma_semaphore, #tpu.memory_space<semaphore_mem>>) {add = true}
        %dma_wait3A_492 = arith.constant 0 : i32
        %dma_wait3A_493 = tpu.memref_slice %arg11[%run_scoped3A_431, %dma_wait3A_492] : memref<16x128xi32, #tpu.memory_space<vmem>> -> memref<1x128xi32, #tpu.memory_space<vmem>>
        %dma_wait3A_494 = tpu.memref_squeeze %dma_wait3A_493 : memref<1x128xi32, #tpu.memory_space<vmem>> -> memref<128xi32, #tpu.memory_space<vmem>>
        %dma_wait3A_495 = arith.constant 0 : i32
        %dma_wait3A_496 = arith.constant 0 : i32
        %dma_wait3A_497 = tpu.memref_slice %arg16[%dma_wait3A_495, %dma_wait3A_496] : memref<10240x128xf32, #tpu.memory_space<vmem_shared>> -> memref<10240x128xf32, #tpu.memory_space<vmem_shared>>
        tpu.wait_indirect_dma semaphore(%run_scoped3A_485 : memref<!tpu.dma_semaphore, #tpu.memory_space<semaphore_mem>>) src(%arg13 : memref<128x128xf32, #tpu.memory_space<vmem>>) dst(%dma_wait3A_497 : memref<10240x128xf32, #tpu.memory_space<vmem_shared>>)
        tpu.yield
      }) : () -> ()
      %dma_start3A_432 = arith.constant 15 : i32
      %dma_start3A_433 = arith.constant 0 : i32
      %dma_start3A_434 = tpu.memref_slice %arg10[%dma_start3A_432, %dma_start3A_433] : memref<16x128xi32, #tpu.memory_space<vmem>> -> memref<1x128xi32, #tpu.memory_space<vmem>>
      %dma_start3A_435 = tpu.memref_squeeze %dma_start3A_434 : memref<1x128xi32, #tpu.memory_space<vmem>> -> memref<128xi32, #tpu.memory_space<vmem>>
      %dma_start3A_436 = arith.constant 0 : i32
      %dma_start3A_437 = arith.constant 0 : i32
      %dma_start3A_438 = tpu.memref_slice %arg2[%dma_start3A_436, %dma_start3A_437] : memref<10000x128xf32, #tpu.memory_space<hbm>> -> memref<10000x128xf32, #tpu.memory_space<hbm>>
      tpu.enqueue_indirect_dma source(%dma_start3A_438 : memref<10000x128xf32, #tpu.memory_space<hbm>>) target(%arg13 : memref<128x128xf32, #tpu.memory_space<vmem>>) offsets(%dma_start3A_435 : memref<128xi32, #tpu.memory_space<vmem>>) semaphore(%arg19 : memref<!tpu.dma_semaphore, #tpu.memory_space<semaphore_mem>>)
      %dma_wait3A_439 = arith.constant 14 : i32
      %dma_wait3A_440 = arith.constant 0 : i32
      %dma_wait3A_441 = tpu.memref_slice %arg10[%dma_wait3A_439, %dma_wait3A_440] : memref<16x128xi32, #tpu.memory_space<vmem>> -> memref<1x128xi32, #tpu.memory_space<vmem>>
      %dma_wait3A_442 = tpu.memref_squeeze %dma_wait3A_441 : memref<1x128xi32, #tpu.memory_space<vmem>> -> memref<128xi32, #tpu.memory_space<vmem>>
      %dma_wait3A_443 = arith.constant 0 : i32
      %dma_wait3A_444 = arith.constant 0 : i32
      %dma_wait3A_445 = tpu.memref_slice %arg2[%dma_wait3A_443, %dma_wait3A_444] : memref<10000x128xf32, #tpu.memory_space<hbm>> -> memref<10000x128xf32, #tpu.memory_space<hbm>>
      tpu.wait_indirect_dma semaphore(%arg18 : memref<!tpu.dma_semaphore, #tpu.memory_space<semaphore_mem>>) src(%dma_wait3A_445 : memref<10000x128xf32, #tpu.memory_space<hbm>>) dst(%arg12 : memref<128x128xf32, #tpu.memory_space<vmem>>)
      %dma_wait3A_446 = arith.constant 13 : i32
      %dma_wait3A_447 = arith.constant 0 : i32
      %dma_wait3A_448 = tpu.memref_slice %arg11[%dma_wait3A_446, %dma_wait3A_447] : memref<16x128xi32, #tpu.memory_space<vmem>> -> memref<1x128xi32, #tpu.memory_space<vmem>>
      %dma_wait3A_449 = tpu.memref_squeeze %dma_wait3A_448 : memref<1x128xi32, #tpu.memory_space<vmem>> -> memref<128xi32, #tpu.memory_space<vmem>>
      %dma_wait3A_450 = arith.constant 0 : i32
      %dma_wait3A_451 = tpu.memref_slice %arg17[%dma_wait3A_450] : memref<10240xf32, #tpu.memory_space<vmem_shared>> -> memref<10240xf32, #tpu.memory_space<vmem_shared>>
      tpu.wait_indirect_dma semaphore(%arg20 : memref<!tpu.dma_semaphore, #tpu.memory_space<semaphore_mem>>) src(%arg14 : memref<128xf32, #tpu.memory_space<vmem>>) dst(%dma_wait3A_451 : memref<10240xf32, #tpu.memory_space<vmem_shared>>)
      %dma_start3A_452 = arith.constant 14 : i32
      %dma_start3A_453 = arith.constant 0 : i32
      %dma_start3A_454 = tpu.memref_slice %arg11[%dma_start3A_452, %dma_start3A_453] : memref<16x128xi32, #tpu.memory_space<vmem>> -> memref<1x128xi32, #tpu.memory_space<vmem>>
      %dma_start3A_455 = tpu.memref_squeeze %dma_start3A_454 : memref<1x128xi32, #tpu.memory_space<vmem>> -> memref<128xi32, #tpu.memory_space<vmem>>
      %dma_start3A_456 = arith.constant 0 : i32
      %dma_start3A_457 = tpu.memref_slice %arg17[%dma_start3A_456] : memref<10240xf32, #tpu.memory_space<vmem_shared>> -> memref<10240xf32, #tpu.memory_space<vmem_shared>>
      tpu.enqueue_indirect_dma source(%arg14 : memref<128xf32, #tpu.memory_space<vmem>>) target(%dma_start3A_457 : memref<10240xf32, #tpu.memory_space<vmem_shared>>) offsets(%dma_start3A_455 : memref<128xi32, #tpu.memory_space<vmem>>) semaphore(%arg20 : memref<!tpu.dma_semaphore, #tpu.memory_space<semaphore_mem>>) {add = true}
      %run_scoped3A_458 = arith.constant 14 : i32
      "tpu.region"() ({
        %run_scoped3A_485 = tpu.sem_alloc : memref<!tpu.dma_semaphore, #tpu.memory_space<semaphore_mem>>
        %dma_start3A_486 = arith.constant 0 : i32
        %dma_start3A_487 = tpu.memref_slice %arg11[%run_scoped3A_458, %dma_start3A_486] : memref<16x128xi32, #tpu.memory_space<vmem>> -> memref<1x128xi32, #tpu.memory_space<vmem>>
        %dma_start3A_488 = tpu.memref_squeeze %dma_start3A_487 : memref<1x128xi32, #tpu.memory_space<vmem>> -> memref<128xi32, #tpu.memory_space<vmem>>
        %dma_start3A_489 = arith.constant 0 : i32
        %dma_start3A_490 = arith.constant 0 : i32
        %dma_start3A_491 = tpu.memref_slice %arg16[%dma_start3A_489, %dma_start3A_490] : memref<10240x128xf32, #tpu.memory_space<vmem_shared>> -> memref<10240x128xf32, #tpu.memory_space<vmem_shared>>
        tpu.enqueue_indirect_dma source(%arg12 : memref<128x128xf32, #tpu.memory_space<vmem>>) target(%dma_start3A_491 : memref<10240x128xf32, #tpu.memory_space<vmem_shared>>) offsets(%dma_start3A_488 : memref<128xi32, #tpu.memory_space<vmem>>) semaphore(%run_scoped3A_485 : memref<!tpu.dma_semaphore, #tpu.memory_space<semaphore_mem>>) {add = true}
        %dma_wait3A_492 = arith.constant 0 : i32
        %dma_wait3A_493 = tpu.memref_slice %arg11[%run_scoped3A_458, %dma_wait3A_492] : memref<16x128xi32, #tpu.memory_space<vmem>> -> memref<1x128xi32, #tpu.memory_space<vmem>>
        %dma_wait3A_494 = tpu.memref_squeeze %dma_wait3A_493 : memref<1x128xi32, #tpu.memory_space<vmem>> -> memref<128xi32, #tpu.memory_space<vmem>>
        %dma_wait3A_495 = arith.constant 0 : i32
        %dma_wait3A_496 = arith.constant 0 : i32
        %dma_wait3A_497 = tpu.memref_slice %arg16[%dma_wait3A_495, %dma_wait3A_496] : memref<10240x128xf32, #tpu.memory_space<vmem_shared>> -> memref<10240x128xf32, #tpu.memory_space<vmem_shared>>
        tpu.wait_indirect_dma semaphore(%run_scoped3A_485 : memref<!tpu.dma_semaphore, #tpu.memory_space<semaphore_mem>>) src(%arg12 : memref<128x128xf32, #tpu.memory_space<vmem>>) dst(%dma_wait3A_497 : memref<10240x128xf32, #tpu.memory_space<vmem_shared>>)
        tpu.yield
      }) : () -> ()
      %dma_wait3A_459 = arith.constant 15 : i32
      %dma_wait3A_460 = arith.constant 0 : i32
      %dma_wait3A_461 = tpu.memref_slice %arg10[%dma_wait3A_459, %dma_wait3A_460] : memref<16x128xi32, #tpu.memory_space<vmem>> -> memref<1x128xi32, #tpu.memory_space<vmem>>
      %dma_wait3A_462 = tpu.memref_squeeze %dma_wait3A_461 : memref<1x128xi32, #tpu.memory_space<vmem>> -> memref<128xi32, #tpu.memory_space<vmem>>
      %dma_wait3A_463 = arith.constant 0 : i32
      %dma_wait3A_464 = arith.constant 0 : i32
      %dma_wait3A_465 = tpu.memref_slice %arg2[%dma_wait3A_463, %dma_wait3A_464] : memref<10000x128xf32, #tpu.memory_space<hbm>> -> memref<10000x128xf32, #tpu.memory_space<hbm>>
      tpu.wait_indirect_dma semaphore(%arg19 : memref<!tpu.dma_semaphore, #tpu.memory_space<semaphore_mem>>) src(%dma_wait3A_465 : memref<10000x128xf32, #tpu.memory_space<hbm>>) dst(%arg13 : memref<128x128xf32, #tpu.memory_space<vmem>>)
      %dma_wait3A_466 = arith.constant 14 : i32
      %dma_wait3A_467 = arith.constant 0 : i32
      %dma_wait3A_468 = tpu.memref_slice %arg11[%dma_wait3A_466, %dma_wait3A_467] : memref<16x128xi32, #tpu.memory_space<vmem>> -> memref<1x128xi32, #tpu.memory_space<vmem>>
      %dma_wait3A_469 = tpu.memref_squeeze %dma_wait3A_468 : memref<1x128xi32, #tpu.memory_space<vmem>> -> memref<128xi32, #tpu.memory_space<vmem>>
      %dma_wait3A_470 = arith.constant 0 : i32
      %dma_wait3A_471 = tpu.memref_slice %arg17[%dma_wait3A_470] : memref<10240xf32, #tpu.memory_space<vmem_shared>> -> memref<10240xf32, #tpu.memory_space<vmem_shared>>
      tpu.wait_indirect_dma semaphore(%arg20 : memref<!tpu.dma_semaphore, #tpu.memory_space<semaphore_mem>>) src(%arg14 : memref<128xf32, #tpu.memory_space<vmem>>) dst(%dma_wait3A_471 : memref<10240xf32, #tpu.memory_space<vmem_shared>>)
      %dma_start3A_472 = arith.constant 15 : i32
      %dma_start3A_473 = arith.constant 0 : i32
      %dma_start3A_474 = tpu.memref_slice %arg11[%dma_start3A_472, %dma_start3A_473] : memref<16x128xi32, #tpu.memory_space<vmem>> -> memref<1x128xi32, #tpu.memory_space<vmem>>
      %dma_start3A_475 = tpu.memref_squeeze %dma_start3A_474 : memref<1x128xi32, #tpu.memory_space<vmem>> -> memref<128xi32, #tpu.memory_space<vmem>>
      %dma_start3A_476 = arith.constant 0 : i32
      %dma_start3A_477 = tpu.memref_slice %arg17[%dma_start3A_476] : memref<10240xf32, #tpu.memory_space<vmem_shared>> -> memref<10240xf32, #tpu.memory_space<vmem_shared>>
      tpu.enqueue_indirect_dma source(%arg14 : memref<128xf32, #tpu.memory_space<vmem>>) target(%dma_start3A_477 : memref<10240xf32, #tpu.memory_space<vmem_shared>>) offsets(%dma_start3A_475 : memref<128xi32, #tpu.memory_space<vmem>>) semaphore(%arg20 : memref<!tpu.dma_semaphore, #tpu.memory_space<semaphore_mem>>) {add = true}
      %run_scoped3A_478 = arith.constant 15 : i32
      "tpu.region"() ({
        %run_scoped3A_485 = tpu.sem_alloc : memref<!tpu.dma_semaphore, #tpu.memory_space<semaphore_mem>>
        %dma_start3A_486 = arith.constant 0 : i32
        %dma_start3A_487 = tpu.memref_slice %arg11[%run_scoped3A_478, %dma_start3A_486] : memref<16x128xi32, #tpu.memory_space<vmem>> -> memref<1x128xi32, #tpu.memory_space<vmem>>
        %dma_start3A_488 = tpu.memref_squeeze %dma_start3A_487 : memref<1x128xi32, #tpu.memory_space<vmem>> -> memref<128xi32, #tpu.memory_space<vmem>>
        %dma_start3A_489 = arith.constant 0 : i32
        %dma_start3A_490 = arith.constant 0 : i32
        %dma_start3A_491 = tpu.memref_slice %arg16[%dma_start3A_489, %dma_start3A_490] : memref<10240x128xf32, #tpu.memory_space<vmem_shared>> -> memref<10240x128xf32, #tpu.memory_space<vmem_shared>>
        tpu.enqueue_indirect_dma source(%arg13 : memref<128x128xf32, #tpu.memory_space<vmem>>) target(%dma_start3A_491 : memref<10240x128xf32, #tpu.memory_space<vmem_shared>>) offsets(%dma_start3A_488 : memref<128xi32, #tpu.memory_space<vmem>>) semaphore(%run_scoped3A_485 : memref<!tpu.dma_semaphore, #tpu.memory_space<semaphore_mem>>) {add = true}
        %dma_wait3A_492 = arith.constant 0 : i32
        %dma_wait3A_493 = tpu.memref_slice %arg11[%run_scoped3A_478, %dma_wait3A_492] : memref<16x128xi32, #tpu.memory_space<vmem>> -> memref<1x128xi32, #tpu.memory_space<vmem>>
        %dma_wait3A_494 = tpu.memref_squeeze %dma_wait3A_493 : memref<1x128xi32, #tpu.memory_space<vmem>> -> memref<128xi32, #tpu.memory_space<vmem>>
        %dma_wait3A_495 = arith.constant 0 : i32
        %dma_wait3A_496 = arith.constant 0 : i32
        %dma_wait3A_497 = tpu.memref_slice %arg16[%dma_wait3A_495, %dma_wait3A_496] : memref<10240x128xf32, #tpu.memory_space<vmem_shared>> -> memref<10240x128xf32, #tpu.memory_space<vmem_shared>>
        tpu.wait_indirect_dma semaphore(%run_scoped3A_485 : memref<!tpu.dma_semaphore, #tpu.memory_space<semaphore_mem>>) src(%arg13 : memref<128x128xf32, #tpu.memory_space<vmem>>) dst(%dma_wait3A_497 : memref<10240x128xf32, #tpu.memory_space<vmem_shared>>)
        tpu.yield
      }) : () -> ()
      %dma_wait3A_479 = arith.constant 15 : i32
      %dma_wait3A_480 = arith.constant 0 : i32
      %dma_wait3A_481 = tpu.memref_slice %arg11[%dma_wait3A_479, %dma_wait3A_480] : memref<16x128xi32, #tpu.memory_space<vmem>> -> memref<1x128xi32, #tpu.memory_space<vmem>>
      %dma_wait3A_482 = tpu.memref_squeeze %dma_wait3A_481 : memref<1x128xi32, #tpu.memory_space<vmem>> -> memref<128xi32, #tpu.memory_space<vmem>>
      %dma_wait3A_483 = arith.constant 0 : i32
      %dma_wait3A_484 = tpu.memref_slice %arg17[%dma_wait3A_483] : memref<10240xf32, #tpu.memory_space<vmem_shared>> -> memref<10240xf32, #tpu.memory_space<vmem_shared>>
      tpu.wait_indirect_dma semaphore(%arg20 : memref<!tpu.dma_semaphore, #tpu.memory_space<semaphore_mem>>) src(%arg14 : memref<128xf32, #tpu.memory_space<vmem>>) dst(%dma_wait3A_484 : memref<10240xf32, #tpu.memory_space<vmem_shared>>)
    }
    %scan3A_27 = arith.constant 5 : i32
    %barrier3A_28 = arith.constant 0 : index
    tpu.barrier barrier_id(%barrier3A_28)
    %mul3A_29 = arith.constant 640 : i32
    %mul3A_30 = arith.muli %arg1, %mul3A_29 : i32
    %add3A_31 = arith.constant 0 : i32
    %add3A_32 = arith.addi %mul3A_30, %add3A_31 : i32
    "tpu.region"() ({
      %run_scoped3A = tpu.sem_alloc : memref<!tpu.dma_semaphore, #tpu.memory_space<semaphore_mem>>
      %dma_start3A = arith.constant 0 : i32
      %dma_start3A_51 = tpu.memref_slice %arg16[%add3A_32, %dma_start3A] : memref<10240x128xf32, #tpu.memory_space<vmem_shared>> -> memref<128x128xf32, #tpu.memory_space<vmem_shared>>
      %dma_start3A_52 = arith.constant 0 : i32
      %dma_start3A_53 = tpu.memref_slice %arg16[%add3A_32, %dma_start3A_52] : memref<10240x128xf32, #tpu.memory_space<vmem_shared>> -> memref<128x128xf32, #tpu.memory_space<vmem_shared>>
      tpu.enqueue_dma source(%dma_start3A_53 : memref<128x128xf32, #tpu.memory_space<vmem_shared>>) target(%arg12 : memref<128x128xf32, #tpu.memory_space<vmem>>) target_semaphore(%run_scoped3A : memref<!tpu.dma_semaphore, #tpu.memory_space<semaphore_mem>>)
      %dma_wait3A = arith.constant 0 : i32
      %dma_wait3A_54 = tpu.memref_slice %arg16[%add3A_32, %dma_wait3A] : memref<10240x128xf32, #tpu.memory_space<vmem_shared>> -> memref<128x128xf32, #tpu.memory_space<vmem_shared>>
      %dma_wait3A_55 = arith.constant 0 : i32
      %dma_wait3A_56 = tpu.memref_slice %arg16[%add3A_32, %dma_wait3A_55] : memref<10240x128xf32, #tpu.memory_space<vmem_shared>> -> memref<128x128xf32, #tpu.memory_space<vmem_shared>>
      tpu.wait_dma2 semaphore(%run_scoped3A : memref<!tpu.dma_semaphore, #tpu.memory_space<semaphore_mem>>) src(%dma_wait3A_56 : memref<128x128xf32, #tpu.memory_space<vmem_shared>>) dst(%arg12 : memref<128x128xf32, #tpu.memory_space<vmem>>)
      tpu.yield
    }) : () -> ()
    "tpu.region"() ({
      %run_scoped3A = tpu.sem_alloc : memref<!tpu.dma_semaphore, #tpu.memory_space<semaphore_mem>>
      %dma_start3A = arith.constant 0 : i32
      %dma_start3A_51 = tpu.memref_slice %arg8[%arg0, %add3A_32, %dma_start3A] : memref<2x10240x128xf32, #tpu.memory_space<hbm>> -> memref<1x128x128xf32, #tpu.memory_space<hbm>>
      %dma_start3A_52 = tpu.memref_squeeze %dma_start3A_51 : memref<1x128x128xf32, #tpu.memory_space<hbm>> -> memref<128x128xf32, #tpu.memory_space<hbm>>
      %dma_start3A_53 = arith.constant 0 : i32
      %dma_start3A_54 = tpu.memref_slice %arg8[%arg0, %add3A_32, %dma_start3A_53] : memref<2x10240x128xf32, #tpu.memory_space<hbm>> -> memref<1x128x128xf32, #tpu.memory_space<hbm>>
      %dma_start3A_55 = tpu.memref_squeeze %dma_start3A_54 : memref<1x128x128xf32, #tpu.memory_space<hbm>> -> memref<128x128xf32, #tpu.memory_space<hbm>>
      tpu.enqueue_dma source(%arg12 : memref<128x128xf32, #tpu.memory_space<vmem>>) target(%dma_start3A_55 : memref<128x128xf32, #tpu.memory_space<hbm>>) target_semaphore(%run_scoped3A : memref<!tpu.dma_semaphore, #tpu.memory_space<semaphore_mem>>)
      %dma_wait3A = arith.constant 0 : i32
      %dma_wait3A_56 = tpu.memref_slice %arg8[%arg0, %add3A_32, %dma_wait3A] : memref<2x10240x128xf32, #tpu.memory_space<hbm>> -> memref<1x128x128xf32, #tpu.memory_space<hbm>>
      %dma_wait3A_57 = tpu.memref_squeeze %dma_wait3A_56 : memref<1x128x128xf32, #tpu.memory_space<hbm>> -> memref<128x128xf32, #tpu.memory_space<hbm>>
      %dma_wait3A_58 = arith.constant 0 : i32
      %dma_wait3A_59 = tpu.memref_slice %arg8[%arg0, %add3A_32, %dma_wait3A_58] : memref<2x10240x128xf32, #tpu.memory_space<hbm>> -> memref<1x128x128xf32, #tpu.memory_space<hbm>>
      %dma_wait3A_60 = tpu.memref_squeeze %dma_wait3A_59 : memref<1x128x128xf32, #tpu.memory_space<hbm>> -> memref<128x128xf32, #tpu.memory_space<hbm>>
      tpu.wait_dma2 semaphore(%run_scoped3A : memref<!tpu.dma_semaphore, #tpu.memory_space<semaphore_mem>>) src(%arg12 : memref<128x128xf32, #tpu.memory_space<vmem>>) dst(%dma_wait3A_60 : memref<128x128xf32, #tpu.memory_space<hbm>>)
      tpu.yield
    }) : () -> ()
    %mul3A_33 = arith.constant 640 : i32
    %mul3A_34 = arith.muli %arg1, %mul3A_33 : i32
    %add3A_35 = arith.constant 128 : i32
    %add3A_36 = arith.addi %mul3A_34, %add3A_35 : i32
    "tpu.region"() ({
      %run_scoped3A = tpu.sem_alloc : memref<!tpu.dma_semaphore, #tpu.memory_space<semaphore_mem>>
      %dma_start3A = arith.constant 0 : i32
      %dma_start3A_51 = tpu.memref_slice %arg16[%add3A_36, %dma_start3A] : memref<10240x128xf32, #tpu.memory_space<vmem_shared>> -> memref<128x128xf32, #tpu.memory_space<vmem_shared>>
      %dma_start3A_52 = arith.constant 0 : i32
      %dma_start3A_53 = tpu.memref_slice %arg16[%add3A_36, %dma_start3A_52] : memref<10240x128xf32, #tpu.memory_space<vmem_shared>> -> memref<128x128xf32, #tpu.memory_space<vmem_shared>>
      tpu.enqueue_dma source(%dma_start3A_53 : memref<128x128xf32, #tpu.memory_space<vmem_shared>>) target(%arg12 : memref<128x128xf32, #tpu.memory_space<vmem>>) target_semaphore(%run_scoped3A : memref<!tpu.dma_semaphore, #tpu.memory_space<semaphore_mem>>)
      %dma_wait3A = arith.constant 0 : i32
      %dma_wait3A_54 = tpu.memref_slice %arg16[%add3A_36, %dma_wait3A] : memref<10240x128xf32, #tpu.memory_space<vmem_shared>> -> memref<128x128xf32, #tpu.memory_space<vmem_shared>>
      %dma_wait3A_55 = arith.constant 0 : i32
      %dma_wait3A_56 = tpu.memref_slice %arg16[%add3A_36, %dma_wait3A_55] : memref<10240x128xf32, #tpu.memory_space<vmem_shared>> -> memref<128x128xf32, #tpu.memory_space<vmem_shared>>
      tpu.wait_dma2 semaphore(%run_scoped3A : memref<!tpu.dma_semaphore, #tpu.memory_space<semaphore_mem>>) src(%dma_wait3A_56 : memref<128x128xf32, #tpu.memory_space<vmem_shared>>) dst(%arg12 : memref<128x128xf32, #tpu.memory_space<vmem>>)
      tpu.yield
    }) : () -> ()
    "tpu.region"() ({
      %run_scoped3A = tpu.sem_alloc : memref<!tpu.dma_semaphore, #tpu.memory_space<semaphore_mem>>
      %dma_start3A = arith.constant 0 : i32
      %dma_start3A_51 = tpu.memref_slice %arg8[%arg0, %add3A_36, %dma_start3A] : memref<2x10240x128xf32, #tpu.memory_space<hbm>> -> memref<1x128x128xf32, #tpu.memory_space<hbm>>
      %dma_start3A_52 = tpu.memref_squeeze %dma_start3A_51 : memref<1x128x128xf32, #tpu.memory_space<hbm>> -> memref<128x128xf32, #tpu.memory_space<hbm>>
      %dma_start3A_53 = arith.constant 0 : i32
      %dma_start3A_54 = tpu.memref_slice %arg8[%arg0, %add3A_36, %dma_start3A_53] : memref<2x10240x128xf32, #tpu.memory_space<hbm>> -> memref<1x128x128xf32, #tpu.memory_space<hbm>>
      %dma_start3A_55 = tpu.memref_squeeze %dma_start3A_54 : memref<1x128x128xf32, #tpu.memory_space<hbm>> -> memref<128x128xf32, #tpu.memory_space<hbm>>
      tpu.enqueue_dma source(%arg12 : memref<128x128xf32, #tpu.memory_space<vmem>>) target(%dma_start3A_55 : memref<128x128xf32, #tpu.memory_space<hbm>>) target_semaphore(%run_scoped3A : memref<!tpu.dma_semaphore, #tpu.memory_space<semaphore_mem>>)
      %dma_wait3A = arith.constant 0 : i32
      %dma_wait3A_56 = tpu.memref_slice %arg8[%arg0, %add3A_36, %dma_wait3A] : memref<2x10240x128xf32, #tpu.memory_space<hbm>> -> memref<1x128x128xf32, #tpu.memory_space<hbm>>
      %dma_wait3A_57 = tpu.memref_squeeze %dma_wait3A_56 : memref<1x128x128xf32, #tpu.memory_space<hbm>> -> memref<128x128xf32, #tpu.memory_space<hbm>>
      %dma_wait3A_58 = arith.constant 0 : i32
      %dma_wait3A_59 = tpu.memref_slice %arg8[%arg0, %add3A_36, %dma_wait3A_58] : memref<2x10240x128xf32, #tpu.memory_space<hbm>> -> memref<1x128x128xf32, #tpu.memory_space<hbm>>
      %dma_wait3A_60 = tpu.memref_squeeze %dma_wait3A_59 : memref<1x128x128xf32, #tpu.memory_space<hbm>> -> memref<128x128xf32, #tpu.memory_space<hbm>>
      tpu.wait_dma2 semaphore(%run_scoped3A : memref<!tpu.dma_semaphore, #tpu.memory_space<semaphore_mem>>) src(%arg12 : memref<128x128xf32, #tpu.memory_space<vmem>>) dst(%dma_wait3A_60 : memref<128x128xf32, #tpu.memory_space<hbm>>)
      tpu.yield
    }) : () -> ()
    %mul3A_37 = arith.constant 640 : i32
    %mul3A_38 = arith.muli %arg1, %mul3A_37 : i32
    %add3A_39 = arith.constant 256 : i32
    %add3A_40 = arith.addi %mul3A_38, %add3A_39 : i32
    "tpu.region"() ({
      %run_scoped3A = tpu.sem_alloc : memref<!tpu.dma_semaphore, #tpu.memory_space<semaphore_mem>>
      %dma_start3A = arith.constant 0 : i32
      %dma_start3A_51 = tpu.memref_slice %arg16[%add3A_40, %dma_start3A] : memref<10240x128xf32, #tpu.memory_space<vmem_shared>> -> memref<128x128xf32, #tpu.memory_space<vmem_shared>>
      %dma_start3A_52 = arith.constant 0 : i32
      %dma_start3A_53 = tpu.memref_slice %arg16[%add3A_40, %dma_start3A_52] : memref<10240x128xf32, #tpu.memory_space<vmem_shared>> -> memref<128x128xf32, #tpu.memory_space<vmem_shared>>
      tpu.enqueue_dma source(%dma_start3A_53 : memref<128x128xf32, #tpu.memory_space<vmem_shared>>) target(%arg12 : memref<128x128xf32, #tpu.memory_space<vmem>>) target_semaphore(%run_scoped3A : memref<!tpu.dma_semaphore, #tpu.memory_space<semaphore_mem>>)
      %dma_wait3A = arith.constant 0 : i32
      %dma_wait3A_54 = tpu.memref_slice %arg16[%add3A_40, %dma_wait3A] : memref<10240x128xf32, #tpu.memory_space<vmem_shared>> -> memref<128x128xf32, #tpu.memory_space<vmem_shared>>
      %dma_wait3A_55 = arith.constant 0 : i32
      %dma_wait3A_56 = tpu.memref_slice %arg16[%add3A_40, %dma_wait3A_55] : memref<10240x128xf32, #tpu.memory_space<vmem_shared>> -> memref<128x128xf32, #tpu.memory_space<vmem_shared>>
      tpu.wait_dma2 semaphore(%run_scoped3A : memref<!tpu.dma_semaphore, #tpu.memory_space<semaphore_mem>>) src(%dma_wait3A_56 : memref<128x128xf32, #tpu.memory_space<vmem_shared>>) dst(%arg12 : memref<128x128xf32, #tpu.memory_space<vmem>>)
      tpu.yield
    }) : () -> ()
    "tpu.region"() ({
      %run_scoped3A = tpu.sem_alloc : memref<!tpu.dma_semaphore, #tpu.memory_space<semaphore_mem>>
      %dma_start3A = arith.constant 0 : i32
      %dma_start3A_51 = tpu.memref_slice %arg8[%arg0, %add3A_40, %dma_start3A] : memref<2x10240x128xf32, #tpu.memory_space<hbm>> -> memref<1x128x128xf32, #tpu.memory_space<hbm>>
      %dma_start3A_52 = tpu.memref_squeeze %dma_start3A_51 : memref<1x128x128xf32, #tpu.memory_space<hbm>> -> memref<128x128xf32, #tpu.memory_space<hbm>>
      %dma_start3A_53 = arith.constant 0 : i32
      %dma_start3A_54 = tpu.memref_slice %arg8[%arg0, %add3A_40, %dma_start3A_53] : memref<2x10240x128xf32, #tpu.memory_space<hbm>> -> memref<1x128x128xf32, #tpu.memory_space<hbm>>
      %dma_start3A_55 = tpu.memref_squeeze %dma_start3A_54 : memref<1x128x128xf32, #tpu.memory_space<hbm>> -> memref<128x128xf32, #tpu.memory_space<hbm>>
      tpu.enqueue_dma source(%arg12 : memref<128x128xf32, #tpu.memory_space<vmem>>) target(%dma_start3A_55 : memref<128x128xf32, #tpu.memory_space<hbm>>) target_semaphore(%run_scoped3A : memref<!tpu.dma_semaphore, #tpu.memory_space<semaphore_mem>>)
      %dma_wait3A = arith.constant 0 : i32
      %dma_wait3A_56 = tpu.memref_slice %arg8[%arg0, %add3A_40, %dma_wait3A] : memref<2x10240x128xf32, #tpu.memory_space<hbm>> -> memref<1x128x128xf32, #tpu.memory_space<hbm>>
      %dma_wait3A_57 = tpu.memref_squeeze %dma_wait3A_56 : memref<1x128x128xf32, #tpu.memory_space<hbm>> -> memref<128x128xf32, #tpu.memory_space<hbm>>
      %dma_wait3A_58 = arith.constant 0 : i32
      %dma_wait3A_59 = tpu.memref_slice %arg8[%arg0, %add3A_40, %dma_wait3A_58] : memref<2x10240x128xf32, #tpu.memory_space<hbm>> -> memref<1x128x128xf32, #tpu.memory_space<hbm>>
      %dma_wait3A_60 = tpu.memref_squeeze %dma_wait3A_59 : memref<1x128x128xf32, #tpu.memory_space<hbm>> -> memref<128x128xf32, #tpu.memory_space<hbm>>
      tpu.wait_dma2 semaphore(%run_scoped3A : memref<!tpu.dma_semaphore, #tpu.memory_space<semaphore_mem>>) src(%arg12 : memref<128x128xf32, #tpu.memory_space<vmem>>) dst(%dma_wait3A_60 : memref<128x128xf32, #tpu.memory_space<hbm>>)
      tpu.yield
    }) : () -> ()
    %mul3A_41 = arith.constant 640 : i32
    %mul3A_42 = arith.muli %arg1, %mul3A_41 : i32
    %add3A_43 = arith.constant 384 : i32
    %add3A_44 = arith.addi %mul3A_42, %add3A_43 : i32
    "tpu.region"() ({
      %run_scoped3A = tpu.sem_alloc : memref<!tpu.dma_semaphore, #tpu.memory_space<semaphore_mem>>
      %dma_start3A = arith.constant 0 : i32
      %dma_start3A_51 = tpu.memref_slice %arg16[%add3A_44, %dma_start3A] : memref<10240x128xf32, #tpu.memory_space<vmem_shared>> -> memref<128x128xf32, #tpu.memory_space<vmem_shared>>
      %dma_start3A_52 = arith.constant 0 : i32
      %dma_start3A_53 = tpu.memref_slice %arg16[%add3A_44, %dma_start3A_52] : memref<10240x128xf32, #tpu.memory_space<vmem_shared>> -> memref<128x128xf32, #tpu.memory_space<vmem_shared>>
      tpu.enqueue_dma source(%dma_start3A_53 : memref<128x128xf32, #tpu.memory_space<vmem_shared>>) target(%arg12 : memref<128x128xf32, #tpu.memory_space<vmem>>) target_semaphore(%run_scoped3A : memref<!tpu.dma_semaphore, #tpu.memory_space<semaphore_mem>>)
      %dma_wait3A = arith.constant 0 : i32
      %dma_wait3A_54 = tpu.memref_slice %arg16[%add3A_44, %dma_wait3A] : memref<10240x128xf32, #tpu.memory_space<vmem_shared>> -> memref<128x128xf32, #tpu.memory_space<vmem_shared>>
      %dma_wait3A_55 = arith.constant 0 : i32
      %dma_wait3A_56 = tpu.memref_slice %arg16[%add3A_44, %dma_wait3A_55] : memref<10240x128xf32, #tpu.memory_space<vmem_shared>> -> memref<128x128xf32, #tpu.memory_space<vmem_shared>>
      tpu.wait_dma2 semaphore(%run_scoped3A : memref<!tpu.dma_semaphore, #tpu.memory_space<semaphore_mem>>) src(%dma_wait3A_56 : memref<128x128xf32, #tpu.memory_space<vmem_shared>>) dst(%arg12 : memref<128x128xf32, #tpu.memory_space<vmem>>)
      tpu.yield
    }) : () -> ()
    "tpu.region"() ({
      %run_scoped3A = tpu.sem_alloc : memref<!tpu.dma_semaphore, #tpu.memory_space<semaphore_mem>>
      %dma_start3A = arith.constant 0 : i32
      %dma_start3A_51 = tpu.memref_slice %arg8[%arg0, %add3A_44, %dma_start3A] : memref<2x10240x128xf32, #tpu.memory_space<hbm>> -> memref<1x128x128xf32, #tpu.memory_space<hbm>>
      %dma_start3A_52 = tpu.memref_squeeze %dma_start3A_51 : memref<1x128x128xf32, #tpu.memory_space<hbm>> -> memref<128x128xf32, #tpu.memory_space<hbm>>
      %dma_start3A_53 = arith.constant 0 : i32
      %dma_start3A_54 = tpu.memref_slice %arg8[%arg0, %add3A_44, %dma_start3A_53] : memref<2x10240x128xf32, #tpu.memory_space<hbm>> -> memref<1x128x128xf32, #tpu.memory_space<hbm>>
      %dma_start3A_55 = tpu.memref_squeeze %dma_start3A_54 : memref<1x128x128xf32, #tpu.memory_space<hbm>> -> memref<128x128xf32, #tpu.memory_space<hbm>>
      tpu.enqueue_dma source(%arg12 : memref<128x128xf32, #tpu.memory_space<vmem>>) target(%dma_start3A_55 : memref<128x128xf32, #tpu.memory_space<hbm>>) target_semaphore(%run_scoped3A : memref<!tpu.dma_semaphore, #tpu.memory_space<semaphore_mem>>)
      %dma_wait3A = arith.constant 0 : i32
      %dma_wait3A_56 = tpu.memref_slice %arg8[%arg0, %add3A_44, %dma_wait3A] : memref<2x10240x128xf32, #tpu.memory_space<hbm>> -> memref<1x128x128xf32, #tpu.memory_space<hbm>>
      %dma_wait3A_57 = tpu.memref_squeeze %dma_wait3A_56 : memref<1x128x128xf32, #tpu.memory_space<hbm>> -> memref<128x128xf32, #tpu.memory_space<hbm>>
      %dma_wait3A_58 = arith.constant 0 : i32
      %dma_wait3A_59 = tpu.memref_slice %arg8[%arg0, %add3A_44, %dma_wait3A_58] : memref<2x10240x128xf32, #tpu.memory_space<hbm>> -> memref<1x128x128xf32, #tpu.memory_space<hbm>>
      %dma_wait3A_60 = tpu.memref_squeeze %dma_wait3A_59 : memref<1x128x128xf32, #tpu.memory_space<hbm>> -> memref<128x128xf32, #tpu.memory_space<hbm>>
      tpu.wait_dma2 semaphore(%run_scoped3A : memref<!tpu.dma_semaphore, #tpu.memory_space<semaphore_mem>>) src(%arg12 : memref<128x128xf32, #tpu.memory_space<vmem>>) dst(%dma_wait3A_60 : memref<128x128xf32, #tpu.memory_space<hbm>>)
      tpu.yield
    }) : () -> ()
    %mul3A_45 = arith.constant 640 : i32
    %mul3A_46 = arith.muli %arg1, %mul3A_45 : i32
    %add3A_47 = arith.constant 512 : i32
    %add3A_48 = arith.addi %mul3A_46, %add3A_47 : i32
    "tpu.region"() ({
      %run_scoped3A = tpu.sem_alloc : memref<!tpu.dma_semaphore, #tpu.memory_space<semaphore_mem>>
      %dma_start3A = arith.constant 0 : i32
      %dma_start3A_51 = tpu.memref_slice %arg16[%add3A_48, %dma_start3A] : memref<10240x128xf32, #tpu.memory_space<vmem_shared>> -> memref<128x128xf32, #tpu.memory_space<vmem_shared>>
      %dma_start3A_52 = arith.constant 0 : i32
      %dma_start3A_53 = tpu.memref_slice %arg16[%add3A_48, %dma_start3A_52] : memref<10240x128xf32, #tpu.memory_space<vmem_shared>> -> memref<128x128xf32, #tpu.memory_space<vmem_shared>>
      tpu.enqueue_dma source(%dma_start3A_53 : memref<128x128xf32, #tpu.memory_space<vmem_shared>>) target(%arg12 : memref<128x128xf32, #tpu.memory_space<vmem>>) target_semaphore(%run_scoped3A : memref<!tpu.dma_semaphore, #tpu.memory_space<semaphore_mem>>)
      %dma_wait3A = arith.constant 0 : i32
      %dma_wait3A_54 = tpu.memref_slice %arg16[%add3A_48, %dma_wait3A] : memref<10240x128xf32, #tpu.memory_space<vmem_shared>> -> memref<128x128xf32, #tpu.memory_space<vmem_shared>>
      %dma_wait3A_55 = arith.constant 0 : i32
      %dma_wait3A_56 = tpu.memref_slice %arg16[%add3A_48, %dma_wait3A_55] : memref<10240x128xf32, #tpu.memory_space<vmem_shared>> -> memref<128x128xf32, #tpu.memory_space<vmem_shared>>
      tpu.wait_dma2 semaphore(%run_scoped3A : memref<!tpu.dma_semaphore, #tpu.memory_space<semaphore_mem>>) src(%dma_wait3A_56 : memref<128x128xf32, #tpu.memory_space<vmem_shared>>) dst(%arg12 : memref<128x128xf32, #tpu.memory_space<vmem>>)
      tpu.yield
    }) : () -> ()
    "tpu.region"() ({
      %run_scoped3A = tpu.sem_alloc : memref<!tpu.dma_semaphore, #tpu.memory_space<semaphore_mem>>
      %dma_start3A = arith.constant 0 : i32
      %dma_start3A_51 = tpu.memref_slice %arg8[%arg0, %add3A_48, %dma_start3A] : memref<2x10240x128xf32, #tpu.memory_space<hbm>> -> memref<1x128x128xf32, #tpu.memory_space<hbm>>
      %dma_start3A_52 = tpu.memref_squeeze %dma_start3A_51 : memref<1x128x128xf32, #tpu.memory_space<hbm>> -> memref<128x128xf32, #tpu.memory_space<hbm>>
      %dma_start3A_53 = arith.constant 0 : i32
      %dma_start3A_54 = tpu.memref_slice %arg8[%arg0, %add3A_48, %dma_start3A_53] : memref<2x10240x128xf32, #tpu.memory_space<hbm>> -> memref<1x128x128xf32, #tpu.memory_space<hbm>>
      %dma_start3A_55 = tpu.memref_squeeze %dma_start3A_54 : memref<1x128x128xf32, #tpu.memory_space<hbm>> -> memref<128x128xf32, #tpu.memory_space<hbm>>
      tpu.enqueue_dma source(%arg12 : memref<128x128xf32, #tpu.memory_space<vmem>>) target(%dma_start3A_55 : memref<128x128xf32, #tpu.memory_space<hbm>>) target_semaphore(%run_scoped3A : memref<!tpu.dma_semaphore, #tpu.memory_space<semaphore_mem>>)
      %dma_wait3A = arith.constant 0 : i32
      %dma_wait3A_56 = tpu.memref_slice %arg8[%arg0, %add3A_48, %dma_wait3A] : memref<2x10240x128xf32, #tpu.memory_space<hbm>> -> memref<1x128x128xf32, #tpu.memory_space<hbm>>
      %dma_wait3A_57 = tpu.memref_squeeze %dma_wait3A_56 : memref<1x128x128xf32, #tpu.memory_space<hbm>> -> memref<128x128xf32, #tpu.memory_space<hbm>>
      %dma_wait3A_58 = arith.constant 0 : i32
      %dma_wait3A_59 = tpu.memref_slice %arg8[%arg0, %add3A_48, %dma_wait3A_58] : memref<2x10240x128xf32, #tpu.memory_space<hbm>> -> memref<1x128x128xf32, #tpu.memory_space<hbm>>
      %dma_wait3A_60 = tpu.memref_squeeze %dma_wait3A_59 : memref<1x128x128xf32, #tpu.memory_space<hbm>> -> memref<128x128xf32, #tpu.memory_space<hbm>>
      tpu.wait_dma2 semaphore(%run_scoped3A : memref<!tpu.dma_semaphore, #tpu.memory_space<semaphore_mem>>) src(%arg12 : memref<128x128xf32, #tpu.memory_space<vmem>>) dst(%dma_wait3A_60 : memref<128x128xf32, #tpu.memory_space<hbm>>)
      tpu.yield
    }) : () -> ()
    %mul3A_49 = arith.constant 640 : i32
    %mul3A_50 = arith.muli %arg1, %mul3A_49 : i32
    "tpu.region"() ({
      %run_scoped3A = tpu.sem_alloc : memref<!tpu.dma_semaphore, #tpu.memory_space<semaphore_mem>>
      %dma_start3A = tpu.memref_slice %arg17[%mul3A_50] : memref<10240xf32, #tpu.memory_space<vmem_shared>> -> memref<640xf32, #tpu.memory_space<vmem_shared>>
      %dma_start3A_51 = tpu.memref_slice %arg17[%mul3A_50] : memref<10240xf32, #tpu.memory_space<vmem_shared>> -> memref<640xf32, #tpu.memory_space<vmem_shared>>
      tpu.enqueue_dma source(%dma_start3A_51 : memref<640xf32, #tpu.memory_space<vmem_shared>>) target(%arg15 : memref<640xf32, #tpu.memory_space<vmem>>) target_semaphore(%run_scoped3A : memref<!tpu.dma_semaphore, #tpu.memory_space<semaphore_mem>>)
      %dma_wait3A = tpu.memref_slice %arg17[%mul3A_50] : memref<10240xf32, #tpu.memory_space<vmem_shared>> -> memref<640xf32, #tpu.memory_space<vmem_shared>>
      %dma_wait3A_52 = tpu.memref_slice %arg17[%mul3A_50] : memref<10240xf32, #tpu.memory_space<vmem_shared>> -> memref<640xf32, #tpu.memory_space<vmem_shared>>
      tpu.wait_dma2 semaphore(%run_scoped3A : memref<!tpu.dma_semaphore, #tpu.memory_space<semaphore_mem>>) src(%dma_wait3A_52 : memref<640xf32, #tpu.memory_space<vmem_shared>>) dst(%arg15 : memref<640xf32, #tpu.memory_space<vmem>>)
      tpu.yield
    }) : () -> ()
    "tpu.region"() ({
      %run_scoped3A = tpu.sem_alloc : memref<!tpu.dma_semaphore, #tpu.memory_space<semaphore_mem>>
      %dma_start3A = tpu.memref_slice %arg9[%arg0, %mul3A_50] : memref<2x10240xf32, #tpu.memory_space<hbm>> -> memref<1x640xf32, #tpu.memory_space<hbm>>
      %dma_start3A_51 = tpu.memref_squeeze %dma_start3A : memref<1x640xf32, #tpu.memory_space<hbm>> -> memref<640xf32, #tpu.memory_space<hbm>>
      %dma_start3A_52 = tpu.memref_slice %arg9[%arg0, %mul3A_50] : memref<2x10240xf32, #tpu.memory_space<hbm>> -> memref<1x640xf32, #tpu.memory_space<hbm>>
      %dma_start3A_53 = tpu.memref_squeeze %dma_start3A_52 : memref<1x640xf32, #tpu.memory_space<hbm>> -> memref<640xf32, #tpu.memory_space<hbm>>
      tpu.enqueue_dma source(%arg15 : memref<640xf32, #tpu.memory_space<vmem>>) target(%dma_start3A_53 : memref<640xf32, #tpu.memory_space<hbm>>) target_semaphore(%run_scoped3A : memref<!tpu.dma_semaphore, #tpu.memory_space<semaphore_mem>>)
      %dma_wait3A = tpu.memref_slice %arg9[%arg0, %mul3A_50] : memref<2x10240xf32, #tpu.memory_space<hbm>> -> memref<1x640xf32, #tpu.memory_space<hbm>>
      %dma_wait3A_54 = tpu.memref_squeeze %dma_wait3A : memref<1x640xf32, #tpu.memory_space<hbm>> -> memref<640xf32, #tpu.memory_space<hbm>>
      %dma_wait3A_55 = tpu.memref_slice %arg9[%arg0, %mul3A_50] : memref<2x10240xf32, #tpu.memory_space<hbm>> -> memref<1x640xf32, #tpu.memory_space<hbm>>
      %dma_wait3A_56 = tpu.memref_squeeze %dma_wait3A_55 : memref<1x640xf32, #tpu.memory_space<hbm>> -> memref<640xf32, #tpu.memory_space<hbm>>
      tpu.wait_dma2 semaphore(%run_scoped3A : memref<!tpu.dma_semaphore, #tpu.memory_space<semaphore_mem>>) src(%arg15 : memref<640xf32, #tpu.memory_space<vmem>>) dst(%dma_wait3A_56 : memref<640xf32, #tpu.memory_space<hbm>>)
      tpu.yield
    }) : () -> ()
    return
  }
}

#map = affine_map<(d0, d1) -> (0, 0)>
#map1 = affine_map<(d0, d1) -> (0, 0, 0)>
#map2 = affine_map<(d0, d1) -> (0)>
module attributes {stable_mosaic.version = 14 : i64} {
  func.func @agg(%arg0: i32, %arg1: i32, %arg2: memref<10000x128xf32, #tpu.memory_space<hbm>>, %arg3: memref<32x80x128xi32, #tpu.memory_space<hbm>>, %arg4: memref<32x80x128xi32, #tpu.memory_space<hbm>>, %arg5: memref<128x128xf32, #tpu.memory_space<hbm>>, %arg6: memref<640xf32, #tpu.memory_space<hbm>>, %arg7: memref<128xf32, #tpu.memory_space<hbm>>, %arg8: memref<2x10240x128xf32, #tpu.memory_space<hbm>>, %arg9: memref<2x10240xf32, #tpu.memory_space<hbm>>, %arg10: memref<16x128xi32, #tpu.memory_space<vmem>>, %arg11: memref<16x128xi32, #tpu.memory_space<vmem>>, %arg12: memref<128x128xf32, #tpu.memory_space<vmem>>, %arg13: memref<128x128xf32, #tpu.memory_space<vmem>>, %arg14: memref<128xf32, #tpu.memory_space<vmem>>, %arg15: memref<640xf32, #tpu.memory_space<vmem>>, %arg16: memref<10240x128xf32, #tpu.memory_space<vmem_shared>>, %arg17: memref<10240xf32, #tpu.memory_space<vmem_shared>>, %arg18: memref<!tpu.dma_semaphore, #tpu.memory_space<semaphore_mem>>, %arg19: memref<!tpu.dma_semaphore, #tpu.memory_space<semaphore_mem>>, %arg20: memref<!tpu.dma_semaphore, #tpu.memory_space<semaphore_mem>>) attributes {dimension_semantics = [#tpu.dimension_semantics<core_parallel>, #tpu.dimension_semantics<subcore_parallel>], iteration_bounds = array<i64: 2, 16>, scalar_prefetch = 0 : i64, scratch_operands = 11 : i64, tpu.core_type = #tpu.core_type<sc_vector_subcore>, window_params = [{transform_indices = #map}, {transform_indices = #map1}, {transform_indices = #map1}, {transform_indices = #map}, {transform_indices = #map2}, {transform_indices = #map2}, {transform_indices = #map1}, {transform_indices = #map}]} {
    %mul3A = arith.constant 2 : i32
    %mul3A_0 = arith.muli %arg1, %mul3A : i32
    %add3A = arith.addi %mul3A_0, %arg0 : i32
    "tpu.region"() ({
      %run_scoped3A = tpu.sem_alloc : memref<!tpu.dma_semaphore, #tpu.memory_space<semaphore_mem>>
      tpu.enqueue_dma source(%arg7 : memref<128xf32, #tpu.memory_space<hbm>>) target(%arg14 : memref<128xf32, #tpu.memory_space<vmem>>) target_semaphore(%run_scoped3A : memref<!tpu.dma_semaphore, #tpu.memory_space<semaphore_mem>>)
      tpu.wait_dma2 semaphore(%run_scoped3A : memref<!tpu.dma_semaphore, #tpu.memory_space<semaphore_mem>>) src(%arg7 : memref<128xf32, #tpu.memory_space<hbm>>) dst(%arg14 : memref<128xf32, #tpu.memory_space<vmem>>)
      tpu.yield
    }) : () -> ()
    "tpu.region"() ({
      %run_scoped3A = tpu.sem_alloc : memref<!tpu.dma_semaphore, #tpu.memory_space<semaphore_mem>>
      tpu.enqueue_dma source(%arg6 : memref<640xf32, #tpu.memory_space<hbm>>) target(%arg15 : memref<640xf32, #tpu.memory_space<vmem>>) target_semaphore(%run_scoped3A : memref<!tpu.dma_semaphore, #tpu.memory_space<semaphore_mem>>)
      tpu.wait_dma2 semaphore(%run_scoped3A : memref<!tpu.dma_semaphore, #tpu.memory_space<semaphore_mem>>) src(%arg6 : memref<640xf32, #tpu.memory_space<hbm>>) dst(%arg15 : memref<640xf32, #tpu.memory_space<vmem>>)
      tpu.yield
    }) : () -> ()
    "tpu.region"() ({
      %run_scoped3A = tpu.sem_alloc : memref<!tpu.dma_semaphore, #tpu.memory_space<semaphore_mem>>
      tpu.enqueue_dma source(%arg5 : memref<128x128xf32, #tpu.memory_space<hbm>>) target(%arg12 : memref<128x128xf32, #tpu.memory_space<vmem>>) target_semaphore(%run_scoped3A : memref<!tpu.dma_semaphore, #tpu.memory_space<semaphore_mem>>)
      tpu.wait_dma2 semaphore(%run_scoped3A : memref<!tpu.dma_semaphore, #tpu.memory_space<semaphore_mem>>) src(%arg5 : memref<128x128xf32, #tpu.memory_space<hbm>>) dst(%arg12 : memref<128x128xf32, #tpu.memory_space<vmem>>)
      tpu.yield
    }) : () -> ()
    %mul3A_1 = arith.constant 640 : i32
    %mul3A_2 = arith.muli %arg1, %mul3A_1 : i32
    %add3A_3 = arith.constant 0 : i32
    %add3A_4 = arith.addi %mul3A_2, %add3A_3 : i32
    "tpu.region"() ({
      %run_scoped3A = tpu.sem_alloc : memref<!tpu.dma_semaphore, #tpu.memory_space<semaphore_mem>>
      %dma_start3A = arith.constant 0 : i32
      %dma_start3A_51 = tpu.memref_slice %arg16[%add3A_4, %dma_start3A] : memref<10240x128xf32, #tpu.memory_space<vmem_shared>> -> memref<128x128xf32, #tpu.memory_space<vmem_shared>>
      %dma_start3A_52 = arith.constant 0 : i32
      %dma_start3A_53 = tpu.memref_slice %arg16[%add3A_4, %dma_start3A_52] : memref<10240x128xf32, #tpu.memory_space<vmem_shared>> -> memref<128x128xf32, #tpu.memory_space<vmem_shared>>
      tpu.enqueue_dma source(%arg12 : memref<128x128xf32, #tpu.memory_space<vmem>>) target(%dma_start3A_53 : memref<128x128xf32, #tpu.memory_space<vmem_shared>>) target_semaphore(%run_scoped3A : memref<!tpu.dma_semaphore, #tpu.memory_space<semaphore_mem>>)
      %dma_wait3A = arith.constant 0 : i32
      %dma_wait3A_54 = tpu.memref_slice %arg16[%add3A_4, %dma_wait3A] : memref<10240x128xf32, #tpu.memory_space<vmem_shared>> -> memref<128x128xf32, #tpu.memory_space<vmem_shared>>
      %dma_wait3A_55 = arith.constant 0 : i32
      %dma_wait3A_56 = tpu.memref_slice %arg16[%add3A_4, %dma_wait3A_55] : memref<10240x128xf32, #tpu.memory_space<vmem_shared>> -> memref<128x128xf32, #tpu.memory_space<vmem_shared>>
      tpu.wait_dma2 semaphore(%run_scoped3A : memref<!tpu.dma_semaphore, #tpu.memory_space<semaphore_mem>>) src(%arg12 : memref<128x128xf32, #tpu.memory_space<vmem>>) dst(%dma_wait3A_56 : memref<128x128xf32, #tpu.memory_space<vmem_shared>>)
      tpu.yield
    }) : () -> ()
    %mul3A_5 = arith.constant 640 : i32
    %mul3A_6 = arith.muli %arg1, %mul3A_5 : i32
    %add3A_7 = arith.constant 128 : i32
    %add3A_8 = arith.addi %mul3A_6, %add3A_7 : i32
    "tpu.region"() ({
      %run_scoped3A = tpu.sem_alloc : memref<!tpu.dma_semaphore, #tpu.memory_space<semaphore_mem>>
      %dma_start3A = arith.constant 0 : i32
      %dma_start3A_51 = tpu.memref_slice %arg16[%add3A_8, %dma_start3A] : memref<10240x128xf32, #tpu.memory_space<vmem_shared>> -> memref<128x128xf32, #tpu.memory_space<vmem_shared>>
      %dma_start3A_52 = arith.constant 0 : i32
      %dma_start3A_53 = tpu.memref_slice %arg16[%add3A_8, %dma_start3A_52] : memref<10240x128xf32, #tpu.memory_space<vmem_shared>> -> memref<128x128xf32, #tpu.memory_space<vmem_shared>>
      tpu.enqueue_dma source(%arg12 : memref<128x128xf32, #tpu.memory_space<vmem>>) target(%dma_start3A_53 : memref<128x128xf32, #tpu.memory_space<vmem_shared>>) target_semaphore(%run_scoped3A : memref<!tpu.dma_semaphore, #tpu.memory_space<semaphore_mem>>)
      %dma_wait3A = arith.constant 0 : i32
      %dma_wait3A_54 = tpu.memref_slice %arg16[%add3A_8, %dma_wait3A] : memref<10240x128xf32, #tpu.memory_space<vmem_shared>> -> memref<128x128xf32, #tpu.memory_space<vmem_shared>>
      %dma_wait3A_55 = arith.constant 0 : i32
      %dma_wait3A_56 = tpu.memref_slice %arg16[%add3A_8, %dma_wait3A_55] : memref<10240x128xf32, #tpu.memory_space<vmem_shared>> -> memref<128x128xf32, #tpu.memory_space<vmem_shared>>
      tpu.wait_dma2 semaphore(%run_scoped3A : memref<!tpu.dma_semaphore, #tpu.memory_space<semaphore_mem>>) src(%arg12 : memref<128x128xf32, #tpu.memory_space<vmem>>) dst(%dma_wait3A_56 : memref<128x128xf32, #tpu.memory_space<vmem_shared>>)
      tpu.yield
    }) : () -> ()
    %mul3A_9 = arith.constant 640 : i32
    %mul3A_10 = arith.muli %arg1, %mul3A_9 : i32
    %add3A_11 = arith.constant 256 : i32
    %add3A_12 = arith.addi %mul3A_10, %add3A_11 : i32
    "tpu.region"() ({
      %run_scoped3A = tpu.sem_alloc : memref<!tpu.dma_semaphore, #tpu.memory_space<semaphore_mem>>
      %dma_start3A = arith.constant 0 : i32
      %dma_start3A_51 = tpu.memref_slice %arg16[%add3A_12, %dma_start3A] : memref<10240x128xf32, #tpu.memory_space<vmem_shared>> -> memref<128x128xf32, #tpu.memory_space<vmem_shared>>
      %dma_start3A_52 = arith.constant 0 : i32
      %dma_start3A_53 = tpu.memref_slice %arg16[%add3A_12, %dma_start3A_52] : memref<10240x128xf32, #tpu.memory_space<vmem_shared>> -> memref<128x128xf32, #tpu.memory_space<vmem_shared>>
      tpu.enqueue_dma source(%arg12 : memref<128x128xf32, #tpu.memory_space<vmem>>) target(%dma_start3A_53 : memref<128x128xf32, #tpu.memory_space<vmem_shared>>) target_semaphore(%run_scoped3A : memref<!tpu.dma_semaphore, #tpu.memory_space<semaphore_mem>>)
      %dma_wait3A = arith.constant 0 : i32
      %dma_wait3A_54 = tpu.memref_slice %arg16[%add3A_12, %dma_wait3A] : memref<10240x128xf32, #tpu.memory_space<vmem_shared>> -> memref<128x128xf32, #tpu.memory_space<vmem_shared>>
      %dma_wait3A_55 = arith.constant 0 : i32
      %dma_wait3A_56 = tpu.memref_slice %arg16[%add3A_12, %dma_wait3A_55] : memref<10240x128xf32, #tpu.memory_space<vmem_shared>> -> memref<128x128xf32, #tpu.memory_space<vmem_shared>>
      tpu.wait_dma2 semaphore(%run_scoped3A : memref<!tpu.dma_semaphore, #tpu.memory_space<semaphore_mem>>) src(%arg12 : memref<128x128xf32, #tpu.memory_space<vmem>>) dst(%dma_wait3A_56 : memref<128x128xf32, #tpu.memory_space<vmem_shared>>)
      tpu.yield
    }) : () -> ()
    %mul3A_13 = arith.constant 640 : i32
    %mul3A_14 = arith.muli %arg1, %mul3A_13 : i32
    %add3A_15 = arith.constant 384 : i32
    %add3A_16 = arith.addi %mul3A_14, %add3A_15 : i32
    "tpu.region"() ({
      %run_scoped3A = tpu.sem_alloc : memref<!tpu.dma_semaphore, #tpu.memory_space<semaphore_mem>>
      %dma_start3A = arith.constant 0 : i32
      %dma_start3A_51 = tpu.memref_slice %arg16[%add3A_16, %dma_start3A] : memref<10240x128xf32, #tpu.memory_space<vmem_shared>> -> memref<128x128xf32, #tpu.memory_space<vmem_shared>>
      %dma_start3A_52 = arith.constant 0 : i32
      %dma_start3A_53 = tpu.memref_slice %arg16[%add3A_16, %dma_start3A_52] : memref<10240x128xf32, #tpu.memory_space<vmem_shared>> -> memref<128x128xf32, #tpu.memory_space<vmem_shared>>
      tpu.enqueue_dma source(%arg12 : memref<128x128xf32, #tpu.memory_space<vmem>>) target(%dma_start3A_53 : memref<128x128xf32, #tpu.memory_space<vmem_shared>>) target_semaphore(%run_scoped3A : memref<!tpu.dma_semaphore, #tpu.memory_space<semaphore_mem>>)
      %dma_wait3A = arith.constant 0 : i32
      %dma_wait3A_54 = tpu.memref_slice %arg16[%add3A_16, %dma_wait3A] : memref<10240x128xf32, #tpu.memory_space<vmem_shared>> -> memref<128x128xf32, #tpu.memory_space<vmem_shared>>
      %dma_wait3A_55 = arith.constant 0 : i32
      %dma_wait3A_56 = tpu.memref_slice %arg16[%add3A_16, %dma_wait3A_55] : memref<10240x128xf32, #tpu.memory_space<vmem_shared>> -> memref<128x128xf32, #tpu.memory_space<vmem_shared>>
      tpu.wait_dma2 semaphore(%run_scoped3A : memref<!tpu.dma_semaphore, #tpu.memory_space<semaphore_mem>>) src(%arg12 : memref<128x128xf32, #tpu.memory_space<vmem>>) dst(%dma_wait3A_56 : memref<128x128xf32, #tpu.memory_space<vmem_shared>>)
      tpu.yield
    }) : () -> ()
    %mul3A_17 = arith.constant 640 : i32
    %mul3A_18 = arith.muli %arg1, %mul3A_17 : i32
    %add3A_19 = arith.constant 512 : i32
    %add3A_20 = arith.addi %mul3A_18, %add3A_19 : i32
    "tpu.region"() ({
      %run_scoped3A = tpu.sem_alloc : memref<!tpu.dma_semaphore, #tpu.memory_space<semaphore_mem>>
      %dma_start3A = arith.constant 0 : i32
      %dma_start3A_51 = tpu.memref_slice %arg16[%add3A_20, %dma_start3A] : memref<10240x128xf32, #tpu.memory_space<vmem_shared>> -> memref<128x128xf32, #tpu.memory_space<vmem_shared>>
      %dma_start3A_52 = arith.constant 0 : i32
      %dma_start3A_53 = tpu.memref_slice %arg16[%add3A_20, %dma_start3A_52] : memref<10240x128xf32, #tpu.memory_space<vmem_shared>> -> memref<128x128xf32, #tpu.memory_space<vmem_shared>>
      tpu.enqueue_dma source(%arg12 : memref<128x128xf32, #tpu.memory_space<vmem>>) target(%dma_start3A_53 : memref<128x128xf32, #tpu.memory_space<vmem_shared>>) target_semaphore(%run_scoped3A : memref<!tpu.dma_semaphore, #tpu.memory_space<semaphore_mem>>)
      %dma_wait3A = arith.constant 0 : i32
      %dma_wait3A_54 = tpu.memref_slice %arg16[%add3A_20, %dma_wait3A] : memref<10240x128xf32, #tpu.memory_space<vmem_shared>> -> memref<128x128xf32, #tpu.memory_space<vmem_shared>>
      %dma_wait3A_55 = arith.constant 0 : i32
      %dma_wait3A_56 = tpu.memref_slice %arg16[%add3A_20, %dma_wait3A_55] : memref<10240x128xf32, #tpu.memory_space<vmem_shared>> -> memref<128x128xf32, #tpu.memory_space<vmem_shared>>
      tpu.wait_dma2 semaphore(%run_scoped3A : memref<!tpu.dma_semaphore, #tpu.memory_space<semaphore_mem>>) src(%arg12 : memref<128x128xf32, #tpu.memory_space<vmem>>) dst(%dma_wait3A_56 : memref<128x128xf32, #tpu.memory_space<vmem_shared>>)
      tpu.yield
    }) : () -> ()
    %mul3A_21 = arith.constant 640 : i32
    %mul3A_22 = arith.muli %arg1, %mul3A_21 : i32
    "tpu.region"() ({
      %run_scoped3A = tpu.sem_alloc : memref<!tpu.dma_semaphore, #tpu.memory_space<semaphore_mem>>
      %dma_start3A = tpu.memref_slice %arg17[%mul3A_22] : memref<10240xf32, #tpu.memory_space<vmem_shared>> -> memref<640xf32, #tpu.memory_space<vmem_shared>>
      %dma_start3A_51 = tpu.memref_slice %arg17[%mul3A_22] : memref<10240xf32, #tpu.memory_space<vmem_shared>> -> memref<640xf32, #tpu.memory_space<vmem_shared>>
      tpu.enqueue_dma source(%arg15 : memref<640xf32, #tpu.memory_space<vmem>>) target(%dma_start3A_51 : memref<640xf32, #tpu.memory_space<vmem_shared>>) target_semaphore(%run_scoped3A : memref<!tpu.dma_semaphore, #tpu.memory_space<semaphore_mem>>)
      %dma_wait3A = tpu.memref_slice %arg17[%mul3A_22] : memref<10240xf32, #tpu.memory_space<vmem_shared>> -> memref<640xf32, #tpu.memory_space<vmem_shared>>
      %dma_wait3A_52 = tpu.memref_slice %arg17[%mul3A_22] : memref<10240xf32, #tpu.memory_space<vmem_shared>> -> memref<640xf32, #tpu.memory_space<vmem_shared>>
      tpu.wait_dma2 semaphore(%run_scoped3A : memref<!tpu.dma_semaphore, #tpu.memory_space<semaphore_mem>>) src(%arg15 : memref<640xf32, #tpu.memory_space<vmem>>) dst(%dma_wait3A_52 : memref<640xf32, #tpu.memory_space<vmem_shared>>)
      tpu.yield
    }) : () -> ()
    %barrier3A = arith.constant 0 : index
    tpu.barrier barrier_id(%barrier3A)
    %scan3A = arith.constant 0 : i32
    %scan3A_23 = arith.constant 0 : i32
    %scan3A_24 = arith.constant 5 : i32
    %scan3A_25 = arith.addi %scan3A_23, %scan3A_24 : i32
    %scan3A_26 = arith.constant 1 : i32
    scf.for %scan3A_51 = %scan3A_23 to %scan3A_25 step %scan3A_26  : i32 {
      %mul3A_52 = arith.constant 16 : i32
      %mul3A_53 = arith.muli %scan3A_51, %mul3A_52 : i32
      "tpu.region"() ({
        %run_scoped3A_485 = tpu.sem_alloc : memref<!tpu.dma_semaphore, #tpu.memory_space<semaphore_mem>>
        %dma_start3A_486 = arith.constant 0 : i32
        %dma_start3A_487 = tpu.memref_slice %arg3[%add3A, %mul3A_53, %dma_start3A_486] : memref<32x80x128xi32, #tpu.memory_space<hbm>> -> memref<1x16x128xi32, #tpu.memory_space<hbm>>
        %dma_start3A_488 = tpu.memref_squeeze %dma_start3A_487 : memref<1x16x128xi32, #tpu.memory_space<hbm>> -> memref<16x128xi32, #tpu.memory_space<hbm>>
        %dma_start3A_489 = arith.constant 0 : i32
        %dma_start3A_490 = tpu.memref_slice %arg3[%add3A, %mul3A_53, %dma_start3A_489] : memref<32x80x128xi32, #tpu.memory_space<hbm>> -> memref<1x16x128xi32, #tpu.memory_space<hbm>>
        %dma_start3A_491 = tpu.memref_squeeze %dma_start3A_490 : memref<1x16x128xi32, #tpu.memory_space<hbm>> -> memref<16x128xi32, #tpu.memory_space<hbm>>
        tpu.enqueue_dma source(%dma_start3A_491 : memref<16x128xi32, #tpu.memory_space<hbm>>) target(%arg10 : memref<16x128xi32, #tpu.memory_space<vmem>>) target_semaphore(%run_scoped3A_485 : memref<!tpu.dma_semaphore, #tpu.memory_space<semaphore_mem>>)
        %dma_wait3A_492 = arith.constant 0 : i32
        %dma_wait3A_493 = tpu.memref_slice %arg3[%add3A, %mul3A_53, %dma_wait3A_492] : memref<32x80x128xi32, #tpu.memory_space<hbm>> -> memref<1x16x128xi32, #tpu.memory_space<hbm>>
        %dma_wait3A_494 = tpu.memref_squeeze %dma_wait3A_493 : memref<1x16x128xi32, #tpu.memory_space<hbm>> -> memref<16x128xi32, #tpu.memory_space<hbm>>
        %dma_wait3A_495 = arith.constant 0 : i32
        %dma_wait3A_496 = tpu.memref_slice %arg3[%add3A, %mul3A_53, %dma_wait3A_495] : memref<32x80x128xi32, #tpu.memory_space<hbm>> -> memref<1x16x128xi32, #tpu.memory_space<hbm>>
        %dma_wait3A_497 = tpu.memref_squeeze %dma_wait3A_496 : memref<1x16x128xi32, #tpu.memory_space<hbm>> -> memref<16x128xi32, #tpu.memory_space<hbm>>
        tpu.wait_dma2 semaphore(%run_scoped3A_485 : memref<!tpu.dma_semaphore, #tpu.memory_space<semaphore_mem>>) src(%dma_wait3A_497 : memref<16x128xi32, #tpu.memory_space<hbm>>) dst(%arg10 : memref<16x128xi32, #tpu.memory_space<vmem>>)
        tpu.yield
      }) : () -> ()
      %mul3A_54 = arith.constant 16 : i32
      %mul3A_55 = arith.muli %scan3A_51, %mul3A_54 : i32
      "tpu.region"() ({
        %run_scoped3A_485 = tpu.sem_alloc : memref<!tpu.dma_semaphore, #tpu.memory_space<semaphore_mem>>
        %dma_start3A_486 = arith.constant 0 : i32
        %dma_start3A_487 = tpu.memref_slice %arg4[%add3A, %mul3A_55, %dma_start3A_486] : memref<32x80x128xi32, #tpu.memory_space<hbm>> -> memref<1x16x128xi32, #tpu.memory_space<hbm>>
        %dma_start3A_488 = tpu.memref_squeeze %dma_start3A_487 : memref<1x16x128xi32, #tpu.memory_space<hbm>> -> memref<16x128xi32, #tpu.memory_space<hbm>>
        %dma_start3A_489 = arith.constant 0 : i32
        %dma_start3A_490 = tpu.memref_slice %arg4[%add3A, %mul3A_55, %dma_start3A_489] : memref<32x80x128xi32, #tpu.memory_space<hbm>> -> memref<1x16x128xi32, #tpu.memory_space<hbm>>
        %dma_start3A_491 = tpu.memref_squeeze %dma_start3A_490 : memref<1x16x128xi32, #tpu.memory_space<hbm>> -> memref<16x128xi32, #tpu.memory_space<hbm>>
        tpu.enqueue_dma source(%dma_start3A_491 : memref<16x128xi32, #tpu.memory_space<hbm>>) target(%arg11 : memref<16x128xi32, #tpu.memory_space<vmem>>) target_semaphore(%run_scoped3A_485 : memref<!tpu.dma_semaphore, #tpu.memory_space<semaphore_mem>>)
        %dma_wait3A_492 = arith.constant 0 : i32
        %dma_wait3A_493 = tpu.memref_slice %arg4[%add3A, %mul3A_55, %dma_wait3A_492] : memref<32x80x128xi32, #tpu.memory_space<hbm>> -> memref<1x16x128xi32, #tpu.memory_space<hbm>>
        %dma_wait3A_494 = tpu.memref_squeeze %dma_wait3A_493 : memref<1x16x128xi32, #tpu.memory_space<hbm>> -> memref<16x128xi32, #tpu.memory_space<hbm>>
        %dma_wait3A_495 = arith.constant 0 : i32
        %dma_wait3A_496 = tpu.memref_slice %arg4[%add3A, %mul3A_55, %dma_wait3A_495] : memref<32x80x128xi32, #tpu.memory_space<hbm>> -> memref<1x16x128xi32, #tpu.memory_space<hbm>>
        %dma_wait3A_497 = tpu.memref_squeeze %dma_wait3A_496 : memref<1x16x128xi32, #tpu.memory_space<hbm>> -> memref<16x128xi32, #tpu.memory_space<hbm>>
        tpu.wait_dma2 semaphore(%run_scoped3A_485 : memref<!tpu.dma_semaphore, #tpu.memory_space<semaphore_mem>>) src(%dma_wait3A_497 : memref<16x128xi32, #tpu.memory_space<hbm>>) dst(%arg11 : memref<16x128xi32, #tpu.memory_space<vmem>>)
        tpu.yield
      }) : () -> ()
      %dma_start3A = arith.constant 0 : i32
      %dma_start3A_56 = arith.constant 0 : i32
      %dma_start3A_57 = tpu.memref_slice %arg10[%dma_start3A, %dma_start3A_56] : memref<16x128xi32, #tpu.memory_space<vmem>> -> memref<1x128xi32, #tpu.memory_space<vmem>>
      %dma_start3A_58 = tpu.memref_squeeze %dma_start3A_57 : memref<1x128xi32, #tpu.memory_space<vmem>> -> memref<128xi32, #tpu.memory_space<vmem>>
      %dma_start3A_59 = arith.constant 0 : i32
      %dma_start3A_60 = arith.constant 0 : i32
      %dma_start3A_61 = tpu.memref_slice %arg2[%dma_start3A_59, %dma_start3A_60] : memref<10000x128xf32, #tpu.memory_space<hbm>> -> memref<10000x128xf32, #tpu.memory_space<hbm>>
      tpu.enqueue_indirect_dma source(%dma_start3A_61 : memref<10000x128xf32, #tpu.memory_space<hbm>>) target(%arg12 : memref<128x128xf32, #tpu.memory_space<vmem>>) offsets(%dma_start3A_58 : memref<128xi32, #tpu.memory_space<vmem>>) semaphore(%arg18 : memref<!tpu.dma_semaphore, #tpu.memory_space<semaphore_mem>>)
      %dma_start3A_62 = arith.constant 1 : i32
      %dma_start3A_63 = arith.constant 0 : i32
      %dma_start3A_64 = tpu.memref_slice %arg10[%dma_start3A_62, %dma_start3A_63] : memref<16x128xi32, #tpu.memory_space<vmem>> -> memref<1x128xi32, #tpu.memory_space<vmem>>
      %dma_start3A_65 = tpu.memref_squeeze %dma_start3A_64 : memref<1x128xi32, #tpu.memory_space<vmem>> -> memref<128xi32, #tpu.memory_space<vmem>>
      %dma_start3A_66 = arith.constant 0 : i32
      %dma_start3A_67 = arith.constant 0 : i32
      %dma_start3A_68 = tpu.memref_slice %arg2[%dma_start3A_66, %dma_start3A_67] : memref<10000x128xf32, #tpu.memory_space<hbm>> -> memref<10000x128xf32, #tpu.memory_space<hbm>>
      tpu.enqueue_indirect_dma source(%dma_start3A_68 : memref<10000x128xf32, #tpu.memory_space<hbm>>) target(%arg13 : memref<128x128xf32, #tpu.memory_space<vmem>>) offsets(%dma_start3A_65 : memref<128xi32, #tpu.memory_space<vmem>>) semaphore(%arg19 : memref<!tpu.dma_semaphore, #tpu.memory_space<semaphore_mem>>)
      %dma_wait3A = arith.constant 0 : i32
      %dma_wait3A_69 = arith.constant 0 : i32
      %dma_wait3A_70 = tpu.memref_slice %arg10[%dma_wait3A, %dma_wait3A_69] : memref<16x128xi32, #tpu.memory_space<vmem>> -> memref<1x128xi32, #tpu.memory_space<vmem>>
      %dma_wait3A_71 = tpu.memref_squeeze %dma_wait3A_70 : memref<1x128xi32, #tpu.memory_space<vmem>> -> memref<128xi32, #tpu.memory_space<vmem>>
      %dma_wait3A_72 = arith.constant 0 : i32
      %dma_wait3A_73 = arith.constant 0 : i32
      %dma_wait3A_74 = tpu.memref_slice %arg2[%dma_wait3A_72, %dma_wait3A_73] : memref<10000x128xf32, #tpu.memory_space<hbm>> -> memref<10000x128xf32, #tpu.memory_space<hbm>>
      tpu.wait_indirect_dma semaphore(%arg18 : memref<!tpu.dma_semaphore, #tpu.memory_space<semaphore_mem>>) src(%dma_wait3A_74 : memref<10000x128xf32, #tpu.memory_space<hbm>>) dst(%arg12 : memref<128x128xf32, #tpu.memory_space<vmem>>)
      %dma_start3A_75 = arith.constant 0 : i32
      %dma_start3A_76 = arith.constant 0 : i32
      %dma_start3A_77 = tpu.memref_slice %arg11[%dma_start3A_75, %dma_start3A_76] : memref<16x128xi32, #tpu.memory_space<vmem>> -> memref<1x128xi32, #tpu.memory_space<vmem>>
      %dma_start3A_78 = tpu.memref_squeeze %dma_start3A_77 : memref<1x128xi32, #tpu.memory_space<vmem>> -> memref<128xi32, #tpu.memory_space<vmem>>
      %dma_start3A_79 = arith.constant 0 : i32
      %dma_start3A_80 = tpu.memref_slice %arg17[%dma_start3A_79] : memref<10240xf32, #tpu.memory_space<vmem_shared>> -> memref<10240xf32, #tpu.memory_space<vmem_shared>>
      tpu.enqueue_indirect_dma source(%arg14 : memref<128xf32, #tpu.memory_space<vmem>>) target(%dma_start3A_80 : memref<10240xf32, #tpu.memory_space<vmem_shared>>) offsets(%dma_start3A_78 : memref<128xi32, #tpu.memory_space<vmem>>) semaphore(%arg20 : memref<!tpu.dma_semaphore, #tpu.memory_space<semaphore_mem>>) {add = true}
      %run_scoped3A = arith.constant 0 : i32
      "tpu.region"() ({
        %run_scoped3A_485 = tpu.sem_alloc : memref<!tpu.dma_semaphore, #tpu.memory_space<semaphore_mem>>
        %dma_start3A_486 = arith.constant 0 : i32
        %dma_start3A_487 = tpu.memref_slice %arg11[%run_scoped3A, %dma_start3A_486] : memref<16x128xi32, #tpu.memory_space<vmem>> -> memref<1x128xi32, #tpu.memory_space<vmem>>
        %dma_start3A_488 = tpu.memref_squeeze %dma_start3A_487 : memref<1x128xi32, #tpu.memory_space<vmem>> -> memref<128xi32, #tpu.memory_space<vmem>>
        %dma_start3A_489 = arith.constant 0 : i32
        %dma_start3A_490 = arith.constant 0 : i32
        %dma_start3A_491 = tpu.memref_slice %arg16[%dma_start3A_489, %dma_start3A_490] : memref<10240x128xf32, #tpu.memory_space<vmem_shared>> -> memref<10240x128xf32, #tpu.memory_space<vmem_shared>>
        tpu.enqueue_indirect_dma source(%arg12 : memref<128x128xf32, #tpu.memory_space<vmem>>) target(%dma_start3A_491 : memref<10240x128xf32, #tpu.memory_space<vmem_shared>>) offsets(%dma_start3A_488 : memref<128xi32, #tpu.memory_space<vmem>>) semaphore(%run_scoped3A_485 : memref<!tpu.dma_semaphore, #tpu.memory_space<semaphore_mem>>) {add = true}
        %dma_wait3A_492 = arith.constant 0 : i32
        %dma_wait3A_493 = tpu.memref_slice %arg11[%run_scoped3A, %dma_wait3A_492] : memref<16x128xi32, #tpu.memory_space<vmem>> -> memref<1x128xi32, #tpu.memory_space<vmem>>
        %dma_wait3A_494 = tpu.memref_squeeze %dma_wait3A_493 : memref<1x128xi32, #tpu.memory_space<vmem>> -> memref<128xi32, #tpu.memory_space<vmem>>
        %dma_wait3A_495 = arith.constant 0 : i32
        %dma_wait3A_496 = arith.constant 0 : i32
        %dma_wait3A_497 = tpu.memref_slice %arg16[%dma_wait3A_495, %dma_wait3A_496] : memref<10240x128xf32, #tpu.memory_space<vmem_shared>> -> memref<10240x128xf32, #tpu.memory_space<vmem_shared>>
        tpu.wait_indirect_dma semaphore(%run_scoped3A_485 : memref<!tpu.dma_semaphore, #tpu.memory_space<semaphore_mem>>) src(%arg12 : memref<128x128xf32, #tpu.memory_space<vmem>>) dst(%dma_wait3A_497 : memref<10240x128xf32, #tpu.memory_space<vmem_shared>>)
        tpu.yield
      }) : () -> ()
      %dma_start3A_81 = arith.constant 2 : i32
      %dma_start3A_82 = arith.constant 0 : i32
      %dma_start3A_83 = tpu.memref_slice %arg10[%dma_start3A_81, %dma_start3A_82] : memref<16x128xi32, #tpu.memory_space<vmem>> -> memref<1x128xi32, #tpu.memory_space<vmem>>
      %dma_start3A_84 = tpu.memref_squeeze %dma_start3A_83 : memref<1x128xi32, #tpu.memory_space<vmem>> -> memref<128xi32, #tpu.memory_space<vmem>>
      %dma_start3A_85 = arith.constant 0 : i32
      %dma_start3A_86 = arith.constant 0 : i32
      %dma_start3A_87 = tpu.memref_slice %arg2[%dma_start3A_85, %dma_start3A_86] : memref<10000x128xf32, #tpu.memory_space<hbm>> -> memref<10000x128xf32, #tpu.memory_space<hbm>>
      tpu.enqueue_indirect_dma source(%dma_start3A_87 : memref<10000x128xf32, #tpu.memory_space<hbm>>) target(%arg12 : memref<128x128xf32, #tpu.memory_space<vmem>>) offsets(%dma_start3A_84 : memref<128xi32, #tpu.memory_space<vmem>>) semaphore(%arg18 : memref<!tpu.dma_semaphore, #tpu.memory_space<semaphore_mem>>)
      %dma_wait3A_88 = arith.constant 1 : i32
      %dma_wait3A_89 = arith.constant 0 : i32
      %dma_wait3A_90 = tpu.memref_slice %arg10[%dma_wait3A_88, %dma_wait3A_89] : memref<16x128xi32, #tpu.memory_space<vmem>> -> memref<1x128xi32, #tpu.memory_space<vmem>>
      %dma_wait3A_91 = tpu.memref_squeeze %dma_wait3A_90 : memref<1x128xi32, #tpu.memory_space<vmem>> -> memref<128xi32, #tpu.memory_space<vmem>>
      %dma_wait3A_92 = arith.constant 0 : i32
      %dma_wait3A_93 = arith.constant 0 : i32
      %dma_wait3A_94 = tpu.memref_slice %arg2[%dma_wait3A_92, %dma_wait3A_93] : memref<10000x128xf32, #tpu.memory_space<hbm>> -> memref<10000x128xf32, #tpu.memory_space<hbm>>
      tpu.wait_indirect_dma semaphore(%arg19 : memref<!tpu.dma_semaphore, #tpu.memory_space<semaphore_mem>>) src(%dma_wait3A_94 : memref<10000x128xf32, #tpu.memory_space<hbm>>) dst(%arg13 : memref<128x128xf32, #tpu.memory_space<vmem>>)
      %dma_wait3A_95 = arith.constant 0 : i32
      %dma_wait3A_96 = arith.constant 0 : i32
      %dma_wait3A_97 = tpu.memref_slice %arg11[%dma_wait3A_95, %dma_wait3A_96] : memref<16x128xi32, #tpu.memory_space<vmem>> -> memref<1x128xi32, #tpu.memory_space<vmem>>
      %dma_wait3A_98 = tpu.memref_squeeze %dma_wait3A_97 : memref<1x128xi32, #tpu.memory_space<vmem>> -> memref<128xi32, #tpu.memory_space<vmem>>
      %dma_wait3A_99 = arith.constant 0 : i32
      %dma_wait3A_100 = tpu.memref_slice %arg17[%dma_wait3A_99] : memref<10240xf32, #tpu.memory_space<vmem_shared>> -> memref<10240xf32, #tpu.memory_space<vmem_shared>>
      tpu.wait_indirect_dma semaphore(%arg20 : memref<!tpu.dma_semaphore, #tpu.memory_space<semaphore_mem>>) src(%arg14 : memref<128xf32, #tpu.memory_space<vmem>>) dst(%dma_wait3A_100 : memref<10240xf32, #tpu.memory_space<vmem_shared>>)
      %dma_start3A_101 = arith.constant 1 : i32
      %dma_start3A_102 = arith.constant 0 : i32
      %dma_start3A_103 = tpu.memref_slice %arg11[%dma_start3A_101, %dma_start3A_102] : memref<16x128xi32, #tpu.memory_space<vmem>> -> memref<1x128xi32, #tpu.memory_space<vmem>>
      %dma_start3A_104 = tpu.memref_squeeze %dma_start3A_103 : memref<1x128xi32, #tpu.memory_space<vmem>> -> memref<128xi32, #tpu.memory_space<vmem>>
      %dma_start3A_105 = arith.constant 0 : i32
      %dma_start3A_106 = tpu.memref_slice %arg17[%dma_start3A_105] : memref<10240xf32, #tpu.memory_space<vmem_shared>> -> memref<10240xf32, #tpu.memory_space<vmem_shared>>
      tpu.enqueue_indirect_dma source(%arg14 : memref<128xf32, #tpu.memory_space<vmem>>) target(%dma_start3A_106 : memref<10240xf32, #tpu.memory_space<vmem_shared>>) offsets(%dma_start3A_104 : memref<128xi32, #tpu.memory_space<vmem>>) semaphore(%arg20 : memref<!tpu.dma_semaphore, #tpu.memory_space<semaphore_mem>>) {add = true}
      %run_scoped3A_107 = arith.constant 1 : i32
      "tpu.region"() ({
        %run_scoped3A_485 = tpu.sem_alloc : memref<!tpu.dma_semaphore, #tpu.memory_space<semaphore_mem>>
        %dma_start3A_486 = arith.constant 0 : i32
        %dma_start3A_487 = tpu.memref_slice %arg11[%run_scoped3A_107, %dma_start3A_486] : memref<16x128xi32, #tpu.memory_space<vmem>> -> memref<1x128xi32, #tpu.memory_space<vmem>>
        %dma_start3A_488 = tpu.memref_squeeze %dma_start3A_487 : memref<1x128xi32, #tpu.memory_space<vmem>> -> memref<128xi32, #tpu.memory_space<vmem>>
        %dma_start3A_489 = arith.constant 0 : i32
        %dma_start3A_490 = arith.constant 0 : i32
        %dma_start3A_491 = tpu.memref_slice %arg16[%dma_start3A_489, %dma_start3A_490] : memref<10240x128xf32, #tpu.memory_space<vmem_shared>> -> memref<10240x128xf32, #tpu.memory_space<vmem_shared>>
        tpu.enqueue_indirect_dma source(%arg13 : memref<128x128xf32, #tpu.memory_space<vmem>>) target(%dma_start3A_491 : memref<10240x128xf32, #tpu.memory_space<vmem_shared>>) offsets(%dma_start3A_488 : memref<128xi32, #tpu.memory_space<vmem>>) semaphore(%run_scoped3A_485 : memref<!tpu.dma_semaphore, #tpu.memory_space<semaphore_mem>>) {add = true}
        %dma_wait3A_492 = arith.constant 0 : i32
        %dma_wait3A_493 = tpu.memref_slice %arg11[%run_scoped3A_107, %dma_wait3A_492] : memref<16x128xi32, #tpu.memory_space<vmem>> -> memref<1x128xi32, #tpu.memory_space<vmem>>
        %dma_wait3A_494 = tpu.memref_squeeze %dma_wait3A_493 : memref<1x128xi32, #tpu.memory_space<vmem>> -> memref<128xi32, #tpu.memory_space<vmem>>
        %dma_wait3A_495 = arith.constant 0 : i32
        %dma_wait3A_496 = arith.constant 0 : i32
        %dma_wait3A_497 = tpu.memref_slice %arg16[%dma_wait3A_495, %dma_wait3A_496] : memref<10240x128xf32, #tpu.memory_space<vmem_shared>> -> memref<10240x128xf32, #tpu.memory_space<vmem_shared>>
        tpu.wait_indirect_dma semaphore(%run_scoped3A_485 : memref<!tpu.dma_semaphore, #tpu.memory_space<semaphore_mem>>) src(%arg13 : memref<128x128xf32, #tpu.memory_space<vmem>>) dst(%dma_wait3A_497 : memref<10240x128xf32, #tpu.memory_space<vmem_shared>>)
        tpu.yield
      }) : () -> ()
      %dma_start3A_108 = arith.constant 3 : i32
      %dma_start3A_109 = arith.constant 0 : i32
      %dma_start3A_110 = tpu.memref_slice %arg10[%dma_start3A_108, %dma_start3A_109] : memref<16x128xi32, #tpu.memory_space<vmem>> -> memref<1x128xi32, #tpu.memory_space<vmem>>
      %dma_start3A_111 = tpu.memref_squeeze %dma_start3A_110 : memref<1x128xi32, #tpu.memory_space<vmem>> -> memref<128xi32, #tpu.memory_space<vmem>>
      %dma_start3A_112 = arith.constant 0 : i32
      %dma_start3A_113 = arith.constant 0 : i32
      %dma_start3A_114 = tpu.memref_slice %arg2[%dma_start3A_112, %dma_start3A_113] : memref<10000x128xf32, #tpu.memory_space<hbm>> -> memref<10000x128xf32, #tpu.memory_space<hbm>>
      tpu.enqueue_indirect_dma source(%dma_start3A_114 : memref<10000x128xf32, #tpu.memory_space<hbm>>) target(%arg13 : memref<128x128xf32, #tpu.memory_space<vmem>>) offsets(%dma_start3A_111 : memref<128xi32, #tpu.memory_space<vmem>>) semaphore(%arg19 : memref<!tpu.dma_semaphore, #tpu.memory_space<semaphore_mem>>)
      %dma_wait3A_115 = arith.constant 2 : i32
      %dma_wait3A_116 = arith.constant 0 : i32
      %dma_wait3A_117 = tpu.memref_slice %arg10[%dma_wait3A_115, %dma_wait3A_116] : memref<16x128xi32, #tpu.memory_space<vmem>> -> memref<1x128xi32, #tpu.memory_space<vmem>>
      %dma_wait3A_118 = tpu.memref_squeeze %dma_wait3A_117 : memref<1x128xi32, #tpu.memory_space<vmem>> -> memref<128xi32, #tpu.memory_space<vmem>>
      %dma_wait3A_119 = arith.constant 0 : i32
      %dma_wait3A_120 = arith.constant 0 : i32
      %dma_wait3A_121 = tpu.memref_slice %arg2[%dma_wait3A_119, %dma_wait3A_120] : memref<10000x128xf32, #tpu.memory_space<hbm>> -> memref<10000x128xf32, #tpu.memory_space<hbm>>
      tpu.wait_indirect_dma semaphore(%arg18 : memref<!tpu.dma_semaphore, #tpu.memory_space<semaphore_mem>>) src(%dma_wait3A_121 : memref<10000x128xf32, #tpu.memory_space<hbm>>) dst(%arg12 : memref<128x128xf32, #tpu.memory_space<vmem>>)
      %dma_wait3A_122 = arith.constant 1 : i32
      %dma_wait3A_123 = arith.constant 0 : i32
      %dma_wait3A_124 = tpu.memref_slice %arg11[%dma_wait3A_122, %dma_wait3A_123] : memref<16x128xi32, #tpu.memory_space<vmem>> -> memref<1x128xi32, #tpu.memory_space<vmem>>
      %dma_wait3A_125 = tpu.memref_squeeze %dma_wait3A_124 : memref<1x128xi32, #tpu.memory_space<vmem>> -> memref<128xi32, #tpu.memory_space<vmem>>
      %dma_wait3A_126 = arith.constant 0 : i32
      %dma_wait3A_127 = tpu.memref_slice %arg17[%dma_wait3A_126] : memref<10240xf32, #tpu.memory_space<vmem_shared>> -> memref<10240xf32, #tpu.memory_space<vmem_shared>>
      tpu.wait_indirect_dma semaphore(%arg20 : memref<!tpu.dma_semaphore, #tpu.memory_space<semaphore_mem>>) src(%arg14 : memref<128xf32, #tpu.memory_space<vmem>>) dst(%dma_wait3A_127 : memref<10240xf32, #tpu.memory_space<vmem_shared>>)
      %dma_start3A_128 = arith.constant 2 : i32
      %dma_start3A_129 = arith.constant 0 : i32
      %dma_start3A_130 = tpu.memref_slice %arg11[%dma_start3A_128, %dma_start3A_129] : memref<16x128xi32, #tpu.memory_space<vmem>> -> memref<1x128xi32, #tpu.memory_space<vmem>>
      %dma_start3A_131 = tpu.memref_squeeze %dma_start3A_130 : memref<1x128xi32, #tpu.memory_space<vmem>> -> memref<128xi32, #tpu.memory_space<vmem>>
      %dma_start3A_132 = arith.constant 0 : i32
      %dma_start3A_133 = tpu.memref_slice %arg17[%dma_start3A_132] : memref<10240xf32, #tpu.memory_space<vmem_shared>> -> memref<10240xf32, #tpu.memory_space<vmem_shared>>
      tpu.enqueue_indirect_dma source(%arg14 : memref<128xf32, #tpu.memory_space<vmem>>) target(%dma_start3A_133 : memref<10240xf32, #tpu.memory_space<vmem_shared>>) offsets(%dma_start3A_131 : memref<128xi32, #tpu.memory_space<vmem>>) semaphore(%arg20 : memref<!tpu.dma_semaphore, #tpu.memory_space<semaphore_mem>>) {add = true}
      %run_scoped3A_134 = arith.constant 2 : i32
      "tpu.region"() ({
        %run_scoped3A_485 = tpu.sem_alloc : memref<!tpu.dma_semaphore, #tpu.memory_space<semaphore_mem>>
        %dma_start3A_486 = arith.constant 0 : i32
        %dma_start3A_487 = tpu.memref_slice %arg11[%run_scoped3A_134, %dma_start3A_486] : memref<16x128xi32, #tpu.memory_space<vmem>> -> memref<1x128xi32, #tpu.memory_space<vmem>>
        %dma_start3A_488 = tpu.memref_squeeze %dma_start3A_487 : memref<1x128xi32, #tpu.memory_space<vmem>> -> memref<128xi32, #tpu.memory_space<vmem>>
        %dma_start3A_489 = arith.constant 0 : i32
        %dma_start3A_490 = arith.constant 0 : i32
        %dma_start3A_491 = tpu.memref_slice %arg16[%dma_start3A_489, %dma_start3A_490] : memref<10240x128xf32, #tpu.memory_space<vmem_shared>> -> memref<10240x128xf32, #tpu.memory_space<vmem_shared>>
        tpu.enqueue_indirect_dma source(%arg12 : memref<128x128xf32, #tpu.memory_space<vmem>>) target(%dma_start3A_491 : memref<10240x128xf32, #tpu.memory_space<vmem_shared>>) offsets(%dma_start3A_488 : memref<128xi32, #tpu.memory_space<vmem>>) semaphore(%run_scoped3A_485 : memref<!tpu.dma_semaphore, #tpu.memory_space<semaphore_mem>>) {add = true}
        %dma_wait3A_492 = arith.constant 0 : i32
        %dma_wait3A_493 = tpu.memref_slice %arg11[%run_scoped3A_134, %dma_wait3A_492] : memref<16x128xi32, #tpu.memory_space<vmem>> -> memref<1x128xi32, #tpu.memory_space<vmem>>
        %dma_wait3A_494 = tpu.memref_squeeze %dma_wait3A_493 : memref<1x128xi32, #tpu.memory_space<vmem>> -> memref<128xi32, #tpu.memory_space<vmem>>
        %dma_wait3A_495 = arith.constant 0 : i32
        %dma_wait3A_496 = arith.constant 0 : i32
        %dma_wait3A_497 = tpu.memref_slice %arg16[%dma_wait3A_495, %dma_wait3A_496] : memref<10240x128xf32, #tpu.memory_space<vmem_shared>> -> memref<10240x128xf32, #tpu.memory_space<vmem_shared>>
        tpu.wait_indirect_dma semaphore(%run_scoped3A_485 : memref<!tpu.dma_semaphore, #tpu.memory_space<semaphore_mem>>) src(%arg12 : memref<128x128xf32, #tpu.memory_space<vmem>>) dst(%dma_wait3A_497 : memref<10240x128xf32, #tpu.memory_space<vmem_shared>>)
        tpu.yield
      }) : () -> ()
      %dma_start3A_135 = arith.constant 4 : i32
      %dma_start3A_136 = arith.constant 0 : i32
      %dma_start3A_137 = tpu.memref_slice %arg10[%dma_start3A_135, %dma_start3A_136] : memref<16x128xi32, #tpu.memory_space<vmem>> -> memref<1x128xi32, #tpu.memory_space<vmem>>
      %dma_start3A_138 = tpu.memref_squeeze %dma_start3A_137 : memref<1x128xi32, #tpu.memory_space<vmem>> -> memref<128xi32, #tpu.memory_space<vmem>>
      %dma_start3A_139 = arith.constant 0 : i32
      %dma_start3A_140 = arith.constant 0 : i32
      %dma_start3A_141 = tpu.memref_slice %arg2[%dma_start3A_139, %dma_start3A_140] : memref<10000x128xf32, #tpu.memory_space<hbm>> -> memref<10000x128xf32, #tpu.memory_space<hbm>>
      tpu.enqueue_indirect_dma source(%dma_start3A_141 : memref<10000x128xf32, #tpu.memory_space<hbm>>) target(%arg12 : memref<128x128xf32, #tpu.memory_space<vmem>>) offsets(%dma_start3A_138 : memref<128xi32, #tpu.memory_space<vmem>>) semaphore(%arg18 : memref<!tpu.dma_semaphore, #tpu.memory_space<semaphore_mem>>)
      %dma_wait3A_142 = arith.constant 3 : i32
      %dma_wait3A_143 = arith.constant 0 : i32
      %dma_wait3A_144 = tpu.memref_slice %arg10[%dma_wait3A_142, %dma_wait3A_143] : memref<16x128xi32, #tpu.memory_space<vmem>> -> memref<1x128xi32, #tpu.memory_space<vmem>>
      %dma_wait3A_145 = tpu.memref_squeeze %dma_wait3A_144 : memref<1x128xi32, #tpu.memory_space<vmem>> -> memref<128xi32, #tpu.memory_space<vmem>>
      %dma_wait3A_146 = arith.constant 0 : i32
      %dma_wait3A_147 = arith.constant 0 : i32
      %dma_wait3A_148 = tpu.memref_slice %arg2[%dma_wait3A_146, %dma_wait3A_147] : memref<10000x128xf32, #tpu.memory_space<hbm>> -> memref<10000x128xf32, #tpu.memory_space<hbm>>
      tpu.wait_indirect_dma semaphore(%arg19 : memref<!tpu.dma_semaphore, #tpu.memory_space<semaphore_mem>>) src(%dma_wait3A_148 : memref<10000x128xf32, #tpu.memory_space<hbm>>) dst(%arg13 : memref<128x128xf32, #tpu.memory_space<vmem>>)
      %dma_wait3A_149 = arith.constant 2 : i32
      %dma_wait3A_150 = arith.constant 0 : i32
      %dma_wait3A_151 = tpu.memref_slice %arg11[%dma_wait3A_149, %dma_wait3A_150] : memref<16x128xi32, #tpu.memory_space<vmem>> -> memref<1x128xi32, #tpu.memory_space<vmem>>
      %dma_wait3A_152 = tpu.memref_squeeze %dma_wait3A_151 : memref<1x128xi32, #tpu.memory_space<vmem>> -> memref<128xi32, #tpu.memory_space<vmem>>
      %dma_wait3A_153 = arith.constant 0 : i32
      %dma_wait3A_154 = tpu.memref_slice %arg17[%dma_wait3A_153] : memref<10240xf32, #tpu.memory_space<vmem_shared>> -> memref<10240xf32, #tpu.memory_space<vmem_shared>>
      tpu.wait_indirect_dma semaphore(%arg20 : memref<!tpu.dma_semaphore, #tpu.memory_space<semaphore_mem>>) src(%arg14 : memref<128xf32, #tpu.memory_space<vmem>>) dst(%dma_wait3A_154 : memref<10240xf32, #tpu.memory_space<vmem_shared>>)
      %dma_start3A_155 = arith.constant 3 : i32
      %dma_start3A_156 = arith.constant 0 : i32
      %dma_start3A_157 = tpu.memref_slice %arg11[%dma_start3A_155, %dma_start3A_156] : memref<16x128xi32, #tpu.memory_space<vmem>> -> memref<1x128xi32, #tpu.memory_space<vmem>>
      %dma_start3A_158 = tpu.memref_squeeze %dma_start3A_157 : memref<1x128xi32, #tpu.memory_space<vmem>> -> memref<128xi32, #tpu.memory_space<vmem>>
      %dma_start3A_159 = arith.constant 0 : i32
      %dma_start3A_160 = tpu.memref_slice %arg17[%dma_start3A_159] : memref<10240xf32, #tpu.memory_space<vmem_shared>> -> memref<10240xf32, #tpu.memory_space<vmem_shared>>
      tpu.enqueue_indirect_dma source(%arg14 : memref<128xf32, #tpu.memory_space<vmem>>) target(%dma_start3A_160 : memref<10240xf32, #tpu.memory_space<vmem_shared>>) offsets(%dma_start3A_158 : memref<128xi32, #tpu.memory_space<vmem>>) semaphore(%arg20 : memref<!tpu.dma_semaphore, #tpu.memory_space<semaphore_mem>>) {add = true}
      %run_scoped3A_161 = arith.constant 3 : i32
      "tpu.region"() ({
        %run_scoped3A_485 = tpu.sem_alloc : memref<!tpu.dma_semaphore, #tpu.memory_space<semaphore_mem>>
        %dma_start3A_486 = arith.constant 0 : i32
        %dma_start3A_487 = tpu.memref_slice %arg11[%run_scoped3A_161, %dma_start3A_486] : memref<16x128xi32, #tpu.memory_space<vmem>> -> memref<1x128xi32, #tpu.memory_space<vmem>>
        %dma_start3A_488 = tpu.memref_squeeze %dma_start3A_487 : memref<1x128xi32, #tpu.memory_space<vmem>> -> memref<128xi32, #tpu.memory_space<vmem>>
        %dma_start3A_489 = arith.constant 0 : i32
        %dma_start3A_490 = arith.constant 0 : i32
        %dma_start3A_491 = tpu.memref_slice %arg16[%dma_start3A_489, %dma_start3A_490] : memref<10240x128xf32, #tpu.memory_space<vmem_shared>> -> memref<10240x128xf32, #tpu.memory_space<vmem_shared>>
        tpu.enqueue_indirect_dma source(%arg13 : memref<128x128xf32, #tpu.memory_space<vmem>>) target(%dma_start3A_491 : memref<10240x128xf32, #tpu.memory_space<vmem_shared>>) offsets(%dma_start3A_488 : memref<128xi32, #tpu.memory_space<vmem>>) semaphore(%run_scoped3A_485 : memref<!tpu.dma_semaphore, #tpu.memory_space<semaphore_mem>>) {add = true}
        %dma_wait3A_492 = arith.constant 0 : i32
        %dma_wait3A_493 = tpu.memref_slice %arg11[%run_scoped3A_161, %dma_wait3A_492] : memref<16x128xi32, #tpu.memory_space<vmem>> -> memref<1x128xi32, #tpu.memory_space<vmem>>
        %dma_wait3A_494 = tpu.memref_squeeze %dma_wait3A_493 : memref<1x128xi32, #tpu.memory_space<vmem>> -> memref<128xi32, #tpu.memory_space<vmem>>
        %dma_wait3A_495 = arith.constant 0 : i32
        %dma_wait3A_496 = arith.constant 0 : i32
        %dma_wait3A_497 = tpu.memref_slice %arg16[%dma_wait3A_495, %dma_wait3A_496] : memref<10240x128xf32, #tpu.memory_space<vmem_shared>> -> memref<10240x128xf32, #tpu.memory_space<vmem_shared>>
        tpu.wait_indirect_dma semaphore(%run_scoped3A_485 : memref<!tpu.dma_semaphore, #tpu.memory_space<semaphore_mem>>) src(%arg13 : memref<128x128xf32, #tpu.memory_space<vmem>>) dst(%dma_wait3A_497 : memref<10240x128xf32, #tpu.memory_space<vmem_shared>>)
        tpu.yield
      }) : () -> ()
      %dma_start3A_162 = arith.constant 5 : i32
      %dma_start3A_163 = arith.constant 0 : i32
      %dma_start3A_164 = tpu.memref_slice %arg10[%dma_start3A_162, %dma_start3A_163] : memref<16x128xi32, #tpu.memory_space<vmem>> -> memref<1x128xi32, #tpu.memory_space<vmem>>
      %dma_start3A_165 = tpu.memref_squeeze %dma_start3A_164 : memref<1x128xi32, #tpu.memory_space<vmem>> -> memref<128xi32, #tpu.memory_space<vmem>>
      %dma_start3A_166 = arith.constant 0 : i32
      %dma_start3A_167 = arith.constant 0 : i32
      %dma_start3A_168 = tpu.memref_slice %arg2[%dma_start3A_166, %dma_start3A_167] : memref<10000x128xf32, #tpu.memory_space<hbm>> -> memref<10000x128xf32, #tpu.memory_space<hbm>>
      tpu.enqueue_indirect_dma source(%dma_start3A_168 : memref<10000x128xf32, #tpu.memory_space<hbm>>) target(%arg13 : memref<128x128xf32, #tpu.memory_space<vmem>>) offsets(%dma_start3A_165 : memref<128xi32, #tpu.memory_space<vmem>>) semaphore(%arg19 : memref<!tpu.dma_semaphore, #tpu.memory_space<semaphore_mem>>)
      %dma_wait3A_169 = arith.constant 4 : i32
      %dma_wait3A_170 = arith.constant 0 : i32
      %dma_wait3A_171 = tpu.memref_slice %arg10[%dma_wait3A_169, %dma_wait3A_170] : memref<16x128xi32, #tpu.memory_space<vmem>> -> memref<1x128xi32, #tpu.memory_space<vmem>>
      %dma_wait3A_172 = tpu.memref_squeeze %dma_wait3A_171 : memref<1x128xi32, #tpu.memory_space<vmem>> -> memref<128xi32, #tpu.memory_space<vmem>>
      %dma_wait3A_173 = arith.constant 0 : i32
      %dma_wait3A_174 = arith.constant 0 : i32
      %dma_wait3A_175 = tpu.memref_slice %arg2[%dma_wait3A_173, %dma_wait3A_174] : memref<10000x128xf32, #tpu.memory_space<hbm>> -> memref<10000x128xf32, #tpu.memory_space<hbm>>
      tpu.wait_indirect_dma semaphore(%arg18 : memref<!tpu.dma_semaphore, #tpu.memory_space<semaphore_mem>>) src(%dma_wait3A_175 : memref<10000x128xf32, #tpu.memory_space<hbm>>) dst(%arg12 : memref<128x128xf32, #tpu.memory_space<vmem>>)
      %dma_wait3A_176 = arith.constant 3 : i32
      %dma_wait3A_177 = arith.constant 0 : i32
      %dma_wait3A_178 = tpu.memref_slice %arg11[%dma_wait3A_176, %dma_wait3A_177] : memref<16x128xi32, #tpu.memory_space<vmem>> -> memref<1x128xi32, #tpu.memory_space<vmem>>
      %dma_wait3A_179 = tpu.memref_squeeze %dma_wait3A_178 : memref<1x128xi32, #tpu.memory_space<vmem>> -> memref<128xi32, #tpu.memory_space<vmem>>
      %dma_wait3A_180 = arith.constant 0 : i32
      %dma_wait3A_181 = tpu.memref_slice %arg17[%dma_wait3A_180] : memref<10240xf32, #tpu.memory_space<vmem_shared>> -> memref<10240xf32, #tpu.memory_space<vmem_shared>>
      tpu.wait_indirect_dma semaphore(%arg20 : memref<!tpu.dma_semaphore, #tpu.memory_space<semaphore_mem>>) src(%arg14 : memref<128xf32, #tpu.memory_space<vmem>>) dst(%dma_wait3A_181 : memref<10240xf32, #tpu.memory_space<vmem_shared>>)
      %dma_start3A_182 = arith.constant 4 : i32
      %dma_start3A_183 = arith.constant 0 : i32
      %dma_start3A_184 = tpu.memref_slice %arg11[%dma_start3A_182, %dma_start3A_183] : memref<16x128xi32, #tpu.memory_space<vmem>> -> memref<1x128xi32, #tpu.memory_space<vmem>>
      %dma_start3A_185 = tpu.memref_squeeze %dma_start3A_184 : memref<1x128xi32, #tpu.memory_space<vmem>> -> memref<128xi32, #tpu.memory_space<vmem>>
      %dma_start3A_186 = arith.constant 0 : i32
      %dma_start3A_187 = tpu.memref_slice %arg17[%dma_start3A_186] : memref<10240xf32, #tpu.memory_space<vmem_shared>> -> memref<10240xf32, #tpu.memory_space<vmem_shared>>
      tpu.enqueue_indirect_dma source(%arg14 : memref<128xf32, #tpu.memory_space<vmem>>) target(%dma_start3A_187 : memref<10240xf32, #tpu.memory_space<vmem_shared>>) offsets(%dma_start3A_185 : memref<128xi32, #tpu.memory_space<vmem>>) semaphore(%arg20 : memref<!tpu.dma_semaphore, #tpu.memory_space<semaphore_mem>>) {add = true}
      %run_scoped3A_188 = arith.constant 4 : i32
      "tpu.region"() ({
        %run_scoped3A_485 = tpu.sem_alloc : memref<!tpu.dma_semaphore, #tpu.memory_space<semaphore_mem>>
        %dma_start3A_486 = arith.constant 0 : i32
        %dma_start3A_487 = tpu.memref_slice %arg11[%run_scoped3A_188, %dma_start3A_486] : memref<16x128xi32, #tpu.memory_space<vmem>> -> memref<1x128xi32, #tpu.memory_space<vmem>>
        %dma_start3A_488 = tpu.memref_squeeze %dma_start3A_487 : memref<1x128xi32, #tpu.memory_space<vmem>> -> memref<128xi32, #tpu.memory_space<vmem>>
        %dma_start3A_489 = arith.constant 0 : i32
        %dma_start3A_490 = arith.constant 0 : i32
        %dma_start3A_491 = tpu.memref_slice %arg16[%dma_start3A_489, %dma_start3A_490] : memref<10240x128xf32, #tpu.memory_space<vmem_shared>> -> memref<10240x128xf32, #tpu.memory_space<vmem_shared>>
        tpu.enqueue_indirect_dma source(%arg12 : memref<128x128xf32, #tpu.memory_space<vmem>>) target(%dma_start3A_491 : memref<10240x128xf32, #tpu.memory_space<vmem_shared>>) offsets(%dma_start3A_488 : memref<128xi32, #tpu.memory_space<vmem>>) semaphore(%run_scoped3A_485 : memref<!tpu.dma_semaphore, #tpu.memory_space<semaphore_mem>>) {add = true}
        %dma_wait3A_492 = arith.constant 0 : i32
        %dma_wait3A_493 = tpu.memref_slice %arg11[%run_scoped3A_188, %dma_wait3A_492] : memref<16x128xi32, #tpu.memory_space<vmem>> -> memref<1x128xi32, #tpu.memory_space<vmem>>
        %dma_wait3A_494 = tpu.memref_squeeze %dma_wait3A_493 : memref<1x128xi32, #tpu.memory_space<vmem>> -> memref<128xi32, #tpu.memory_space<vmem>>
        %dma_wait3A_495 = arith.constant 0 : i32
        %dma_wait3A_496 = arith.constant 0 : i32
        %dma_wait3A_497 = tpu.memref_slice %arg16[%dma_wait3A_495, %dma_wait3A_496] : memref<10240x128xf32, #tpu.memory_space<vmem_shared>> -> memref<10240x128xf32, #tpu.memory_space<vmem_shared>>
        tpu.wait_indirect_dma semaphore(%run_scoped3A_485 : memref<!tpu.dma_semaphore, #tpu.memory_space<semaphore_mem>>) src(%arg12 : memref<128x128xf32, #tpu.memory_space<vmem>>) dst(%dma_wait3A_497 : memref<10240x128xf32, #tpu.memory_space<vmem_shared>>)
        tpu.yield
      }) : () -> ()
      %dma_start3A_189 = arith.constant 6 : i32
      %dma_start3A_190 = arith.constant 0 : i32
      %dma_start3A_191 = tpu.memref_slice %arg10[%dma_start3A_189, %dma_start3A_190] : memref<16x128xi32, #tpu.memory_space<vmem>> -> memref<1x128xi32, #tpu.memory_space<vmem>>
      %dma_start3A_192 = tpu.memref_squeeze %dma_start3A_191 : memref<1x128xi32, #tpu.memory_space<vmem>> -> memref<128xi32, #tpu.memory_space<vmem>>
      %dma_start3A_193 = arith.constant 0 : i32
      %dma_start3A_194 = arith.constant 0 : i32
      %dma_start3A_195 = tpu.memref_slice %arg2[%dma_start3A_193, %dma_start3A_194] : memref<10000x128xf32, #tpu.memory_space<hbm>> -> memref<10000x128xf32, #tpu.memory_space<hbm>>
      tpu.enqueue_indirect_dma source(%dma_start3A_195 : memref<10000x128xf32, #tpu.memory_space<hbm>>) target(%arg12 : memref<128x128xf32, #tpu.memory_space<vmem>>) offsets(%dma_start3A_192 : memref<128xi32, #tpu.memory_space<vmem>>) semaphore(%arg18 : memref<!tpu.dma_semaphore, #tpu.memory_space<semaphore_mem>>)
      %dma_wait3A_196 = arith.constant 5 : i32
      %dma_wait3A_197 = arith.constant 0 : i32
      %dma_wait3A_198 = tpu.memref_slice %arg10[%dma_wait3A_196, %dma_wait3A_197] : memref<16x128xi32, #tpu.memory_space<vmem>> -> memref<1x128xi32, #tpu.memory_space<vmem>>
      %dma_wait3A_199 = tpu.memref_squeeze %dma_wait3A_198 : memref<1x128xi32, #tpu.memory_space<vmem>> -> memref<128xi32, #tpu.memory_space<vmem>>
      %dma_wait3A_200 = arith.constant 0 : i32
      %dma_wait3A_201 = arith.constant 0 : i32
      %dma_wait3A_202 = tpu.memref_slice %arg2[%dma_wait3A_200, %dma_wait3A_201] : memref<10000x128xf32, #tpu.memory_space<hbm>> -> memref<10000x128xf32, #tpu.memory_space<hbm>>
      tpu.wait_indirect_dma semaphore(%arg19 : memref<!tpu.dma_semaphore, #tpu.memory_space<semaphore_mem>>) src(%dma_wait3A_202 : memref<10000x128xf32, #tpu.memory_space<hbm>>) dst(%arg13 : memref<128x128xf32, #tpu.memory_space<vmem>>)
      %dma_wait3A_203 = arith.constant 4 : i32
      %dma_wait3A_204 = arith.constant 0 : i32
      %dma_wait3A_205 = tpu.memref_slice %arg11[%dma_wait3A_203, %dma_wait3A_204] : memref<16x128xi32, #tpu.memory_space<vmem>> -> memref<1x128xi32, #tpu.memory_space<vmem>>
      %dma_wait3A_206 = tpu.memref_squeeze %dma_wait3A_205 : memref<1x128xi32, #tpu.memory_space<vmem>> -> memref<128xi32, #tpu.memory_space<vmem>>
      %dma_wait3A_207 = arith.constant 0 : i32
      %dma_wait3A_208 = tpu.memref_slice %arg17[%dma_wait3A_207] : memref<10240xf32, #tpu.memory_space<vmem_shared>> -> memref<10240xf32, #tpu.memory_space<vmem_shared>>
      tpu.wait_indirect_dma semaphore(%arg20 : memref<!tpu.dma_semaphore, #tpu.memory_space<semaphore_mem>>) src(%arg14 : memref<128xf32, #tpu.memory_space<vmem>>) dst(%dma_wait3A_208 : memref<10240xf32, #tpu.memory_space<vmem_shared>>)
      %dma_start3A_209 = arith.constant 5 : i32
      %dma_start3A_210 = arith.constant 0 : i32
      %dma_start3A_211 = tpu.memref_slice %arg11[%dma_start3A_209, %dma_start3A_210] : memref<16x128xi32, #tpu.memory_space<vmem>> -> memref<1x128xi32, #tpu.memory_space<vmem>>
      %dma_start3A_212 = tpu.memref_squeeze %dma_start3A_211 : memref<1x128xi32, #tpu.memory_space<vmem>> -> memref<128xi32, #tpu.memory_space<vmem>>
      %dma_start3A_213 = arith.constant 0 : i32
      %dma_start3A_214 = tpu.memref_slice %arg17[%dma_start3A_213] : memref<10240xf32, #tpu.memory_space<vmem_shared>> -> memref<10240xf32, #tpu.memory_space<vmem_shared>>
      tpu.enqueue_indirect_dma source(%arg14 : memref<128xf32, #tpu.memory_space<vmem>>) target(%dma_start3A_214 : memref<10240xf32, #tpu.memory_space<vmem_shared>>) offsets(%dma_start3A_212 : memref<128xi32, #tpu.memory_space<vmem>>) semaphore(%arg20 : memref<!tpu.dma_semaphore, #tpu.memory_space<semaphore_mem>>) {add = true}
      %run_scoped3A_215 = arith.constant 5 : i32
      "tpu.region"() ({
        %run_scoped3A_485 = tpu.sem_alloc : memref<!tpu.dma_semaphore, #tpu.memory_space<semaphore_mem>>
        %dma_start3A_486 = arith.constant 0 : i32
        %dma_start3A_487 = tpu.memref_slice %arg11[%run_scoped3A_215, %dma_start3A_486] : memref<16x128xi32, #tpu.memory_space<vmem>> -> memref<1x128xi32, #tpu.memory_space<vmem>>
        %dma_start3A_488 = tpu.memref_squeeze %dma_start3A_487 : memref<1x128xi32, #tpu.memory_space<vmem>> -> memref<128xi32, #tpu.memory_space<vmem>>
        %dma_start3A_489 = arith.constant 0 : i32
        %dma_start3A_490 = arith.constant 0 : i32
        %dma_start3A_491 = tpu.memref_slice %arg16[%dma_start3A_489, %dma_start3A_490] : memref<10240x128xf32, #tpu.memory_space<vmem_shared>> -> memref<10240x128xf32, #tpu.memory_space<vmem_shared>>
        tpu.enqueue_indirect_dma source(%arg13 : memref<128x128xf32, #tpu.memory_space<vmem>>) target(%dma_start3A_491 : memref<10240x128xf32, #tpu.memory_space<vmem_shared>>) offsets(%dma_start3A_488 : memref<128xi32, #tpu.memory_space<vmem>>) semaphore(%run_scoped3A_485 : memref<!tpu.dma_semaphore, #tpu.memory_space<semaphore_mem>>) {add = true}
        %dma_wait3A_492 = arith.constant 0 : i32
        %dma_wait3A_493 = tpu.memref_slice %arg11[%run_scoped3A_215, %dma_wait3A_492] : memref<16x128xi32, #tpu.memory_space<vmem>> -> memref<1x128xi32, #tpu.memory_space<vmem>>
        %dma_wait3A_494 = tpu.memref_squeeze %dma_wait3A_493 : memref<1x128xi32, #tpu.memory_space<vmem>> -> memref<128xi32, #tpu.memory_space<vmem>>
        %dma_wait3A_495 = arith.constant 0 : i32
        %dma_wait3A_496 = arith.constant 0 : i32
        %dma_wait3A_497 = tpu.memref_slice %arg16[%dma_wait3A_495, %dma_wait3A_496] : memref<10240x128xf32, #tpu.memory_space<vmem_shared>> -> memref<10240x128xf32, #tpu.memory_space<vmem_shared>>
        tpu.wait_indirect_dma semaphore(%run_scoped3A_485 : memref<!tpu.dma_semaphore, #tpu.memory_space<semaphore_mem>>) src(%arg13 : memref<128x128xf32, #tpu.memory_space<vmem>>) dst(%dma_wait3A_497 : memref<10240x128xf32, #tpu.memory_space<vmem_shared>>)
        tpu.yield
      }) : () -> ()
      %dma_start3A_216 = arith.constant 7 : i32
      %dma_start3A_217 = arith.constant 0 : i32
      %dma_start3A_218 = tpu.memref_slice %arg10[%dma_start3A_216, %dma_start3A_217] : memref<16x128xi32, #tpu.memory_space<vmem>> -> memref<1x128xi32, #tpu.memory_space<vmem>>
      %dma_start3A_219 = tpu.memref_squeeze %dma_start3A_218 : memref<1x128xi32, #tpu.memory_space<vmem>> -> memref<128xi32, #tpu.memory_space<vmem>>
      %dma_start3A_220 = arith.constant 0 : i32
      %dma_start3A_221 = arith.constant 0 : i32
      %dma_start3A_222 = tpu.memref_slice %arg2[%dma_start3A_220, %dma_start3A_221] : memref<10000x128xf32, #tpu.memory_space<hbm>> -> memref<10000x128xf32, #tpu.memory_space<hbm>>
      tpu.enqueue_indirect_dma source(%dma_start3A_222 : memref<10000x128xf32, #tpu.memory_space<hbm>>) target(%arg13 : memref<128x128xf32, #tpu.memory_space<vmem>>) offsets(%dma_start3A_219 : memref<128xi32, #tpu.memory_space<vmem>>) semaphore(%arg19 : memref<!tpu.dma_semaphore, #tpu.memory_space<semaphore_mem>>)
      %dma_wait3A_223 = arith.constant 6 : i32
      %dma_wait3A_224 = arith.constant 0 : i32
      %dma_wait3A_225 = tpu.memref_slice %arg10[%dma_wait3A_223, %dma_wait3A_224] : memref<16x128xi32, #tpu.memory_space<vmem>> -> memref<1x128xi32, #tpu.memory_space<vmem>>
      %dma_wait3A_226 = tpu.memref_squeeze %dma_wait3A_225 : memref<1x128xi32, #tpu.memory_space<vmem>> -> memref<128xi32, #tpu.memory_space<vmem>>
      %dma_wait3A_227 = arith.constant 0 : i32
      %dma_wait3A_228 = arith.constant 0 : i32
      %dma_wait3A_229 = tpu.memref_slice %arg2[%dma_wait3A_227, %dma_wait3A_228] : memref<10000x128xf32, #tpu.memory_space<hbm>> -> memref<10000x128xf32, #tpu.memory_space<hbm>>
      tpu.wait_indirect_dma semaphore(%arg18 : memref<!tpu.dma_semaphore, #tpu.memory_space<semaphore_mem>>) src(%dma_wait3A_229 : memref<10000x128xf32, #tpu.memory_space<hbm>>) dst(%arg12 : memref<128x128xf32, #tpu.memory_space<vmem>>)
      %dma_wait3A_230 = arith.constant 5 : i32
      %dma_wait3A_231 = arith.constant 0 : i32
      %dma_wait3A_232 = tpu.memref_slice %arg11[%dma_wait3A_230, %dma_wait3A_231] : memref<16x128xi32, #tpu.memory_space<vmem>> -> memref<1x128xi32, #tpu.memory_space<vmem>>
      %dma_wait3A_233 = tpu.memref_squeeze %dma_wait3A_232 : memref<1x128xi32, #tpu.memory_space<vmem>> -> memref<128xi32, #tpu.memory_space<vmem>>
      %dma_wait3A_234 = arith.constant 0 : i32
      %dma_wait3A_235 = tpu.memref_slice %arg17[%dma_wait3A_234] : memref<10240xf32, #tpu.memory_space<vmem_shared>> -> memref<10240xf32, #tpu.memory_space<vmem_shared>>
      tpu.wait_indirect_dma semaphore(%arg20 : memref<!tpu.dma_semaphore, #tpu.memory_space<semaphore_mem>>) src(%arg14 : memref<128xf32, #tpu.memory_space<vmem>>) dst(%dma_wait3A_235 : memref<10240xf32, #tpu.memory_space<vmem_shared>>)
      %dma_start3A_236 = arith.constant 6 : i32
      %dma_start3A_237 = arith.constant 0 : i32
      %dma_start3A_238 = tpu.memref_slice %arg11[%dma_start3A_236, %dma_start3A_237] : memref<16x128xi32, #tpu.memory_space<vmem>> -> memref<1x128xi32, #tpu.memory_space<vmem>>
      %dma_start3A_239 = tpu.memref_squeeze %dma_start3A_238 : memref<1x128xi32, #tpu.memory_space<vmem>> -> memref<128xi32, #tpu.memory_space<vmem>>
      %dma_start3A_240 = arith.constant 0 : i32
      %dma_start3A_241 = tpu.memref_slice %arg17[%dma_start3A_240] : memref<10240xf32, #tpu.memory_space<vmem_shared>> -> memref<10240xf32, #tpu.memory_space<vmem_shared>>
      tpu.enqueue_indirect_dma source(%arg14 : memref<128xf32, #tpu.memory_space<vmem>>) target(%dma_start3A_241 : memref<10240xf32, #tpu.memory_space<vmem_shared>>) offsets(%dma_start3A_239 : memref<128xi32, #tpu.memory_space<vmem>>) semaphore(%arg20 : memref<!tpu.dma_semaphore, #tpu.memory_space<semaphore_mem>>) {add = true}
      %run_scoped3A_242 = arith.constant 6 : i32
      "tpu.region"() ({
        %run_scoped3A_485 = tpu.sem_alloc : memref<!tpu.dma_semaphore, #tpu.memory_space<semaphore_mem>>
        %dma_start3A_486 = arith.constant 0 : i32
        %dma_start3A_487 = tpu.memref_slice %arg11[%run_scoped3A_242, %dma_start3A_486] : memref<16x128xi32, #tpu.memory_space<vmem>> -> memref<1x128xi32, #tpu.memory_space<vmem>>
        %dma_start3A_488 = tpu.memref_squeeze %dma_start3A_487 : memref<1x128xi32, #tpu.memory_space<vmem>> -> memref<128xi32, #tpu.memory_space<vmem>>
        %dma_start3A_489 = arith.constant 0 : i32
        %dma_start3A_490 = arith.constant 0 : i32
        %dma_start3A_491 = tpu.memref_slice %arg16[%dma_start3A_489, %dma_start3A_490] : memref<10240x128xf32, #tpu.memory_space<vmem_shared>> -> memref<10240x128xf32, #tpu.memory_space<vmem_shared>>
        tpu.enqueue_indirect_dma source(%arg12 : memref<128x128xf32, #tpu.memory_space<vmem>>) target(%dma_start3A_491 : memref<10240x128xf32, #tpu.memory_space<vmem_shared>>) offsets(%dma_start3A_488 : memref<128xi32, #tpu.memory_space<vmem>>) semaphore(%run_scoped3A_485 : memref<!tpu.dma_semaphore, #tpu.memory_space<semaphore_mem>>) {add = true}
        %dma_wait3A_492 = arith.constant 0 : i32
        %dma_wait3A_493 = tpu.memref_slice %arg11[%run_scoped3A_242, %dma_wait3A_492] : memref<16x128xi32, #tpu.memory_space<vmem>> -> memref<1x128xi32, #tpu.memory_space<vmem>>
        %dma_wait3A_494 = tpu.memref_squeeze %dma_wait3A_493 : memref<1x128xi32, #tpu.memory_space<vmem>> -> memref<128xi32, #tpu.memory_space<vmem>>
        %dma_wait3A_495 = arith.constant 0 : i32
        %dma_wait3A_496 = arith.constant 0 : i32
        %dma_wait3A_497 = tpu.memref_slice %arg16[%dma_wait3A_495, %dma_wait3A_496] : memref<10240x128xf32, #tpu.memory_space<vmem_shared>> -> memref<10240x128xf32, #tpu.memory_space<vmem_shared>>
        tpu.wait_indirect_dma semaphore(%run_scoped3A_485 : memref<!tpu.dma_semaphore, #tpu.memory_space<semaphore_mem>>) src(%arg12 : memref<128x128xf32, #tpu.memory_space<vmem>>) dst(%dma_wait3A_497 : memref<10240x128xf32, #tpu.memory_space<vmem_shared>>)
        tpu.yield
      }) : () -> ()
      %dma_start3A_243 = arith.constant 8 : i32
      %dma_start3A_244 = arith.constant 0 : i32
      %dma_start3A_245 = tpu.memref_slice %arg10[%dma_start3A_243, %dma_start3A_244] : memref<16x128xi32, #tpu.memory_space<vmem>> -> memref<1x128xi32, #tpu.memory_space<vmem>>
      %dma_start3A_246 = tpu.memref_squeeze %dma_start3A_245 : memref<1x128xi32, #tpu.memory_space<vmem>> -> memref<128xi32, #tpu.memory_space<vmem>>
      %dma_start3A_247 = arith.constant 0 : i32
      %dma_start3A_248 = arith.constant 0 : i32
      %dma_start3A_249 = tpu.memref_slice %arg2[%dma_start3A_247, %dma_start3A_248] : memref<10000x128xf32, #tpu.memory_space<hbm>> -> memref<10000x128xf32, #tpu.memory_space<hbm>>
      tpu.enqueue_indirect_dma source(%dma_start3A_249 : memref<10000x128xf32, #tpu.memory_space<hbm>>) target(%arg12 : memref<128x128xf32, #tpu.memory_space<vmem>>) offsets(%dma_start3A_246 : memref<128xi32, #tpu.memory_space<vmem>>) semaphore(%arg18 : memref<!tpu.dma_semaphore, #tpu.memory_space<semaphore_mem>>)
      %dma_wait3A_250 = arith.constant 7 : i32
      %dma_wait3A_251 = arith.constant 0 : i32
      %dma_wait3A_252 = tpu.memref_slice %arg10[%dma_wait3A_250, %dma_wait3A_251] : memref<16x128xi32, #tpu.memory_space<vmem>> -> memref<1x128xi32, #tpu.memory_space<vmem>>
      %dma_wait3A_253 = tpu.memref_squeeze %dma_wait3A_252 : memref<1x128xi32, #tpu.memory_space<vmem>> -> memref<128xi32, #tpu.memory_space<vmem>>
      %dma_wait3A_254 = arith.constant 0 : i32
      %dma_wait3A_255 = arith.constant 0 : i32
      %dma_wait3A_256 = tpu.memref_slice %arg2[%dma_wait3A_254, %dma_wait3A_255] : memref<10000x128xf32, #tpu.memory_space<hbm>> -> memref<10000x128xf32, #tpu.memory_space<hbm>>
      tpu.wait_indirect_dma semaphore(%arg19 : memref<!tpu.dma_semaphore, #tpu.memory_space<semaphore_mem>>) src(%dma_wait3A_256 : memref<10000x128xf32, #tpu.memory_space<hbm>>) dst(%arg13 : memref<128x128xf32, #tpu.memory_space<vmem>>)
      %dma_wait3A_257 = arith.constant 6 : i32
      %dma_wait3A_258 = arith.constant 0 : i32
      %dma_wait3A_259 = tpu.memref_slice %arg11[%dma_wait3A_257, %dma_wait3A_258] : memref<16x128xi32, #tpu.memory_space<vmem>> -> memref<1x128xi32, #tpu.memory_space<vmem>>
      %dma_wait3A_260 = tpu.memref_squeeze %dma_wait3A_259 : memref<1x128xi32, #tpu.memory_space<vmem>> -> memref<128xi32, #tpu.memory_space<vmem>>
      %dma_wait3A_261 = arith.constant 0 : i32
      %dma_wait3A_262 = tpu.memref_slice %arg17[%dma_wait3A_261] : memref<10240xf32, #tpu.memory_space<vmem_shared>> -> memref<10240xf32, #tpu.memory_space<vmem_shared>>
      tpu.wait_indirect_dma semaphore(%arg20 : memref<!tpu.dma_semaphore, #tpu.memory_space<semaphore_mem>>) src(%arg14 : memref<128xf32, #tpu.memory_space<vmem>>) dst(%dma_wait3A_262 : memref<10240xf32, #tpu.memory_space<vmem_shared>>)
      %dma_start3A_263 = arith.constant 7 : i32
      %dma_start3A_264 = arith.constant 0 : i32
      %dma_start3A_265 = tpu.memref_slice %arg11[%dma_start3A_263, %dma_start3A_264] : memref<16x128xi32, #tpu.memory_space<vmem>> -> memref<1x128xi32, #tpu.memory_space<vmem>>
      %dma_start3A_266 = tpu.memref_squeeze %dma_start3A_265 : memref<1x128xi32, #tpu.memory_space<vmem>> -> memref<128xi32, #tpu.memory_space<vmem>>
      %dma_start3A_267 = arith.constant 0 : i32
      %dma_start3A_268 = tpu.memref_slice %arg17[%dma_start3A_267] : memref<10240xf32, #tpu.memory_space<vmem_shared>> -> memref<10240xf32, #tpu.memory_space<vmem_shared>>
      tpu.enqueue_indirect_dma source(%arg14 : memref<128xf32, #tpu.memory_space<vmem>>) target(%dma_start3A_268 : memref<10240xf32, #tpu.memory_space<vmem_shared>>) offsets(%dma_start3A_266 : memref<128xi32, #tpu.memory_space<vmem>>) semaphore(%arg20 : memref<!tpu.dma_semaphore, #tpu.memory_space<semaphore_mem>>) {add = true}
      %run_scoped3A_269 = arith.constant 7 : i32
      "tpu.region"() ({
        %run_scoped3A_485 = tpu.sem_alloc : memref<!tpu.dma_semaphore, #tpu.memory_space<semaphore_mem>>
        %dma_start3A_486 = arith.constant 0 : i32
        %dma_start3A_487 = tpu.memref_slice %arg11[%run_scoped3A_269, %dma_start3A_486] : memref<16x128xi32, #tpu.memory_space<vmem>> -> memref<1x128xi32, #tpu.memory_space<vmem>>
        %dma_start3A_488 = tpu.memref_squeeze %dma_start3A_487 : memref<1x128xi32, #tpu.memory_space<vmem>> -> memref<128xi32, #tpu.memory_space<vmem>>
        %dma_start3A_489 = arith.constant 0 : i32
        %dma_start3A_490 = arith.constant 0 : i32
        %dma_start3A_491 = tpu.memref_slice %arg16[%dma_start3A_489, %dma_start3A_490] : memref<10240x128xf32, #tpu.memory_space<vmem_shared>> -> memref<10240x128xf32, #tpu.memory_space<vmem_shared>>
        tpu.enqueue_indirect_dma source(%arg13 : memref<128x128xf32, #tpu.memory_space<vmem>>) target(%dma_start3A_491 : memref<10240x128xf32, #tpu.memory_space<vmem_shared>>) offsets(%dma_start3A_488 : memref<128xi32, #tpu.memory_space<vmem>>) semaphore(%run_scoped3A_485 : memref<!tpu.dma_semaphore, #tpu.memory_space<semaphore_mem>>) {add = true}
        %dma_wait3A_492 = arith.constant 0 : i32
        %dma_wait3A_493 = tpu.memref_slice %arg11[%run_scoped3A_269, %dma_wait3A_492] : memref<16x128xi32, #tpu.memory_space<vmem>> -> memref<1x128xi32, #tpu.memory_space<vmem>>
        %dma_wait3A_494 = tpu.memref_squeeze %dma_wait3A_493 : memref<1x128xi32, #tpu.memory_space<vmem>> -> memref<128xi32, #tpu.memory_space<vmem>>
        %dma_wait3A_495 = arith.constant 0 : i32
        %dma_wait3A_496 = arith.constant 0 : i32
        %dma_wait3A_497 = tpu.memref_slice %arg16[%dma_wait3A_495, %dma_wait3A_496] : memref<10240x128xf32, #tpu.memory_space<vmem_shared>> -> memref<10240x128xf32, #tpu.memory_space<vmem_shared>>
        tpu.wait_indirect_dma semaphore(%run_scoped3A_485 : memref<!tpu.dma_semaphore, #tpu.memory_space<semaphore_mem>>) src(%arg13 : memref<128x128xf32, #tpu.memory_space<vmem>>) dst(%dma_wait3A_497 : memref<10240x128xf32, #tpu.memory_space<vmem_shared>>)
        tpu.yield
      }) : () -> ()
      %dma_start3A_270 = arith.constant 9 : i32
      %dma_start3A_271 = arith.constant 0 : i32
      %dma_start3A_272 = tpu.memref_slice %arg10[%dma_start3A_270, %dma_start3A_271] : memref<16x128xi32, #tpu.memory_space<vmem>> -> memref<1x128xi32, #tpu.memory_space<vmem>>
      %dma_start3A_273 = tpu.memref_squeeze %dma_start3A_272 : memref<1x128xi32, #tpu.memory_space<vmem>> -> memref<128xi32, #tpu.memory_space<vmem>>
      %dma_start3A_274 = arith.constant 0 : i32
      %dma_start3A_275 = arith.constant 0 : i32
      %dma_start3A_276 = tpu.memref_slice %arg2[%dma_start3A_274, %dma_start3A_275] : memref<10000x128xf32, #tpu.memory_space<hbm>> -> memref<10000x128xf32, #tpu.memory_space<hbm>>
      tpu.enqueue_indirect_dma source(%dma_start3A_276 : memref<10000x128xf32, #tpu.memory_space<hbm>>) target(%arg13 : memref<128x128xf32, #tpu.memory_space<vmem>>) offsets(%dma_start3A_273 : memref<128xi32, #tpu.memory_space<vmem>>) semaphore(%arg19 : memref<!tpu.dma_semaphore, #tpu.memory_space<semaphore_mem>>)
      %dma_wait3A_277 = arith.constant 8 : i32
      %dma_wait3A_278 = arith.constant 0 : i32
      %dma_wait3A_279 = tpu.memref_slice %arg10[%dma_wait3A_277, %dma_wait3A_278] : memref<16x128xi32, #tpu.memory_space<vmem>> -> memref<1x128xi32, #tpu.memory_space<vmem>>
      %dma_wait3A_280 = tpu.memref_squeeze %dma_wait3A_279 : memref<1x128xi32, #tpu.memory_space<vmem>> -> memref<128xi32, #tpu.memory_space<vmem>>
      %dma_wait3A_281 = arith.constant 0 : i32
      %dma_wait3A_282 = arith.constant 0 : i32
      %dma_wait3A_283 = tpu.memref_slice %arg2[%dma_wait3A_281, %dma_wait3A_282] : memref<10000x128xf32, #tpu.memory_space<hbm>> -> memref<10000x128xf32, #tpu.memory_space<hbm>>
      tpu.wait_indirect_dma semaphore(%arg18 : memref<!tpu.dma_semaphore, #tpu.memory_space<semaphore_mem>>) src(%dma_wait3A_283 : memref<10000x128xf32, #tpu.memory_space<hbm>>) dst(%arg12 : memref<128x128xf32, #tpu.memory_space<vmem>>)
      %dma_wait3A_284 = arith.constant 7 : i32
      %dma_wait3A_285 = arith.constant 0 : i32
      %dma_wait3A_286 = tpu.memref_slice %arg11[%dma_wait3A_284, %dma_wait3A_285] : memref<16x128xi32, #tpu.memory_space<vmem>> -> memref<1x128xi32, #tpu.memory_space<vmem>>
      %dma_wait3A_287 = tpu.memref_squeeze %dma_wait3A_286 : memref<1x128xi32, #tpu.memory_space<vmem>> -> memref<128xi32, #tpu.memory_space<vmem>>
      %dma_wait3A_288 = arith.constant 0 : i32
      %dma_wait3A_289 = tpu.memref_slice %arg17[%dma_wait3A_288] : memref<10240xf32, #tpu.memory_space<vmem_shared>> -> memref<10240xf32, #tpu.memory_space<vmem_shared>>
      tpu.wait_indirect_dma semaphore(%arg20 : memref<!tpu.dma_semaphore, #tpu.memory_space<semaphore_mem>>) src(%arg14 : memref<128xf32, #tpu.memory_space<vmem>>) dst(%dma_wait3A_289 : memref<10240xf32, #tpu.memory_space<vmem_shared>>)
      %dma_start3A_290 = arith.constant 8 : i32
      %dma_start3A_291 = arith.constant 0 : i32
      %dma_start3A_292 = tpu.memref_slice %arg11[%dma_start3A_290, %dma_start3A_291] : memref<16x128xi32, #tpu.memory_space<vmem>> -> memref<1x128xi32, #tpu.memory_space<vmem>>
      %dma_start3A_293 = tpu.memref_squeeze %dma_start3A_292 : memref<1x128xi32, #tpu.memory_space<vmem>> -> memref<128xi32, #tpu.memory_space<vmem>>
      %dma_start3A_294 = arith.constant 0 : i32
      %dma_start3A_295 = tpu.memref_slice %arg17[%dma_start3A_294] : memref<10240xf32, #tpu.memory_space<vmem_shared>> -> memref<10240xf32, #tpu.memory_space<vmem_shared>>
      tpu.enqueue_indirect_dma source(%arg14 : memref<128xf32, #tpu.memory_space<vmem>>) target(%dma_start3A_295 : memref<10240xf32, #tpu.memory_space<vmem_shared>>) offsets(%dma_start3A_293 : memref<128xi32, #tpu.memory_space<vmem>>) semaphore(%arg20 : memref<!tpu.dma_semaphore, #tpu.memory_space<semaphore_mem>>) {add = true}
      %run_scoped3A_296 = arith.constant 8 : i32
      "tpu.region"() ({
        %run_scoped3A_485 = tpu.sem_alloc : memref<!tpu.dma_semaphore, #tpu.memory_space<semaphore_mem>>
        %dma_start3A_486 = arith.constant 0 : i32
        %dma_start3A_487 = tpu.memref_slice %arg11[%run_scoped3A_296, %dma_start3A_486] : memref<16x128xi32, #tpu.memory_space<vmem>> -> memref<1x128xi32, #tpu.memory_space<vmem>>
        %dma_start3A_488 = tpu.memref_squeeze %dma_start3A_487 : memref<1x128xi32, #tpu.memory_space<vmem>> -> memref<128xi32, #tpu.memory_space<vmem>>
        %dma_start3A_489 = arith.constant 0 : i32
        %dma_start3A_490 = arith.constant 0 : i32
        %dma_start3A_491 = tpu.memref_slice %arg16[%dma_start3A_489, %dma_start3A_490] : memref<10240x128xf32, #tpu.memory_space<vmem_shared>> -> memref<10240x128xf32, #tpu.memory_space<vmem_shared>>
        tpu.enqueue_indirect_dma source(%arg12 : memref<128x128xf32, #tpu.memory_space<vmem>>) target(%dma_start3A_491 : memref<10240x128xf32, #tpu.memory_space<vmem_shared>>) offsets(%dma_start3A_488 : memref<128xi32, #tpu.memory_space<vmem>>) semaphore(%run_scoped3A_485 : memref<!tpu.dma_semaphore, #tpu.memory_space<semaphore_mem>>) {add = true}
        %dma_wait3A_492 = arith.constant 0 : i32
        %dma_wait3A_493 = tpu.memref_slice %arg11[%run_scoped3A_296, %dma_wait3A_492] : memref<16x128xi32, #tpu.memory_space<vmem>> -> memref<1x128xi32, #tpu.memory_space<vmem>>
        %dma_wait3A_494 = tpu.memref_squeeze %dma_wait3A_493 : memref<1x128xi32, #tpu.memory_space<vmem>> -> memref<128xi32, #tpu.memory_space<vmem>>
        %dma_wait3A_495 = arith.constant 0 : i32
        %dma_wait3A_496 = arith.constant 0 : i32
        %dma_wait3A_497 = tpu.memref_slice %arg16[%dma_wait3A_495, %dma_wait3A_496] : memref<10240x128xf32, #tpu.memory_space<vmem_shared>> -> memref<10240x128xf32, #tpu.memory_space<vmem_shared>>
        tpu.wait_indirect_dma semaphore(%run_scoped3A_485 : memref<!tpu.dma_semaphore, #tpu.memory_space<semaphore_mem>>) src(%arg12 : memref<128x128xf32, #tpu.memory_space<vmem>>) dst(%dma_wait3A_497 : memref<10240x128xf32, #tpu.memory_space<vmem_shared>>)
        tpu.yield
      }) : () -> ()
      %dma_start3A_297 = arith.constant 10 : i32
      %dma_start3A_298 = arith.constant 0 : i32
      %dma_start3A_299 = tpu.memref_slice %arg10[%dma_start3A_297, %dma_start3A_298] : memref<16x128xi32, #tpu.memory_space<vmem>> -> memref<1x128xi32, #tpu.memory_space<vmem>>
      %dma_start3A_300 = tpu.memref_squeeze %dma_start3A_299 : memref<1x128xi32, #tpu.memory_space<vmem>> -> memref<128xi32, #tpu.memory_space<vmem>>
      %dma_start3A_301 = arith.constant 0 : i32
      %dma_start3A_302 = arith.constant 0 : i32
      %dma_start3A_303 = tpu.memref_slice %arg2[%dma_start3A_301, %dma_start3A_302] : memref<10000x128xf32, #tpu.memory_space<hbm>> -> memref<10000x128xf32, #tpu.memory_space<hbm>>
      tpu.enqueue_indirect_dma source(%dma_start3A_303 : memref<10000x128xf32, #tpu.memory_space<hbm>>) target(%arg12 : memref<128x128xf32, #tpu.memory_space<vmem>>) offsets(%dma_start3A_300 : memref<128xi32, #tpu.memory_space<vmem>>) semaphore(%arg18 : memref<!tpu.dma_semaphore, #tpu.memory_space<semaphore_mem>>)
      %dma_wait3A_304 = arith.constant 9 : i32
      %dma_wait3A_305 = arith.constant 0 : i32
      %dma_wait3A_306 = tpu.memref_slice %arg10[%dma_wait3A_304, %dma_wait3A_305] : memref<16x128xi32, #tpu.memory_space<vmem>> -> memref<1x128xi32, #tpu.memory_space<vmem>>
      %dma_wait3A_307 = tpu.memref_squeeze %dma_wait3A_306 : memref<1x128xi32, #tpu.memory_space<vmem>> -> memref<128xi32, #tpu.memory_space<vmem>>
      %dma_wait3A_308 = arith.constant 0 : i32
      %dma_wait3A_309 = arith.constant 0 : i32
      %dma_wait3A_310 = tpu.memref_slice %arg2[%dma_wait3A_308, %dma_wait3A_309] : memref<10000x128xf32, #tpu.memory_space<hbm>> -> memref<10000x128xf32, #tpu.memory_space<hbm>>
      tpu.wait_indirect_dma semaphore(%arg19 : memref<!tpu.dma_semaphore, #tpu.memory_space<semaphore_mem>>) src(%dma_wait3A_310 : memref<10000x128xf32, #tpu.memory_space<hbm>>) dst(%arg13 : memref<128x128xf32, #tpu.memory_space<vmem>>)
      %dma_wait3A_311 = arith.constant 8 : i32
      %dma_wait3A_312 = arith.constant 0 : i32
      %dma_wait3A_313 = tpu.memref_slice %arg11[%dma_wait3A_311, %dma_wait3A_312] : memref<16x128xi32, #tpu.memory_space<vmem>> -> memref<1x128xi32, #tpu.memory_space<vmem>>
      %dma_wait3A_314 = tpu.memref_squeeze %dma_wait3A_313 : memref<1x128xi32, #tpu.memory_space<vmem>> -> memref<128xi32, #tpu.memory_space<vmem>>
      %dma_wait3A_315 = arith.constant 0 : i32
      %dma_wait3A_316 = tpu.memref_slice %arg17[%dma_wait3A_315] : memref<10240xf32, #tpu.memory_space<vmem_shared>> -> memref<10240xf32, #tpu.memory_space<vmem_shared>>
      tpu.wait_indirect_dma semaphore(%arg20 : memref<!tpu.dma_semaphore, #tpu.memory_space<semaphore_mem>>) src(%arg14 : memref<128xf32, #tpu.memory_space<vmem>>) dst(%dma_wait3A_316 : memref<10240xf32, #tpu.memory_space<vmem_shared>>)
      %dma_start3A_317 = arith.constant 9 : i32
      %dma_start3A_318 = arith.constant 0 : i32
      %dma_start3A_319 = tpu.memref_slice %arg11[%dma_start3A_317, %dma_start3A_318] : memref<16x128xi32, #tpu.memory_space<vmem>> -> memref<1x128xi32, #tpu.memory_space<vmem>>
      %dma_start3A_320 = tpu.memref_squeeze %dma_start3A_319 : memref<1x128xi32, #tpu.memory_space<vmem>> -> memref<128xi32, #tpu.memory_space<vmem>>
      %dma_start3A_321 = arith.constant 0 : i32
      %dma_start3A_322 = tpu.memref_slice %arg17[%dma_start3A_321] : memref<10240xf32, #tpu.memory_space<vmem_shared>> -> memref<10240xf32, #tpu.memory_space<vmem_shared>>
      tpu.enqueue_indirect_dma source(%arg14 : memref<128xf32, #tpu.memory_space<vmem>>) target(%dma_start3A_322 : memref<10240xf32, #tpu.memory_space<vmem_shared>>) offsets(%dma_start3A_320 : memref<128xi32, #tpu.memory_space<vmem>>) semaphore(%arg20 : memref<!tpu.dma_semaphore, #tpu.memory_space<semaphore_mem>>) {add = true}
      %run_scoped3A_323 = arith.constant 9 : i32
      "tpu.region"() ({
        %run_scoped3A_485 = tpu.sem_alloc : memref<!tpu.dma_semaphore, #tpu.memory_space<semaphore_mem>>
        %dma_start3A_486 = arith.constant 0 : i32
        %dma_start3A_487 = tpu.memref_slice %arg11[%run_scoped3A_323, %dma_start3A_486] : memref<16x128xi32, #tpu.memory_space<vmem>> -> memref<1x128xi32, #tpu.memory_space<vmem>>
        %dma_start3A_488 = tpu.memref_squeeze %dma_start3A_487 : memref<1x128xi32, #tpu.memory_space<vmem>> -> memref<128xi32, #tpu.memory_space<vmem>>
        %dma_start3A_489 = arith.constant 0 : i32
        %dma_start3A_490 = arith.constant 0 : i32
        %dma_start3A_491 = tpu.memref_slice %arg16[%dma_start3A_489, %dma_start3A_490] : memref<10240x128xf32, #tpu.memory_space<vmem_shared>> -> memref<10240x128xf32, #tpu.memory_space<vmem_shared>>
        tpu.enqueue_indirect_dma source(%arg13 : memref<128x128xf32, #tpu.memory_space<vmem>>) target(%dma_start3A_491 : memref<10240x128xf32, #tpu.memory_space<vmem_shared>>) offsets(%dma_start3A_488 : memref<128xi32, #tpu.memory_space<vmem>>) semaphore(%run_scoped3A_485 : memref<!tpu.dma_semaphore, #tpu.memory_space<semaphore_mem>>) {add = true}
        %dma_wait3A_492 = arith.constant 0 : i32
        %dma_wait3A_493 = tpu.memref_slice %arg11[%run_scoped3A_323, %dma_wait3A_492] : memref<16x128xi32, #tpu.memory_space<vmem>> -> memref<1x128xi32, #tpu.memory_space<vmem>>
        %dma_wait3A_494 = tpu.memref_squeeze %dma_wait3A_493 : memref<1x128xi32, #tpu.memory_space<vmem>> -> memref<128xi32, #tpu.memory_space<vmem>>
        %dma_wait3A_495 = arith.constant 0 : i32
        %dma_wait3A_496 = arith.constant 0 : i32
        %dma_wait3A_497 = tpu.memref_slice %arg16[%dma_wait3A_495, %dma_wait3A_496] : memref<10240x128xf32, #tpu.memory_space<vmem_shared>> -> memref<10240x128xf32, #tpu.memory_space<vmem_shared>>
        tpu.wait_indirect_dma semaphore(%run_scoped3A_485 : memref<!tpu.dma_semaphore, #tpu.memory_space<semaphore_mem>>) src(%arg13 : memref<128x128xf32, #tpu.memory_space<vmem>>) dst(%dma_wait3A_497 : memref<10240x128xf32, #tpu.memory_space<vmem_shared>>)
        tpu.yield
      }) : () -> ()
      %dma_start3A_324 = arith.constant 11 : i32
      %dma_start3A_325 = arith.constant 0 : i32
      %dma_start3A_326 = tpu.memref_slice %arg10[%dma_start3A_324, %dma_start3A_325] : memref<16x128xi32, #tpu.memory_space<vmem>> -> memref<1x128xi32, #tpu.memory_space<vmem>>
      %dma_start3A_327 = tpu.memref_squeeze %dma_start3A_326 : memref<1x128xi32, #tpu.memory_space<vmem>> -> memref<128xi32, #tpu.memory_space<vmem>>
      %dma_start3A_328 = arith.constant 0 : i32
      %dma_start3A_329 = arith.constant 0 : i32
      %dma_start3A_330 = tpu.memref_slice %arg2[%dma_start3A_328, %dma_start3A_329] : memref<10000x128xf32, #tpu.memory_space<hbm>> -> memref<10000x128xf32, #tpu.memory_space<hbm>>
      tpu.enqueue_indirect_dma source(%dma_start3A_330 : memref<10000x128xf32, #tpu.memory_space<hbm>>) target(%arg13 : memref<128x128xf32, #tpu.memory_space<vmem>>) offsets(%dma_start3A_327 : memref<128xi32, #tpu.memory_space<vmem>>) semaphore(%arg19 : memref<!tpu.dma_semaphore, #tpu.memory_space<semaphore_mem>>)
      %dma_wait3A_331 = arith.constant 10 : i32
      %dma_wait3A_332 = arith.constant 0 : i32
      %dma_wait3A_333 = tpu.memref_slice %arg10[%dma_wait3A_331, %dma_wait3A_332] : memref<16x128xi32, #tpu.memory_space<vmem>> -> memref<1x128xi32, #tpu.memory_space<vmem>>
      %dma_wait3A_334 = tpu.memref_squeeze %dma_wait3A_333 : memref<1x128xi32, #tpu.memory_space<vmem>> -> memref<128xi32, #tpu.memory_space<vmem>>
      %dma_wait3A_335 = arith.constant 0 : i32
      %dma_wait3A_336 = arith.constant 0 : i32
      %dma_wait3A_337 = tpu.memref_slice %arg2[%dma_wait3A_335, %dma_wait3A_336] : memref<10000x128xf32, #tpu.memory_space<hbm>> -> memref<10000x128xf32, #tpu.memory_space<hbm>>
      tpu.wait_indirect_dma semaphore(%arg18 : memref<!tpu.dma_semaphore, #tpu.memory_space<semaphore_mem>>) src(%dma_wait3A_337 : memref<10000x128xf32, #tpu.memory_space<hbm>>) dst(%arg12 : memref<128x128xf32, #tpu.memory_space<vmem>>)
      %dma_wait3A_338 = arith.constant 9 : i32
      %dma_wait3A_339 = arith.constant 0 : i32
      %dma_wait3A_340 = tpu.memref_slice %arg11[%dma_wait3A_338, %dma_wait3A_339] : memref<16x128xi32, #tpu.memory_space<vmem>> -> memref<1x128xi32, #tpu.memory_space<vmem>>
      %dma_wait3A_341 = tpu.memref_squeeze %dma_wait3A_340 : memref<1x128xi32, #tpu.memory_space<vmem>> -> memref<128xi32, #tpu.memory_space<vmem>>
      %dma_wait3A_342 = arith.constant 0 : i32
      %dma_wait3A_343 = tpu.memref_slice %arg17[%dma_wait3A_342] : memref<10240xf32, #tpu.memory_space<vmem_shared>> -> memref<10240xf32, #tpu.memory_space<vmem_shared>>
      tpu.wait_indirect_dma semaphore(%arg20 : memref<!tpu.dma_semaphore, #tpu.memory_space<semaphore_mem>>) src(%arg14 : memref<128xf32, #tpu.memory_space<vmem>>) dst(%dma_wait3A_343 : memref<10240xf32, #tpu.memory_space<vmem_shared>>)
      %dma_start3A_344 = arith.constant 10 : i32
      %dma_start3A_345 = arith.constant 0 : i32
      %dma_start3A_346 = tpu.memref_slice %arg11[%dma_start3A_344, %dma_start3A_345] : memref<16x128xi32, #tpu.memory_space<vmem>> -> memref<1x128xi32, #tpu.memory_space<vmem>>
      %dma_start3A_347 = tpu.memref_squeeze %dma_start3A_346 : memref<1x128xi32, #tpu.memory_space<vmem>> -> memref<128xi32, #tpu.memory_space<vmem>>
      %dma_start3A_348 = arith.constant 0 : i32
      %dma_start3A_349 = tpu.memref_slice %arg17[%dma_start3A_348] : memref<10240xf32, #tpu.memory_space<vmem_shared>> -> memref<10240xf32, #tpu.memory_space<vmem_shared>>
      tpu.enqueue_indirect_dma source(%arg14 : memref<128xf32, #tpu.memory_space<vmem>>) target(%dma_start3A_349 : memref<10240xf32, #tpu.memory_space<vmem_shared>>) offsets(%dma_start3A_347 : memref<128xi32, #tpu.memory_space<vmem>>) semaphore(%arg20 : memref<!tpu.dma_semaphore, #tpu.memory_space<semaphore_mem>>) {add = true}
      %run_scoped3A_350 = arith.constant 10 : i32
      "tpu.region"() ({
        %run_scoped3A_485 = tpu.sem_alloc : memref<!tpu.dma_semaphore, #tpu.memory_space<semaphore_mem>>
        %dma_start3A_486 = arith.constant 0 : i32
        %dma_start3A_487 = tpu.memref_slice %arg11[%run_scoped3A_350, %dma_start3A_486] : memref<16x128xi32, #tpu.memory_space<vmem>> -> memref<1x128xi32, #tpu.memory_space<vmem>>
        %dma_start3A_488 = tpu.memref_squeeze %dma_start3A_487 : memref<1x128xi32, #tpu.memory_space<vmem>> -> memref<128xi32, #tpu.memory_space<vmem>>
        %dma_start3A_489 = arith.constant 0 : i32
        %dma_start3A_490 = arith.constant 0 : i32
        %dma_start3A_491 = tpu.memref_slice %arg16[%dma_start3A_489, %dma_start3A_490] : memref<10240x128xf32, #tpu.memory_space<vmem_shared>> -> memref<10240x128xf32, #tpu.memory_space<vmem_shared>>
        tpu.enqueue_indirect_dma source(%arg12 : memref<128x128xf32, #tpu.memory_space<vmem>>) target(%dma_start3A_491 : memref<10240x128xf32, #tpu.memory_space<vmem_shared>>) offsets(%dma_start3A_488 : memref<128xi32, #tpu.memory_space<vmem>>) semaphore(%run_scoped3A_485 : memref<!tpu.dma_semaphore, #tpu.memory_space<semaphore_mem>>) {add = true}
        %dma_wait3A_492 = arith.constant 0 : i32
        %dma_wait3A_493 = tpu.memref_slice %arg11[%run_scoped3A_350, %dma_wait3A_492] : memref<16x128xi32, #tpu.memory_space<vmem>> -> memref<1x128xi32, #tpu.memory_space<vmem>>
        %dma_wait3A_494 = tpu.memref_squeeze %dma_wait3A_493 : memref<1x128xi32, #tpu.memory_space<vmem>> -> memref<128xi32, #tpu.memory_space<vmem>>
        %dma_wait3A_495 = arith.constant 0 : i32
        %dma_wait3A_496 = arith.constant 0 : i32
        %dma_wait3A_497 = tpu.memref_slice %arg16[%dma_wait3A_495, %dma_wait3A_496] : memref<10240x128xf32, #tpu.memory_space<vmem_shared>> -> memref<10240x128xf32, #tpu.memory_space<vmem_shared>>
        tpu.wait_indirect_dma semaphore(%run_scoped3A_485 : memref<!tpu.dma_semaphore, #tpu.memory_space<semaphore_mem>>) src(%arg12 : memref<128x128xf32, #tpu.memory_space<vmem>>) dst(%dma_wait3A_497 : memref<10240x128xf32, #tpu.memory_space<vmem_shared>>)
        tpu.yield
      }) : () -> ()
      %dma_start3A_351 = arith.constant 12 : i32
      %dma_start3A_352 = arith.constant 0 : i32
      %dma_start3A_353 = tpu.memref_slice %arg10[%dma_start3A_351, %dma_start3A_352] : memref<16x128xi32, #tpu.memory_space<vmem>> -> memref<1x128xi32, #tpu.memory_space<vmem>>
      %dma_start3A_354 = tpu.memref_squeeze %dma_start3A_353 : memref<1x128xi32, #tpu.memory_space<vmem>> -> memref<128xi32, #tpu.memory_space<vmem>>
      %dma_start3A_355 = arith.constant 0 : i32
      %dma_start3A_356 = arith.constant 0 : i32
      %dma_start3A_357 = tpu.memref_slice %arg2[%dma_start3A_355, %dma_start3A_356] : memref<10000x128xf32, #tpu.memory_space<hbm>> -> memref<10000x128xf32, #tpu.memory_space<hbm>>
      tpu.enqueue_indirect_dma source(%dma_start3A_357 : memref<10000x128xf32, #tpu.memory_space<hbm>>) target(%arg12 : memref<128x128xf32, #tpu.memory_space<vmem>>) offsets(%dma_start3A_354 : memref<128xi32, #tpu.memory_space<vmem>>) semaphore(%arg18 : memref<!tpu.dma_semaphore, #tpu.memory_space<semaphore_mem>>)
      %dma_wait3A_358 = arith.constant 11 : i32
      %dma_wait3A_359 = arith.constant 0 : i32
      %dma_wait3A_360 = tpu.memref_slice %arg10[%dma_wait3A_358, %dma_wait3A_359] : memref<16x128xi32, #tpu.memory_space<vmem>> -> memref<1x128xi32, #tpu.memory_space<vmem>>
      %dma_wait3A_361 = tpu.memref_squeeze %dma_wait3A_360 : memref<1x128xi32, #tpu.memory_space<vmem>> -> memref<128xi32, #tpu.memory_space<vmem>>
      %dma_wait3A_362 = arith.constant 0 : i32
      %dma_wait3A_363 = arith.constant 0 : i32
      %dma_wait3A_364 = tpu.memref_slice %arg2[%dma_wait3A_362, %dma_wait3A_363] : memref<10000x128xf32, #tpu.memory_space<hbm>> -> memref<10000x128xf32, #tpu.memory_space<hbm>>
      tpu.wait_indirect_dma semaphore(%arg19 : memref<!tpu.dma_semaphore, #tpu.memory_space<semaphore_mem>>) src(%dma_wait3A_364 : memref<10000x128xf32, #tpu.memory_space<hbm>>) dst(%arg13 : memref<128x128xf32, #tpu.memory_space<vmem>>)
      %dma_wait3A_365 = arith.constant 10 : i32
      %dma_wait3A_366 = arith.constant 0 : i32
      %dma_wait3A_367 = tpu.memref_slice %arg11[%dma_wait3A_365, %dma_wait3A_366] : memref<16x128xi32, #tpu.memory_space<vmem>> -> memref<1x128xi32, #tpu.memory_space<vmem>>
      %dma_wait3A_368 = tpu.memref_squeeze %dma_wait3A_367 : memref<1x128xi32, #tpu.memory_space<vmem>> -> memref<128xi32, #tpu.memory_space<vmem>>
      %dma_wait3A_369 = arith.constant 0 : i32
      %dma_wait3A_370 = tpu.memref_slice %arg17[%dma_wait3A_369] : memref<10240xf32, #tpu.memory_space<vmem_shared>> -> memref<10240xf32, #tpu.memory_space<vmem_shared>>
      tpu.wait_indirect_dma semaphore(%arg20 : memref<!tpu.dma_semaphore, #tpu.memory_space<semaphore_mem>>) src(%arg14 : memref<128xf32, #tpu.memory_space<vmem>>) dst(%dma_wait3A_370 : memref<10240xf32, #tpu.memory_space<vmem_shared>>)
      %dma_start3A_371 = arith.constant 11 : i32
      %dma_start3A_372 = arith.constant 0 : i32
      %dma_start3A_373 = tpu.memref_slice %arg11[%dma_start3A_371, %dma_start3A_372] : memref<16x128xi32, #tpu.memory_space<vmem>> -> memref<1x128xi32, #tpu.memory_space<vmem>>
      %dma_start3A_374 = tpu.memref_squeeze %dma_start3A_373 : memref<1x128xi32, #tpu.memory_space<vmem>> -> memref<128xi32, #tpu.memory_space<vmem>>
      %dma_start3A_375 = arith.constant 0 : i32
      %dma_start3A_376 = tpu.memref_slice %arg17[%dma_start3A_375] : memref<10240xf32, #tpu.memory_space<vmem_shared>> -> memref<10240xf32, #tpu.memory_space<vmem_shared>>
      tpu.enqueue_indirect_dma source(%arg14 : memref<128xf32, #tpu.memory_space<vmem>>) target(%dma_start3A_376 : memref<10240xf32, #tpu.memory_space<vmem_shared>>) offsets(%dma_start3A_374 : memref<128xi32, #tpu.memory_space<vmem>>) semaphore(%arg20 : memref<!tpu.dma_semaphore, #tpu.memory_space<semaphore_mem>>) {add = true}
      %run_scoped3A_377 = arith.constant 11 : i32
      "tpu.region"() ({
        %run_scoped3A_485 = tpu.sem_alloc : memref<!tpu.dma_semaphore, #tpu.memory_space<semaphore_mem>>
        %dma_start3A_486 = arith.constant 0 : i32
        %dma_start3A_487 = tpu.memref_slice %arg11[%run_scoped3A_377, %dma_start3A_486] : memref<16x128xi32, #tpu.memory_space<vmem>> -> memref<1x128xi32, #tpu.memory_space<vmem>>
        %dma_start3A_488 = tpu.memref_squeeze %dma_start3A_487 : memref<1x128xi32, #tpu.memory_space<vmem>> -> memref<128xi32, #tpu.memory_space<vmem>>
        %dma_start3A_489 = arith.constant 0 : i32
        %dma_start3A_490 = arith.constant 0 : i32
        %dma_start3A_491 = tpu.memref_slice %arg16[%dma_start3A_489, %dma_start3A_490] : memref<10240x128xf32, #tpu.memory_space<vmem_shared>> -> memref<10240x128xf32, #tpu.memory_space<vmem_shared>>
        tpu.enqueue_indirect_dma source(%arg13 : memref<128x128xf32, #tpu.memory_space<vmem>>) target(%dma_start3A_491 : memref<10240x128xf32, #tpu.memory_space<vmem_shared>>) offsets(%dma_start3A_488 : memref<128xi32, #tpu.memory_space<vmem>>) semaphore(%run_scoped3A_485 : memref<!tpu.dma_semaphore, #tpu.memory_space<semaphore_mem>>) {add = true}
        %dma_wait3A_492 = arith.constant 0 : i32
        %dma_wait3A_493 = tpu.memref_slice %arg11[%run_scoped3A_377, %dma_wait3A_492] : memref<16x128xi32, #tpu.memory_space<vmem>> -> memref<1x128xi32, #tpu.memory_space<vmem>>
        %dma_wait3A_494 = tpu.memref_squeeze %dma_wait3A_493 : memref<1x128xi32, #tpu.memory_space<vmem>> -> memref<128xi32, #tpu.memory_space<vmem>>
        %dma_wait3A_495 = arith.constant 0 : i32
        %dma_wait3A_496 = arith.constant 0 : i32
        %dma_wait3A_497 = tpu.memref_slice %arg16[%dma_wait3A_495, %dma_wait3A_496] : memref<10240x128xf32, #tpu.memory_space<vmem_shared>> -> memref<10240x128xf32, #tpu.memory_space<vmem_shared>>
        tpu.wait_indirect_dma semaphore(%run_scoped3A_485 : memref<!tpu.dma_semaphore, #tpu.memory_space<semaphore_mem>>) src(%arg13 : memref<128x128xf32, #tpu.memory_space<vmem>>) dst(%dma_wait3A_497 : memref<10240x128xf32, #tpu.memory_space<vmem_shared>>)
        tpu.yield
      }) : () -> ()
      %dma_start3A_378 = arith.constant 13 : i32
      %dma_start3A_379 = arith.constant 0 : i32
      %dma_start3A_380 = tpu.memref_slice %arg10[%dma_start3A_378, %dma_start3A_379] : memref<16x128xi32, #tpu.memory_space<vmem>> -> memref<1x128xi32, #tpu.memory_space<vmem>>
      %dma_start3A_381 = tpu.memref_squeeze %dma_start3A_380 : memref<1x128xi32, #tpu.memory_space<vmem>> -> memref<128xi32, #tpu.memory_space<vmem>>
      %dma_start3A_382 = arith.constant 0 : i32
      %dma_start3A_383 = arith.constant 0 : i32
      %dma_start3A_384 = tpu.memref_slice %arg2[%dma_start3A_382, %dma_start3A_383] : memref<10000x128xf32, #tpu.memory_space<hbm>> -> memref<10000x128xf32, #tpu.memory_space<hbm>>
      tpu.enqueue_indirect_dma source(%dma_start3A_384 : memref<10000x128xf32, #tpu.memory_space<hbm>>) target(%arg13 : memref<128x128xf32, #tpu.memory_space<vmem>>) offsets(%dma_start3A_381 : memref<128xi32, #tpu.memory_space<vmem>>) semaphore(%arg19 : memref<!tpu.dma_semaphore, #tpu.memory_space<semaphore_mem>>)
      %dma_wait3A_385 = arith.constant 12 : i32
      %dma_wait3A_386 = arith.constant 0 : i32
      %dma_wait3A_387 = tpu.memref_slice %arg10[%dma_wait3A_385, %dma_wait3A_386] : memref<16x128xi32, #tpu.memory_space<vmem>> -> memref<1x128xi32, #tpu.memory_space<vmem>>
      %dma_wait3A_388 = tpu.memref_squeeze %dma_wait3A_387 : memref<1x128xi32, #tpu.memory_space<vmem>> -> memref<128xi32, #tpu.memory_space<vmem>>
      %dma_wait3A_389 = arith.constant 0 : i32
      %dma_wait3A_390 = arith.constant 0 : i32
      %dma_wait3A_391 = tpu.memref_slice %arg2[%dma_wait3A_389, %dma_wait3A_390] : memref<10000x128xf32, #tpu.memory_space<hbm>> -> memref<10000x128xf32, #tpu.memory_space<hbm>>
      tpu.wait_indirect_dma semaphore(%arg18 : memref<!tpu.dma_semaphore, #tpu.memory_space<semaphore_mem>>) src(%dma_wait3A_391 : memref<10000x128xf32, #tpu.memory_space<hbm>>) dst(%arg12 : memref<128x128xf32, #tpu.memory_space<vmem>>)
      %dma_wait3A_392 = arith.constant 11 : i32
      %dma_wait3A_393 = arith.constant 0 : i32
      %dma_wait3A_394 = tpu.memref_slice %arg11[%dma_wait3A_392, %dma_wait3A_393] : memref<16x128xi32, #tpu.memory_space<vmem>> -> memref<1x128xi32, #tpu.memory_space<vmem>>
      %dma_wait3A_395 = tpu.memref_squeeze %dma_wait3A_394 : memref<1x128xi32, #tpu.memory_space<vmem>> -> memref<128xi32, #tpu.memory_space<vmem>>
      %dma_wait3A_396 = arith.constant 0 : i32
      %dma_wait3A_397 = tpu.memref_slice %arg17[%dma_wait3A_396] : memref<10240xf32, #tpu.memory_space<vmem_shared>> -> memref<10240xf32, #tpu.memory_space<vmem_shared>>
      tpu.wait_indirect_dma semaphore(%arg20 : memref<!tpu.dma_semaphore, #tpu.memory_space<semaphore_mem>>) src(%arg14 : memref<128xf32, #tpu.memory_space<vmem>>) dst(%dma_wait3A_397 : memref<10240xf32, #tpu.memory_space<vmem_shared>>)
      %dma_start3A_398 = arith.constant 12 : i32
      %dma_start3A_399 = arith.constant 0 : i32
      %dma_start3A_400 = tpu.memref_slice %arg11[%dma_start3A_398, %dma_start3A_399] : memref<16x128xi32, #tpu.memory_space<vmem>> -> memref<1x128xi32, #tpu.memory_space<vmem>>
      %dma_start3A_401 = tpu.memref_squeeze %dma_start3A_400 : memref<1x128xi32, #tpu.memory_space<vmem>> -> memref<128xi32, #tpu.memory_space<vmem>>
      %dma_start3A_402 = arith.constant 0 : i32
      %dma_start3A_403 = tpu.memref_slice %arg17[%dma_start3A_402] : memref<10240xf32, #tpu.memory_space<vmem_shared>> -> memref<10240xf32, #tpu.memory_space<vmem_shared>>
      tpu.enqueue_indirect_dma source(%arg14 : memref<128xf32, #tpu.memory_space<vmem>>) target(%dma_start3A_403 : memref<10240xf32, #tpu.memory_space<vmem_shared>>) offsets(%dma_start3A_401 : memref<128xi32, #tpu.memory_space<vmem>>) semaphore(%arg20 : memref<!tpu.dma_semaphore, #tpu.memory_space<semaphore_mem>>) {add = true}
      %run_scoped3A_404 = arith.constant 12 : i32
      "tpu.region"() ({
        %run_scoped3A_485 = tpu.sem_alloc : memref<!tpu.dma_semaphore, #tpu.memory_space<semaphore_mem>>
        %dma_start3A_486 = arith.constant 0 : i32
        %dma_start3A_487 = tpu.memref_slice %arg11[%run_scoped3A_404, %dma_start3A_486] : memref<16x128xi32, #tpu.memory_space<vmem>> -> memref<1x128xi32, #tpu.memory_space<vmem>>
        %dma_start3A_488 = tpu.memref_squeeze %dma_start3A_487 : memref<1x128xi32, #tpu.memory_space<vmem>> -> memref<128xi32, #tpu.memory_space<vmem>>
        %dma_start3A_489 = arith.constant 0 : i32
        %dma_start3A_490 = arith.constant 0 : i32
        %dma_start3A_491 = tpu.memref_slice %arg16[%dma_start3A_489, %dma_start3A_490] : memref<10240x128xf32, #tpu.memory_space<vmem_shared>> -> memref<10240x128xf32, #tpu.memory_space<vmem_shared>>
        tpu.enqueue_indirect_dma source(%arg12 : memref<128x128xf32, #tpu.memory_space<vmem>>) target(%dma_start3A_491 : memref<10240x128xf32, #tpu.memory_space<vmem_shared>>) offsets(%dma_start3A_488 : memref<128xi32, #tpu.memory_space<vmem>>) semaphore(%run_scoped3A_485 : memref<!tpu.dma_semaphore, #tpu.memory_space<semaphore_mem>>) {add = true}
        %dma_wait3A_492 = arith.constant 0 : i32
        %dma_wait3A_493 = tpu.memref_slice %arg11[%run_scoped3A_404, %dma_wait3A_492] : memref<16x128xi32, #tpu.memory_space<vmem>> -> memref<1x128xi32, #tpu.memory_space<vmem>>
        %dma_wait3A_494 = tpu.memref_squeeze %dma_wait3A_493 : memref<1x128xi32, #tpu.memory_space<vmem>> -> memref<128xi32, #tpu.memory_space<vmem>>
        %dma_wait3A_495 = arith.constant 0 : i32
        %dma_wait3A_496 = arith.constant 0 : i32
        %dma_wait3A_497 = tpu.memref_slice %arg16[%dma_wait3A_495, %dma_wait3A_496] : memref<10240x128xf32, #tpu.memory_space<vmem_shared>> -> memref<10240x128xf32, #tpu.memory_space<vmem_shared>>
        tpu.wait_indirect_dma semaphore(%run_scoped3A_485 : memref<!tpu.dma_semaphore, #tpu.memory_space<semaphore_mem>>) src(%arg12 : memref<128x128xf32, #tpu.memory_space<vmem>>) dst(%dma_wait3A_497 : memref<10240x128xf32, #tpu.memory_space<vmem_shared>>)
        tpu.yield
      }) : () -> ()
      %dma_start3A_405 = arith.constant 14 : i32
      %dma_start3A_406 = arith.constant 0 : i32
      %dma_start3A_407 = tpu.memref_slice %arg10[%dma_start3A_405, %dma_start3A_406] : memref<16x128xi32, #tpu.memory_space<vmem>> -> memref<1x128xi32, #tpu.memory_space<vmem>>
      %dma_start3A_408 = tpu.memref_squeeze %dma_start3A_407 : memref<1x128xi32, #tpu.memory_space<vmem>> -> memref<128xi32, #tpu.memory_space<vmem>>
      %dma_start3A_409 = arith.constant 0 : i32
      %dma_start3A_410 = arith.constant 0 : i32
      %dma_start3A_411 = tpu.memref_slice %arg2[%dma_start3A_409, %dma_start3A_410] : memref<10000x128xf32, #tpu.memory_space<hbm>> -> memref<10000x128xf32, #tpu.memory_space<hbm>>
      tpu.enqueue_indirect_dma source(%dma_start3A_411 : memref<10000x128xf32, #tpu.memory_space<hbm>>) target(%arg12 : memref<128x128xf32, #tpu.memory_space<vmem>>) offsets(%dma_start3A_408 : memref<128xi32, #tpu.memory_space<vmem>>) semaphore(%arg18 : memref<!tpu.dma_semaphore, #tpu.memory_space<semaphore_mem>>)
      %dma_wait3A_412 = arith.constant 13 : i32
      %dma_wait3A_413 = arith.constant 0 : i32
      %dma_wait3A_414 = tpu.memref_slice %arg10[%dma_wait3A_412, %dma_wait3A_413] : memref<16x128xi32, #tpu.memory_space<vmem>> -> memref<1x128xi32, #tpu.memory_space<vmem>>
      %dma_wait3A_415 = tpu.memref_squeeze %dma_wait3A_414 : memref<1x128xi32, #tpu.memory_space<vmem>> -> memref<128xi32, #tpu.memory_space<vmem>>
      %dma_wait3A_416 = arith.constant 0 : i32
      %dma_wait3A_417 = arith.constant 0 : i32
      %dma_wait3A_418 = tpu.memref_slice %arg2[%dma_wait3A_416, %dma_wait3A_417] : memref<10000x128xf32, #tpu.memory_space<hbm>> -> memref<10000x128xf32, #tpu.memory_space<hbm>>
      tpu.wait_indirect_dma semaphore(%arg19 : memref<!tpu.dma_semaphore, #tpu.memory_space<semaphore_mem>>) src(%dma_wait3A_418 : memref<10000x128xf32, #tpu.memory_space<hbm>>) dst(%arg13 : memref<128x128xf32, #tpu.memory_space<vmem>>)
      %dma_wait3A_419 = arith.constant 12 : i32
      %dma_wait3A_420 = arith.constant 0 : i32
      %dma_wait3A_421 = tpu.memref_slice %arg11[%dma_wait3A_419, %dma_wait3A_420] : memref<16x128xi32, #tpu.memory_space<vmem>> -> memref<1x128xi32, #tpu.memory_space<vmem>>
      %dma_wait3A_422 = tpu.memref_squeeze %dma_wait3A_421 : memref<1x128xi32, #tpu.memory_space<vmem>> -> memref<128xi32, #tpu.memory_space<vmem>>
      %dma_wait3A_423 = arith.constant 0 : i32
      %dma_wait3A_424 = tpu.memref_slice %arg17[%dma_wait3A_423] : memref<10240xf32, #tpu.memory_space<vmem_shared>> -> memref<10240xf32, #tpu.memory_space<vmem_shared>>
      tpu.wait_indirect_dma semaphore(%arg20 : memref<!tpu.dma_semaphore, #tpu.memory_space<semaphore_mem>>) src(%arg14 : memref<128xf32, #tpu.memory_space<vmem>>) dst(%dma_wait3A_424 : memref<10240xf32, #tpu.memory_space<vmem_shared>>)
      %dma_start3A_425 = arith.constant 13 : i32
      %dma_start3A_426 = arith.constant 0 : i32
      %dma_start3A_427 = tpu.memref_slice %arg11[%dma_start3A_425, %dma_start3A_426] : memref<16x128xi32, #tpu.memory_space<vmem>> -> memref<1x128xi32, #tpu.memory_space<vmem>>
      %dma_start3A_428 = tpu.memref_squeeze %dma_start3A_427 : memref<1x128xi32, #tpu.memory_space<vmem>> -> memref<128xi32, #tpu.memory_space<vmem>>
      %dma_start3A_429 = arith.constant 0 : i32
      %dma_start3A_430 = tpu.memref_slice %arg17[%dma_start3A_429] : memref<10240xf32, #tpu.memory_space<vmem_shared>> -> memref<10240xf32, #tpu.memory_space<vmem_shared>>
      tpu.enqueue_indirect_dma source(%arg14 : memref<128xf32, #tpu.memory_space<vmem>>) target(%dma_start3A_430 : memref<10240xf32, #tpu.memory_space<vmem_shared>>) offsets(%dma_start3A_428 : memref<128xi32, #tpu.memory_space<vmem>>) semaphore(%arg20 : memref<!tpu.dma_semaphore, #tpu.memory_space<semaphore_mem>>) {add = true}
      %run_scoped3A_431 = arith.constant 13 : i32
      "tpu.region"() ({
        %run_scoped3A_485 = tpu.sem_alloc : memref<!tpu.dma_semaphore, #tpu.memory_space<semaphore_mem>>
        %dma_start3A_486 = arith.constant 0 : i32
        %dma_start3A_487 = tpu.memref_slice %arg11[%run_scoped3A_431, %dma_start3A_486] : memref<16x128xi32, #tpu.memory_space<vmem>> -> memref<1x128xi32, #tpu.memory_space<vmem>>
        %dma_start3A_488 = tpu.memref_squeeze %dma_start3A_487 : memref<1x128xi32, #tpu.memory_space<vmem>> -> memref<128xi32, #tpu.memory_space<vmem>>
        %dma_start3A_489 = arith.constant 0 : i32
        %dma_start3A_490 = arith.constant 0 : i32
        %dma_start3A_491 = tpu.memref_slice %arg16[%dma_start3A_489, %dma_start3A_490] : memref<10240x128xf32, #tpu.memory_space<vmem_shared>> -> memref<10240x128xf32, #tpu.memory_space<vmem_shared>>
        tpu.enqueue_indirect_dma source(%arg13 : memref<128x128xf32, #tpu.memory_space<vmem>>) target(%dma_start3A_491 : memref<10240x128xf32, #tpu.memory_space<vmem_shared>>) offsets(%dma_start3A_488 : memref<128xi32, #tpu.memory_space<vmem>>) semaphore(%run_scoped3A_485 : memref<!tpu.dma_semaphore, #tpu.memory_space<semaphore_mem>>) {add = true}
        %dma_wait3A_492 = arith.constant 0 : i32
        %dma_wait3A_493 = tpu.memref_slice %arg11[%run_scoped3A_431, %dma_wait3A_492] : memref<16x128xi32, #tpu.memory_space<vmem>> -> memref<1x128xi32, #tpu.memory_space<vmem>>
        %dma_wait3A_494 = tpu.memref_squeeze %dma_wait3A_493 : memref<1x128xi32, #tpu.memory_space<vmem>> -> memref<128xi32, #tpu.memory_space<vmem>>
        %dma_wait3A_495 = arith.constant 0 : i32
        %dma_wait3A_496 = arith.constant 0 : i32
        %dma_wait3A_497 = tpu.memref_slice %arg16[%dma_wait3A_495, %dma_wait3A_496] : memref<10240x128xf32, #tpu.memory_space<vmem_shared>> -> memref<10240x128xf32, #tpu.memory_space<vmem_shared>>
        tpu.wait_indirect_dma semaphore(%run_scoped3A_485 : memref<!tpu.dma_semaphore, #tpu.memory_space<semaphore_mem>>) src(%arg13 : memref<128x128xf32, #tpu.memory_space<vmem>>) dst(%dma_wait3A_497 : memref<10240x128xf32, #tpu.memory_space<vmem_shared>>)
        tpu.yield
      }) : () -> ()
      %dma_start3A_432 = arith.constant 15 : i32
      %dma_start3A_433 = arith.constant 0 : i32
      %dma_start3A_434 = tpu.memref_slice %arg10[%dma_start3A_432, %dma_start3A_433] : memref<16x128xi32, #tpu.memory_space<vmem>> -> memref<1x128xi32, #tpu.memory_space<vmem>>
      %dma_start3A_435 = tpu.memref_squeeze %dma_start3A_434 : memref<1x128xi32, #tpu.memory_space<vmem>> -> memref<128xi32, #tpu.memory_space<vmem>>
      %dma_start3A_436 = arith.constant 0 : i32
      %dma_start3A_437 = arith.constant 0 : i32
      %dma_start3A_438 = tpu.memref_slice %arg2[%dma_start3A_436, %dma_start3A_437] : memref<10000x128xf32, #tpu.memory_space<hbm>> -> memref<10000x128xf32, #tpu.memory_space<hbm>>
      tpu.enqueue_indirect_dma source(%dma_start3A_438 : memref<10000x128xf32, #tpu.memory_space<hbm>>) target(%arg13 : memref<128x128xf32, #tpu.memory_space<vmem>>) offsets(%dma_start3A_435 : memref<128xi32, #tpu.memory_space<vmem>>) semaphore(%arg19 : memref<!tpu.dma_semaphore, #tpu.memory_space<semaphore_mem>>)
      %dma_wait3A_439 = arith.constant 14 : i32
      %dma_wait3A_440 = arith.constant 0 : i32
      %dma_wait3A_441 = tpu.memref_slice %arg10[%dma_wait3A_439, %dma_wait3A_440] : memref<16x128xi32, #tpu.memory_space<vmem>> -> memref<1x128xi32, #tpu.memory_space<vmem>>
      %dma_wait3A_442 = tpu.memref_squeeze %dma_wait3A_441 : memref<1x128xi32, #tpu.memory_space<vmem>> -> memref<128xi32, #tpu.memory_space<vmem>>
      %dma_wait3A_443 = arith.constant 0 : i32
      %dma_wait3A_444 = arith.constant 0 : i32
      %dma_wait3A_445 = tpu.memref_slice %arg2[%dma_wait3A_443, %dma_wait3A_444] : memref<10000x128xf32, #tpu.memory_space<hbm>> -> memref<10000x128xf32, #tpu.memory_space<hbm>>
      tpu.wait_indirect_dma semaphore(%arg18 : memref<!tpu.dma_semaphore, #tpu.memory_space<semaphore_mem>>) src(%dma_wait3A_445 : memref<10000x128xf32, #tpu.memory_space<hbm>>) dst(%arg12 : memref<128x128xf32, #tpu.memory_space<vmem>>)
      %dma_wait3A_446 = arith.constant 13 : i32
      %dma_wait3A_447 = arith.constant 0 : i32
      %dma_wait3A_448 = tpu.memref_slice %arg11[%dma_wait3A_446, %dma_wait3A_447] : memref<16x128xi32, #tpu.memory_space<vmem>> -> memref<1x128xi32, #tpu.memory_space<vmem>>
      %dma_wait3A_449 = tpu.memref_squeeze %dma_wait3A_448 : memref<1x128xi32, #tpu.memory_space<vmem>> -> memref<128xi32, #tpu.memory_space<vmem>>
      %dma_wait3A_450 = arith.constant 0 : i32
      %dma_wait3A_451 = tpu.memref_slice %arg17[%dma_wait3A_450] : memref<10240xf32, #tpu.memory_space<vmem_shared>> -> memref<10240xf32, #tpu.memory_space<vmem_shared>>
      tpu.wait_indirect_dma semaphore(%arg20 : memref<!tpu.dma_semaphore, #tpu.memory_space<semaphore_mem>>) src(%arg14 : memref<128xf32, #tpu.memory_space<vmem>>) dst(%dma_wait3A_451 : memref<10240xf32, #tpu.memory_space<vmem_shared>>)
      %dma_start3A_452 = arith.constant 14 : i32
      %dma_start3A_453 = arith.constant 0 : i32
      %dma_start3A_454 = tpu.memref_slice %arg11[%dma_start3A_452, %dma_start3A_453] : memref<16x128xi32, #tpu.memory_space<vmem>> -> memref<1x128xi32, #tpu.memory_space<vmem>>
      %dma_start3A_455 = tpu.memref_squeeze %dma_start3A_454 : memref<1x128xi32, #tpu.memory_space<vmem>> -> memref<128xi32, #tpu.memory_space<vmem>>
      %dma_start3A_456 = arith.constant 0 : i32
      %dma_start3A_457 = tpu.memref_slice %arg17[%dma_start3A_456] : memref<10240xf32, #tpu.memory_space<vmem_shared>> -> memref<10240xf32, #tpu.memory_space<vmem_shared>>
      tpu.enqueue_indirect_dma source(%arg14 : memref<128xf32, #tpu.memory_space<vmem>>) target(%dma_start3A_457 : memref<10240xf32, #tpu.memory_space<vmem_shared>>) offsets(%dma_start3A_455 : memref<128xi32, #tpu.memory_space<vmem>>) semaphore(%arg20 : memref<!tpu.dma_semaphore, #tpu.memory_space<semaphore_mem>>) {add = true}
      %run_scoped3A_458 = arith.constant 14 : i32
      "tpu.region"() ({
        %run_scoped3A_485 = tpu.sem_alloc : memref<!tpu.dma_semaphore, #tpu.memory_space<semaphore_mem>>
        %dma_start3A_486 = arith.constant 0 : i32
        %dma_start3A_487 = tpu.memref_slice %arg11[%run_scoped3A_458, %dma_start3A_486] : memref<16x128xi32, #tpu.memory_space<vmem>> -> memref<1x128xi32, #tpu.memory_space<vmem>>
        %dma_start3A_488 = tpu.memref_squeeze %dma_start3A_487 : memref<1x128xi32, #tpu.memory_space<vmem>> -> memref<128xi32, #tpu.memory_space<vmem>>
        %dma_start3A_489 = arith.constant 0 : i32
        %dma_start3A_490 = arith.constant 0 : i32
        %dma_start3A_491 = tpu.memref_slice %arg16[%dma_start3A_489, %dma_start3A_490] : memref<10240x128xf32, #tpu.memory_space<vmem_shared>> -> memref<10240x128xf32, #tpu.memory_space<vmem_shared>>
        tpu.enqueue_indirect_dma source(%arg12 : memref<128x128xf32, #tpu.memory_space<vmem>>) target(%dma_start3A_491 : memref<10240x128xf32, #tpu.memory_space<vmem_shared>>) offsets(%dma_start3A_488 : memref<128xi32, #tpu.memory_space<vmem>>) semaphore(%run_scoped3A_485 : memref<!tpu.dma_semaphore, #tpu.memory_space<semaphore_mem>>) {add = true}
        %dma_wait3A_492 = arith.constant 0 : i32
        %dma_wait3A_493 = tpu.memref_slice %arg11[%run_scoped3A_458, %dma_wait3A_492] : memref<16x128xi32, #tpu.memory_space<vmem>> -> memref<1x128xi32, #tpu.memory_space<vmem>>
        %dma_wait3A_494 = tpu.memref_squeeze %dma_wait3A_493 : memref<1x128xi32, #tpu.memory_space<vmem>> -> memref<128xi32, #tpu.memory_space<vmem>>
        %dma_wait3A_495 = arith.constant 0 : i32
        %dma_wait3A_496 = arith.constant 0 : i32
        %dma_wait3A_497 = tpu.memref_slice %arg16[%dma_wait3A_495, %dma_wait3A_496] : memref<10240x128xf32, #tpu.memory_space<vmem_shared>> -> memref<10240x128xf32, #tpu.memory_space<vmem_shared>>
        tpu.wait_indirect_dma semaphore(%run_scoped3A_485 : memref<!tpu.dma_semaphore, #tpu.memory_space<semaphore_mem>>) src(%arg12 : memref<128x128xf32, #tpu.memory_space<vmem>>) dst(%dma_wait3A_497 : memref<10240x128xf32, #tpu.memory_space<vmem_shared>>)
        tpu.yield
      }) : () -> ()
      %dma_wait3A_459 = arith.constant 15 : i32
      %dma_wait3A_460 = arith.constant 0 : i32
      %dma_wait3A_461 = tpu.memref_slice %arg10[%dma_wait3A_459, %dma_wait3A_460] : memref<16x128xi32, #tpu.memory_space<vmem>> -> memref<1x128xi32, #tpu.memory_space<vmem>>
      %dma_wait3A_462 = tpu.memref_squeeze %dma_wait3A_461 : memref<1x128xi32, #tpu.memory_space<vmem>> -> memref<128xi32, #tpu.memory_space<vmem>>
      %dma_wait3A_463 = arith.constant 0 : i32
      %dma_wait3A_464 = arith.constant 0 : i32
      %dma_wait3A_465 = tpu.memref_slice %arg2[%dma_wait3A_463, %dma_wait3A_464] : memref<10000x128xf32, #tpu.memory_space<hbm>> -> memref<10000x128xf32, #tpu.memory_space<hbm>>
      tpu.wait_indirect_dma semaphore(%arg19 : memref<!tpu.dma_semaphore, #tpu.memory_space<semaphore_mem>>) src(%dma_wait3A_465 : memref<10000x128xf32, #tpu.memory_space<hbm>>) dst(%arg13 : memref<128x128xf32, #tpu.memory_space<vmem>>)
      %dma_wait3A_466 = arith.constant 14 : i32
      %dma_wait3A_467 = arith.constant 0 : i32
      %dma_wait3A_468 = tpu.memref_slice %arg11[%dma_wait3A_466, %dma_wait3A_467] : memref<16x128xi32, #tpu.memory_space<vmem>> -> memref<1x128xi32, #tpu.memory_space<vmem>>
      %dma_wait3A_469 = tpu.memref_squeeze %dma_wait3A_468 : memref<1x128xi32, #tpu.memory_space<vmem>> -> memref<128xi32, #tpu.memory_space<vmem>>
      %dma_wait3A_470 = arith.constant 0 : i32
      %dma_wait3A_471 = tpu.memref_slice %arg17[%dma_wait3A_470] : memref<10240xf32, #tpu.memory_space<vmem_shared>> -> memref<10240xf32, #tpu.memory_space<vmem_shared>>
      tpu.wait_indirect_dma semaphore(%arg20 : memref<!tpu.dma_semaphore, #tpu.memory_space<semaphore_mem>>) src(%arg14 : memref<128xf32, #tpu.memory_space<vmem>>) dst(%dma_wait3A_471 : memref<10240xf32, #tpu.memory_space<vmem_shared>>)
      %dma_start3A_472 = arith.constant 15 : i32
      %dma_start3A_473 = arith.constant 0 : i32
      %dma_start3A_474 = tpu.memref_slice %arg11[%dma_start3A_472, %dma_start3A_473] : memref<16x128xi32, #tpu.memory_space<vmem>> -> memref<1x128xi32, #tpu.memory_space<vmem>>
      %dma_start3A_475 = tpu.memref_squeeze %dma_start3A_474 : memref<1x128xi32, #tpu.memory_space<vmem>> -> memref<128xi32, #tpu.memory_space<vmem>>
      %dma_start3A_476 = arith.constant 0 : i32
      %dma_start3A_477 = tpu.memref_slice %arg17[%dma_start3A_476] : memref<10240xf32, #tpu.memory_space<vmem_shared>> -> memref<10240xf32, #tpu.memory_space<vmem_shared>>
      tpu.enqueue_indirect_dma source(%arg14 : memref<128xf32, #tpu.memory_space<vmem>>) target(%dma_start3A_477 : memref<10240xf32, #tpu.memory_space<vmem_shared>>) offsets(%dma_start3A_475 : memref<128xi32, #tpu.memory_space<vmem>>) semaphore(%arg20 : memref<!tpu.dma_semaphore, #tpu.memory_space<semaphore_mem>>) {add = true}
      %run_scoped3A_478 = arith.constant 15 : i32
      "tpu.region"() ({
        %run_scoped3A_485 = tpu.sem_alloc : memref<!tpu.dma_semaphore, #tpu.memory_space<semaphore_mem>>
        %dma_start3A_486 = arith.constant 0 : i32
        %dma_start3A_487 = tpu.memref_slice %arg11[%run_scoped3A_478, %dma_start3A_486] : memref<16x128xi32, #tpu.memory_space<vmem>> -> memref<1x128xi32, #tpu.memory_space<vmem>>
        %dma_start3A_488 = tpu.memref_squeeze %dma_start3A_487 : memref<1x128xi32, #tpu.memory_space<vmem>> -> memref<128xi32, #tpu.memory_space<vmem>>
        %dma_start3A_489 = arith.constant 0 : i32
        %dma_start3A_490 = arith.constant 0 : i32
        %dma_start3A_491 = tpu.memref_slice %arg16[%dma_start3A_489, %dma_start3A_490] : memref<10240x128xf32, #tpu.memory_space<vmem_shared>> -> memref<10240x128xf32, #tpu.memory_space<vmem_shared>>
        tpu.enqueue_indirect_dma source(%arg13 : memref<128x128xf32, #tpu.memory_space<vmem>>) target(%dma_start3A_491 : memref<10240x128xf32, #tpu.memory_space<vmem_shared>>) offsets(%dma_start3A_488 : memref<128xi32, #tpu.memory_space<vmem>>) semaphore(%run_scoped3A_485 : memref<!tpu.dma_semaphore, #tpu.memory_space<semaphore_mem>>) {add = true}
        %dma_wait3A_492 = arith.constant 0 : i32
        %dma_wait3A_493 = tpu.memref_slice %arg11[%run_scoped3A_478, %dma_wait3A_492] : memref<16x128xi32, #tpu.memory_space<vmem>> -> memref<1x128xi32, #tpu.memory_space<vmem>>
        %dma_wait3A_494 = tpu.memref_squeeze %dma_wait3A_493 : memref<1x128xi32, #tpu.memory_space<vmem>> -> memref<128xi32, #tpu.memory_space<vmem>>
        %dma_wait3A_495 = arith.constant 0 : i32
        %dma_wait3A_496 = arith.constant 0 : i32
        %dma_wait3A_497 = tpu.memref_slice %arg16[%dma_wait3A_495, %dma_wait3A_496] : memref<10240x128xf32, #tpu.memory_space<vmem_shared>> -> memref<10240x128xf32, #tpu.memory_space<vmem_shared>>
        tpu.wait_indirect_dma semaphore(%run_scoped3A_485 : memref<!tpu.dma_semaphore, #tpu.memory_space<semaphore_mem>>) src(%arg13 : memref<128x128xf32, #tpu.memory_space<vmem>>) dst(%dma_wait3A_497 : memref<10240x128xf32, #tpu.memory_space<vmem_shared>>)
        tpu.yield
      }) : () -> ()
      %dma_wait3A_479 = arith.constant 15 : i32
      %dma_wait3A_480 = arith.constant 0 : i32
      %dma_wait3A_481 = tpu.memref_slice %arg11[%dma_wait3A_479, %dma_wait3A_480] : memref<16x128xi32, #tpu.memory_space<vmem>> -> memref<1x128xi32, #tpu.memory_space<vmem>>
      %dma_wait3A_482 = tpu.memref_squeeze %dma_wait3A_481 : memref<1x128xi32, #tpu.memory_space<vmem>> -> memref<128xi32, #tpu.memory_space<vmem>>
      %dma_wait3A_483 = arith.constant 0 : i32
      %dma_wait3A_484 = tpu.memref_slice %arg17[%dma_wait3A_483] : memref<10240xf32, #tpu.memory_space<vmem_shared>> -> memref<10240xf32, #tpu.memory_space<vmem_shared>>
      tpu.wait_indirect_dma semaphore(%arg20 : memref<!tpu.dma_semaphore, #tpu.memory_space<semaphore_mem>>) src(%arg14 : memref<128xf32, #tpu.memory_space<vmem>>) dst(%dma_wait3A_484 : memref<10240xf32, #tpu.memory_space<vmem_shared>>)
    }
    %scan3A_27 = arith.constant 5 : i32
    %barrier3A_28 = arith.constant 0 : index
    tpu.barrier barrier_id(%barrier3A_28)
    %mul3A_29 = arith.constant 640 : i32
    %mul3A_30 = arith.muli %arg1, %mul3A_29 : i32
    %add3A_31 = arith.constant 0 : i32
    %add3A_32 = arith.addi %mul3A_30, %add3A_31 : i32
    "tpu.region"() ({
      %run_scoped3A = tpu.sem_alloc : memref<!tpu.dma_semaphore, #tpu.memory_space<semaphore_mem>>
      %dma_start3A = arith.constant 0 : i32
      %dma_start3A_51 = tpu.memref_slice %arg16[%add3A_32, %dma_start3A] : memref<10240x128xf32, #tpu.memory_space<vmem_shared>> -> memref<128x128xf32, #tpu.memory_space<vmem_shared>>
      %dma_start3A_52 = arith.constant 0 : i32
      %dma_start3A_53 = tpu.memref_slice %arg16[%add3A_32, %dma_start3A_52] : memref<10240x128xf32, #tpu.memory_space<vmem_shared>> -> memref<128x128xf32, #tpu.memory_space<vmem_shared>>
      tpu.enqueue_dma source(%dma_start3A_53 : memref<128x128xf32, #tpu.memory_space<vmem_shared>>) target(%arg12 : memref<128x128xf32, #tpu.memory_space<vmem>>) target_semaphore(%run_scoped3A : memref<!tpu.dma_semaphore, #tpu.memory_space<semaphore_mem>>)
      %dma_wait3A = arith.constant 0 : i32
      %dma_wait3A_54 = tpu.memref_slice %arg16[%add3A_32, %dma_wait3A] : memref<10240x128xf32, #tpu.memory_space<vmem_shared>> -> memref<128x128xf32, #tpu.memory_space<vmem_shared>>
      %dma_wait3A_55 = arith.constant 0 : i32
      %dma_wait3A_56 = tpu.memref_slice %arg16[%add3A_32, %dma_wait3A_55] : memref<10240x128xf32, #tpu.memory_space<vmem_shared>> -> memref<128x128xf32, #tpu.memory_space<vmem_shared>>
      tpu.wait_dma2 semaphore(%run_scoped3A : memref<!tpu.dma_semaphore, #tpu.memory_space<semaphore_mem>>) src(%dma_wait3A_56 : memref<128x128xf32, #tpu.memory_space<vmem_shared>>) dst(%arg12 : memref<128x128xf32, #tpu.memory_space<vmem>>)
      tpu.yield
    }) : () -> ()
    "tpu.region"() ({
      %run_scoped3A = tpu.sem_alloc : memref<!tpu.dma_semaphore, #tpu.memory_space<semaphore_mem>>
      %dma_start3A = arith.constant 0 : i32
      %dma_start3A_51 = tpu.memref_slice %arg8[%arg0, %add3A_32, %dma_start3A] : memref<2x10240x128xf32, #tpu.memory_space<hbm>> -> memref<1x128x128xf32, #tpu.memory_space<hbm>>
      %dma_start3A_52 = tpu.memref_squeeze %dma_start3A_51 : memref<1x128x128xf32, #tpu.memory_space<hbm>> -> memref<128x128xf32, #tpu.memory_space<hbm>>
      %dma_start3A_53 = arith.constant 0 : i32
      %dma_start3A_54 = tpu.memref_slice %arg8[%arg0, %add3A_32, %dma_start3A_53] : memref<2x10240x128xf32, #tpu.memory_space<hbm>> -> memref<1x128x128xf32, #tpu.memory_space<hbm>>
      %dma_start3A_55 = tpu.memref_squeeze %dma_start3A_54 : memref<1x128x128xf32, #tpu.memory_space<hbm>> -> memref<128x128xf32, #tpu.memory_space<hbm>>
      tpu.enqueue_dma source(%arg12 : memref<128x128xf32, #tpu.memory_space<vmem>>) target(%dma_start3A_55 : memref<128x128xf32, #tpu.memory_space<hbm>>) target_semaphore(%run_scoped3A : memref<!tpu.dma_semaphore, #tpu.memory_space<semaphore_mem>>)
      %dma_wait3A = arith.constant 0 : i32
      %dma_wait3A_56 = tpu.memref_slice %arg8[%arg0, %add3A_32, %dma_wait3A] : memref<2x10240x128xf32, #tpu.memory_space<hbm>> -> memref<1x128x128xf32, #tpu.memory_space<hbm>>
      %dma_wait3A_57 = tpu.memref_squeeze %dma_wait3A_56 : memref<1x128x128xf32, #tpu.memory_space<hbm>> -> memref<128x128xf32, #tpu.memory_space<hbm>>
      %dma_wait3A_58 = arith.constant 0 : i32
      %dma_wait3A_59 = tpu.memref_slice %arg8[%arg0, %add3A_32, %dma_wait3A_58] : memref<2x10240x128xf32, #tpu.memory_space<hbm>> -> memref<1x128x128xf32, #tpu.memory_space<hbm>>
      %dma_wait3A_60 = tpu.memref_squeeze %dma_wait3A_59 : memref<1x128x128xf32, #tpu.memory_space<hbm>> -> memref<128x128xf32, #tpu.memory_space<hbm>>
      tpu.wait_dma2 semaphore(%run_scoped3A : memref<!tpu.dma_semaphore, #tpu.memory_space<semaphore_mem>>) src(%arg12 : memref<128x128xf32, #tpu.memory_space<vmem>>) dst(%dma_wait3A_60 : memref<128x128xf32, #tpu.memory_space<hbm>>)
      tpu.yield
    }) : () -> ()
    %mul3A_33 = arith.constant 640 : i32
    %mul3A_34 = arith.muli %arg1, %mul3A_33 : i32
    %add3A_35 = arith.constant 128 : i32
    %add3A_36 = arith.addi %mul3A_34, %add3A_35 : i32
    "tpu.region"() ({
      %run_scoped3A = tpu.sem_alloc : memref<!tpu.dma_semaphore, #tpu.memory_space<semaphore_mem>>
      %dma_start3A = arith.constant 0 : i32
      %dma_start3A_51 = tpu.memref_slice %arg16[%add3A_36, %dma_start3A] : memref<10240x128xf32, #tpu.memory_space<vmem_shared>> -> memref<128x128xf32, #tpu.memory_space<vmem_shared>>
      %dma_start3A_52 = arith.constant 0 : i32
      %dma_start3A_53 = tpu.memref_slice %arg16[%add3A_36, %dma_start3A_52] : memref<10240x128xf32, #tpu.memory_space<vmem_shared>> -> memref<128x128xf32, #tpu.memory_space<vmem_shared>>
      tpu.enqueue_dma source(%dma_start3A_53 : memref<128x128xf32, #tpu.memory_space<vmem_shared>>) target(%arg12 : memref<128x128xf32, #tpu.memory_space<vmem>>) target_semaphore(%run_scoped3A : memref<!tpu.dma_semaphore, #tpu.memory_space<semaphore_mem>>)
      %dma_wait3A = arith.constant 0 : i32
      %dma_wait3A_54 = tpu.memref_slice %arg16[%add3A_36, %dma_wait3A] : memref<10240x128xf32, #tpu.memory_space<vmem_shared>> -> memref<128x128xf32, #tpu.memory_space<vmem_shared>>
      %dma_wait3A_55 = arith.constant 0 : i32
      %dma_wait3A_56 = tpu.memref_slice %arg16[%add3A_36, %dma_wait3A_55] : memref<10240x128xf32, #tpu.memory_space<vmem_shared>> -> memref<128x128xf32, #tpu.memory_space<vmem_shared>>
      tpu.wait_dma2 semaphore(%run_scoped3A : memref<!tpu.dma_semaphore, #tpu.memory_space<semaphore_mem>>) src(%dma_wait3A_56 : memref<128x128xf32, #tpu.memory_space<vmem_shared>>) dst(%arg12 : memref<128x128xf32, #tpu.memory_space<vmem>>)
      tpu.yield
    }) : () -> ()
    "tpu.region"() ({
      %run_scoped3A = tpu.sem_alloc : memref<!tpu.dma_semaphore, #tpu.memory_space<semaphore_mem>>
      %dma_start3A = arith.constant 0 : i32
      %dma_start3A_51 = tpu.memref_slice %arg8[%arg0, %add3A_36, %dma_start3A] : memref<2x10240x128xf32, #tpu.memory_space<hbm>> -> memref<1x128x128xf32, #tpu.memory_space<hbm>>
      %dma_start3A_52 = tpu.memref_squeeze %dma_start3A_51 : memref<1x128x128xf32, #tpu.memory_space<hbm>> -> memref<128x128xf32, #tpu.memory_space<hbm>>
      %dma_start3A_53 = arith.constant 0 : i32
      %dma_start3A_54 = tpu.memref_slice %arg8[%arg0, %add3A_36, %dma_start3A_53] : memref<2x10240x128xf32, #tpu.memory_space<hbm>> -> memref<1x128x128xf32, #tpu.memory_space<hbm>>
      %dma_start3A_55 = tpu.memref_squeeze %dma_start3A_54 : memref<1x128x128xf32, #tpu.memory_space<hbm>> -> memref<128x128xf32, #tpu.memory_space<hbm>>
      tpu.enqueue_dma source(%arg12 : memref<128x128xf32, #tpu.memory_space<vmem>>) target(%dma_start3A_55 : memref<128x128xf32, #tpu.memory_space<hbm>>) target_semaphore(%run_scoped3A : memref<!tpu.dma_semaphore, #tpu.memory_space<semaphore_mem>>)
      %dma_wait3A = arith.constant 0 : i32
      %dma_wait3A_56 = tpu.memref_slice %arg8[%arg0, %add3A_36, %dma_wait3A] : memref<2x10240x128xf32, #tpu.memory_space<hbm>> -> memref<1x128x128xf32, #tpu.memory_space<hbm>>
      %dma_wait3A_57 = tpu.memref_squeeze %dma_wait3A_56 : memref<1x128x128xf32, #tpu.memory_space<hbm>> -> memref<128x128xf32, #tpu.memory_space<hbm>>
      %dma_wait3A_58 = arith.constant 0 : i32
      %dma_wait3A_59 = tpu.memref_slice %arg8[%arg0, %add3A_36, %dma_wait3A_58] : memref<2x10240x128xf32, #tpu.memory_space<hbm>> -> memref<1x128x128xf32, #tpu.memory_space<hbm>>
      %dma_wait3A_60 = tpu.memref_squeeze %dma_wait3A_59 : memref<1x128x128xf32, #tpu.memory_space<hbm>> -> memref<128x128xf32, #tpu.memory_space<hbm>>
      tpu.wait_dma2 semaphore(%run_scoped3A : memref<!tpu.dma_semaphore, #tpu.memory_space<semaphore_mem>>) src(%arg12 : memref<128x128xf32, #tpu.memory_space<vmem>>) dst(%dma_wait3A_60 : memref<128x128xf32, #tpu.memory_space<hbm>>)
      tpu.yield
    }) : () -> ()
    %mul3A_37 = arith.constant 640 : i32
    %mul3A_38 = arith.muli %arg1, %mul3A_37 : i32
    %add3A_39 = arith.constant 256 : i32
    %add3A_40 = arith.addi %mul3A_38, %add3A_39 : i32
    "tpu.region"() ({
      %run_scoped3A = tpu.sem_alloc : memref<!tpu.dma_semaphore, #tpu.memory_space<semaphore_mem>>
      %dma_start3A = arith.constant 0 : i32
      %dma_start3A_51 = tpu.memref_slice %arg16[%add3A_40, %dma_start3A] : memref<10240x128xf32, #tpu.memory_space<vmem_shared>> -> memref<128x128xf32, #tpu.memory_space<vmem_shared>>
      %dma_start3A_52 = arith.constant 0 : i32
      %dma_start3A_53 = tpu.memref_slice %arg16[%add3A_40, %dma_start3A_52] : memref<10240x128xf32, #tpu.memory_space<vmem_shared>> -> memref<128x128xf32, #tpu.memory_space<vmem_shared>>
      tpu.enqueue_dma source(%dma_start3A_53 : memref<128x128xf32, #tpu.memory_space<vmem_shared>>) target(%arg12 : memref<128x128xf32, #tpu.memory_space<vmem>>) target_semaphore(%run_scoped3A : memref<!tpu.dma_semaphore, #tpu.memory_space<semaphore_mem>>)
      %dma_wait3A = arith.constant 0 : i32
      %dma_wait3A_54 = tpu.memref_slice %arg16[%add3A_40, %dma_wait3A] : memref<10240x128xf32, #tpu.memory_space<vmem_shared>> -> memref<128x128xf32, #tpu.memory_space<vmem_shared>>
      %dma_wait3A_55 = arith.constant 0 : i32
      %dma_wait3A_56 = tpu.memref_slice %arg16[%add3A_40, %dma_wait3A_55] : memref<10240x128xf32, #tpu.memory_space<vmem_shared>> -> memref<128x128xf32, #tpu.memory_space<vmem_shared>>
      tpu.wait_dma2 semaphore(%run_scoped3A : memref<!tpu.dma_semaphore, #tpu.memory_space<semaphore_mem>>) src(%dma_wait3A_56 : memref<128x128xf32, #tpu.memory_space<vmem_shared>>) dst(%arg12 : memref<128x128xf32, #tpu.memory_space<vmem>>)
      tpu.yield
    }) : () -> ()
    "tpu.region"() ({
      %run_scoped3A = tpu.sem_alloc : memref<!tpu.dma_semaphore, #tpu.memory_space<semaphore_mem>>
      %dma_start3A = arith.constant 0 : i32
      %dma_start3A_51 = tpu.memref_slice %arg8[%arg0, %add3A_40, %dma_start3A] : memref<2x10240x128xf32, #tpu.memory_space<hbm>> -> memref<1x128x128xf32, #tpu.memory_space<hbm>>
      %dma_start3A_52 = tpu.memref_squeeze %dma_start3A_51 : memref<1x128x128xf32, #tpu.memory_space<hbm>> -> memref<128x128xf32, #tpu.memory_space<hbm>>
      %dma_start3A_53 = arith.constant 0 : i32
      %dma_start3A_54 = tpu.memref_slice %arg8[%arg0, %add3A_40, %dma_start3A_53] : memref<2x10240x128xf32, #tpu.memory_space<hbm>> -> memref<1x128x128xf32, #tpu.memory_space<hbm>>
      %dma_start3A_55 = tpu.memref_squeeze %dma_start3A_54 : memref<1x128x128xf32, #tpu.memory_space<hbm>> -> memref<128x128xf32, #tpu.memory_space<hbm>>
      tpu.enqueue_dma source(%arg12 : memref<128x128xf32, #tpu.memory_space<vmem>>) target(%dma_start3A_55 : memref<128x128xf32, #tpu.memory_space<hbm>>) target_semaphore(%run_scoped3A : memref<!tpu.dma_semaphore, #tpu.memory_space<semaphore_mem>>)
      %dma_wait3A = arith.constant 0 : i32
      %dma_wait3A_56 = tpu.memref_slice %arg8[%arg0, %add3A_40, %dma_wait3A] : memref<2x10240x128xf32, #tpu.memory_space<hbm>> -> memref<1x128x128xf32, #tpu.memory_space<hbm>>
      %dma_wait3A_57 = tpu.memref_squeeze %dma_wait3A_56 : memref<1x128x128xf32, #tpu.memory_space<hbm>> -> memref<128x128xf32, #tpu.memory_space<hbm>>
      %dma_wait3A_58 = arith.constant 0 : i32
      %dma_wait3A_59 = tpu.memref_slice %arg8[%arg0, %add3A_40, %dma_wait3A_58] : memref<2x10240x128xf32, #tpu.memory_space<hbm>> -> memref<1x128x128xf32, #tpu.memory_space<hbm>>
      %dma_wait3A_60 = tpu.memref_squeeze %dma_wait3A_59 : memref<1x128x128xf32, #tpu.memory_space<hbm>> -> memref<128x128xf32, #tpu.memory_space<hbm>>
      tpu.wait_dma2 semaphore(%run_scoped3A : memref<!tpu.dma_semaphore, #tpu.memory_space<semaphore_mem>>) src(%arg12 : memref<128x128xf32, #tpu.memory_space<vmem>>) dst(%dma_wait3A_60 : memref<128x128xf32, #tpu.memory_space<hbm>>)
      tpu.yield
    }) : () -> ()
    %mul3A_41 = arith.constant 640 : i32
    %mul3A_42 = arith.muli %arg1, %mul3A_41 : i32
    %add3A_43 = arith.constant 384 : i32
    %add3A_44 = arith.addi %mul3A_42, %add3A_43 : i32
    "tpu.region"() ({
      %run_scoped3A = tpu.sem_alloc : memref<!tpu.dma_semaphore, #tpu.memory_space<semaphore_mem>>
      %dma_start3A = arith.constant 0 : i32
      %dma_start3A_51 = tpu.memref_slice %arg16[%add3A_44, %dma_start3A] : memref<10240x128xf32, #tpu.memory_space<vmem_shared>> -> memref<128x128xf32, #tpu.memory_space<vmem_shared>>
      %dma_start3A_52 = arith.constant 0 : i32
      %dma_start3A_53 = tpu.memref_slice %arg16[%add3A_44, %dma_start3A_52] : memref<10240x128xf32, #tpu.memory_space<vmem_shared>> -> memref<128x128xf32, #tpu.memory_space<vmem_shared>>
      tpu.enqueue_dma source(%dma_start3A_53 : memref<128x128xf32, #tpu.memory_space<vmem_shared>>) target(%arg12 : memref<128x128xf32, #tpu.memory_space<vmem>>) target_semaphore(%run_scoped3A : memref<!tpu.dma_semaphore, #tpu.memory_space<semaphore_mem>>)
      %dma_wait3A = arith.constant 0 : i32
      %dma_wait3A_54 = tpu.memref_slice %arg16[%add3A_44, %dma_wait3A] : memref<10240x128xf32, #tpu.memory_space<vmem_shared>> -> memref<128x128xf32, #tpu.memory_space<vmem_shared>>
      %dma_wait3A_55 = arith.constant 0 : i32
      %dma_wait3A_56 = tpu.memref_slice %arg16[%add3A_44, %dma_wait3A_55] : memref<10240x128xf32, #tpu.memory_space<vmem_shared>> -> memref<128x128xf32, #tpu.memory_space<vmem_shared>>
      tpu.wait_dma2 semaphore(%run_scoped3A : memref<!tpu.dma_semaphore, #tpu.memory_space<semaphore_mem>>) src(%dma_wait3A_56 : memref<128x128xf32, #tpu.memory_space<vmem_shared>>) dst(%arg12 : memref<128x128xf32, #tpu.memory_space<vmem>>)
      tpu.yield
    }) : () -> ()
    "tpu.region"() ({
      %run_scoped3A = tpu.sem_alloc : memref<!tpu.dma_semaphore, #tpu.memory_space<semaphore_mem>>
      %dma_start3A = arith.constant 0 : i32
      %dma_start3A_51 = tpu.memref_slice %arg8[%arg0, %add3A_44, %dma_start3A] : memref<2x10240x128xf32, #tpu.memory_space<hbm>> -> memref<1x128x128xf32, #tpu.memory_space<hbm>>
      %dma_start3A_52 = tpu.memref_squeeze %dma_start3A_51 : memref<1x128x128xf32, #tpu.memory_space<hbm>> -> memref<128x128xf32, #tpu.memory_space<hbm>>
      %dma_start3A_53 = arith.constant 0 : i32
      %dma_start3A_54 = tpu.memref_slice %arg8[%arg0, %add3A_44, %dma_start3A_53] : memref<2x10240x128xf32, #tpu.memory_space<hbm>> -> memref<1x128x128xf32, #tpu.memory_space<hbm>>
      %dma_start3A_55 = tpu.memref_squeeze %dma_start3A_54 : memref<1x128x128xf32, #tpu.memory_space<hbm>> -> memref<128x128xf32, #tpu.memory_space<hbm>>
      tpu.enqueue_dma source(%arg12 : memref<128x128xf32, #tpu.memory_space<vmem>>) target(%dma_start3A_55 : memref<128x128xf32, #tpu.memory_space<hbm>>) target_semaphore(%run_scoped3A : memref<!tpu.dma_semaphore, #tpu.memory_space<semaphore_mem>>)
      %dma_wait3A = arith.constant 0 : i32
      %dma_wait3A_56 = tpu.memref_slice %arg8[%arg0, %add3A_44, %dma_wait3A] : memref<2x10240x128xf32, #tpu.memory_space<hbm>> -> memref<1x128x128xf32, #tpu.memory_space<hbm>>
      %dma_wait3A_57 = tpu.memref_squeeze %dma_wait3A_56 : memref<1x128x128xf32, #tpu.memory_space<hbm>> -> memref<128x128xf32, #tpu.memory_space<hbm>>
      %dma_wait3A_58 = arith.constant 0 : i32
      %dma_wait3A_59 = tpu.memref_slice %arg8[%arg0, %add3A_44, %dma_wait3A_58] : memref<2x10240x128xf32, #tpu.memory_space<hbm>> -> memref<1x128x128xf32, #tpu.memory_space<hbm>>
      %dma_wait3A_60 = tpu.memref_squeeze %dma_wait3A_59 : memref<1x128x128xf32, #tpu.memory_space<hbm>> -> memref<128x128xf32, #tpu.memory_space<hbm>>
      tpu.wait_dma2 semaphore(%run_scoped3A : memref<!tpu.dma_semaphore, #tpu.memory_space<semaphore_mem>>) src(%arg12 : memref<128x128xf32, #tpu.memory_space<vmem>>) dst(%dma_wait3A_60 : memref<128x128xf32, #tpu.memory_space<hbm>>)
      tpu.yield
    }) : () -> ()
    %mul3A_45 = arith.constant 640 : i32
    %mul3A_46 = arith.muli %arg1, %mul3A_45 : i32
    %add3A_47 = arith.constant 512 : i32
    %add3A_48 = arith.addi %mul3A_46, %add3A_47 : i32
    "tpu.region"() ({
      %run_scoped3A = tpu.sem_alloc : memref<!tpu.dma_semaphore, #tpu.memory_space<semaphore_mem>>
      %dma_start3A = arith.constant 0 : i32
      %dma_start3A_51 = tpu.memref_slice %arg16[%add3A_48, %dma_start3A] : memref<10240x128xf32, #tpu.memory_space<vmem_shared>> -> memref<128x128xf32, #tpu.memory_space<vmem_shared>>
      %dma_start3A_52 = arith.constant 0 : i32
      %dma_start3A_53 = tpu.memref_slice %arg16[%add3A_48, %dma_start3A_52] : memref<10240x128xf32, #tpu.memory_space<vmem_shared>> -> memref<128x128xf32, #tpu.memory_space<vmem_shared>>
      tpu.enqueue_dma source(%dma_start3A_53 : memref<128x128xf32, #tpu.memory_space<vmem_shared>>) target(%arg12 : memref<128x128xf32, #tpu.memory_space<vmem>>) target_semaphore(%run_scoped3A : memref<!tpu.dma_semaphore, #tpu.memory_space<semaphore_mem>>)
      %dma_wait3A = arith.constant 0 : i32
      %dma_wait3A_54 = tpu.memref_slice %arg16[%add3A_48, %dma_wait3A] : memref<10240x128xf32, #tpu.memory_space<vmem_shared>> -> memref<128x128xf32, #tpu.memory_space<vmem_shared>>
      %dma_wait3A_55 = arith.constant 0 : i32
      %dma_wait3A_56 = tpu.memref_slice %arg16[%add3A_48, %dma_wait3A_55] : memref<10240x128xf32, #tpu.memory_space<vmem_shared>> -> memref<128x128xf32, #tpu.memory_space<vmem_shared>>
      tpu.wait_dma2 semaphore(%run_scoped3A : memref<!tpu.dma_semaphore, #tpu.memory_space<semaphore_mem>>) src(%dma_wait3A_56 : memref<128x128xf32, #tpu.memory_space<vmem_shared>>) dst(%arg12 : memref<128x128xf32, #tpu.memory_space<vmem>>)
      tpu.yield
    }) : () -> ()
    "tpu.region"() ({
      %run_scoped3A = tpu.sem_alloc : memref<!tpu.dma_semaphore, #tpu.memory_space<semaphore_mem>>
      %dma_start3A = arith.constant 0 : i32
      %dma_start3A_51 = tpu.memref_slice %arg8[%arg0, %add3A_48, %dma_start3A] : memref<2x10240x128xf32, #tpu.memory_space<hbm>> -> memref<1x128x128xf32, #tpu.memory_space<hbm>>
      %dma_start3A_52 = tpu.memref_squeeze %dma_start3A_51 : memref<1x128x128xf32, #tpu.memory_space<hbm>> -> memref<128x128xf32, #tpu.memory_space<hbm>>
      %dma_start3A_53 = arith.constant 0 : i32
      %dma_start3A_54 = tpu.memref_slice %arg8[%arg0, %add3A_48, %dma_start3A_53] : memref<2x10240x128xf32, #tpu.memory_space<hbm>> -> memref<1x128x128xf32, #tpu.memory_space<hbm>>
      %dma_start3A_55 = tpu.memref_squeeze %dma_start3A_54 : memref<1x128x128xf32, #tpu.memory_space<hbm>> -> memref<128x128xf32, #tpu.memory_space<hbm>>
      tpu.enqueue_dma source(%arg12 : memref<128x128xf32, #tpu.memory_space<vmem>>) target(%dma_start3A_55 : memref<128x128xf32, #tpu.memory_space<hbm>>) target_semaphore(%run_scoped3A : memref<!tpu.dma_semaphore, #tpu.memory_space<semaphore_mem>>)
      %dma_wait3A = arith.constant 0 : i32
      %dma_wait3A_56 = tpu.memref_slice %arg8[%arg0, %add3A_48, %dma_wait3A] : memref<2x10240x128xf32, #tpu.memory_space<hbm>> -> memref<1x128x128xf32, #tpu.memory_space<hbm>>
      %dma_wait3A_57 = tpu.memref_squeeze %dma_wait3A_56 : memref<1x128x128xf32, #tpu.memory_space<hbm>> -> memref<128x128xf32, #tpu.memory_space<hbm>>
      %dma_wait3A_58 = arith.constant 0 : i32
      %dma_wait3A_59 = tpu.memref_slice %arg8[%arg0, %add3A_48, %dma_wait3A_58] : memref<2x10240x128xf32, #tpu.memory_space<hbm>> -> memref<1x128x128xf32, #tpu.memory_space<hbm>>
      %dma_wait3A_60 = tpu.memref_squeeze %dma_wait3A_59 : memref<1x128x128xf32, #tpu.memory_space<hbm>> -> memref<128x128xf32, #tpu.memory_space<hbm>>
      tpu.wait_dma2 semaphore(%run_scoped3A : memref<!tpu.dma_semaphore, #tpu.memory_space<semaphore_mem>>) src(%arg12 : memref<128x128xf32, #tpu.memory_space<vmem>>) dst(%dma_wait3A_60 : memref<128x128xf32, #tpu.memory_space<hbm>>)
      tpu.yield
    }) : () -> ()
    %mul3A_49 = arith.constant 640 : i32
    %mul3A_50 = arith.muli %arg1, %mul3A_49 : i32
    "tpu.region"() ({
      %run_scoped3A = tpu.sem_alloc : memref<!tpu.dma_semaphore, #tpu.memory_space<semaphore_mem>>
      %dma_start3A = tpu.memref_slice %arg17[%mul3A_50] : memref<10240xf32, #tpu.memory_space<vmem_shared>> -> memref<640xf32, #tpu.memory_space<vmem_shared>>
      %dma_start3A_51 = tpu.memref_slice %arg17[%mul3A_50] : memref<10240xf32, #tpu.memory_space<vmem_shared>> -> memref<640xf32, #tpu.memory_space<vmem_shared>>
      tpu.enqueue_dma source(%dma_start3A_51 : memref<640xf32, #tpu.memory_space<vmem_shared>>) target(%arg15 : memref<640xf32, #tpu.memory_space<vmem>>) target_semaphore(%run_scoped3A : memref<!tpu.dma_semaphore, #tpu.memory_space<semaphore_mem>>)
      %dma_wait3A = tpu.memref_slice %arg17[%mul3A_50] : memref<10240xf32, #tpu.memory_space<vmem_shared>> -> memref<640xf32, #tpu.memory_space<vmem_shared>>
      %dma_wait3A_52 = tpu.memref_slice %arg17[%mul3A_50] : memref<10240xf32, #tpu.memory_space<vmem_shared>> -> memref<640xf32, #tpu.memory_space<vmem_shared>>
      tpu.wait_dma2 semaphore(%run_scoped3A : memref<!tpu.dma_semaphore, #tpu.memory_space<semaphore_mem>>) src(%dma_wait3A_52 : memref<640xf32, #tpu.memory_space<vmem_shared>>) dst(%arg15 : memref<640xf32, #tpu.memory_space<vmem>>)
      tpu.yield
    }) : () -> ()
    "tpu.region"() ({
      %run_scoped3A = tpu.sem_alloc : memref<!tpu.dma_semaphore, #tpu.memory_space<semaphore_mem>>
      %dma_start3A = tpu.memref_slice %arg9[%arg0, %mul3A_50] : memref<2x10240xf32, #tpu.memory_space<hbm>> -> memref<1x640xf32, #tpu.memory_space<hbm>>
      %dma_start3A_51 = tpu.memref_squeeze %dma_start3A : memref<1x640xf32, #tpu.memory_space<hbm>> -> memref<640xf32, #tpu.memory_space<hbm>>
      %dma_start3A_52 = tpu.memref_slice %arg9[%arg0, %mul3A_50] : memref<2x10240xf32, #tpu.memory_space<hbm>> -> memref<1x640xf32, #tpu.memory_space<hbm>>
      %dma_start3A_53 = tpu.memref_squeeze %dma_start3A_52 : memref<1x640xf32, #tpu.memory_space<hbm>> -> memref<640xf32, #tpu.memory_space<hbm>>
      tpu.enqueue_dma source(%arg15 : memref<640xf32, #tpu.memory_space<vmem>>) target(%dma_start3A_53 : memref<640xf32, #tpu.memory_space<hbm>>) target_semaphore(%run_scoped3A : memref<!tpu.dma_semaphore, #tpu.memory_space<semaphore_mem>>)
      %dma_wait3A = tpu.memref_slice %arg9[%arg0, %mul3A_50] : memref<2x10240xf32, #tpu.memory_space<hbm>> -> memref<1x640xf32, #tpu.memory_space<hbm>>
      %dma_wait3A_54 = tpu.memref_squeeze %dma_wait3A : memref<1x640xf32, #tpu.memory_space<hbm>> -> memref<640xf32, #tpu.memory_space<hbm>>
      %dma_wait3A_55 = tpu.memref_slice %arg9[%arg0, %mul3A_50] : memref<2x10240xf32, #tpu.memory_space<hbm>> -> memref<1x640xf32, #tpu.memory_space<hbm>>
      %dma_wait3A_56 = tpu.memref_squeeze %dma_wait3A_55 : memref<1x640xf32, #tpu.memory_space<hbm>> -> memref<640xf32, #tpu.memory_space<hbm>>
      tpu.wait_dma2 semaphore(%run_scoped3A : memref<!tpu.dma_semaphore, #tpu.memory_space<semaphore_mem>>) src(%arg15 : memref<640xf32, #tpu.memory_space<vmem>>) dst(%dma_wait3A_56 : memref<640xf32, #tpu.memory_space<hbm>>)
      tpu.yield
    }) : () -> ()
    return
  }
}

module attributes {stable_mosaic.version = 14 : i64} {
  func.func @body(%arg0: i32, %arg1: memref<1x2000x128xf32, #tpu.memory_space<vmem>>, %arg2: memref<1x2000x128xf32, #tpu.memory_space<vmem>>, %arg3: memref<2000x1xf32, #tpu.memory_space<vmem>>, %arg4: memref<2000x128xf32, #tpu.memory_space<vmem>>, %arg5: memref<128x128xf32, #tpu.memory_space<vmem>>, %arg6: memref<1x128xf32, #tpu.memory_space<vmem>>, %arg7: memref<128x128xf32, #tpu.memory_space<vmem>>, %arg8: memref<2000x128xf32, #tpu.memory_space<vmem>>) attributes {dimension_semantics = [#tpu.dimension_semantics<arbitrary>], iteration_bounds = array<i64: 5>, scalar_prefetch = 0 : i64, scratch_operands = 0 : i64, tpu.core_type = #tpu.core_type<tc>, window_params = [{transform_indices = @transform_0, window_bounds = array<i64: 1, 2000, 128>}, {transform_indices = @transform_1, window_bounds = array<i64: 1, 2000, 128>}, {transform_indices = @transform_2, window_bounds = array<i64: 2000, 1>}, {transform_indices = @transform_3, window_bounds = array<i64: 2000, 128>}, {pipeline_mode = #tpu.pipeline_mode<synchronous>, transform_indices = @transform_4, window_bounds = array<i64: 128, 128>}, {pipeline_mode = #tpu.pipeline_mode<synchronous>, transform_indices = @transform_5, window_bounds = array<i64: 1, 128>}, {pipeline_mode = #tpu.pipeline_mode<synchronous>, transform_indices = @transform_6, window_bounds = array<i64: 128, 128>}, {transform_indices = @transform_7, window_bounds = array<i64: 2000, 128>}]} {
    %get3A = arith.constant 0 : index
    %get3A_0 = arith.constant 0 : index
    %get3A_1 = vector.load %arg3[%get3A, %get3A_0] : memref<2000x1xf32, #tpu.memory_space<vmem>>, vector<2000x1xf32>
    %max3A = arith.constant 1.000000e+00 : f32
    %max3A_2 = vector.broadcast %max3A : f32 to vector<2000x1xf32>
    %max3A_3 = arith.maximumf %get3A_1, %max3A_2 : vector<2000x1xf32>
    %get3A_4 = arith.constant 0 : index
    %get3A_5 = arith.constant 0 : index
    %get3A_6 = arith.constant 0 : index
    %get3A_7 = vector.load %arg1[%get3A_4, %get3A_5, %get3A_6] : memref<1x2000x128xf32, #tpu.memory_space<vmem>>, vector<1x2000x128xf32>
    %get3A_8 = vector.shape_cast %get3A_7 : vector<1x2000x128xf32> to vector<2000x128xf32>
    %get3A_9 = arith.constant 0 : index
    %get3A_10 = arith.constant 0 : index
    %get3A_11 = arith.constant 0 : index
    %get3A_12 = vector.load %arg2[%get3A_9, %get3A_10, %get3A_11] : memref<1x2000x128xf32, #tpu.memory_space<vmem>>, vector<1x2000x128xf32>
    %get3A_13 = vector.shape_cast %get3A_12 : vector<1x2000x128xf32> to vector<2000x128xf32>
    %add3A = arith.addf %get3A_8, %get3A_13 : vector<2000x128xf32>
    %div3A = vector.broadcast %max3A_3 : vector<2000x1xf32> to vector<2000x128xf32>
    %div3A_14 = arith.divf %add3A, %div3A : vector<2000x128xf32>
    %get3A_15 = arith.constant 0 : index
    %get3A_16 = arith.constant 0 : index
    %get3A_17 = vector.load %arg5[%get3A_15, %get3A_16] : memref<128x128xf32, #tpu.memory_space<vmem>>, vector<128x128xf32>
    %dot_general3A = arith.constant dense<0.000000e+00> : vector<2000x128xf32>
    %dot_general3A_18 = tpu.matmul %div3A_14, %get3A_17, %dot_general3A {dimension_numbers = #tpu.dot_dimension_numbers<[1], [0], [0], [1], [0, 0, 1, 1], [], []>, transpose_lhs_hint = false} : vector<2000x128xf32>, vector<128x128xf32>, vector<2000x128xf32> -> vector<2000x128xf32>
    %get3A_19 = arith.constant 0 : index
    %get3A_20 = arith.constant 0 : index
    %get3A_21 = vector.load %arg4[%get3A_19, %get3A_20] : memref<2000x128xf32, #tpu.memory_space<vmem>>, vector<2000x128xf32>
    %get3A_22 = arith.constant 0 : index
    %get3A_23 = arith.constant 0 : index
    %get3A_24 = vector.load %arg7[%get3A_22, %get3A_23] : memref<128x128xf32, #tpu.memory_space<vmem>>, vector<128x128xf32>
    %dot_general3A_25 = arith.constant dense<0.000000e+00> : vector<2000x128xf32>
    %dot_general3A_26 = tpu.matmul %get3A_21, %get3A_24, %dot_general3A_25 {dimension_numbers = #tpu.dot_dimension_numbers<[1], [0], [0], [1], [0, 0, 1, 1], [], []>, transpose_lhs_hint = false} : vector<2000x128xf32>, vector<128x128xf32>, vector<2000x128xf32> -> vector<2000x128xf32>
    %add3A_27 = arith.addf %dot_general3A_18, %dot_general3A_26 : vector<2000x128xf32>
    %get3A_28 = arith.constant 0 : index
    %get3A_29 = arith.constant 0 : index
    %get3A_30 = vector.load %arg6[%get3A_28, %get3A_29] : memref<1x128xf32, #tpu.memory_space<vmem>>, vector<1x128xf32>
    %add3A_31 = vector.broadcast %get3A_30 : vector<1x128xf32> to vector<2000x128xf32>
    %add3A_32 = arith.addf %add3A_27, %add3A_31 : vector<2000x128xf32>
    %max3A_33 = arith.constant 0.000000e+00 : f32
    %max3A_34 = vector.broadcast %max3A_33 : f32 to vector<2000x128xf32>
    %max3A_35 = arith.maximumf %add3A_32, %max3A_34 : vector<2000x128xf32>
    %swap3A = arith.constant 0 : index
    %swap3A_36 = arith.constant 0 : index
    %swap3A_37 = vector.load %arg8[%swap3A, %swap3A_36] : memref<2000x128xf32, #tpu.memory_space<vmem>>, vector<2000x128xf32>
    tpu.vector_store %arg8[%swap3A, %swap3A_36], %max3A_35 {strides = array<i32>} : memref<2000x128xf32, #tpu.memory_space<vmem>>, vector<2000x128xf32>,
    return
  }
  func.func @transform_0(%arg0: i32) -> (i32, i32, i32) {
    %c0_i32 = arith.constant 0 : i32
    %c0_i32_0 = arith.constant 0 : i32
    %c0_i32_1 = arith.constant 0 : i32
    return %c0_i32, %arg0, %c0_i32_0 : i32, i32, i32
  }
  func.func @transform_1(%arg0: i32) -> (i32, i32, i32) {
    %c1_i32 = arith.constant 1 : i32
    %c0_i32 = arith.constant 0 : i32
    %c0_i32_0 = arith.constant 0 : i32
    return %c1_i32, %arg0, %c0_i32 : i32, i32, i32
  }
  func.func @transform_2(%arg0: i32) -> (i32, i32) {
    %c0_i32 = arith.constant 0 : i32
    %c0_i32_0 = arith.constant 0 : i32
    return %arg0, %c0_i32 : i32, i32
  }
  func.func @transform_3(%arg0: i32) -> (i32, i32) {
    %c0_i32 = arith.constant 0 : i32
    %c0_i32_0 = arith.constant 0 : i32
    return %arg0, %c0_i32 : i32, i32
  }
  func.func @transform_4(%arg0: i32) -> (i32, i32) {
    %c0_i32 = arith.constant 0 : i32
    %c0_i32_0 = arith.constant 0 : i32
    %c0_i32_1 = arith.constant 0 : i32
    return %c0_i32, %c0_i32_0 : i32, i32
  }
  func.func @transform_5(%arg0: i32) -> (i32, i32) {
    %c0_i32 = arith.constant 0 : i32
    %c0_i32_0 = arith.constant 0 : i32
    %c0_i32_1 = arith.constant 0 : i32
    return %c0_i32, %c0_i32_0 : i32, i32
  }
  func.func @transform_6(%arg0: i32) -> (i32, i32) {
    %c0_i32 = arith.constant 0 : i32
    %c0_i32_0 = arith.constant 0 : i32
    %c0_i32_1 = arith.constant 0 : i32
    return %c0_i32, %c0_i32_0 : i32, i32
  }
  func.func @transform_7(%arg0: i32) -> (i32, i32) {
    %c0_i32 = arith.constant 0 : i32
    %c0_i32_0 = arith.constant 0 : i32
    return %arg0, %c0_i32 : i32, i32
  }
}

module attributes {stable_mosaic.version = 14 : i64} {
  func.func @body(%arg0: i32, %arg1: memref<1x2000x128xf32, #tpu.memory_space<vmem>>, %arg2: memref<1x2000x128xf32, #tpu.memory_space<vmem>>, %arg3: memref<2000x1xf32, #tpu.memory_space<vmem>>, %arg4: memref<2000x128xf32, #tpu.memory_space<vmem>>, %arg5: memref<128x128xf32, #tpu.memory_space<vmem>>, %arg6: memref<1x128xf32, #tpu.memory_space<vmem>>, %arg7: memref<128x128xf32, #tpu.memory_space<vmem>>, %arg8: memref<128x128xf32, #tpu.memory_space<vmem>>, %arg9: memref<1x128xf32, #tpu.memory_space<vmem>>, %arg10: memref<128x128xf32, #tpu.memory_space<vmem>>, %arg11: memref<1x1xf32, #tpu.memory_space<vmem>>, %arg12: memref<2000x128xf32, #tpu.memory_space<vmem>>, %arg13: memref<2000x128xf32, #tpu.memory_space<vmem>>) attributes {dimension_semantics = [#tpu.dimension_semantics<arbitrary>], iteration_bounds = array<i64: 5>, scalar_prefetch = 0 : i64, scratch_operands = 0 : i64, tpu.core_type = #tpu.core_type<tc>, window_params = [{transform_indices = @transform_0, window_bounds = array<i64: 1, 2000, 128>}, {transform_indices = @transform_1, window_bounds = array<i64: 1, 2000, 128>}, {transform_indices = @transform_2, window_bounds = array<i64: 2000, 1>}, {transform_indices = @transform_3, window_bounds = array<i64: 2000, 128>}, {pipeline_mode = #tpu.pipeline_mode<synchronous>, transform_indices = @transform_4, window_bounds = array<i64: 128, 128>}, {pipeline_mode = #tpu.pipeline_mode<synchronous>, transform_indices = @transform_5, window_bounds = array<i64: 1, 128>}, {pipeline_mode = #tpu.pipeline_mode<synchronous>, transform_indices = @transform_6, window_bounds = array<i64: 128, 128>}, {pipeline_mode = #tpu.pipeline_mode<synchronous>, transform_indices = @transform_7, window_bounds = array<i64: 128, 128>}, {pipeline_mode = #tpu.pipeline_mode<synchronous>, transform_indices = @transform_8, window_bounds = array<i64: 1, 128>}, {pipeline_mode = #tpu.pipeline_mode<synchronous>, transform_indices = @transform_9, window_bounds = array<i64: 128, 128>}, {pipeline_mode = #tpu.pipeline_mode<synchronous>, transform_indices = @transform_10, window_bounds = array<i64: 1, 1>}, {transform_indices = @transform_11, window_bounds = array<i64: 2000, 128>}, {transform_indices = @transform_12, window_bounds = array<i64: 2000, 128>}]} {
    %get3A = arith.constant 0 : index
    %get3A_0 = arith.constant 0 : index
    %get3A_1 = vector.load %arg3[%get3A, %get3A_0] : memref<2000x1xf32, #tpu.memory_space<vmem>>, vector<2000x1xf32>
    %max3A = arith.constant 1.000000e+00 : f32
    %max3A_2 = vector.broadcast %max3A : f32 to vector<2000x1xf32>
    %max3A_3 = arith.maximumf %get3A_1, %max3A_2 : vector<2000x1xf32>
    %get3A_4 = arith.constant 0 : index
    %get3A_5 = arith.constant 0 : index
    %get3A_6 = arith.constant 0 : index
    %get3A_7 = vector.load %arg1[%get3A_4, %get3A_5, %get3A_6] : memref<1x2000x128xf32, #tpu.memory_space<vmem>>, vector<1x2000x128xf32>
    %get3A_8 = vector.shape_cast %get3A_7 : vector<1x2000x128xf32> to vector<2000x128xf32>
    %get3A_9 = arith.constant 0 : index
    %get3A_10 = arith.constant 0 : index
    %get3A_11 = arith.constant 0 : index
    %get3A_12 = vector.load %arg2[%get3A_9, %get3A_10, %get3A_11] : memref<1x2000x128xf32, #tpu.memory_space<vmem>>, vector<1x2000x128xf32>
    %get3A_13 = vector.shape_cast %get3A_12 : vector<1x2000x128xf32> to vector<2000x128xf32>
    %add3A = arith.addf %get3A_8, %get3A_13 : vector<2000x128xf32>
    %div3A = vector.broadcast %max3A_3 : vector<2000x1xf32> to vector<2000x128xf32>
    %div3A_14 = arith.divf %add3A, %div3A : vector<2000x128xf32>
    %get3A_15 = arith.constant 0 : index
    %get3A_16 = arith.constant 0 : index
    %get3A_17 = vector.load %arg5[%get3A_15, %get3A_16] : memref<128x128xf32, #tpu.memory_space<vmem>>, vector<128x128xf32>
    %dot_general3A = arith.constant dense<0.000000e+00> : vector<2000x128xf32>
    %dot_general3A_18 = tpu.matmul %div3A_14, %get3A_17, %dot_general3A {dimension_numbers = #tpu.dot_dimension_numbers<[1], [0], [0], [1], [0, 0, 1, 1], [], []>, transpose_lhs_hint = false} : vector<2000x128xf32>, vector<128x128xf32>, vector<2000x128xf32> -> vector<2000x128xf32>
    %get3A_19 = arith.constant 0 : index
    %get3A_20 = arith.constant 0 : index
    %get3A_21 = vector.load %arg4[%get3A_19, %get3A_20] : memref<2000x128xf32, #tpu.memory_space<vmem>>, vector<2000x128xf32>
    %get3A_22 = arith.constant 0 : index
    %get3A_23 = arith.constant 0 : index
    %get3A_24 = vector.load %arg7[%get3A_22, %get3A_23] : memref<128x128xf32, #tpu.memory_space<vmem>>, vector<128x128xf32>
    %dot_general3A_25 = arith.constant dense<0.000000e+00> : vector<2000x128xf32>
    %dot_general3A_26 = tpu.matmul %get3A_21, %get3A_24, %dot_general3A_25 {dimension_numbers = #tpu.dot_dimension_numbers<[1], [0], [0], [1], [0, 0, 1, 1], [], []>, transpose_lhs_hint = false} : vector<2000x128xf32>, vector<128x128xf32>, vector<2000x128xf32> -> vector<2000x128xf32>
    %add3A_27 = arith.addf %dot_general3A_18, %dot_general3A_26 : vector<2000x128xf32>
    %get3A_28 = arith.constant 0 : index
    %get3A_29 = arith.constant 0 : index
    %get3A_30 = vector.load %arg6[%get3A_28, %get3A_29] : memref<1x128xf32, #tpu.memory_space<vmem>>, vector<1x128xf32>
    %add3A_31 = vector.broadcast %get3A_30 : vector<1x128xf32> to vector<2000x128xf32>
    %add3A_32 = arith.addf %add3A_27, %add3A_31 : vector<2000x128xf32>
    %swap3A = arith.constant 0 : index
    %swap3A_33 = arith.constant 0 : index
    %swap3A_34 = vector.load %arg12[%swap3A, %swap3A_33] : memref<2000x128xf32, #tpu.memory_space<vmem>>, vector<2000x128xf32>
    tpu.vector_store %arg12[%swap3A, %swap3A_33], %add3A_32 {strides = array<i32>} : memref<2000x128xf32, #tpu.memory_space<vmem>>, vector<2000x128xf32>,
    %max3A_35 = arith.constant 0.000000e+00 : f32
    %max3A_36 = vector.broadcast %max3A_35 : f32 to vector<2000x128xf32>
    %max3A_37 = arith.maximumf %add3A_32, %max3A_36 : vector<2000x128xf32>
    %get3A_38 = arith.constant 0 : index
    %get3A_39 = arith.constant 0 : index
    %get3A_40 = vector.load %arg8[%get3A_38, %get3A_39] : memref<128x128xf32, #tpu.memory_space<vmem>>, vector<128x128xf32>
    %dot_general3A_41 = arith.constant dense<0.000000e+00> : vector<2000x128xf32>
    %dot_general3A_42 = tpu.matmul %max3A_37, %get3A_40, %dot_general3A_41 {dimension_numbers = #tpu.dot_dimension_numbers<[1], [0], [0], [1], [0, 0, 1, 1], [], []>, transpose_lhs_hint = false} : vector<2000x128xf32>, vector<128x128xf32>, vector<2000x128xf32> -> vector<2000x128xf32>
    %get3A_43 = arith.constant 0 : index
    %get3A_44 = arith.constant 0 : index
    %get3A_45 = vector.load %arg9[%get3A_43, %get3A_44] : memref<1x128xf32, #tpu.memory_space<vmem>>, vector<1x128xf32>
    %add3A_46 = vector.broadcast %get3A_45 : vector<1x128xf32> to vector<2000x128xf32>
    %add3A_47 = arith.addf %dot_general3A_42, %add3A_46 : vector<2000x128xf32>
    %max3A_48 = arith.constant 0.000000e+00 : f32
    %max3A_49 = vector.broadcast %max3A_48 : f32 to vector<2000x128xf32>
    %max3A_50 = arith.maximumf %add3A_47, %max3A_49 : vector<2000x128xf32>
    %get3A_51 = arith.constant 0 : index
    %get3A_52 = arith.constant 0 : index
    %get3A_53 = vector.load %arg10[%get3A_51, %get3A_52] : memref<128x128xf32, #tpu.memory_space<vmem>>, vector<128x128xf32>
    %dot_general3A_54 = arith.constant dense<0.000000e+00> : vector<2000x128xf32>
    %dot_general3A_55 = tpu.matmul %max3A_50, %get3A_53, %dot_general3A_54 {dimension_numbers = #tpu.dot_dimension_numbers<[1], [0], [0], [1], [0, 0, 1, 1], [], []>, transpose_lhs_hint = false} : vector<2000x128xf32>, vector<128x128xf32>, vector<2000x128xf32> -> vector<2000x128xf32>
    %get3A_56 = arith.constant 0 : index
    %get3A_57 = arith.constant 0 : index
    %get3A_58 = vector.load %arg11[%get3A_56, %get3A_57] : memref<1x1xf32, #tpu.memory_space<vmem>>, vector<1x1xf32>
    %add3A_59 = vector.broadcast %get3A_58 : vector<1x1xf32> to vector<2000x128xf32>
    %add3A_60 = arith.addf %dot_general3A_55, %add3A_59 : vector<2000x128xf32>
    %swap3A_61 = arith.constant 0 : index
    %swap3A_62 = arith.constant 0 : index
    %swap3A_63 = vector.load %arg13[%swap3A_61, %swap3A_62] : memref<2000x128xf32, #tpu.memory_space<vmem>>, vector<2000x128xf32>
    tpu.vector_store %arg13[%swap3A_61, %swap3A_62], %add3A_60 {strides = array<i32>} : memref<2000x128xf32, #tpu.memory_space<vmem>>, vector<2000x128xf32>,
    return
  }
  func.func @transform_0(%arg0: i32) -> (i32, i32, i32) {
    %c0_i32 = arith.constant 0 : i32
    %c0_i32_0 = arith.constant 0 : i32
    %c0_i32_1 = arith.constant 0 : i32
    return %c0_i32, %arg0, %c0_i32_0 : i32, i32, i32
  }
  func.func @transform_1(%arg0: i32) -> (i32, i32, i32) {
    %c1_i32 = arith.constant 1 : i32
    %c0_i32 = arith.constant 0 : i32
    %c0_i32_0 = arith.constant 0 : i32
    return %c1_i32, %arg0, %c0_i32 : i32, i32, i32
  }
  func.func @transform_2(%arg0: i32) -> (i32, i32) {
    %c0_i32 = arith.constant 0 : i32
    %c0_i32_0 = arith.constant 0 : i32
    return %arg0, %c0_i32 : i32, i32
  }
  func.func @transform_3(%arg0: i32) -> (i32, i32) {
    %c0_i32 = arith.constant 0 : i32
    %c0_i32_0 = arith.constant 0 : i32
    return %arg0, %c0_i32 : i32, i32
  }
  func.func @transform_4(%arg0: i32) -> (i32, i32) {
    %c0_i32 = arith.constant 0 : i32
    %c0_i32_0 = arith.constant 0 : i32
    %c0_i32_1 = arith.constant 0 : i32
    return %c0_i32, %c0_i32_0 : i32, i32
  }
  func.func @transform_5(%arg0: i32) -> (i32, i32) {
    %c0_i32 = arith.constant 0 : i32
    %c0_i32_0 = arith.constant 0 : i32
    %c0_i32_1 = arith.constant 0 : i32
    return %c0_i32, %c0_i32_0 : i32, i32
  }
  func.func @transform_6(%arg0: i32) -> (i32, i32) {
    %c0_i32 = arith.constant 0 : i32
    %c0_i32_0 = arith.constant 0 : i32
    %c0_i32_1 = arith.constant 0 : i32
    return %c0_i32, %c0_i32_0 : i32, i32
  }
  func.func @transform_7(%arg0: i32) -> (i32, i32) {
    %c0_i32 = arith.constant 0 : i32
    %c0_i32_0 = arith.constant 0 : i32
    %c0_i32_1 = arith.constant 0 : i32
    return %c0_i32, %c0_i32_0 : i32, i32
  }
  func.func @transform_8(%arg0: i32) -> (i32, i32) {
    %c0_i32 = arith.constant 0 : i32
    %c0_i32_0 = arith.constant 0 : i32
    %c0_i32_1 = arith.constant 0 : i32
    return %c0_i32, %c0_i32_0 : i32, i32
  }
  func.func @transform_9(%arg0: i32) -> (i32, i32) {
    %c0_i32 = arith.constant 0 : i32
    %c0_i32_0 = arith.constant 0 : i32
    %c0_i32_1 = arith.constant 0 : i32
    return %c0_i32, %c0_i32_0 : i32, i32
  }
  func.func @transform_10(%arg0: i32) -> (i32, i32) {
    %c0_i32 = arith.constant 0 : i32
    %c0_i32_0 = arith.constant 0 : i32
    %c0_i32_1 = arith.constant 0 : i32
    return %c0_i32, %c0_i32_0 : i32, i32
  }
  func.func @transform_11(%arg0: i32) -> (i32, i32) {
    %c0_i32 = arith.constant 0 : i32
    %c0_i32_0 = arith.constant 0 : i32
    return %arg0, %c0_i32 : i32, i32
  }
  func.func @transform_12(%arg0: i32) -> (i32, i32) {
    %c0_i32 = arith.constant 0 : i32
    %c0_i32_0 = arith.constant 0 : i32
    return %arg0, %c0_i32 : i32, i32
  }
}

</mosaic_0001>

<sc_bundles>
// kernel: kernel.6.cloned.1.call-start
scs
__scs_entry_jumppad:
0x0: {  	(pc) =	sbr.rel $0x88, $3  }
0x1: {  	(tag) =	ssettag $0x0;
	lr =	simm.s32 $0x1  }
0x2: {  	[smem:$0x3F95] =	sst lr;
	_ =	strace $0xD0000000  }
0x3: {  	_ = 	snop  }
0x4: {  	_ = 	snop  }
0x5: {  	_ = 	snop  }
0x6: {  	_ = 	snop  }
0x7: {  	_ = 	snop  }
__scs_overlays_trampoline_lowered:
0x8: {  	[smem:$0x3FA4] =	sst s0  }
0x9: {  	[smem:$0x3FA5] =	sst s1  }
0xa: {  	[smem:$0x3FA6] =	sst s2  }
0xb: {  	[smem:$0x3FA7] =	sst s3  }
0xc: {  	[smem:$0x3FA8] =	sst s4  }
0xd: {  	[smem:$0x3FA9] =	sst s5  }
0xe: {  	[smem:$0x3FAA] =	sst s6  }
0xf: {  	[smem:$0x3FAB] =	sst s7  }
0x10: {  	[smem:$0x3FAC] =	sst s8  }
0x11: {  	[smem:$0x3FAD] =	sst s9;
	s0 =	simm.s32 @!p0 $0x0  }
0x12: {  	s1 =	sld [smem:$0x3F93];
	s0 =	simm.s32 @p0 $0x1  }
0x13: {  	[smem:$0x3FAE] =	sst s0;
	s0 =	simm.s32 @!p1 $0x0  }
0x14: {  	s2 =	sld [smem:$0x3F92];
	s0 =	simm.s32 @p1 $0x1  }
0x15: {  	[smem:$0x3FAF] =	sst s0;
	s0 =	simm.s32 @!p2 $0x0  }
0x16: {  	s3 =	sld [smem:$0x3FDB];
	s0 =	simm.s32 @p2 $0x1  }
0x17: {  	s4 =	simm.s32 $0x1BF5;
	[smem:$0x3FB1] =	sst s0  }
0x18: {  	s0 =	sld [smem:$0x3F94];
	_ =	swait.ge [sflag:s4], $0x0  }
0x19: {  	s7 =	sld [smem:$0x3F95]  }
0x1a: {  	s8 =	sadd.s32 $0xFFFFE003, lr  }
0x1b: {  	s9 =	sadd.s32 $0xFFFFFEF7, lr;
	s5 =	simm.s32 $0xFFFFFFFF;
	p2 =	slt.u32 s8, $0xFFFFF086  }
0x1c: {  	p1 =	slt.u32 s9, $0xF7A;
	s5 =	simm.s32 @!p2 $0x0  }
0x1d: {  	s5 =	simm.s32 @p1 $0x1;
	p0 =	seq.s32 s7, s2  }
0x1e: {  	s7 =	smul.u32 @!p0 $0xF7A, s2;
	p2 =	seq.s32 @!p0 s5, $0x0  }
0x1f: {  	s9 =	smul.u32 $0xF7A, s1;
	s8 =	simm.s32 @!p0 $0x1BF5;
	p2 =	por !p2, p0  }
0x20: {  	[sflag:s8] =	ssyncset.s32 @!p0 $0xFFFFF086;
	s6 =	sadd.s32 @!p0 s3, s7;
	s7 =	simm.s32 @!p0 $0x108  }
0x21: {  	s3 =	sadd.s32 s3, s9;
	s6 =	sadd.s32 @!p0 $0x88, s6;
	s7 =	simm.s32 @p2 $0x1082  }
0x22: {  	[simem:s7], [sflag:s8] =	dma.local @!p0 [hbm:s6], $0xF7A  }
0x23: {  	s9 =	sor.u32 $0xD0000000, s2;
	s6 =	simm.s32 $0x108;
	_ =	swait.ge @!p0 [sflag:s8], $0x0  }
0x24: {  	s3 =	sadd.s32 $0x88, s3;
	s6 =	simm.s32 @!p1 $0x1082;
	[sflag:s4] =	ssyncset.s32 $0xFFFFF086  }
0x25: {  	[simem:s6], [sflag:s4] =	dma.local [hbm:s3], $0xF7A  }
0x26: {  	[smem:$0x3F95] =	sst s1;
	(tag) =	ssettag s2;
	_ =	strace s9  }
0x27: {  	s1 =	sld [smem:$0x3FA5]  }
0x28: {  	s2 =	sld [smem:$0x3FA6]  }
0x29: {  	s4 =	sld [smem:$0x3FA8]  }
0x2a: {  	p0 =	seq.s32 s5, $0x0;
	s5 =	sld [smem:$0x3FA9]  }
0x2b: {  	s6 =	sld [smem:$0x3FAA]  }
0x2c: {  	s7 =	sld [smem:$0x3FAB]  }
0x2d: {  	s3 =	simm.s32 $0x108;
	s8 =	sld [smem:$0x3FAC]  }
0x2e: {  	s3 =	simm.s32 @!p0 $0x1082;
	s9 =	sld [smem:$0x3FAD]  }
0x2f: {  	lr =	sadd.s32 s0, s3;
	s0 =	sld [smem:$0x3FA4]  }
0x30: {  	s3 =	sld [smem:$0x3FA7]  }
0x31: {  	[smem:$0x3FB0] =	sst s10  }
0x32: {  	s10 =	sld [smem:$0x3FAE];
	_ =	sdelay $0x3  }
0x33: {  	p0 =	seq.s32 s10, $0x1;
	s10 =	sld [smem:$0x3FB0];
	_ =	sdelay $0x3  }
0x34: {  	[smem:$0x3FB0] =	sst s10  }
0x35: {  	s10 =	sld [smem:$0x3FAF];
	_ =	sdelay $0x3  }
0x36: {  	p1 =	seq.s32 s10, $0x1;
	s10 =	sld [smem:$0x3FB0];
	_ =	sdelay $0x3  }
0x37: {  	[smem:$0x3FB0] =	sst s10  }
0x38: {  	s10 =	sld [smem:$0x3FB1]  }
0x39: {  	_ = 	snop;
	(pc) =	sbr.ind lr, $3  }
0x3a: {  	_ = 	snop  }
0x3b: {  	_ = 	snop  }
0x3c: {  	p2 =	seq.s32 s10, $0x1;
	s10 =	sld [smem:$0x3FB0]  }
0x3d: {  	_ =	shalt  }
0x3e: {  	_ =	shalt  }
0x3f: {  	_ =	shalt  }
0x40: {  	_ =	shalt  }
0x41: {  	_ =	shalt  }
0x42: {  	_ =	shalt  }
0x43: {  	_ =	shalt  }
0x44: {  	_ =	shalt  }
0x45: {  	_ =	shalt  }
0x46: {  	_ =	shalt  }
0x47: {  	_ =	shalt  }
0x48: {  	_ =	shalt  }
0x49: {  	_ =	shalt  }
0x4a: {  	_ =	shalt  }
0x4b: {  	_ =	shalt  }
0x4c: {  	_ =	shalt  }
0x4d: {  	_ =	shalt  }
0x4e: {  	_ =	shalt  }
0x4f: {  	_ =	shalt  }
0x50: {  	_ =	shalt  }
0x51: {  	_ =	shalt  }
0x52: {  	_ =	shalt  }
0x53: {  	_ =	shalt  }
0x54: {  	_ =	shalt  }
0x55: {  	_ =	shalt  }
0x56: {  	_ =	shalt  }
0x57: {  	_ =	shalt  }
0x58: {  	_ =	shalt  }
0x59: {  	_ =	shalt  }
0x5a: {  	_ =	shalt  }
0x5b: {  	_ =	shalt  }
0x5c: {  	_ =	shalt  }
0x5d: {  	_ =	shalt  }
0x5e: {  	_ =	shalt  }
0x5f: {  	_ =	shalt  }
0x60: {  	_ =	shalt  }
0x61: {  	_ =	shalt  }
0x62: {  	_ =	shalt  }
0x63: {  	_ =	shalt  }
0x64: {  	_ =	shalt  }
0x65: {  	_ =	shalt  }
0x66: {  	_ =	shalt  }
0x67: {  	_ =	shalt  }
0x68: {  	_ =	shalt  }
0x69: {  	_ =	shalt  }
0x6a: {  	_ =	shalt  }
0x6b: {  	_ =	shalt  }
0x6c: {  	_ =	shalt  }
0x6d: {  	_ =	shalt  }
0x6e: {  	_ =	shalt  }
0x6f: {  	_ =	shalt  }
0x70: {  	_ =	shalt  }
0x71: {  	_ =	shalt  }
0x72: {  	_ =	shalt  }
0x73: {  	_ =	shalt  }
0x74: {  	_ =	shalt  }
0x75: {  	_ =	shalt  }
0x76: {  	_ =	shalt  }
0x77: {  	_ =	shalt  }
0x78: {  	_ =	shalt  }
0x79: {  	_ =	shalt  }
0x7a: {  	_ =	shalt  }
0x7b: {  	_ =	shalt  }
0x7c: {  	_ =	shalt  }
0x7d: {  	_ =	shalt  }
0x7e: {  	_ =	shalt  }
0x7f: {  	_ =	shalt  }
0x80: {  	_ =	shalt  }
0x81: {  	_ =	shalt  }
0x82: {  	_ =	shalt  }
0x83: {  	_ =	shalt  }
0x84: {  	_ =	shalt  }
0x85: {  	_ =	shalt  }
0x86: {  	_ =	shalt  }
0x87: {  	_ =	shalt  }
.Lfunc_end0:
.L_simem_size_0:
called_computation_lowered:
.L_overlay_start_0:
0x88: {  	s2 =	sld [smem:$0x3FD9]  }
0x89: {  	s3 =	sld [smem:$0x3FFE];
	_ =	sdelay $0x1  }
0x8a: {  	s1 =	srdreg.scid  }
0x8b: {  	s0 =	sand.u32 $0x1, s1  }
0x8c: {  	s14 =	sshll.u32 s0, $0xA;
	s2 =	sadd.s32 s3, s2  }
0x8d: {  	s2 =	sadd.s32 s2, s14  }
0x8e: {  	[smem:$0x3FBC] =	sst s2  }
0x8f: {  	_ = 	snop  }
0x90: {  	s2 =	sld [smem:$0x3FD0];
	_ =	sdelay $0x2  }
0x91: {  	s4 =	simm.s32 $0xA;
	s5 =	simm.s32 $0x10;
	s15 =	sld [smem:$0x3FC9]  }
0x92: {  	[smem:s5], [sflag:s4] =	dma.local [hbm:s2], $0x1  }
0x93: {  	_ =	swait.eq [sflag:s4], $0x1  }
0x94: {  	[sflag:s4] =	ssyncset.done $0x0  }
0x95: {  	s16 =	sld [smem:$0x10];
	[sflag:s4] =	ssyncadd.s32 $0xFFFFFFFF  }
0x96: {  	s17 =	sld [smem:$0x11];
	(tm) =	ssettm $0x1  }
0x97: {  	s18 =	sld [smem:$0x3FFB];
	_ =	sdelay $0x3  }
0x98: {  	_ =	strace s18  }
0x99: {  	s5 =	sld [smem:$0x3FFC];
	_ =	sdelay $0x3  }
0x9a: {  	_ =	strace s5  }
0x9b: {  	s5 =	sld [smem:$0x3FFD];
	_ =	sdelay $0x3  }
0x9c: {  	_ =	strace s5  }
0x9d: {  	_ =	strace $0x8FFFFFFF  }
0x9e: {  	s19 =	sld [smem:$0x3FDB];
	_ =	sdelay $0x1  }
0x9f: {  	s6 =	simm.s32 $_scs_section_size  }
0xa0: {  	s7 =	simm.s32 $_size__tile_overlayer_lowered;
	s8 =	simm.s32 $_tile_overlayer_lowered  }
0xa1: {  	s22 =	simm.s32 $0x1BFF;
	s21 =	sshll.u32 s8, $0x1;
	s5 =	sadd.s32 s6, s19  }
0xa2: {  	s9 =	simm.s32 $0x0;
	s20 =	sshll.u32 s7, $0x1;
	s7 =	sadd.s32 s21, s5  }
0xa3: {  	[timem:s9], [sflag:s22] =	dma.local [hbm:s7], s20  }
0xa4: {  	_ =	swait.ge [sflag:s22], s20  }
0xa5: {  	s6 =	ssub.s32 $0x0, s20;
	[sflag:s22] =	ssyncset.done $0x0  }
0xa6: {  	[sflag:s22] =	ssyncadd.s32 s6;
	_ =	sdelay $0x1  }
0xa7: {  	s23 =	simm.s32 $0x1B8B  }
0xa8: {  	_ =	swait.ge [sflag:s23], $0x1  }
0xa9: {  	[sflag:s23] =	ssyncset.done $0x0  }
0xaa: {  	s25 =	simm.s32 $0x1B8E;
	s24 =	sld [smem:$0x3FFE];
	[sflag:s23] =	ssyncadd.s32 $0xFFFFFFFF  }
0xab: {  	s26 =	simm.s32 $execute0_lowered;
	[smem:$0x3FD2] =	sst s25  }
0xac: {  	s7 =	sshll.u32 s26, $0x1;
	_ =	strace $0x80000046;
	[dreg:$0x1] =	wrdreg $0xFFFFFFFF  }
0xad: {  	s28 =	simm.s32 $_size_execute0_lowered;
	s5 =	sadd.s32 s5, s7;
	[dreg:$0x0] =	wrdreg $0x0  }
0xae: {  	s7 =	sshll.u32 s28, $0x1;
	[dreg:$0x2] =	wrdreg s5  }
0xaf: {  	[dreg:$0x3] =	wrdreg s7  }
0xb0: {  	[dreg:$0x4] =	wrdreg $0xC0  }
0xb1: {  	_ =	task [dreg:s9], $0x5FFFF  }
0xb2: {  	[dreg:$0x1] =	wrdreg $0xFFFFFFFF  }
0xb3: {  	[dreg:$0x0] =	wrdreg $0x60  }
0xb4: {  	[dreg:$0x2] =	wrdreg s15  }
0xb5: {  	[dreg:$0x3] =	wrdreg s24  }
0xb6: {  	[dreg:$0x4] =	wrdreg s17  }
0xb7: {  	[dreg:$0x5] =	wrdreg s16  }
0xb8: {  	[dreg:$0x6] =	wrdreg $0x93000  }
0xb9: {  	[dreg:$0x7] =	wrdreg $0x1D3000  }
0xba: {  	[dreg:$0x8] =	wrdreg $0x9  }
0xbb: {  	_ =	task.clear_ibuf [dreg:s9], $0x9FFFF;
	_ =	strace $0x90000046  }
0xbc: {  	s29 =	simm.s32 $0x9;
	_ =	strace $0x80000048  }
0xbd: {  	_ =	swait.ge [sflag:s29], $0x1  }
0xbe: {  	[sflag:s29] =	ssyncadd.s32 $0xFFFFFFFF  }
0xbf: {  	_ =	strace $0x90000048  }
0xc0: {  	_ =	sfence  }
0xc1: {  	s30 =	sld [smem:$0x0];
	_ =	sdelay $0x2  }
0xc2: {  	s31 =	sshll.u32 s1, $0xD;
	s1 =	sshrl.u32 s1, $0x2  }
0xc3: {  	s3 =	sand.u32 $0x4000, s31;
	s1 =	sadd.s32 s1, s30  }
0xc4: {  	s0 =	sor.u32 s3, s0;
	s1 =	sshll.u32 s1, $0x11  }
0xc5: {  	s0 =	sor.u32 s1, s0  }
0xc6: {  	s0 =	sadd.s32 $0x8F2B, s0  }
0xc7: {  	[sflag:s0] =	ssyncadd.remote.s32 $0x1  }
0xc8: {  	_ =	sfence.sel $0xFFFF  }
0xc9: {  	[dreg:$0x0] =	wrdreg $0xFFFFFFFF;
	(pc) =	sbr.abs _section_cstart, $3  }
0xca: {  	[dreg:$0x1] =	wrdreg $0xFFFFFFFF  }
0xcb: {  	_ =	task.clear_ibuf [dreg:s9], $0x2FFFF;
	_ =	strace $0x9FFFFFFF  }
0xcc: {  	(tm) =	ssettm $0x7FFFFFFF  }
0xcd: {  	_ =	shalt  }
tec
execute0_lowered:
.L_overlay_start_1:
0x0: {  	(tag) =	ssettag $0x1  }
0x1: {  	s1 =	rddreg [dreg:$0x0]  }
0x2: {  	s3 =	rddreg [dreg:$0x1]  }
0x3: {  	s0 =	rddreg [dreg:$0x3]  }
0x4: {  	s2 =	srdreg.scid;
	s4 =	rddreg [dreg:$0x4]  }
0x5: {  	s17 =	stileid.u32;
	s5 =	rddreg [dreg:$0x5];
	s6 =	simm.s32 $0x0  }
0x6: {  	s31 =	simm.s32 $0x9080;
	s28 =	simm.s32 $0x80;
	s7 =	smul.u32 $0x5000, s17  }
0x7: {  	s29 =	simm.s32 $0x5000;
	s30 =	simm.s32 $0x1;
	s21 =	smul.u32 $0x280, s17  }
0x8: {  	s2 =	sand.u32 $0x1, s2;
	[smem:$0x7FF] =	sst s6;
	s10 =	smul.u32 $0x50000, s17  }
0x9: {  	s9 =	sadd.s32 $0x16C00, s3;
	s11 =	sadd.s32 $0x16A00, s3;
	s15 =	smul.u32 $0x14000, s17  }
0xa: {  	s17 =	smul.u32 $0x500, s17;
	_ =	strace $0x80000047;
	[dreg:$0x16] =	wrdreg s9  }
0xb: {  	s8 =	smul.u32 $0x2800, s2;
	s22 =	ssub.s32 $0x2, s2;
	[dreg:$0x17] =	wrdreg s11  }
0xc: {  	s23 =	sshrl.u32 s22, $0x1;
	s10 =	sshrl.u32 s10, $0x2;
	s24 =	sshll.u32 s21, $0x7  }
0xd: {  	s7 =	sadd.s32 s8, s7;
	s9 =	ssub.s32 s22, s23;
	s10 =	sadd.s32 s10, s4  }
0xe: {  	s25 =	sadd.s32 $0x4000, s24;
	s12 =	sadd.s32 $0x8000, s24;
	s14 =	sadd.s32 $0xC000, s24  }
0xf: {  	s11 =	sadd.s32 $0x10000, s24;
	s24 =	sadd.s32 s21, s5;
	[dreg:$0x18] =	wrdreg s10  }
0x10: {  	s7 =	sshrl.u32 s7, $0x3;
	s13 =	sadd.s32 s25, s4;
	[dreg:$0x1d] =	wrdreg s24  }
0x11: {  	s18 =	sadd.s32 s12, s4;
	s19 =	sadd.s32 s14, s4;
	[dreg:$0x19] =	wrdreg s13  }
0x12: {  	s26 =	sadd.s32 s11, s4;
	s7 =	sadd.s32 s7, s3;
	[dreg:$0x1b] =	wrdreg s19  }
0x13: {  	s3 =	sadd.s32 $0x17400, s3;
	s13 =	smul.u32 $0x140000, s2;
	[dreg:$0x1c] =	wrdreg s26  }
0x14: {  	s26 =	simm.s32 $0x200;
	s2 =	sshll.u32 s2, $0x7;
	s16 =	sadd.s32 $0xCA00, s7  }
0x15: {  	s7 =	sadd.s32 $0x2A00, s7;
	[dreg:$0xa] =	wrdreg s26;
	s2 =	sor.u32 s2, s17  }
0x16: {  	s26 =	simm.s32 $0x780;
	s17 =	simm.s32 $0xB00;
	[dreg:$0x7] =	wrdreg s16  }
0x17: {  	s19 =	sadd.s32 s15, s13;
	s10 =	sadd.s32 s13, s25;
	s12 =	sadd.s32 s13, s12  }
0x18: {  	s23 =	sadd.s32 s13, s14;
	s14 =	smov.u32 s18;
	[dreg:$0x8] =	wrdreg s7  }
0x19: {  	s25 =	simm.s32 $0x180;
	s15 =	simm.s32 $0x380;
	[dreg:$0x15] =	wrdreg s26  }
0x1a: {  	s16 =	simm.s32 $0x400;
	s18 =	simm.s32 $0x480;
	[dreg:$0x9] =	wrdreg s25  }
0x1b: {  	s2 =	sshrl.u32 s2, $0x3;
	s26 =	simm.s32 $0x800;
	[dreg:$0xd] =	wrdreg s15  }
0x1c: {  	s7 =	simm.s32 $0x100;
	s8 =	sshrl.u32 s19, $0x3;
	[dreg:$0xe] =	wrdreg s16  }
0x1d: {  	s20 =	sshrl.u32 s10, $0x3;
	s21 =	sshrl.u32 s12, $0x3;
	[dreg:$0xf] =	wrdreg s18  }
0x1e: {  	s10 =	simm.s32 $0x280;
	s12 =	sadd.s32 s13, s11;
	[dreg:$0x1a] =	wrdreg s14  }
0x1f: {  	s13 =	simm.s32 $0x300;
	s19 =	simm.s32 $0x500;
	[dreg:$0xb] =	wrdreg s10  }
0x20: {  	s0 =	sadd.s32 s0, s2;
	s25 =	simm.s32 $0x700;
	[dreg:$0xc] =	wrdreg s13  }
0x21: {  	s15 =	simm.s32 $0xA00;
	s16 =	simm.s32 $0xA80;
	[dreg:$0x10] =	wrdreg s19  }
0x22: {  	s18 =	simm.s32 $0xB80;
	s11 =	simm.s32 $0xE80;
	[smem:$0x7FB] =	sst s0  }
0x23: {  	s2 =	simm.s32 $0x0;
	s8 =	sadd.s32 s3, s8;
	[dreg:$0x14] =	wrdreg s25  }
0x24: {  	s22 =	sadd.s32 s3, s21;
	s21 =	simm.s32 $0x600;
	[smem:$0x7FD] =	sst s2  }
0x25: {  	s25 =	simm.s32 $0x1000;
	s0 =	simm.s32 $0x3;
	[dreg:$0x1e] =	wrdreg s8  }
0x26: {  	s19 =	simm.s32 $0xC00;
	s10 =	simm.s32 $0xE00;
	[smem:$0x7F8] =	sst s22  }
0x27: {  	s13 =	simm.s32 $0xF80;
	s8 =	sadd.s32 s3, s20;
	[dreg:$0x12] =	wrdreg s21  }
0x28: {  	s20 =	simm.s32 $0x580;
	s22 =	simm.s32 $0x680;
	[dreg:$0x1f] =	wrdreg s8  }
0x29: {  	s21 =	simm.s32 $0xD00;
	s8 =	sshrl.u32 s23, $0x3;
	[dreg:$0x11] =	wrdreg s20  }
0x2a: {  	s23 =	smax.u32 s9, $0x1;
	[dreg:$0x13] =	wrdreg s22;
	s22 =	simm.s32 $0x9000  }
0x2b: {  	s20 =	simm.s32 $0xC80;
	s8 =	sadd.s32 s3, s8;
	[smem:$0x7FC] =	sst s23  }
0x2c: {  	s9 =	simm.s32 $0xD80;
	[smem:$0x7F9] =	sst s8;
	s8 =	sshrl.u32 s12, $0x3  }
0x2d: {  	s23 =	simm.s32 $0x4;
	s12 =	simm.s32 $0xF00;
	s3 =	sadd.s32 s3, s8  }
0x2e: {  	s8 =	simm.s32 $0x980;
	[smem:$0x7FA] =	sst s3;
	s3 =	simm.s32 $0x2  }
.LBB2_1:
0x2f: {  	s2 =	rddreg [dreg:$0x17]  }
0x30: {  	[tilespmem:s22], [sflag:$0x4] =	stream.linear.gather [hbm4b:s2+s6], $0x80, $0x38;
	[tilespmem:$0x1D580] =	vst v63  }
0x31: {  	_ =	swait.ge [sflag:s23], $0x80  }
0x32: {  	[sflag:s23] =	ssyncset.done $0x0  }
0x33: {  	[sflag:s23] =	ssyncadd.s32 $0xFFFFFF80  }
0x34: {  	s2 =	rddreg [dreg:$0x2]  }
0x35: {  	[tilespmem:s31], [sflag:$0x4] =	stream.linear.gather [hbm4b:s2+s6], $0x280, $0x38;
	[tilespmem:$0x1D580] =	vst v63  }
0x36: {  	_ =	swait.ge [sflag:s23], $0x280  }
0x37: {  	[sflag:s23] =	ssyncset.done $0x0  }
0x38: {  	s2 =	rddreg [dreg:$0x16];
	[sflag:s23] =	ssyncadd.s32 $0xFFFFFD80  }
0x39: {  	[tilespmem:s25], [sflag:$0x4] =	stream.linear.gather [hbm4b:s2+s6], $0x4000, $0x38;
	[tilespmem:$0x1D580] =	vst v63  }
0x3a: {  	_ =	swait.ge [sflag:s23], $0x4000  }
0x3b: {  	[sflag:s23] =	ssyncset.done $0x0  }
0x3c: {  	s2 =	rddreg [dreg:$0x18];
	[sflag:s23] =	ssyncadd.s32 $0xFFFFC000  }
0x3d: {  	[spmem:s2] =	stream.linear.scatter [tilespmem:s25], [sflag:$0x4], $0x4000, $0x38;
	[tilespmem:$0x1D580] =	vst v63  }
0x3e: {  	_ =	swait.ge [sflag:s23], $0x4000  }
0x3f: {  	[sflag:s23] =	ssyncset.done $0x0  }
0x40: {  	s2 =	rddreg [dreg:$0x19];
	[sflag:s23] =	ssyncadd.s32 $0xFFFFC000  }
0x41: {  	[spmem:s2] =	stream.linear.scatter [tilespmem:s25], [sflag:$0x4], $0x4000, $0x38;
	[tilespmem:$0x1D580] =	vst v63  }
0x42: {  	_ =	swait.ge [sflag:s23], $0x4000  }
0x43: {  	[sflag:s23] =	ssyncset.done $0x0  }
0x44: {  	[sflag:s23] =	ssyncadd.s32 $0xFFFFC000  }
0x45: {  	[spmem:s14] =	stream.linear.scatter [tilespmem:s25], [sflag:$0x4], $0x4000, $0x38;
	[tilespmem:$0x1D580] =	vst v63  }
0x46: {  	_ =	swait.ge [sflag:s23], $0x4000  }
0x47: {  	[sflag:s23] =	ssyncset.done $0x0  }
0x48: {  	s14 =	rddreg [dreg:$0x1b];
	[sflag:s23] =	ssyncadd.s32 $0xFFFFC000  }
0x49: {  	[spmem:s14] =	stream.linear.scatter [tilespmem:s25], [sflag:$0x4], $0x4000, $0x38;
	[tilespmem:$0x1D580] =	vst v63  }
0x4a: {  	_ =	swait.ge [sflag:s23], $0x4000  }
0x4b: {  	[sflag:s23] =	ssyncset.done $0x0  }
0x4c: {  	s14 =	rddreg [dreg:$0x1c];
	[sflag:s23] =	ssyncadd.s32 $0xFFFFC000  }
0x4d: {  	[spmem:s14] =	stream.linear.scatter [tilespmem:s25], [sflag:$0x4], $0x4000, $0x38;
	[tilespmem:$0x1D580] =	vst v63  }
0x4e: {  	_ =	swait.ge [sflag:s23], $0x4000  }
0x4f: {  	[sflag:s23] =	ssyncset.done $0x0  }
0x50: {  	[sflag:s23] =	ssyncadd.s32 $0xFFFFC000  }
0x51: {  	[spmem:s24] =	stream.linear.scatter [tilespmem:s31], [sflag:$0x4], $0x280, $0x38;
	[tilespmem:$0x1D580] =	vst v63  }
0x52: {  	_ =	swait.ge [sflag:s23], $0x280  }
0x53: {  	[sflag:s23] =	ssyncset.done $0x0  }
0x54: {  	[sflag:s23] =	ssyncadd.s32 $0xFFFFFD80  }
0x55: {  	[bflag:$0x0] =	sbarrier.arrive $0xFFFF  }
0x56: {  	s24 =	rddreg [dreg:$0x8]  }
0x57: {  	s14 =	sadd.s32 $0x0, s24  }
0x58: {  	[tilespmem:s6], [sflag:$0x4] =	stream.linear.gather [hbm4b:s14+s6], $0x800, $0x38;
	[tilespmem:$0x1D580] =	vst v63  }
0x59: {  	_ =	swait.ge [sflag:s23], $0x800  }
0x5a: {  	s2 =	rddreg [dreg:$0x7];
	[sflag:s23] =	ssyncset.done $0x0  }
0x5b: {  	[sflag:s23] =	ssyncadd.s32 $0xFFFFF800;
	s14 =	sadd.s32 $0x0, s2  }
0x5c: {  	[tilespmem:s26], [sflag:$0x4] =	stream.linear.gather [hbm4b:s14+s6], $0x800, $0x38;
	[tilespmem:$0x1D580] =	vst v63  }
0x5d: {  	_ =	swait.ge [sflag:s23], $0x800  }
0x5e: {  	[sflag:s23] =	ssyncset.done $0x0  }
0x5f: {  	[sflag:s23] =	ssyncadd.s32 $0xFFFFF800  }
0x60: {  	[tilespmem:s25], [sflag:$0x1] =	stream.indirect.gather [hbm4b:s1+s28], $0x80, s6, s28, $0xb8;
	[tilespmem:$0x1D580] =	vst v63  }
0x61: {  	_ = 	snop  }
0x62: {  	[tilespmem:s29], [sflag:$0x2] =	stream.indirect.gather [hbm4b:s1+s28], $0x80, s28, s28, $0xb8;
	[tilespmem:$0x1D580] =	vst v63  }
0x63: {  	_ =	swait.ge [sflag:s30], $0x4000  }
0x64: {  	[sflag:s30] =	ssyncset.done $0x0  }
0x65: {  	[sflag:s30] =	ssyncadd.s32 $0xFFFFC000  }
0x66: {  	[spmem:s5] =	stream.indirect.scatter.add.f32 [tilespmem:s22], [sflag:$0x3], $0x1, s26, s28, $0xb8;
	[tilespmem:$0x1D580] =	vst v63  }
0x67: {  	_ = 	snop  }
0x68: {  	[spmem:s4] =	stream.indirect.scatter.add.f32 [tilespmem:s25], [sflag:$0x4], $0x80, s26, s28, $0xb8;
	[tilespmem:$0x1D580] =	vst v63  }
0x69: {  	_ =	swait.ge [sflag:s23], $0x4000  }
0x6a: {  	[sflag:s23] =	ssyncset.done $0x0  }
0x6b: {  	[sflag:s23] =	ssyncadd.s32 $0xFFFFC000  }
0x6c: {  	[tilespmem:s25], [sflag:$0x1] =	stream.indirect.gather [hbm4b:s1+s28], $0x80, s7, s28, $0xb8;
	[tilespmem:$0x1D580] =	vst v63  }
0x6d: {  	_ =	swait.ge [sflag:s3], $0x4000  }
0x6e: {  	[sflag:s3] =	ssyncset.done $0x0  }
0x6f: {  	[sflag:s3] =	ssyncadd.s32 $0xFFFFC000  }
0x70: {  	_ =	swait.ge [sflag:s0], $0x80  }
0x71: {  	[sflag:s0] =	ssyncset.done $0x0  }
0x72: {  	s24 =	simm.s32 $0x880;
	[sflag:s0] =	ssyncadd.s32 $0xFFFFFF80  }
0x73: {  	[spmem:s5] =	stream.indirect.scatter.add.f32 [tilespmem:s22], [sflag:$0x3], $0x1, s24, s28, $0xb8;
	[tilespmem:$0x1D580] =	vst v63  }
0x74: {  	_ = 	snop  }
0x75: {  	[spmem:s4] =	stream.indirect.scatter.add.f32 [tilespmem:s29], [sflag:$0x4], $0x80, s24, s28, $0xb8;
	[tilespmem:$0x1D580] =	vst v63  }
0x76: {  	_ =	swait.ge [sflag:s23], $0x4000  }
0x77: {  	[sflag:s23] =	ssyncset.done $0x0  }
0x78: {  	s2 =	rddreg [dreg:$0x9];
	[sflag:s23] =	ssyncadd.s32 $0xFFFFC000  }
0x79: {  	[tilespmem:s29], [sflag:$0x2] =	stream.indirect.gather [hbm4b:s1+s28], $0x80, s2, s28, $0xb8;
	[tilespmem:$0x1D580] =	vst v63  }
0x7a: {  	_ =	swait.ge [sflag:s30], $0x4000  }
0x7b: {  	[sflag:s30] =	ssyncset.done $0x0  }
0x7c: {  	[sflag:s30] =	ssyncadd.s32 $0xFFFFC000  }
0x7d: {  	_ =	swait.ge [sflag:s0], $0x80  }
0x7e: {  	[sflag:s0] =	ssyncset.done $0x0  }
0x7f: {  	s24 =	simm.s32 $0x900;
	[sflag:s0] =	ssyncadd.s32 $0xFFFFFF80  }
0x80: {  	[spmem:s5] =	stream.indirect.scatter.add.f32 [tilespmem:s22], [sflag:$0x3], $0x1, s24, s28, $0xb8;
	[tilespmem:$0x1D580] =	vst v63  }
0x81: {  	_ = 	snop  }
0x82: {  	[spmem:s4] =	stream.indirect.scatter.add.f32 [tilespmem:s25], [sflag:$0x4], $0x80, s24, s28, $0xb8;
	[tilespmem:$0x1D580] =	vst v63  }
0x83: {  	_ =	swait.ge [sflag:s23], $0x4000  }
0x84: {  	[sflag:s23] =	ssyncset.done $0x0  }
0x85: {  	s2 =	rddreg [dreg:$0xa];
	[sflag:s23] =	ssyncadd.s32 $0xFFFFC000  }
0x86: {  	[tilespmem:s25], [sflag:$0x1] =	stream.indirect.gather [hbm4b:s1+s28], $0x80, s2, s28, $0xb8;
	[tilespmem:$0x1D580] =	vst v63  }
0x87: {  	_ =	swait.ge [sflag:s3], $0x4000  }
0x88: {  	[sflag:s3] =	ssyncset.done $0x0  }
0x89: {  	[sflag:s3] =	ssyncadd.s32 $0xFFFFC000  }
0x8a: {  	_ =	swait.ge [sflag:s0], $0x80  }
0x8b: {  	[sflag:s0] =	ssyncset.done $0x0  }
0x8c: {  	[sflag:s0] =	ssyncadd.s32 $0xFFFFFF80  }
0x8d: {  	[spmem:s5] =	stream.indirect.scatter.add.f32 [tilespmem:s22], [sflag:$0x3], $0x1, s8, s28, $0xb8;
	[tilespmem:$0x1D580] =	vst v63  }
0x8e: {  	_ = 	snop  }
0x8f: {  	[spmem:s4] =	stream.indirect.scatter.add.f32 [tilespmem:s29], [sflag:$0x4], $0x80, s8, s28, $0xb8;
	[tilespmem:$0x1D580] =	vst v63  }
0x90: {  	_ =	swait.ge [sflag:s23], $0x4000  }
0x91: {  	[sflag:s23] =	ssyncset.done $0x0  }
0x92: {  	s24 =	rddreg [dreg:$0xb];
	[sflag:s23] =	ssyncadd.s32 $0xFFFFC000  }
0x93: {  	[tilespmem:s29], [sflag:$0x2] =	stream.indirect.gather [hbm4b:s1+s28], $0x80, s24, s28, $0xb8;
	[tilespmem:$0x1D580] =	vst v63  }
0x94: {  	_ =	swait.ge [sflag:s30], $0x4000  }
0x95: {  	[sflag:s30] =	ssyncset.done $0x0  }
0x96: {  	[sflag:s30] =	ssyncadd.s32 $0xFFFFC000  }
0x97: {  	_ =	swait.ge [sflag:s0], $0x80  }
0x98: {  	[sflag:s0] =	ssyncset.done $0x0  }
0x99: {  	[sflag:s0] =	ssyncadd.s32 $0xFFFFFF80  }
0x9a: {  	[spmem:s5] =	stream.indirect.scatter.add.f32 [tilespmem:s22], [sflag:$0x3], $0x1, s15, s28, $0xb8;
	[tilespmem:$0x1D580] =	vst v63  }
0x9b: {  	_ = 	snop  }
0x9c: {  	[spmem:s4] =	stream.indirect.scatter.add.f32 [tilespmem:s25], [sflag:$0x4], $0x80, s15, s28, $0xb8;
	[tilespmem:$0x1D580] =	vst v63  }
0x9d: {  	_ =	swait.ge [sflag:s23], $0x4000  }
0x9e: {  	[sflag:s23] =	ssyncset.done $0x0  }
0x9f: {  	s2 =	rddreg [dreg:$0xc];
	[sflag:s23] =	ssyncadd.s32 $0xFFFFC000  }
0xa0: {  	[tilespmem:s25], [sflag:$0x1] =	stream.indirect.gather [hbm4b:s1+s28], $0x80, s2, s28, $0xb8;
	[tilespmem:$0x1D580] =	vst v63  }
0xa1: {  	_ =	swait.ge [sflag:s3], $0x4000  }
0xa2: {  	[sflag:s3] =	ssyncset.done $0x0  }
0xa3: {  	[sflag:s3] =	ssyncadd.s32 $0xFFFFC000  }
0xa4: {  	_ =	swait.ge [sflag:s0], $0x80  }
0xa5: {  	[sflag:s0] =	ssyncset.done $0x0  }
0xa6: {  	[sflag:s0] =	ssyncadd.s32 $0xFFFFFF80  }
0xa7: {  	[spmem:s5] =	stream.indirect.scatter.add.f32 [tilespmem:s22], [sflag:$0x3], $0x1, s16, s28, $0xb8;
	[tilespmem:$0x1D580] =	vst v63  }
0xa8: {  	_ = 	snop  }
0xa9: {  	[spmem:s4] =	stream.indirect.scatter.add.f32 [tilespmem:s29], [sflag:$0x4], $0x80, s16, s28, $0xb8;
	[tilespmem:$0x1D580] =	vst v63  }
0xaa: {  	_ =	swait.ge [sflag:s23], $0x4000  }
0xab: {  	[sflag:s23] =	ssyncset.done $0x0  }
0xac: {  	s24 =	rddreg [dreg:$0xd];
	[sflag:s23] =	ssyncadd.s32 $0xFFFFC000  }
0xad: {  	[tilespmem:s29], [sflag:$0x2] =	stream.indirect.gather [hbm4b:s1+s28], $0x80, s24, s28, $0xb8;
	[tilespmem:$0x1D580] =	vst v63  }
0xae: {  	_ =	swait.ge [sflag:s30], $0x4000  }
0xaf: {  	[sflag:s30] =	ssyncset.done $0x0  }
0xb0: {  	[sflag:s30] =	ssyncadd.s32 $0xFFFFC000  }
0xb1: {  	_ =	swait.ge [sflag:s0], $0x80  }
0xb2: {  	[sflag:s0] =	ssyncset.done $0x0  }
0xb3: {  	[sflag:s0] =	ssyncadd.s32 $0xFFFFFF80  }
0xb4: {  	[spmem:s5] =	stream.indirect.scatter.add.f32 [tilespmem:s22], [sflag:$0x3], $0x1, s17, s28, $0xb8;
	[tilespmem:$0x1D580] =	vst v63  }
0xb5: {  	_ = 	snop  }
0xb6: {  	[spmem:s4] =	stream.indirect.scatter.add.f32 [tilespmem:s25], [sflag:$0x4], $0x80, s17, s28, $0xb8;
	[tilespmem:$0x1D580] =	vst v63  }
0xb7: {  	_ =	swait.ge [sflag:s23], $0x4000  }
0xb8: {  	[sflag:s23] =	ssyncset.done $0x0  }
0xb9: {  	s2 =	rddreg [dreg:$0xe];
	[sflag:s23] =	ssyncadd.s32 $0xFFFFC000  }
0xba: {  	[tilespmem:s25], [sflag:$0x1] =	stream.indirect.gather [hbm4b:s1+s28], $0x80, s2, s28, $0xb8;
	[tilespmem:$0x1D580] =	vst v63  }
0xbb: {  	_ =	swait.ge [sflag:s3], $0x4000  }
0xbc: {  	[sflag:s3] =	ssyncset.done $0x0  }
0xbd: {  	[sflag:s3] =	ssyncadd.s32 $0xFFFFC000  }
0xbe: {  	_ =	swait.ge [sflag:s0], $0x80  }
0xbf: {  	[sflag:s0] =	ssyncset.done $0x0  }
0xc0: {  	[sflag:s0] =	ssyncadd.s32 $0xFFFFFF80  }
0xc1: {  	[spmem:s5] =	stream.indirect.scatter.add.f32 [tilespmem:s22], [sflag:$0x3], $0x1, s18, s28, $0xb8;
	[tilespmem:$0x1D580] =	vst v63  }
0xc2: {  	_ = 	snop  }
0xc3: {  	[spmem:s4] =	stream.indirect.scatter.add.f32 [tilespmem:s29], [sflag:$0x4], $0x80, s18, s28, $0xb8;
	[tilespmem:$0x1D580] =	vst v63  }
0xc4: {  	_ =	swait.ge [sflag:s23], $0x4000  }
0xc5: {  	[sflag:s23] =	ssyncset.done $0x0  }
0xc6: {  	s24 =	rddreg [dreg:$0xf];
	[sflag:s23] =	ssyncadd.s32 $0xFFFFC000  }
0xc7: {  	[tilespmem:s29], [sflag:$0x2] =	stream.indirect.gather [hbm4b:s1+s28], $0x80, s24, s28, $0xb8;
	[tilespmem:$0x1D580] =	vst v63  }
0xc8: {  	_ =	swait.ge [sflag:s30], $0x4000  }
0xc9: {  	[sflag:s30] =	ssyncset.done $0x0  }
0xca: {  	[sflag:s30] =	ssyncadd.s32 $0xFFFFC000  }
0xcb: {  	_ =	swait.ge [sflag:s0], $0x80  }
0xcc: {  	[sflag:s0] =	ssyncset.done $0x0  }
0xcd: {  	[sflag:s0] =	ssyncadd.s32 $0xFFFFFF80  }
0xce: {  	[spmem:s5] =	stream.indirect.scatter.add.f32 [tilespmem:s22], [sflag:$0x3], $0x1, s19, s28, $0xb8;
	[tilespmem:$0x1D580] =	vst v63  }
0xcf: {  	_ = 	snop  }
0xd0: {  	[spmem:s4] =	stream.indirect.scatter.add.f32 [tilespmem:s25], [sflag:$0x4], $0x80, s19, s28, $0xb8;
	[tilespmem:$0x1D580] =	vst v63  }
0xd1: {  	_ =	swait.ge [sflag:s23], $0x4000  }
0xd2: {  	[sflag:s23] =	ssyncset.done $0x0  }
0xd3: {  	s2 =	rddreg [dreg:$0x10];
	[sflag:s23] =	ssyncadd.s32 $0xFFFFC000  }
0xd4: {  	[tilespmem:s25], [sflag:$0x1] =	stream.indirect.gather [hbm4b:s1+s28], $0x80, s2, s28, $0xb8;
	[tilespmem:$0x1D580] =	vst v63  }
0xd5: {  	_ =	swait.ge [sflag:s3], $0x4000  }
0xd6: {  	[sflag:s3] =	ssyncset.done $0x0  }
0xd7: {  	[sflag:s3] =	ssyncadd.s32 $0xFFFFC000  }
0xd8: {  	_ =	swait.ge [sflag:s0], $0x80  }
0xd9: {  	[sflag:s0] =	ssyncset.done $0x0  }
0xda: {  	[sflag:s0] =	ssyncadd.s32 $0xFFFFFF80  }
0xdb: {  	[spmem:s5] =	stream.indirect.scatter.add.f32 [tilespmem:s22], [sflag:$0x3], $0x1, s20, s28, $0xb8;
	[tilespmem:$0x1D580] =	vst v63  }
0xdc: {  	_ = 	snop  }
0xdd: {  	[spmem:s4] =	stream.indirect.scatter.add.f32 [tilespmem:s29], [sflag:$0x4], $0x80, s20, s28, $0xb8;
	[tilespmem:$0x1D580] =	vst v63  }
0xde: {  	_ =	swait.ge [sflag:s23], $0x4000  }
0xdf: {  	[sflag:s23] =	ssyncset.done $0x0  }
0xe0: {  	s24 =	rddreg [dreg:$0x11];
	[sflag:s23] =	ssyncadd.s32 $0xFFFFC000  }
0xe1: {  	[tilespmem:s29], [sflag:$0x2] =	stream.indirect.gather [hbm4b:s1+s28], $0x80, s24, s28, $0xb8;
	[tilespmem:$0x1D580] =	vst v63  }
0xe2: {  	_ =	swait.ge [sflag:s30], $0x4000  }
0xe3: {  	[sflag:s30] =	ssyncset.done $0x0  }
0xe4: {  	[sflag:s30] =	ssyncadd.s32 $0xFFFFC000  }
0xe5: {  	_ =	swait.ge [sflag:s0], $0x80  }
0xe6: {  	[sflag:s0] =	ssyncset.done $0x0  }
0xe7: {  	[sflag:s0] =	ssyncadd.s32 $0xFFFFFF80  }
0xe8: {  	[spmem:s5] =	stream.indirect.scatter.add.f32 [tilespmem:s22], [sflag:$0x3], $0x1, s21, s28, $0xb8;
	[tilespmem:$0x1D580] =	vst v63  }
0xe9: {  	_ = 	snop  }
0xea: {  	[spmem:s4] =	stream.indirect.scatter.add.f32 [tilespmem:s25], [sflag:$0x4], $0x80, s21, s28, $0xb8;
	[tilespmem:$0x1D580] =	vst v63  }
0xeb: {  	_ =	swait.ge [sflag:s23], $0x4000  }
0xec: {  	[sflag:s23] =	ssyncset.done $0x0  }
0xed: {  	s2 =	rddreg [dreg:$0x12];
	[sflag:s23] =	ssyncadd.s32 $0xFFFFC000  }
0xee: {  	[tilespmem:s25], [sflag:$0x1] =	stream.indirect.gather [hbm4b:s1+s28], $0x80, s2, s28, $0xb8;
	[tilespmem:$0x1D580] =	vst v63  }
0xef: {  	_ =	swait.ge [sflag:s3], $0x4000  }
0xf0: {  	[sflag:s3] =	ssyncset.done $0x0  }
0xf1: {  	[sflag:s3] =	ssyncadd.s32 $0xFFFFC000  }
0xf2: {  	_ =	swait.ge [sflag:s0], $0x80  }
0xf3: {  	[sflag:s0] =	ssyncset.done $0x0  }
0xf4: {  	[sflag:s0] =	ssyncadd.s32 $0xFFFFFF80  }
0xf5: {  	[spmem:s5] =	stream.indirect.scatter.add.f32 [tilespmem:s22], [sflag:$0x3], $0x1, s9, s28, $0xb8;
	[tilespmem:$0x1D580] =	vst v63  }
0xf6: {  	_ = 	snop  }
0xf7: {  	[spmem:s4] =	stream.indirect.scatter.add.f32 [tilespmem:s29], [sflag:$0x4], $0x80, s9, s28, $0xb8;
	[tilespmem:$0x1D580] =	vst v63  }
0xf8: {  	_ =	swait.ge [sflag:s23], $0x4000  }
0xf9: {  	[sflag:s23] =	ssyncset.done $0x0  }
0xfa: {  	s24 =	rddreg [dreg:$0x13];
	[sflag:s23] =	ssyncadd.s32 $0xFFFFC000  }
0xfb: {  	[tilespmem:s29], [sflag:$0x2] =	stream.indirect.gather [hbm4b:s1+s28], $0x80, s24, s28, $0xb8;
	[tilespmem:$0x1D580] =	vst v63  }
0xfc: {  	_ =	swait.ge [sflag:s30], $0x4000  }
0xfd: {  	[sflag:s30] =	ssyncset.done $0x0  }
0xfe: {  	[sflag:s30] =	ssyncadd.s32 $0xFFFFC000  }
0xff: {  	_ =	swait.ge [sflag:s0], $0x80  }
0x100: {  	[sflag:s0] =	ssyncset.done $0x0  }
0x101: {  	[sflag:s0] =	ssyncadd.s32 $0xFFFFFF80  }
0x102: {  	[spmem:s5] =	stream.indirect.scatter.add.f32 [tilespmem:s22], [sflag:$0x3], $0x1, s10, s28, $0xb8;
	[tilespmem:$0x1D580] =	vst v63  }
0x103: {  	_ = 	snop  }
0x104: {  	[spmem:s4] =	stream.indirect.scatter.add.f32 [tilespmem:s25], [sflag:$0x4], $0x80, s10, s28, $0xb8;
	[tilespmem:$0x1D580] =	vst v63  }
0x105: {  	_ =	swait.ge [sflag:s23], $0x4000  }
0x106: {  	[sflag:s23] =	ssyncset.done $0x0  }
0x107: {  	s2 =	rddreg [dreg:$0x14];
	[sflag:s23] =	ssyncadd.s32 $0xFFFFC000  }
0x108: {  	[tilespmem:s25], [sflag:$0x1] =	stream.indirect.gather [hbm4b:s1+s28], $0x80, s2, s28, $0xb8;
	[tilespmem:$0x1D580] =	vst v63  }
0x109: {  	_ =	swait.ge [sflag:s3], $0x4000  }
0x10a: {  	[sflag:s3] =	ssyncset.done $0x0  }
0x10b: {  	[sflag:s3] =	ssyncadd.s32 $0xFFFFC000  }
0x10c: {  	_ =	swait.ge [sflag:s0], $0x80  }
0x10d: {  	[sflag:s0] =	ssyncset.done $0x0  }
0x10e: {  	[sflag:s0] =	ssyncadd.s32 $0xFFFFFF80  }
0x10f: {  	[spmem:s5] =	stream.indirect.scatter.add.f32 [tilespmem:s22], [sflag:$0x3], $0x1, s11, s28, $0xb8;
	[tilespmem:$0x1D580] =	vst v63  }
0x110: {  	_ = 	snop  }
0x111: {  	[spmem:s4] =	stream.indirect.scatter.add.f32 [tilespmem:s29], [sflag:$0x4], $0x80, s11, s28, $0xb8;
	[tilespmem:$0x1D580] =	vst v63  }
0x112: {  	_ =	swait.ge [sflag:s23], $0x4000  }
0x113: {  	[sflag:s23] =	ssyncset.done $0x0  }
0x114: {  	s24 =	rddreg [dreg:$0x15];
	[sflag:s23] =	ssyncadd.s32 $0xFFFFC000  }
0x115: {  	[tilespmem:s29], [sflag:$0x2] =	stream.indirect.gather [hbm4b:s1+s28], $0x80, s24, s28, $0xb8;
	[tilespmem:$0x1D580] =	vst v63  }
0x116: {  	_ =	swait.ge [sflag:s30], $0x4000  }
0x117: {  	[sflag:s30] =	ssyncset.done $0x0  }
0x118: {  	[sflag:s30] =	ssyncadd.s32 $0xFFFFC000  }
0x119: {  	_ =	swait.ge [sflag:s0], $0x80  }
0x11a: {  	[sflag:s0] =	ssyncset.done $0x0  }
0x11b: {  	[sflag:s0] =	ssyncadd.s32 $0xFFFFFF80  }
0x11c: {  	[spmem:s5] =	stream.indirect.scatter.add.f32 [tilespmem:s22], [sflag:$0x3], $0x1, s12, s28, $0xb8;
	[tilespmem:$0x1D580] =	vst v63  }
0x11d: {  	_ = 	snop  }
0x11e: {  	[spmem:s4] =	stream.indirect.scatter.add.f32 [tilespmem:s25], [sflag:$0x4], $0x80, s12, s28, $0xb8;
	[tilespmem:$0x1D580] =	vst v63  }
0x11f: {  	_ =	swait.ge [sflag:s23], $0x4000  }
0x120: {  	[sflag:s23] =	ssyncset.done $0x0  }
0x121: {  	[sflag:s23] =	ssyncadd.s32 $0xFFFFC000  }
0x122: {  	_ =	swait.ge [sflag:s3], $0x4000  }
0x123: {  	[sflag:s3] =	ssyncset.done $0x0  }
0x124: {  	[sflag:s3] =	ssyncadd.s32 $0xFFFFC000  }
0x125: {  	_ =	swait.ge [sflag:s0], $0x80  }
0x126: {  	[sflag:s0] =	ssyncset.done $0x0  }
0x127: {  	[sflag:s0] =	ssyncadd.s32 $0xFFFFFF80  }
0x128: {  	[spmem:s5] =	stream.indirect.scatter.add.f32 [tilespmem:s22], [sflag:$0x3], $0x1, s13, s28, $0xb8;
	[tilespmem:$0x1D580] =	vst v63  }
0x129: {  	_ = 	snop  }
0x12a: {  	[spmem:s4] =	stream.indirect.scatter.add.f32 [tilespmem:s29], [sflag:$0x4], $0x80, s13, s28, $0xb8;
	[tilespmem:$0x1D580] =	vst v63  }
0x12b: {  	_ =	swait.ge [sflag:s23], $0x4000  }
0x12c: {  	[sflag:s23] =	ssyncset.done $0x0  }
0x12d: {  	[sflag:s23] =	ssyncadd.s32 $0xFFFFC000  }
0x12e: {  	s14 =	simm.s32 $0x200;
	_ =	swait.ge [sflag:s0], $0x80  }
0x12f: {  	s24 =	simm.s32 $0x100;
	s31 =	rddreg [dreg:$0x8];
	[sflag:s0] =	ssyncset.done $0x0  }
.LBB2_2:
0x130: {  	[sflag:s0] =	ssyncadd.s32 $0xFFFFFF80;
	s31 =	sadd.s32 s24, s31  }
0x131: {  	[tilespmem:s6], [sflag:$0x4] =	stream.linear.gather [hbm4b:s31+s6], $0x800, $0x38;
	[tilespmem:$0x1D580] =	vst v63  }
0x132: {  	_ =	swait.ge [sflag:s23], $0x800  }
0x133: {  	s31 =	rddreg [dreg:$0x7];
	[sflag:s23] =	ssyncset.done $0x0  }
0x134: {  	[sflag:s23] =	ssyncadd.s32 $0xFFFFF800;
	s31 =	sadd.s32 s24, s31  }
0x135: {  	[tilespmem:s26], [sflag:$0x4] =	stream.linear.gather [hbm4b:s31+s6], $0x800, $0x38;
	[tilespmem:$0x1D580] =	vst v63  }
0x136: {  	_ =	swait.ge [sflag:s23], $0x800  }
0x137: {  	[sflag:s23] =	ssyncset.done $0x0  }
0x138: {  	[sflag:s23] =	ssyncadd.s32 $0xFFFFF800  }
0x139: {  	[tilespmem:s25], [sflag:$0x1] =	stream.indirect.gather [hbm4b:s1+s28], $0x80, s6, s28, $0xb8;
	[tilespmem:$0x1D580] =	vst v63  }
0x13a: {  	_ = 	snop  }
0x13b: {  	[tilespmem:s29], [sflag:$0x2] =	stream.indirect.gather [hbm4b:s1+s28], $0x80, s28, s28, $0xb8;
	[tilespmem:$0x1D580] =	vst v63  }
0x13c: {  	_ =	swait.ge [sflag:s30], $0x4000  }
0x13d: {  	[sflag:s30] =	ssyncset.done $0x0  }
0x13e: {  	[sflag:s30] =	ssyncadd.s32 $0xFFFFC000  }
0x13f: {  	[spmem:s5] =	stream.indirect.scatter.add.f32 [tilespmem:s22], [sflag:$0x3], $0x1, s26, s28, $0xb8;
	[tilespmem:$0x1D580] =	vst v63  }
0x140: {  	_ = 	snop  }
0x141: {  	[spmem:s4] =	stream.indirect.scatter.add.f32 [tilespmem:s25], [sflag:$0x4], $0x80, s26, s28, $0xb8;
	[tilespmem:$0x1D580] =	vst v63  }
0x142: {  	_ =	swait.ge [sflag:s23], $0x4000  }
0x143: {  	[sflag:s23] =	ssyncset.done $0x0  }
0x144: {  	[sflag:s23] =	ssyncadd.s32 $0xFFFFC000  }
0x145: {  	[tilespmem:s25], [sflag:$0x1] =	stream.indirect.gather [hbm4b:s1+s28], $0x80, s7, s28, $0xb8;
	[tilespmem:$0x1D580] =	vst v63  }
0x146: {  	_ =	swait.ge [sflag:s3], $0x4000  }
0x147: {  	[sflag:s3] =	ssyncset.done $0x0  }
0x148: {  	[sflag:s3] =	ssyncadd.s32 $0xFFFFC000  }
0x149: {  	_ =	swait.ge [sflag:s0], $0x80  }
0x14a: {  	s2 =	smov.u32 s14;
	[sflag:s0] =	ssyncset.done $0x0  }
0x14b: {  	s24 =	smov.u32 s2;
	s2 =	simm.s32 $0x880;
	[sflag:s0] =	ssyncadd.s32 $0xFFFFFF80  }
0x14c: {  	[spmem:s5] =	stream.indirect.scatter.add.f32 [tilespmem:s22], [sflag:$0x3], $0x1, s2, s28, $0xb8;
	[tilespmem:$0x1D580] =	vst v63  }
0x14d: {  	_ = 	snop  }
0x14e: {  	[spmem:s4] =	stream.indirect.scatter.add.f32 [tilespmem:s29], [sflag:$0x4], $0x80, s2, s28, $0xb8;
	[tilespmem:$0x1D580] =	vst v63  }
0x14f: {  	_ =	swait.ge [sflag:s23], $0x4000  }
0x150: {  	[sflag:s23] =	ssyncset.done $0x0  }
0x151: {  	s2 =	rddreg [dreg:$0x9];
	[sflag:s23] =	ssyncadd.s32 $0xFFFFC000  }
0x152: {  	[tilespmem:s29], [sflag:$0x2] =	stream.indirect.gather [hbm4b:s1+s28], $0x80, s2, s28, $0xb8;
	[tilespmem:$0x1D580] =	vst v63  }
0x153: {  	_ =	swait.ge [sflag:s30], $0x4000  }
0x154: {  	[sflag:s30] =	ssyncset.done $0x0  }
0x155: {  	[sflag:s30] =	ssyncadd.s32 $0xFFFFC000  }
0x156: {  	_ =	swait.ge [sflag:s0], $0x80  }
0x157: {  	[sflag:s0] =	ssyncset.done $0x0  }
0x158: {  	s2 =	simm.s32 $0x900;
	[sflag:s0] =	ssyncadd.s32 $0xFFFFFF80  }
0x159: {  	[spmem:s5] =	stream.indirect.scatter.add.f32 [tilespmem:s22], [sflag:$0x3], $0x1, s2, s28, $0xb8;
	[tilespmem:$0x1D580] =	vst v63  }
0x15a: {  	_ = 	snop  }
0x15b: {  	[spmem:s4] =	stream.indirect.scatter.add.f32 [tilespmem:s25], [sflag:$0x4], $0x80, s2, s28, $0xb8;
	[tilespmem:$0x1D580] =	vst v63  }
0x15c: {  	_ =	swait.ge [sflag:s23], $0x4000  }
0x15d: {  	[sflag:s23] =	ssyncset.done $0x0  }
0x15e: {  	s2 =	rddreg [dreg:$0xa];
	[sflag:s23] =	ssyncadd.s32 $0xFFFFC000  }
0x15f: {  	[tilespmem:s25], [sflag:$0x1] =	stream.indirect.gather [hbm4b:s1+s28], $0x80, s2, s28, $0xb8;
	[tilespmem:$0x1D580] =	vst v63  }
0x160: {  	_ =	swait.ge [sflag:s3], $0x4000  }
0x161: {  	[sflag:s3] =	ssyncset.done $0x0  }
0x162: {  	[sflag:s3] =	ssyncadd.s32 $0xFFFFC000  }
0x163: {  	_ =	swait.ge [sflag:s0], $0x80  }
0x164: {  	[sflag:s0] =	ssyncset.done $0x0  }
0x165: {  	[sflag:s0] =	ssyncadd.s32 $0xFFFFFF80  }
0x166: {  	[spmem:s5] =	stream.indirect.scatter.add.f32 [tilespmem:s22], [sflag:$0x3], $0x1, s8, s28, $0xb8;
	[tilespmem:$0x1D580] =	vst v63  }
0x167: {  	_ = 	snop  }
0x168: {  	[spmem:s4] =	stream.indirect.scatter.add.f32 [tilespmem:s29], [sflag:$0x4], $0x80, s8, s28, $0xb8;
	[tilespmem:$0x1D580] =	vst v63  }
0x169: {  	_ =	swait.ge [sflag:s23], $0x4000  }
0x16a: {  	[sflag:s23] =	ssyncset.done $0x0  }
0x16b: {  	s2 =	rddreg [dreg:$0xb];
	[sflag:s23] =	ssyncadd.s32 $0xFFFFC000  }
0x16c: {  	[tilespmem:s29], [sflag:$0x2] =	stream.indirect.gather [hbm4b:s1+s28], $0x80, s2, s28, $0xb8;
	[tilespmem:$0x1D580] =	vst v63  }
0x16d: {  	_ =	swait.ge [sflag:s30], $0x4000  }
0x16e: {  	[sflag:s30] =	ssyncset.done $0x0  }
0x16f: {  	[sflag:s30] =	ssyncadd.s32 $0xFFFFC000  }
0x170: {  	_ =	swait.ge [sflag:s0], $0x80  }
0x171: {  	[sflag:s0] =	ssyncset.done $0x0  }
0x172: {  	[sflag:s0] =	ssyncadd.s32 $0xFFFFFF80  }
0x173: {  	[spmem:s5] =	stream.indirect.scatter.add.f32 [tilespmem:s22], [sflag:$0x3], $0x1, s15, s28, $0xb8;
	[tilespmem:$0x1D580] =	vst v63  }
0x174: {  	_ = 	snop  }
0x175: {  	[spmem:s4] =	stream.indirect.scatter.add.f32 [tilespmem:s25], [sflag:$0x4], $0x80, s15, s28, $0xb8;
	[tilespmem:$0x1D580] =	vst v63  }
0x176: {  	_ =	swait.ge [sflag:s23], $0x4000  }
0x177: {  	[sflag:s23] =	ssyncset.done $0x0  }
0x178: {  	s2 =	rddreg [dreg:$0xc];
	[sflag:s23] =	ssyncadd.s32 $0xFFFFC000  }
0x179: {  	[tilespmem:s25], [sflag:$0x1] =	stream.indirect.gather [hbm4b:s1+s28], $0x80, s2, s28, $0xb8;
	[tilespmem:$0x1D580] =	vst v63  }
0x17a: {  	_ =	swait.ge [sflag:s3], $0x4000  }
0x17b: {  	[sflag:s3] =	ssyncset.done $0x0  }
0x17c: {  	[sflag:s3] =	ssyncadd.s32 $0xFFFFC000  }
0x17d: {  	_ =	swait.ge [sflag:s0], $0x80  }
0x17e: {  	[sflag:s0] =	ssyncset.done $0x0  }
0x17f: {  	[sflag:s0] =	ssyncadd.s32 $0xFFFFFF80  }
0x180: {  	[spmem:s5] =	stream.indirect.scatter.add.f32 [tilespmem:s22], [sflag:$0x3], $0x1, s16, s28, $0xb8;
	[tilespmem:$0x1D580] =	vst v63  }
0x181: {  	_ = 	snop  }
0x182: {  	[spmem:s4] =	stream.indirect.scatter.add.f32 [tilespmem:s29], [sflag:$0x4], $0x80, s16, s28, $0xb8;
	[tilespmem:$0x1D580] =	vst v63  }
0x183: {  	_ =	swait.ge [sflag:s23], $0x4000  }
0x184: {  	[sflag:s23] =	ssyncset.done $0x0  }
0x185: {  	s2 =	rddreg [dreg:$0xd];
	[sflag:s23] =	ssyncadd.s32 $0xFFFFC000  }
0x186: {  	[tilespmem:s29], [sflag:$0x2] =	stream.indirect.gather [hbm4b:s1+s28], $0x80, s2, s28, $0xb8;
	[tilespmem:$0x1D580] =	vst v63  }
0x187: {  	_ =	swait.ge [sflag:s30], $0x4000  }
0x188: {  	[sflag:s30] =	ssyncset.done $0x0  }
0x189: {  	[sflag:s30] =	ssyncadd.s32 $0xFFFFC000  }
0x18a: {  	_ =	swait.ge [sflag:s0], $0x80  }
0x18b: {  	[sflag:s0] =	ssyncset.done $0x0  }
0x18c: {  	[sflag:s0] =	ssyncadd.s32 $0xFFFFFF80  }
0x18d: {  	[spmem:s5] =	stream.indirect.scatter.add.f32 [tilespmem:s22], [sflag:$0x3], $0x1, s17, s28, $0xb8;
	[tilespmem:$0x1D580] =	vst v63  }
0x18e: {  	_ = 	snop  }
0x18f: {  	[spmem:s4] =	stream.indirect.scatter.add.f32 [tilespmem:s25], [sflag:$0x4], $0x80, s17, s28, $0xb8;
	[tilespmem:$0x1D580] =	vst v63  }
0x190: {  	_ =	swait.ge [sflag:s23], $0x4000  }
0x191: {  	[sflag:s23] =	ssyncset.done $0x0  }
0x192: {  	s2 =	rddreg [dreg:$0xe];
	[sflag:s23] =	ssyncadd.s32 $0xFFFFC000  }
0x193: {  	[tilespmem:s25], [sflag:$0x1] =	stream.indirect.gather [hbm4b:s1+s28], $0x80, s2, s28, $0xb8;
	[tilespmem:$0x1D580] =	vst v63  }
0x194: {  	_ =	swait.ge [sflag:s3], $0x4000  }
0x195: {  	[sflag:s3] =	ssyncset.done $0x0  }
0x196: {  	[sflag:s3] =	ssyncadd.s32 $0xFFFFC000  }
0x197: {  	_ =	swait.ge [sflag:s0], $0x80  }
0x198: {  	[sflag:s0] =	ssyncset.done $0x0  }
0x199: {  	[sflag:s0] =	ssyncadd.s32 $0xFFFFFF80  }
0x19a: {  	[spmem:s5] =	stream.indirect.scatter.add.f32 [tilespmem:s22], [sflag:$0x3], $0x1, s18, s28, $0xb8;
	[tilespmem:$0x1D580] =	vst v63  }
0x19b: {  	_ = 	snop  }
0x19c: {  	[spmem:s4] =	stream.indirect.scatter.add.f32 [tilespmem:s29], [sflag:$0x4], $0x80, s18, s28, $0xb8;
	[tilespmem:$0x1D580] =	vst v63  }
0x19d: {  	_ =	swait.ge [sflag:s23], $0x4000  }
0x19e: {  	[sflag:s23] =	ssyncset.done $0x0  }
0x19f: {  	s2 =	rddreg [dreg:$0xf];
	[sflag:s23] =	ssyncadd.s32 $0xFFFFC000  }
0x1a0: {  	[tilespmem:s29], [sflag:$0x2] =	stream.indirect.gather [hbm4b:s1+s28], $0x80, s2, s28, $0xb8;
	[tilespmem:$0x1D580] =	vst v63  }
0x1a1: {  	_ =	swait.ge [sflag:s30], $0x4000  }
0x1a2: {  	[sflag:s30] =	ssyncset.done $0x0  }
0x1a3: {  	[sflag:s30] =	ssyncadd.s32 $0xFFFFC000  }
0x1a4: {  	_ =	swait.ge [sflag:s0], $0x80  }
0x1a5: {  	[sflag:s0] =	ssyncset.done $0x0  }
0x1a6: {  	[sflag:s0] =	ssyncadd.s32 $0xFFFFFF80  }
0x1a7: {  	[spmem:s5] =	stream.indirect.scatter.add.f32 [tilespmem:s22], [sflag:$0x3], $0x1, s19, s28, $0xb8;
	[tilespmem:$0x1D580] =	vst v63  }
0x1a8: {  	_ = 	snop  }
0x1a9: {  	[spmem:s4] =	stream.indirect.scatter.add.f32 [tilespmem:s25], [sflag:$0x4], $0x80, s19, s28, $0xb8;
	[tilespmem:$0x1D580] =	vst v63  }
0x1aa: {  	_ =	swait.ge [sflag:s23], $0x4000  }
0x1ab: {  	[sflag:s23] =	ssyncset.done $0x0  }
0x1ac: {  	s2 =	rddreg [dreg:$0x10];
	[sflag:s23] =	ssyncadd.s32 $0xFFFFC000  }
0x1ad: {  	[tilespmem:s25], [sflag:$0x1] =	stream.indirect.gather [hbm4b:s1+s28], $0x80, s2, s28, $0xb8;
	[tilespmem:$0x1D580] =	vst v63  }
0x1ae: {  	_ =	swait.ge [sflag:s3], $0x4000  }
0x1af: {  	[sflag:s3] =	ssyncset.done $0x0  }
0x1b0: {  	[sflag:s3] =	ssyncadd.s32 $0xFFFFC000  }
0x1b1: {  	_ =	swait.ge [sflag:s0], $0x80  }
0x1b2: {  	[sflag:s0] =	ssyncset.done $0x0  }
0x1b3: {  	[sflag:s0] =	ssyncadd.s32 $0xFFFFFF80  }
0x1b4: {  	[spmem:s5] =	stream.indirect.scatter.add.f32 [tilespmem:s22], [sflag:$0x3], $0x1, s20, s28, $0xb8;
	[tilespmem:$0x1D580] =	vst v63  }
0x1b5: {  	_ = 	snop  }
0x1b6: {  	[spmem:s4] =	stream.indirect.scatter.add.f32 [tilespmem:s29], [sflag:$0x4], $0x80, s20, s28, $0xb8;
	[tilespmem:$0x1D580] =	vst v63  }
0x1b7: {  	_ =	swait.ge [sflag:s23], $0x4000  }
0x1b8: {  	[sflag:s23] =	ssyncset.done $0x0  }
0x1b9: {  	s2 =	rddreg [dreg:$0x11];
	[sflag:s23] =	ssyncadd.s32 $0xFFFFC000  }
0x1ba: {  	[tilespmem:s29], [sflag:$0x2] =	stream.indirect.gather [hbm4b:s1+s28], $0x80, s2, s28, $0xb8;
	[tilespmem:$0x1D580] =	vst v63  }
0x1bb: {  	_ =	swait.ge [sflag:s30], $0x4000  }
0x1bc: {  	[sflag:s30] =	ssyncset.done $0x0  }
0x1bd: {  	[sflag:s30] =	ssyncadd.s32 $0xFFFFC000  }
0x1be: {  	_ =	swait.ge [sflag:s0], $0x80  }
0x1bf: {  	[sflag:s0] =	ssyncset.done $0x0  }
0x1c0: {  	[sflag:s0] =	ssyncadd.s32 $0xFFFFFF80  }
0x1c1: {  	[spmem:s5] =	stream.indirect.scatter.add.f32 [tilespmem:s22], [sflag:$0x3], $0x1, s21, s28, $0xb8;
	[tilespmem:$0x1D580] =	vst v63  }
0x1c2: {  	_ = 	snop  }
0x1c3: {  	[spmem:s4] =	stream.indirect.scatter.add.f32 [tilespmem:s25], [sflag:$0x4], $0x80, s21, s28, $0xb8;
	[tilespmem:$0x1D580] =	vst v63  }
0x1c4: {  	_ =	swait.ge [sflag:s23], $0x4000  }
0x1c5: {  	[sflag:s23] =	ssyncset.done $0x0  }
0x1c6: {  	s2 =	rddreg [dreg:$0x12];
	[sflag:s23] =	ssyncadd.s32 $0xFFFFC000  }
0x1c7: {  	[tilespmem:s25], [sflag:$0x1] =	stream.indirect.gather [hbm4b:s1+s28], $0x80, s2, s28, $0xb8;
	[tilespmem:$0x1D580] =	vst v63  }
0x1c8: {  	_ =	swait.ge [sflag:s3], $0x4000  }
0x1c9: {  	[sflag:s3] =	ssyncset.done $0x0  }
0x1ca: {  	[sflag:s3] =	ssyncadd.s32 $0xFFFFC000  }
0x1cb: {  	_ =	swait.ge [sflag:s0], $0x80  }
0x1cc: {  	[sflag:s0] =	ssyncset.done $0x0  }
0x1cd: {  	[sflag:s0] =	ssyncadd.s32 $0xFFFFFF80  }
0x1ce: {  	[spmem:s5] =	stream.indirect.scatter.add.f32 [tilespmem:s22], [sflag:$0x3], $0x1, s9, s28, $0xb8;
	[tilespmem:$0x1D580] =	vst v63  }
0x1cf: {  	_ = 	snop  }
0x1d0: {  	[spmem:s4] =	stream.indirect.scatter.add.f32 [tilespmem:s29], [sflag:$0x4], $0x80, s9, s28, $0xb8;
	[tilespmem:$0x1D580] =	vst v63  }
0x1d1: {  	_ =	swait.ge [sflag:s23], $0x4000  }
0x1d2: {  	[sflag:s23] =	ssyncset.done $0x0  }
0x1d3: {  	s2 =	rddreg [dreg:$0x13];
	[sflag:s23] =	ssyncadd.s32 $0xFFFFC000  }
0x1d4: {  	[tilespmem:s29], [sflag:$0x2] =	stream.indirect.gather [hbm4b:s1+s28], $0x80, s2, s28, $0xb8;
	[tilespmem:$0x1D580] =	vst v63  }
0x1d5: {  	_ =	swait.ge [sflag:s30], $0x4000  }
0x1d6: {  	[sflag:s30] =	ssyncset.done $0x0  }
0x1d7: {  	[sflag:s30] =	ssyncadd.s32 $0xFFFFC000  }
0x1d8: {  	_ =	swait.ge [sflag:s0], $0x80  }
0x1d9: {  	[sflag:s0] =	ssyncset.done $0x0  }
0x1da: {  	[sflag:s0] =	ssyncadd.s32 $0xFFFFFF80  }
0x1db: {  	[spmem:s5] =	stream.indirect.scatter.add.f32 [tilespmem:s22], [sflag:$0x3], $0x1, s10, s28, $0xb8;
	[tilespmem:$0x1D580] =	vst v63  }
0x1dc: {  	_ = 	snop  }
0x1dd: {  	[spmem:s4] =	stream.indirect.scatter.add.f32 [tilespmem:s25], [sflag:$0x4], $0x80, s10, s28, $0xb8;
	[tilespmem:$0x1D580] =	vst v63  }
0x1de: {  	_ =	swait.ge [sflag:s23], $0x4000  }
0x1df: {  	[sflag:s23] =	ssyncset.done $0x0  }
0x1e0: {  	s2 =	rddreg [dreg:$0x14];
	[sflag:s23] =	ssyncadd.s32 $0xFFFFC000  }
0x1e1: {  	[tilespmem:s25], [sflag:$0x1] =	stream.indirect.gather [hbm4b:s1+s28], $0x80, s2, s28, $0xb8;
	[tilespmem:$0x1D580] =	vst v63  }
0x1e2: {  	_ =	swait.ge [sflag:s3], $0x4000  }
0x1e3: {  	[sflag:s3] =	ssyncset.done $0x0  }
0x1e4: {  	[sflag:s3] =	ssyncadd.s32 $0xFFFFC000  }
0x1e5: {  	_ =	swait.ge [sflag:s0], $0x80  }
0x1e6: {  	[sflag:s0] =	ssyncset.done $0x0  }
0x1e7: {  	[sflag:s0] =	ssyncadd.s32 $0xFFFFFF80  }
0x1e8: {  	[spmem:s5] =	stream.indirect.scatter.add.f32 [tilespmem:s22], [sflag:$0x3], $0x1, s11, s28, $0xb8;
	[tilespmem:$0x1D580] =	vst v63  }
0x1e9: {  	_ = 	snop  }
0x1ea: {  	[spmem:s4] =	stream.indirect.scatter.add.f32 [tilespmem:s29], [sflag:$0x4], $0x80, s11, s28, $0xb8;
	[tilespmem:$0x1D580] =	vst v63  }
0x1eb: {  	_ =	swait.ge [sflag:s23], $0x4000  }
0x1ec: {  	[sflag:s23] =	ssyncset.done $0x0  }
0x1ed: {  	s2 =	rddreg [dreg:$0x15];
	[sflag:s23] =	ssyncadd.s32 $0xFFFFC000  }
0x1ee: {  	[tilespmem:s29], [sflag:$0x2] =	stream.indirect.gather [hbm4b:s1+s28], $0x80, s2, s28, $0xb8;
	[tilespmem:$0x1D580] =	vst v63  }
0x1ef: {  	_ =	swait.ge [sflag:s30], $0x4000  }
0x1f0: {  	[sflag:s30] =	ssyncset.done $0x0  }
0x1f1: {  	[sflag:s30] =	ssyncadd.s32 $0xFFFFC000  }
0x1f2: {  	_ =	swait.ge [sflag:s0], $0x80  }
0x1f3: {  	[sflag:s0] =	ssyncset.done $0x0  }
0x1f4: {  	[sflag:s0] =	ssyncadd.s32 $0xFFFFFF80  }
0x1f5: {  	[spmem:s5] =	stream.indirect.scatter.add.f32 [tilespmem:s22], [sflag:$0x3], $0x1, s12, s28, $0xb8;
	[tilespmem:$0x1D580] =	vst v63  }
0x1f6: {  	_ = 	snop  }
0x1f7: {  	[spmem:s4] =	stream.indirect.scatter.add.f32 [tilespmem:s25], [sflag:$0x4], $0x80, s12, s28, $0xb8;
	[tilespmem:$0x1D580] =	vst v63  }
0x1f8: {  	_ =	swait.ge [sflag:s23], $0x4000  }
0x1f9: {  	[sflag:s23] =	ssyncset.done $0x0  }
0x1fa: {  	[sflag:s23] =	ssyncadd.s32 $0xFFFFC000  }
0x1fb: {  	_ =	swait.ge [sflag:s3], $0x4000  }
0x1fc: {  	[sflag:s3] =	ssyncset.done $0x0  }
0x1fd: {  	[sflag:s3] =	ssyncadd.s32 $0xFFFFC000  }
0x1fe: {  	_ =	swait.ge [sflag:s0], $0x80  }
0x1ff: {  	[sflag:s0] =	ssyncset.done $0x0  }
0x200: {  	[sflag:s0] =	ssyncadd.s32 $0xFFFFFF80  }
0x201: {  	[spmem:s5] =	stream.indirect.scatter.add.f32 [tilespmem:s22], [sflag:$0x3], $0x1, s13, s28, $0xb8;
	[tilespmem:$0x1D580] =	vst v63  }
0x202: {  	p0 =	sne.s32 s14, $0x400  }
0x203: {  	[spmem:s4] =	stream.indirect.scatter.add.f32 [tilespmem:s29], [sflag:$0x4], $0x80, s13, s28, $0xb8;
	[tilespmem:$0x1D580] =	vst v63  }
.Ltmp0:
0x204: {  	_ =	swait.ge [sflag:s23], $0x4000;
	(pc) =	sbr.rel @p0 .LBB2_2-.Ltmp0, $4  }
0x205: {  	[sflag:s23] =	ssyncset.done $0x0  }
0x206: {  	[sflag:s23] =	ssyncadd.s32 $0xFFFFC000  }
0x207: {  	_ =	swait.ge [sflag:s0], $0x80  }
0x208: {  	s14 =	sadd.s32 $0x100, s14;
	s31 =	rddreg [dreg:$0x8];
	[sflag:s0] =	ssyncset.done $0x0  }
0x209: {  	[sflag:s0] =	ssyncadd.s32 $0xFFFFFF80;
	s2 =	sadd.s32 s24, s31  }
0x20a: {  	[tilespmem:s6], [sflag:$0x4] =	stream.linear.gather [hbm4b:s2+s6], $0x800, $0x38;
	[tilespmem:$0x1D580] =	vst v63  }
0x20b: {  	_ =	swait.ge [sflag:s23], $0x800  }
0x20c: {  	s14 =	rddreg [dreg:$0x7];
	[sflag:s23] =	ssyncset.done $0x0  }
0x20d: {  	s2 =	sadd.s32 s24, s14;
	[sflag:s23] =	ssyncadd.s32 $0xFFFFF800  }
0x20e: {  	[tilespmem:s26], [sflag:$0x4] =	stream.linear.gather [hbm4b:s2+s6], $0x800, $0x38;
	[tilespmem:$0x1D580] =	vst v63  }
0x20f: {  	_ =	swait.ge [sflag:s23], $0x800  }
0x210: {  	[sflag:s23] =	ssyncset.done $0x0  }
0x211: {  	[sflag:s23] =	ssyncadd.s32 $0xFFFFF800  }
0x212: {  	[tilespmem:s25], [sflag:$0x1] =	stream.indirect.gather [hbm4b:s1+s28], $0x80, s6, s28, $0xb8;
	[tilespmem:$0x1D580] =	vst v63  }
0x213: {  	_ = 	snop  }
0x214: {  	[tilespmem:s29], [sflag:$0x2] =	stream.indirect.gather [hbm4b:s1+s28], $0x80, s28, s28, $0xb8;
	[tilespmem:$0x1D580] =	vst v63  }
0x215: {  	_ =	swait.ge [sflag:s30], $0x4000  }
0x216: {  	[sflag:s30] =	ssyncset.done $0x0  }
0x217: {  	[sflag:s30] =	ssyncadd.s32 $0xFFFFC000  }
0x218: {  	[spmem:s5] =	stream.indirect.scatter.add.f32 [tilespmem:s22], [sflag:$0x3], $0x1, s26, s28, $0xb8;
	[tilespmem:$0x1D580] =	vst v63  }
0x219: {  	_ = 	snop  }
0x21a: {  	[spmem:s4] =	stream.indirect.scatter.add.f32 [tilespmem:s25], [sflag:$0x4], $0x80, s26, s28, $0xb8;
	[tilespmem:$0x1D580] =	vst v63  }
0x21b: {  	_ =	swait.ge [sflag:s23], $0x4000  }
0x21c: {  	[sflag:s23] =	ssyncset.done $0x0  }
0x21d: {  	s14 =	simm.s32 $0x100;
	[sflag:s23] =	ssyncadd.s32 $0xFFFFC000  }
0x21e: {  	[tilespmem:s25], [sflag:$0x1] =	stream.indirect.gather [hbm4b:s1+s28], $0x80, s14, s28, $0xb8;
	[tilespmem:$0x1D580] =	vst v63  }
0x21f: {  	_ =	swait.ge [sflag:s3], $0x4000  }
0x220: {  	[sflag:s3] =	ssyncset.done $0x0  }
0x221: {  	[sflag:s3] =	ssyncadd.s32 $0xFFFFC000  }
0x222: {  	_ =	swait.ge [sflag:s0], $0x80  }
0x223: {  	[sflag:s0] =	ssyncset.done $0x0  }
0x224: {  	s24 =	simm.s32 $0x880;
	[sflag:s0] =	ssyncadd.s32 $0xFFFFFF80  }
0x225: {  	[spmem:s5] =	stream.indirect.scatter.add.f32 [tilespmem:s22], [sflag:$0x3], $0x1, s24, s28, $0xb8;
	[tilespmem:$0x1D580] =	vst v63  }
0x226: {  	_ = 	snop  }
0x227: {  	[spmem:s4] =	stream.indirect.scatter.add.f32 [tilespmem:s29], [sflag:$0x4], $0x80, s24, s28, $0xb8;
	[tilespmem:$0x1D580] =	vst v63  }
0x228: {  	_ =	swait.ge [sflag:s23], $0x4000  }
0x229: {  	[sflag:s23] =	ssyncset.done $0x0  }
0x22a: {  	s7 =	rddreg [dreg:$0x9];
	[sflag:s23] =	ssyncadd.s32 $0xFFFFC000  }
0x22b: {  	[tilespmem:s29], [sflag:$0x2] =	stream.indirect.gather [hbm4b:s1+s28], $0x80, s7, s28, $0xb8;
	[tilespmem:$0x1D580] =	vst v63  }
0x22c: {  	_ =	swait.ge [sflag:s30], $0x4000  }
0x22d: {  	[sflag:s30] =	ssyncset.done $0x0  }
0x22e: {  	[sflag:s30] =	ssyncadd.s32 $0xFFFFC000  }
0x22f: {  	_ =	swait.ge [sflag:s0], $0x80  }
0x230: {  	[sflag:s0] =	ssyncset.done $0x0  }
0x231: {  	s24 =	simm.s32 $0x900;
	[sflag:s0] =	ssyncadd.s32 $0xFFFFFF80  }
0x232: {  	[spmem:s5] =	stream.indirect.scatter.add.f32 [tilespmem:s22], [sflag:$0x3], $0x1, s24, s28, $0xb8;
	[tilespmem:$0x1D580] =	vst v63  }
0x233: {  	_ = 	snop  }
0x234: {  	[spmem:s4] =	stream.indirect.scatter.add.f32 [tilespmem:s25], [sflag:$0x4], $0x80, s24, s28, $0xb8;
	[tilespmem:$0x1D580] =	vst v63  }
0x235: {  	_ =	swait.ge [sflag:s23], $0x4000  }
0x236: {  	[sflag:s23] =	ssyncset.done $0x0  }
0x237: {  	s7 =	rddreg [dreg:$0xa];
	[sflag:s23] =	ssyncadd.s32 $0xFFFFC000  }
0x238: {  	[tilespmem:s25], [sflag:$0x1] =	stream.indirect.gather [hbm4b:s1+s28], $0x80, s7, s28, $0xb8;
	[tilespmem:$0x1D580] =	vst v63  }
0x239: {  	_ =	swait.ge [sflag:s3], $0x4000  }
0x23a: {  	[sflag:s3] =	ssyncset.done $0x0  }
0x23b: {  	[sflag:s3] =	ssyncadd.s32 $0xFFFFC000  }
0x23c: {  	_ =	swait.ge [sflag:s0], $0x80  }
0x23d: {  	[sflag:s0] =	ssyncset.done $0x0  }
0x23e: {  	[sflag:s0] =	ssyncadd.s32 $0xFFFFFF80  }
0x23f: {  	[spmem:s5] =	stream.indirect.scatter.add.f32 [tilespmem:s22], [sflag:$0x3], $0x1, s8, s28, $0xb8;
	[tilespmem:$0x1D580] =	vst v63  }
0x240: {  	_ = 	snop  }
0x241: {  	[spmem:s4] =	stream.indirect.scatter.add.f32 [tilespmem:s29], [sflag:$0x4], $0x80, s8, s28, $0xb8;
	[tilespmem:$0x1D580] =	vst v63  }
0x242: {  	_ =	swait.ge [sflag:s23], $0x4000  }
0x243: {  	[sflag:s23] =	ssyncset.done $0x0  }
0x244: {  	s24 =	rddreg [dreg:$0xb];
	[sflag:s23] =	ssyncadd.s32 $0xFFFFC000  }
0x245: {  	[tilespmem:s29], [sflag:$0x2] =	stream.indirect.gather [hbm4b:s1+s28], $0x80, s24, s28, $0xb8;
	[tilespmem:$0x1D580] =	vst v63  }
0x246: {  	_ =	swait.ge [sflag:s30], $0x4000  }
0x247: {  	[sflag:s30] =	ssyncset.done $0x0  }
0x248: {  	[sflag:s30] =	ssyncadd.s32 $0xFFFFC000  }
0x249: {  	_ =	swait.ge [sflag:s0], $0x80  }
0x24a: {  	[sflag:s0] =	ssyncset.done $0x0  }
0x24b: {  	[sflag:s0] =	ssyncadd.s32 $0xFFFFFF80  }
0x24c: {  	[spmem:s5] =	stream.indirect.scatter.add.f32 [tilespmem:s22], [sflag:$0x3], $0x1, s15, s28, $0xb8;
	[tilespmem:$0x1D580] =	vst v63  }
0x24d: {  	_ = 	snop  }
0x24e: {  	[spmem:s4] =	stream.indirect.scatter.add.f32 [tilespmem:s25], [sflag:$0x4], $0x80, s15, s28, $0xb8;
	[tilespmem:$0x1D580] =	vst v63  }
0x24f: {  	_ =	swait.ge [sflag:s23], $0x4000  }
0x250: {  	[sflag:s23] =	ssyncset.done $0x0  }
0x251: {  	s7 =	rddreg [dreg:$0xc];
	[sflag:s23] =	ssyncadd.s32 $0xFFFFC000  }
0x252: {  	[tilespmem:s25], [sflag:$0x1] =	stream.indirect.gather [hbm4b:s1+s28], $0x80, s7, s28, $0xb8;
	[tilespmem:$0x1D580] =	vst v63  }
0x253: {  	_ =	swait.ge [sflag:s3], $0x4000  }
0x254: {  	[sflag:s3] =	ssyncset.done $0x0  }
0x255: {  	[sflag:s3] =	ssyncadd.s32 $0xFFFFC000  }
0x256: {  	_ =	swait.ge [sflag:s0], $0x80  }
0x257: {  	[sflag:s0] =	ssyncset.done $0x0  }
0x258: {  	[sflag:s0] =	ssyncadd.s32 $0xFFFFFF80  }
0x259: {  	[spmem:s5] =	stream.indirect.scatter.add.f32 [tilespmem:s22], [sflag:$0x3], $0x1, s16, s28, $0xb8;
	[tilespmem:$0x1D580] =	vst v63  }
0x25a: {  	_ = 	snop  }
0x25b: {  	[spmem:s4] =	stream.indirect.scatter.add.f32 [tilespmem:s29], [sflag:$0x4], $0x80, s16, s28, $0xb8;
	[tilespmem:$0x1D580] =	vst v63  }
0x25c: {  	_ =	swait.ge [sflag:s23], $0x4000  }
0x25d: {  	[sflag:s23] =	ssyncset.done $0x0  }
0x25e: {  	s24 =	rddreg [dreg:$0xd];
	[sflag:s23] =	ssyncadd.s32 $0xFFFFC000  }
0x25f: {  	[tilespmem:s29], [sflag:$0x2] =	stream.indirect.gather [hbm4b:s1+s28], $0x80, s24, s28, $0xb8;
	[tilespmem:$0x1D580] =	vst v63  }
0x260: {  	_ =	swait.ge [sflag:s30], $0x4000  }
0x261: {  	[sflag:s30] =	ssyncset.done $0x0  }
0x262: {  	[sflag:s30] =	ssyncadd.s32 $0xFFFFC000  }
0x263: {  	_ =	swait.ge [sflag:s0], $0x80  }
0x264: {  	[sflag:s0] =	ssyncset.done $0x0  }
0x265: {  	[sflag:s0] =	ssyncadd.s32 $0xFFFFFF80  }
0x266: {  	[spmem:s5] =	stream.indirect.scatter.add.f32 [tilespmem:s22], [sflag:$0x3], $0x1, s17, s28, $0xb8;
	[tilespmem:$0x1D580] =	vst v63  }
0x267: {  	_ = 	snop  }
0x268: {  	[spmem:s4] =	stream.indirect.scatter.add.f32 [tilespmem:s25], [sflag:$0x4], $0x80, s17, s28, $0xb8;
	[tilespmem:$0x1D580] =	vst v63  }
0x269: {  	_ =	swait.ge [sflag:s23], $0x4000  }
0x26a: {  	[sflag:s23] =	ssyncset.done $0x0  }
0x26b: {  	s7 =	rddreg [dreg:$0xe];
	[sflag:s23] =	ssyncadd.s32 $0xFFFFC000  }
0x26c: {  	[tilespmem:s25], [sflag:$0x1] =	stream.indirect.gather [hbm4b:s1+s28], $0x80, s7, s28, $0xb8;
	[tilespmem:$0x1D580] =	vst v63  }
0x26d: {  	_ =	swait.ge [sflag:s3], $0x4000  }
0x26e: {  	[sflag:s3] =	ssyncset.done $0x0  }
0x26f: {  	[sflag:s3] =	ssyncadd.s32 $0xFFFFC000  }
0x270: {  	_ =	swait.ge [sflag:s0], $0x80  }
0x271: {  	[sflag:s0] =	ssyncset.done $0x0  }
0x272: {  	[sflag:s0] =	ssyncadd.s32 $0xFFFFFF80  }
0x273: {  	[spmem:s5] =	stream.indirect.scatter.add.f32 [tilespmem:s22], [sflag:$0x3], $0x1, s18, s28, $0xb8;
	[tilespmem:$0x1D580] =	vst v63  }
0x274: {  	_ = 	snop  }
0x275: {  	[spmem:s4] =	stream.indirect.scatter.add.f32 [tilespmem:s29], [sflag:$0x4], $0x80, s18, s28, $0xb8;
	[tilespmem:$0x1D580] =	vst v63  }
0x276: {  	_ =	swait.ge [sflag:s23], $0x4000  }
0x277: {  	[sflag:s23] =	ssyncset.done $0x0  }
0x278: {  	s24 =	rddreg [dreg:$0xf];
	[sflag:s23] =	ssyncadd.s32 $0xFFFFC000  }
0x279: {  	[tilespmem:s29], [sflag:$0x2] =	stream.indirect.gather [hbm4b:s1+s28], $0x80, s24, s28, $0xb8;
	[tilespmem:$0x1D580] =	vst v63  }
0x27a: {  	_ =	swait.ge [sflag:s30], $0x4000  }
0x27b: {  	[sflag:s30] =	ssyncset.done $0x0  }
0x27c: {  	[sflag:s30] =	ssyncadd.s32 $0xFFFFC000  }
0x27d: {  	_ =	swait.ge [sflag:s0], $0x80  }
0x27e: {  	[sflag:s0] =	ssyncset.done $0x0  }
0x27f: {  	[sflag:s0] =	ssyncadd.s32 $0xFFFFFF80  }
0x280: {  	[spmem:s5] =	stream.indirect.scatter.add.f32 [tilespmem:s22], [sflag:$0x3], $0x1, s19, s28, $0xb8;
	[tilespmem:$0x1D580] =	vst v63  }
0x281: {  	_ = 	snop  }
0x282: {  	[spmem:s4] =	stream.indirect.scatter.add.f32 [tilespmem:s25], [sflag:$0x4], $0x80, s19, s28, $0xb8;
	[tilespmem:$0x1D580] =	vst v63  }
0x283: {  	_ =	swait.ge [sflag:s23], $0x4000  }
0x284: {  	[sflag:s23] =	ssyncset.done $0x0  }
0x285: {  	s7 =	rddreg [dreg:$0x10];
	[sflag:s23] =	ssyncadd.s32 $0xFFFFC000  }
0x286: {  	[tilespmem:s25], [sflag:$0x1] =	stream.indirect.gather [hbm4b:s1+s28], $0x80, s7, s28, $0xb8;
	[tilespmem:$0x1D580] =	vst v63  }
0x287: {  	_ =	swait.ge [sflag:s3], $0x4000  }
0x288: {  	[sflag:s3] =	ssyncset.done $0x0  }
0x289: {  	[sflag:s3] =	ssyncadd.s32 $0xFFFFC000  }
0x28a: {  	_ =	swait.ge [sflag:s0], $0x80  }
0x28b: {  	[sflag:s0] =	ssyncset.done $0x0  }
0x28c: {  	[sflag:s0] =	ssyncadd.s32 $0xFFFFFF80  }
0x28d: {  	[spmem:s5] =	stream.indirect.scatter.add.f32 [tilespmem:s22], [sflag:$0x3], $0x1, s20, s28, $0xb8;
	[tilespmem:$0x1D580] =	vst v63  }
0x28e: {  	_ = 	snop  }
0x28f: {  	[spmem:s4] =	stream.indirect.scatter.add.f32 [tilespmem:s29], [sflag:$0x4], $0x80, s20, s28, $0xb8;
	[tilespmem:$0x1D580] =	vst v63  }
0x290: {  	_ =	swait.ge [sflag:s23], $0x4000  }
0x291: {  	[sflag:s23] =	ssyncset.done $0x0  }
0x292: {  	s24 =	rddreg [dreg:$0x11];
	[sflag:s23] =	ssyncadd.s32 $0xFFFFC000  }
0x293: {  	[tilespmem:s29], [sflag:$0x2] =	stream.indirect.gather [hbm4b:s1+s28], $0x80, s24, s28, $0xb8;
	[tilespmem:$0x1D580] =	vst v63  }
0x294: {  	_ =	swait.ge [sflag:s30], $0x4000  }
0x295: {  	[sflag:s30] =	ssyncset.done $0x0  }
0x296: {  	[sflag:s30] =	ssyncadd.s32 $0xFFFFC000  }
0x297: {  	_ =	swait.ge [sflag:s0], $0x80  }
0x298: {  	[sflag:s0] =	ssyncset.done $0x0  }
0x299: {  	[sflag:s0] =	ssyncadd.s32 $0xFFFFFF80  }
0x29a: {  	[spmem:s5] =	stream.indirect.scatter.add.f32 [tilespmem:s22], [sflag:$0x3], $0x1, s21, s28, $0xb8;
	[tilespmem:$0x1D580] =	vst v63  }
0x29b: {  	_ = 	snop  }
0x29c: {  	[spmem:s4] =	stream.indirect.scatter.add.f32 [tilespmem:s25], [sflag:$0x4], $0x80, s21, s28, $0xb8;
	[tilespmem:$0x1D580] =	vst v63  }
0x29d: {  	_ =	swait.ge [sflag:s23], $0x4000  }
0x29e: {  	[sflag:s23] =	ssyncset.done $0x0  }
0x29f: {  	s7 =	rddreg [dreg:$0x12];
	[sflag:s23] =	ssyncadd.s32 $0xFFFFC000  }
0x2a0: {  	[tilespmem:s25], [sflag:$0x1] =	stream.indirect.gather [hbm4b:s1+s28], $0x80, s7, s28, $0xb8;
	[tilespmem:$0x1D580] =	vst v63  }
0x2a1: {  	_ =	swait.ge [sflag:s3], $0x4000  }
0x2a2: {  	[sflag:s3] =	ssyncset.done $0x0  }
0x2a3: {  	[sflag:s3] =	ssyncadd.s32 $0xFFFFC000  }
0x2a4: {  	_ =	swait.ge [sflag:s0], $0x80  }
0x2a5: {  	[sflag:s0] =	ssyncset.done $0x0  }
0x2a6: {  	[sflag:s0] =	ssyncadd.s32 $0xFFFFFF80  }
0x2a7: {  	[spmem:s5] =	stream.indirect.scatter.add.f32 [tilespmem:s22], [sflag:$0x3], $0x1, s9, s28, $0xb8;
	[tilespmem:$0x1D580] =	vst v63  }
0x2a8: {  	_ = 	snop  }
0x2a9: {  	[spmem:s4] =	stream.indirect.scatter.add.f32 [tilespmem:s29], [sflag:$0x4], $0x80, s9, s28, $0xb8;
	[tilespmem:$0x1D580] =	vst v63  }
0x2aa: {  	_ =	swait.ge [sflag:s23], $0x4000  }
0x2ab: {  	[sflag:s23] =	ssyncset.done $0x0  }
0x2ac: {  	s24 =	rddreg [dreg:$0x13];
	[sflag:s23] =	ssyncadd.s32 $0xFFFFC000  }
0x2ad: {  	[tilespmem:s29], [sflag:$0x2] =	stream.indirect.gather [hbm4b:s1+s28], $0x80, s24, s28, $0xb8;
	[tilespmem:$0x1D580] =	vst v63  }
0x2ae: {  	_ =	swait.ge [sflag:s30], $0x4000  }
0x2af: {  	[sflag:s30] =	ssyncset.done $0x0  }
0x2b0: {  	[sflag:s30] =	ssyncadd.s32 $0xFFFFC000  }
0x2b1: {  	_ =	swait.ge [sflag:s0], $0x80  }
0x2b2: {  	[sflag:s0] =	ssyncset.done $0x0  }
0x2b3: {  	[sflag:s0] =	ssyncadd.s32 $0xFFFFFF80  }
0x2b4: {  	[spmem:s5] =	stream.indirect.scatter.add.f32 [tilespmem:s22], [sflag:$0x3], $0x1, s10, s28, $0xb8;
	[tilespmem:$0x1D580] =	vst v63  }
0x2b5: {  	_ = 	snop  }
0x2b6: {  	[spmem:s4] =	stream.indirect.scatter.add.f32 [tilespmem:s25], [sflag:$0x4], $0x80, s10, s28, $0xb8;
	[tilespmem:$0x1D580] =	vst v63  }
0x2b7: {  	_ =	swait.ge [sflag:s23], $0x4000  }
0x2b8: {  	[sflag:s23] =	ssyncset.done $0x0  }
0x2b9: {  	s7 =	rddreg [dreg:$0x14];
	[sflag:s23] =	ssyncadd.s32 $0xFFFFC000  }
0x2ba: {  	[tilespmem:s25], [sflag:$0x1] =	stream.indirect.gather [hbm4b:s1+s28], $0x80, s7, s28, $0xb8;
	[tilespmem:$0x1D580] =	vst v63  }
0x2bb: {  	_ =	swait.ge [sflag:s3], $0x4000  }
0x2bc: {  	[sflag:s3] =	ssyncset.done $0x0  }
0x2bd: {  	[sflag:s3] =	ssyncadd.s32 $0xFFFFC000  }
0x2be: {  	_ =	swait.ge [sflag:s0], $0x80  }
0x2bf: {  	[sflag:s0] =	ssyncset.done $0x0  }
0x2c0: {  	[sflag:s0] =	ssyncadd.s32 $0xFFFFFF80  }
0x2c1: {  	[spmem:s5] =	stream.indirect.scatter.add.f32 [tilespmem:s22], [sflag:$0x3], $0x1, s11, s28, $0xb8;
	[tilespmem:$0x1D580] =	vst v63  }
0x2c2: {  	_ = 	snop  }
0x2c3: {  	[spmem:s4] =	stream.indirect.scatter.add.f32 [tilespmem:s29], [sflag:$0x4], $0x80, s11, s28, $0xb8;
	[tilespmem:$0x1D580] =	vst v63  }
0x2c4: {  	_ =	swait.ge [sflag:s23], $0x4000  }
0x2c5: {  	[sflag:s23] =	ssyncset.done $0x0  }
0x2c6: {  	s24 =	rddreg [dreg:$0x15];
	[sflag:s23] =	ssyncadd.s32 $0xFFFFC000  }
0x2c7: {  	[tilespmem:s29], [sflag:$0x2] =	stream.indirect.gather [hbm4b:s1+s28], $0x80, s24, s28, $0xb8;
	[tilespmem:$0x1D580] =	vst v63  }
0x2c8: {  	_ =	swait.ge [sflag:s30], $0x4000  }
0x2c9: {  	[sflag:s30] =	ssyncset.done $0x0  }
0x2ca: {  	[sflag:s30] =	ssyncadd.s32 $0xFFFFC000  }
0x2cb: {  	_ =	swait.ge [sflag:s0], $0x80  }
0x2cc: {  	[sflag:s0] =	ssyncset.done $0x0  }
0x2cd: {  	[sflag:s0] =	ssyncadd.s32 $0xFFFFFF80  }
0x2ce: {  	[spmem:s5] =	stream.indirect.scatter.add.f32 [tilespmem:s22], [sflag:$0x3], $0x1, s12, s28, $0xb8;
	[tilespmem:$0x1D580] =	vst v63  }
0x2cf: {  	_ = 	snop  }
0x2d0: {  	[spmem:s4] =	stream.indirect.scatter.add.f32 [tilespmem:s25], [sflag:$0x4], $0x80, s12, s28, $0xb8;
	[tilespmem:$0x1D580] =	vst v63  }
0x2d1: {  	_ =	swait.ge [sflag:s23], $0x4000  }
0x2d2: {  	[sflag:s23] =	ssyncset.done $0x0  }
0x2d3: {  	[sflag:s23] =	ssyncadd.s32 $0xFFFFC000  }
0x2d4: {  	_ =	swait.ge [sflag:s3], $0x4000  }
0x2d5: {  	[sflag:s3] =	ssyncset.done $0x0  }
0x2d6: {  	[sflag:s3] =	ssyncadd.s32 $0xFFFFC000  }
0x2d7: {  	_ =	swait.ge [sflag:s0], $0x80  }
0x2d8: {  	[sflag:s0] =	ssyncset.done $0x0  }
0x2d9: {  	[sflag:s0] =	ssyncadd.s32 $0xFFFFFF80  }
0x2da: {  	[spmem:s5] =	stream.indirect.scatter.add.f32 [tilespmem:s22], [sflag:$0x3], $0x1, s13, s28, $0xb8;
	[tilespmem:$0x1D580] =	vst v63  }
0x2db: {  	_ = 	snop  }
0x2dc: {  	[spmem:s4] =	stream.indirect.scatter.add.f32 [tilespmem:s29], [sflag:$0x4], $0x80, s13, s28, $0xb8;
	[tilespmem:$0x1D580] =	vst v63  }
0x2dd: {  	_ =	swait.ge [sflag:s23], $0x4000  }
0x2de: {  	[sflag:s23] =	ssyncset.done $0x0  }
0x2df: {  	[sflag:s23] =	ssyncadd.s32 $0xFFFFC000  }
0x2e0: {  	_ =	swait.ge [sflag:s0], $0x80  }
0x2e1: {  	[sflag:s0] =	ssyncset.done $0x0  }
0x2e2: {  	[sflag:s0] =	ssyncadd.s32 $0xFFFFFF80  }
0x2e3: {  	[bflag:$0x0] =	sbarrier.arrive $0xFFFF  }
0x2e4: {  	s7 =	rddreg [dreg:$0x18]  }
0x2e5: {  	[tilespmem:s25], [sflag:$0x4] =	stream.linear.gather [spmem:s7], $0x4000, $0x38;
	[tilespmem:$0x1D580] =	vst v63  }
0x2e6: {  	_ =	swait.ge [sflag:s23], $0x4000  }
0x2e7: {  	[sflag:s23] =	ssyncset.done $0x0  }
0x2e8: {  	s24 =	rddreg [dreg:$0x1e];
	[sflag:s23] =	ssyncadd.s32 $0xFFFFC000  }
0x2e9: {  	[hbm4b:s24+s6] =	stream.linear.scatter [tilespmem:s25], [sflag:$0x4], $0x4000, $0x38;
	[tilespmem:$0x1D580] =	vst v63  }
0x2ea: {  	_ =	swait.ge [sflag:s23], $0x4000  }
0x2eb: {  	[sflag:s23] =	ssyncset.done $0x0  }
0x2ec: {  	s7 =	rddreg [dreg:$0x19];
	[sflag:s23] =	ssyncadd.s32 $0xFFFFC000  }
0x2ed: {  	[tilespmem:s25], [sflag:$0x4] =	stream.linear.gather [spmem:s7], $0x4000, $0x38;
	[tilespmem:$0x1D580] =	vst v63  }
0x2ee: {  	_ =	swait.ge [sflag:s23], $0x4000  }
0x2ef: {  	[sflag:s23] =	ssyncset.done $0x0  }
0x2f0: {  	s24 =	rddreg [dreg:$0x1f];
	[sflag:s23] =	ssyncadd.s32 $0xFFFFC000  }
0x2f1: {  	[hbm4b:s24+s6] =	stream.linear.scatter [tilespmem:s25], [sflag:$0x4], $0x4000, $0x38;
	[tilespmem:$0x1D580] =	vst v63  }
0x2f2: {  	_ =	swait.ge [sflag:s23], $0x4000  }
0x2f3: {  	[sflag:s23] =	ssyncset.done $0x0  }
0x2f4: {  	s7 =	rddreg [dreg:$0x1a];
	[sflag:s23] =	ssyncadd.s32 $0xFFFFC000  }
0x2f5: {  	[tilespmem:s25], [sflag:$0x4] =	stream.linear.gather [spmem:s7], $0x4000, $0x38;
	[tilespmem:$0x1D580] =	vst v63  }
0x2f6: {  	_ =	swait.ge [sflag:s23], $0x4000  }
0x2f7: {  	s24 =	sld [smem:$0x7F8]  }
0x2f8: {  	[sflag:s23] =	ssyncset.done $0x0  }
0x2f9: {  	[sflag:s23] =	ssyncadd.s32 $0xFFFFC000  }
0x2fa: {  	[hbm4b:s24+s6] =	stream.linear.scatter [tilespmem:s25], [sflag:$0x4], $0x4000, $0x38;
	[tilespmem:$0x1D580] =	vst v63  }
0x2fb: {  	_ =	swait.ge [sflag:s23], $0x4000  }
0x2fc: {  	[sflag:s23] =	ssyncset.done $0x0  }
0x2fd: {  	s7 =	rddreg [dreg:$0x1b];
	[sflag:s23] =	ssyncadd.s32 $0xFFFFC000  }
0x2fe: {  	[tilespmem:s25], [sflag:$0x4] =	stream.linear.gather [spmem:s7], $0x4000, $0x38;
	[tilespmem:$0x1D580] =	vst v63  }
0x2ff: {  	_ =	swait.ge [sflag:s23], $0x4000  }
0x300: {  	s24 =	sld [smem:$0x7F9]  }
0x301: {  	[sflag:s23] =	ssyncset.done $0x0  }
0x302: {  	[sflag:s23] =	ssyncadd.s32 $0xFFFFC000  }
0x303: {  	[hbm4b:s24+s6] =	stream.linear.scatter [tilespmem:s25], [sflag:$0x4], $0x4000, $0x38;
	[tilespmem:$0x1D580] =	vst v63  }
0x304: {  	_ =	swait.ge [sflag:s23], $0x4000  }
0x305: {  	[sflag:s23] =	ssyncset.done $0x0  }
0x306: {  	s7 =	rddreg [dreg:$0x1c];
	[sflag:s23] =	ssyncadd.s32 $0xFFFFC000  }
0x307: {  	[tilespmem:s25], [sflag:$0x4] =	stream.linear.gather [spmem:s7], $0x4000, $0x38;
	[tilespmem:$0x1D580] =	vst v63  }
0x308: {  	_ =	swait.ge [sflag:s23], $0x4000  }
0x309: {  	s24 =	sld [smem:$0x7FA]  }
0x30a: {  	[sflag:s23] =	ssyncset.done $0x0  }
0x30b: {  	[sflag:s23] =	ssyncadd.s32 $0xFFFFC000  }
0x30c: {  	[hbm4b:s24+s6] =	stream.linear.scatter [tilespmem:s25], [sflag:$0x4], $0x4000, $0x38;
	[tilespmem:$0x1D580] =	vst v63  }
0x30d: {  	_ =	swait.ge [sflag:s23], $0x4000  }
0x30e: {  	[sflag:s23] =	ssyncset.done $0x0  }
0x30f: {  	s31 =	simm.s32 $0x9080;
	s24 =	rddreg [dreg:$0x1d];
	[sflag:s23] =	ssyncadd.s32 $0xFFFFC000  }
0x310: {  	[tilespmem:s31], [sflag:$0x4] =	stream.linear.gather [spmem:s24], $0x280, $0x38;
	[tilespmem:$0x1D580] =	vst v63  }
0x311: {  	_ =	swait.ge [sflag:s23], $0x280  }
0x312: {  	s2 =	sld [smem:$0x7FB]  }
0x313: {  	[sflag:s23] =	ssyncset.done $0x0  }
0x314: {  	[sflag:s23] =	ssyncadd.s32 $0xFFFFFD80  }
0x315: {  	[hbm4b:s2+s28] =	stream.strided.scatter [tilespmem:s31], [sflag:$0x4], $0x280, s14, s28, $0x38;
	[tilespmem:$0x1D580] =	vst v63  }
0x316: {  	_ =	swait.ge [sflag:s23], $0x280  }
0x317: {  	s2 =	sld [smem:$0x7FD];
	_ =	sdelay $0x2  }
0x318: {  	s14 =	sadd.s32 $0x1, s2;
	s2 =	sld [smem:$0x7FC];
	_ =	sdelay $0x2  }
0x319: {  	p0 =	sne.s32 s14, s2  }
.Ltmp1:
0x31a: {  	_ = 	snop;
	(pc) =	sbr.rel @p0 .LBB2_1-.Ltmp1, $3  }
0x31b: {  	_ =	sdelay $0x1  }
0x31c: {  	[sflag:s23] =	ssyncset.done $0x0;
	[smem:$0x7FD] =	sst s14  }
0x31d: {  	s7 =	simm.s32 $0x100;
	[sflag:s23] =	ssyncadd.s32 $0xFFFFFD80;
	s14 =	rddreg [dreg:$0x1a]  }
0x31e: {  	_ =	sfence.sel $0x180000  }
0x31f: {  	[bflag:$0x0] =	sbarrier.arrive $0xFFFF  }
0x320: {  	_ =	strace $0x90000047  }
0x321: {  	s0 =	stileid.u32;
	[bflag:$0x2] =	sbarrier.arrive $0xFFFF  }
0x322: {  	p0 =	sne.s32 s0, $0x0;
	s0 =	rddreg [dreg:$0x6]  }
0x323: {  	s0 =	sadd.s32 @!p0 $0x100000, s0  }
0x324: {  	[sflag:s0] =	ssyncadd.tile.s32 @!p0 $0x1;
	_ =	shalt  }
.Lfunc_end2:
_tile_overlayer_lowered:
.L_overlay_start_2:
0x325: {  	(tag) =	ssettag $0x2  }
0x326: {  	s0 =	rddreg [dreg:$0x0];
	s2 =	stileid.u32  }
0x327: {  	s1 =	rddreg [dreg:$0x1];
	p0 =	sne.s32 s2, $0x0  }
0x328: {  	s3 =	rddreg [dreg:$0x2];
	[bflag:$0x3] =	sbarrier.arrive $0xFFFF;
	s2 =	simm.s32 @!p0 $0x1C04  }
0x329: {  	[timem:s3], [sflag:s2] =	dma.local @!p0 [hbm:s0], s1  }
0x32a: {  	s0 =	simm.s32 @!p0 $0x4  }
0x32b: {  	_ =	swait.ge @!p0 [sflag:s0], s1  }
0x32c: {  	s1 =	ssub.s32 @!p0 $0x0, s1;
	[sflag:s0] =	ssyncset.done @!p0 $0x0  }
0x32d: {  	[sflag:s0] =	ssyncadd.s32 @!p0 s1  }
0x32e: {  	[bflag:$0x3] =	sbarrier.arrive $0xFFFF  }
0x32f: {  	_ =	shalt  }

// kernel: kernel.9.cloned.1.call-start
scs
__scs_entry_jumppad:
0x0: {  	(pc) =	sbr.rel $0x88, $3  }
0x1: {  	(tag) =	ssettag $0x0;
	lr =	simm.s32 $0x1  }
0x2: {  	[smem:$0x3F95] =	sst lr;
	_ =	strace $0xD0000000  }
0x3: {  	_ = 	snop  }
0x4: {  	_ = 	snop  }
0x5: {  	_ = 	snop  }
0x6: {  	_ = 	snop  }
0x7: {  	_ = 	snop  }
__scs_overlays_trampoline_lowered:
0x8: {  	[smem:$0x3FA4] =	sst s0  }
0x9: {  	[smem:$0x3FA5] =	sst s1  }
0xa: {  	[smem:$0x3FA6] =	sst s2  }
0xb: {  	[smem:$0x3FA7] =	sst s3  }
0xc: {  	[smem:$0x3FA8] =	sst s4  }
0xd: {  	[smem:$0x3FA9] =	sst s5  }
0xe: {  	[smem:$0x3FAA] =	sst s6  }
0xf: {  	[smem:$0x3FAB] =	sst s7  }
0x10: {  	[smem:$0x3FAC] =	sst s8  }
0x11: {  	[smem:$0x3FAD] =	sst s9;
	s0 =	simm.s32 @!p0 $0x0  }
0x12: {  	s1 =	sld [smem:$0x3F93];
	s0 =	simm.s32 @p0 $0x1  }
0x13: {  	[smem:$0x3FAE] =	sst s0;
	s0 =	simm.s32 @!p1 $0x0  }
0x14: {  	s2 =	sld [smem:$0x3F92];
	s0 =	simm.s32 @p1 $0x1  }
0x15: {  	[smem:$0x3FAF] =	sst s0;
	s0 =	simm.s32 @!p2 $0x0  }
0x16: {  	s3 =	sld [smem:$0x3FDB];
	s0 =	simm.s32 @p2 $0x1  }
0x17: {  	s4 =	simm.s32 $0x1BF5;
	[smem:$0x3FB1] =	sst s0  }
0x18: {  	s0 =	sld [smem:$0x3F94];
	_ =	swait.ge [sflag:s4], $0x0  }
0x19: {  	s7 =	sld [smem:$0x3F95]  }
0x1a: {  	s8 =	sadd.s32 $0xFFFFE003, lr  }
0x1b: {  	s9 =	sadd.s32 $0xFFFFFEF7, lr;
	s5 =	simm.s32 $0xFFFFFFFF;
	p2 =	slt.u32 s8, $0xFFFFF086  }
0x1c: {  	p1 =	slt.u32 s9, $0xF7A;
	s5 =	simm.s32 @!p2 $0x0  }
0x1d: {  	s5 =	simm.s32 @p1 $0x1;
	p0 =	seq.s32 s7, s2  }
0x1e: {  	s7 =	smul.u32 @!p0 $0xF7A, s2;
	p2 =	seq.s32 @!p0 s5, $0x0  }
0x1f: {  	s9 =	smul.u32 $0xF7A, s1;
	s8 =	simm.s32 @!p0 $0x1BF5;
	p2 =	por !p2, p0  }
0x20: {  	[sflag:s8] =	ssyncset.s32 @!p0 $0xFFFFF086;
	s6 =	sadd.s32 @!p0 s3, s7;
	s7 =	simm.s32 @!p0 $0x108  }
0x21: {  	s3 =	sadd.s32 s3, s9;
	s6 =	sadd.s32 @!p0 $0x88, s6;
	s7 =	simm.s32 @p2 $0x1082  }
0x22: {  	[simem:s7], [sflag:s8] =	dma.local @!p0 [hbm:s6], $0xF7A  }
0x23: {  	s9 =	sor.u32 $0xD0000000, s2;
	s6 =	simm.s32 $0x108;
	_ =	swait.ge @!p0 [sflag:s8], $0x0  }
0x24: {  	s3 =	sadd.s32 $0x88, s3;
	s6 =	simm.s32 @!p1 $0x1082;
	[sflag:s4] =	ssyncset.s32 $0xFFFFF086  }
0x25: {  	[simem:s6], [sflag:s4] =	dma.local [hbm:s3], $0xF7A  }
0x26: {  	[smem:$0x3F95] =	sst s1;
	(tag) =	ssettag s2;
	_ =	strace s9  }
0x27: {  	s1 =	sld [smem:$0x3FA5]  }
0x28: {  	s2 =	sld [smem:$0x3FA6]  }
0x29: {  	s4 =	sld [smem:$0x3FA8]  }
0x2a: {  	p0 =	seq.s32 s5, $0x0;
	s5 =	sld [smem:$0x3FA9]  }
0x2b: {  	s6 =	sld [smem:$0x3FAA]  }
0x2c: {  	s7 =	sld [smem:$0x3FAB]  }
0x2d: {  	s3 =	simm.s32 $0x108;
	s8 =	sld [smem:$0x3FAC]  }
0x2e: {  	s3 =	simm.s32 @!p0 $0x1082;
	s9 =	sld [smem:$0x3FAD]  }
0x2f: {  	lr =	sadd.s32 s0, s3;
	s0 =	sld [smem:$0x3FA4]  }
0x30: {  	s3 =	sld [smem:$0x3FA7]  }
0x31: {  	[smem:$0x3FB0] =	sst s10  }
0x32: {  	s10 =	sld [smem:$0x3FAE];
	_ =	sdelay $0x3  }
0x33: {  	p0 =	seq.s32 s10, $0x1;
	s10 =	sld [smem:$0x3FB0];
	_ =	sdelay $0x3  }
0x34: {  	[smem:$0x3FB0] =	sst s10  }
0x35: {  	s10 =	sld [smem:$0x3FAF];
	_ =	sdelay $0x3  }
0x36: {  	p1 =	seq.s32 s10, $0x1;
	s10 =	sld [smem:$0x3FB0];
	_ =	sdelay $0x3  }
0x37: {  	[smem:$0x3FB0] =	sst s10  }
0x38: {  	s10 =	sld [smem:$0x3FB1]  }
0x39: {  	_ = 	snop;
	(pc) =	sbr.ind lr, $3  }
0x3a: {  	_ = 	snop  }
0x3b: {  	_ = 	snop  }
0x3c: {  	p2 =	seq.s32 s10, $0x1;
	s10 =	sld [smem:$0x3FB0]  }
0x3d: {  	_ =	shalt  }
0x3e: {  	_ =	shalt  }
0x3f: {  	_ =	shalt  }
0x40: {  	_ =	shalt  }
0x41: {  	_ =	shalt  }
0x42: {  	_ =	shalt  }
0x43: {  	_ =	shalt  }
0x44: {  	_ =	shalt  }
0x45: {  	_ =	shalt  }
0x46: {  	_ =	shalt  }
0x47: {  	_ =	shalt  }
0x48: {  	_ =	shalt  }
0x49: {  	_ =	shalt  }
0x4a: {  	_ =	shalt  }
0x4b: {  	_ =	shalt  }
0x4c: {  	_ =	shalt  }
0x4d: {  	_ =	shalt  }
0x4e: {  	_ =	shalt  }
0x4f: {  	_ =	shalt  }
0x50: {  	_ =	shalt  }
0x51: {  	_ =	shalt  }
0x52: {  	_ =	shalt  }
0x53: {  	_ =	shalt  }
0x54: {  	_ =	shalt  }
0x55: {  	_ =	shalt  }
0x56: {  	_ =	shalt  }
0x57: {  	_ =	shalt  }
0x58: {  	_ =	shalt  }
0x59: {  	_ =	shalt  }
0x5a: {  	_ =	shalt  }
0x5b: {  	_ =	shalt  }
0x5c: {  	_ =	shalt  }
0x5d: {  	_ =	shalt  }
0x5e: {  	_ =	shalt  }
0x5f: {  	_ =	shalt  }
0x60: {  	_ =	shalt  }
0x61: {  	_ =	shalt  }
0x62: {  	_ =	shalt  }
0x63: {  	_ =	shalt  }
0x64: {  	_ =	shalt  }
0x65: {  	_ =	shalt  }
0x66: {  	_ =	shalt  }
0x67: {  	_ =	shalt  }
0x68: {  	_ =	shalt  }
0x69: {  	_ =	shalt  }
0x6a: {  	_ =	shalt  }
0x6b: {  	_ =	shalt  }
0x6c: {  	_ =	shalt  }
0x6d: {  	_ =	shalt  }
0x6e: {  	_ =	shalt  }
0x6f: {  	_ =	shalt  }
0x70: {  	_ =	shalt  }
0x71: {  	_ =	shalt  }
0x72: {  	_ =	shalt  }
0x73: {  	_ =	shalt  }
0x74: {  	_ =	shalt  }
0x75: {  	_ =	shalt  }
0x76: {  	_ =	shalt  }
0x77: {  	_ =	shalt  }
0x78: {  	_ =	shalt  }
0x79: {  	_ =	shalt  }
0x7a: {  	_ =	shalt  }
0x7b: {  	_ =	shalt  }
0x7c: {  	_ =	shalt  }
0x7d: {  	_ =	shalt  }
0x7e: {  	_ =	shalt  }
0x7f: {  	_ =	shalt  }
0x80: {  	_ =	shalt  }
0x81: {  	_ =	shalt  }
0x82: {  	_ =	shalt  }
0x83: {  	_ =	shalt  }
0x84: {  	_ =	shalt  }
0x85: {  	_ =	shalt  }
0x86: {  	_ =	shalt  }
0x87: {  	_ =	shalt  }
.Lfunc_end0:
.L_simem_size_0:
called_computation.1_lowered:
.L_overlay_start_0:
0x88: {  	s2 =	sld [smem:$0x3FD9]  }
0x89: {  	s3 =	sld [smem:$0x3FFE];
	_ =	sdelay $0x1  }
0x8a: {  	s1 =	srdreg.scid  }
0x8b: {  	s0 =	sand.u32 $0x1, s1  }
0x8c: {  	s14 =	sshll.u32 s0, $0xA;
	s2 =	sadd.s32 s3, s2  }
0x8d: {  	s2 =	sadd.s32 s2, s14  }
0x8e: {  	[smem:$0x3FBC] =	sst s2  }
0x8f: {  	_ = 	snop  }
0x90: {  	s2 =	sld [smem:$0x3FD0];
	_ =	sdelay $0x2  }
0x91: {  	s15 =	simm.s32 $0xA;
	s4 =	simm.s32 $0x10  }
0x92: {  	[smem:s4], [sflag:s15] =	dma.local [hbm:s2], $0x1  }
0x93: {  	_ =	swait.eq [sflag:s15], $0x1  }
0x94: {  	[sflag:s15] =	ssyncset.done $0x0  }
0x95: {  	s16 =	sld [smem:$0x10];
	[sflag:s15] =	ssyncadd.s32 $0xFFFFFFFF  }
0x96: {  	s17 =	sld [smem:$0x11];
	(tm) =	ssettm $0x1  }
0x97: {  	s18 =	sld [smem:$0x3FFB];
	_ =	sdelay $0x3  }
0x98: {  	_ =	strace s18  }
0x99: {  	s4 =	sld [smem:$0x3FFC];
	_ =	sdelay $0x3  }
0x9a: {  	_ =	strace s4  }
0x9b: {  	s4 =	sld [smem:$0x3FFD];
	_ =	sdelay $0x3  }
0x9c: {  	_ =	strace s4  }
0x9d: {  	_ =	strace $0x8FFFFFFF  }
0x9e: {  	s19 =	sld [smem:$0x3FDB];
	_ =	sdelay $0x1  }
0x9f: {  	s5 =	simm.s32 $_scs_section_size  }
0xa0: {  	s6 =	simm.s32 $_size__tile_overlayer_lowered;
	s7 =	simm.s32 $_tile_overlayer_lowered  }
0xa1: {  	s22 =	simm.s32 $0x1BFF;
	s21 =	sshll.u32 s7, $0x1;
	s4 =	sadd.s32 s5, s19  }
0xa2: {  	s8 =	simm.s32 $0x0;
	s20 =	sshll.u32 s6, $0x1;
	s6 =	sadd.s32 s21, s4  }
0xa3: {  	[timem:s8], [sflag:s22] =	dma.local [hbm:s6], s20  }
0xa4: {  	_ =	swait.ge [sflag:s22], s20  }
0xa5: {  	s5 =	ssub.s32 $0x0, s20;
	[sflag:s22] =	ssyncset.done $0x0  }
0xa6: {  	[sflag:s22] =	ssyncadd.s32 s5;
	_ =	sdelay $0x1  }
0xa7: {  	s23 =	simm.s32 $0x1B8B  }
0xa8: {  	_ =	swait.ge [sflag:s23], $0x1  }
0xa9: {  	[sflag:s23] =	ssyncset.done $0x0  }
0xaa: {  	s25 =	simm.s32 $0x1B8E;
	s24 =	sld [smem:$0x3FFE];
	[sflag:s23] =	ssyncadd.s32 $0xFFFFFFFF  }
0xab: {  	s26 =	simm.s32 $execute0_lowered;
	[smem:$0x3FD2] =	sst s25  }
0xac: {  	s6 =	sshll.u32 s26, $0x1;
	_ =	strace $0x80000049;
	[dreg:$0x1] =	wrdreg $0xFFFFFFFF  }
0xad: {  	s28 =	simm.s32 $_size_execute0_lowered;
	s4 =	sadd.s32 s4, s6;
	[dreg:$0x0] =	wrdreg $0x0  }
0xae: {  	s6 =	sshll.u32 s28, $0x1;
	[dreg:$0x2] =	wrdreg s4  }
0xaf: {  	[dreg:$0x3] =	wrdreg s6  }
0xb0: {  	[dreg:$0x4] =	wrdreg $0xC0  }
0xb1: {  	_ =	task [dreg:s8], $0x5FFFF  }
0xb2: {  	[dreg:$0x1] =	wrdreg $0xFFFFFFFF  }
0xb3: {  	[dreg:$0x0] =	wrdreg $0x60  }
0xb4: {  	[dreg:$0x2] =	wrdreg s16  }
0xb5: {  	[dreg:$0x3] =	wrdreg s24  }
0xb6: {  	[dreg:$0x4] =	wrdreg s17  }
0xb7: {  	[dreg:$0x5] =	wrdreg $0x93000  }
0xb8: {  	[dreg:$0x6] =	wrdreg $0x1D3000  }
0xb9: {  	[dreg:$0x7] =	wrdreg $0x9  }
0xba: {  	_ =	task.clear_ibuf [dreg:s8], $0x8FFFF;
	_ =	strace $0x90000049  }
0xbb: {  	s29 =	simm.s32 $0x9;
	_ =	strace $0x8000004B  }
0xbc: {  	_ =	swait.ge [sflag:s29], $0x1  }
0xbd: {  	[sflag:s29] =	ssyncadd.s32 $0xFFFFFFFF  }
0xbe: {  	_ =	strace $0x9000004B  }
0xbf: {  	_ =	sfence  }
0xc0: {  	s30 =	sld [smem:$0x0];
	_ =	sdelay $0x2  }
0xc1: {  	s31 =	sshll.u32 s1, $0xD;
	s1 =	sshrl.u32 s1, $0x2  }
0xc2: {  	s3 =	sand.u32 $0x4000, s31;
	s1 =	sadd.s32 s1, s30  }
0xc3: {  	s0 =	sor.u32 s3, s0;
	s1 =	sshll.u32 s1, $0x11  }
0xc4: {  	s0 =	sor.u32 s1, s0  }
0xc5: {  	s0 =	sadd.s32 $0x8F2B, s0  }
0xc6: {  	[sflag:s0] =	ssyncadd.remote.s32 $0x1  }
0xc7: {  	_ =	sfence.sel $0xFFFF  }
0xc8: {  	[dreg:$0x0] =	wrdreg $0xFFFFFFFF;
	(pc) =	sbr.abs _section_cstart, $3  }
0xc9: {  	[dreg:$0x1] =	wrdreg $0xFFFFFFFF  }
0xca: {  	_ =	task.clear_ibuf [dreg:s8], $0x2FFFF;
	_ =	strace $0x9FFFFFFF  }
0xcb: {  	(tm) =	ssettm $0x7FFFFFFF  }
tec
execute0_lowered:
.L_overlay_start_1:
0x0: {  	(tag) =	ssettag $0x1  }
0x1: {  	s1 =	rddreg [dreg:$0x0]  }
0x2: {  	s0 =	rddreg [dreg:$0x1];
	s2 =	srdreg.scid  }
0x3: {  	s13 =	stileid.u32;
	s4 =	rddreg [dreg:$0x3]  }
0x4: {  	s5 =	rddreg [dreg:$0x4];
	s6 =	simm.s32 $0x0;
	s23 =	simm.s32 $0x180  }
0x5: {  	s31 =	simm.s32 $0x9080;
	s28 =	simm.s32 $0x80;
	s3 =	smul.u32 $0x5000, s13  }
0x6: {  	s29 =	simm.s32 $0x5000;
	s30 =	simm.s32 $0x1;
	s25 =	smul.u32 $0x500, s13  }
0x7: {  	s2 =	sand.u32 $0x1, s2;
	[smem:$0x7FF] =	sst s6;
	s10 =	smul.u32 $0x50000, s13  }
0x8: {  	s24 =	sadd.s32 $0x16C00, s0;
	s8 =	sadd.s32 $0x16A00, s0;
	s12 =	smul.u32 $0x280, s13  }
0x9: {  	s13 =	smul.u32 $0x14000, s13;
	_ =	strace $0x8000004A;
	[dreg:$0x15] =	wrdreg s24  }
0xa: {  	s7 =	smul.u32 $0x2800, s2;
	[dreg:$0x16] =	wrdreg s8;
	s8 =	sadd.s32 $0x17E00, s0  }
0xb: {  	s9 =	sshll.u32 s2, $0x7;
	s26 =	ssub.s32 $0x2, s2;
	s2 =	smul.u32 $0x140000, s2  }
0xc: {  	[dreg:$0x8] =	wrdreg s23;
	s11 =	sshrl.u32 s26, $0x1;
	s10 =	sshrl.u32 s10, $0x2  }
0xd: {  	s3 =	sadd.s32 s7, s3;
	s7 =	sor.u32 s9, s25;
	s24 =	sadd.s32 s10, s4  }
0xe: {  	s13 =	sadd.s32 s13, s2;
	s3 =	sshrl.u32 s3, $0x3;
	s7 =	sshrl.u32 s7, $0x3  }
0xf: {  	s21 =	sshrl.u32 s13, $0x3;
	[dreg:$0x17] =	wrdreg s24;
	s3 =	sadd.s32 s3, s0  }
0x10: {  	s0 =	sadd.s32 s7, s0;
	s7 =	ssub.s32 s26, s11;
	s11 =	sshll.u32 s12, $0x7  }
0x11: {  	s12 =	sadd.s32 s12, s5;
	s26 =	simm.s32 $0x200;
	s17 =	sadd.s32 $0x4000, s11  }
0x12: {  	s18 =	sadd.s32 $0x8000, s11;
	s19 =	sadd.s32 $0xC000, s11;
	s9 =	sadd.s32 $0x10000, s11  }
0x13: {  	[dreg:$0x1c] =	wrdreg s12;
	s12 =	sadd.s32 s8, s21;
	s22 =	sadd.s32 $0xCA00, s3  }
0x14: {  	s3 =	sadd.s32 $0x2A00, s3;
	[dreg:$0x9] =	wrdreg s26;
	s11 =	simm.s32 $0x280  }
0x15: {  	s21 =	simm.s32 $0x600;
	s0 =	sadd.s32 $0x17400, s0;
	[dreg:$0x1d] =	wrdreg s12  }
0x16: {  	s23 =	smax.u32 s7, $0x1;
	s26 =	simm.s32 $0x780;
	[dreg:$0x6] =	wrdreg s22  }
0x17: {  	s7 =	simm.s32 $0x100;
	s14 =	sadd.s32 s17, s4;
	[dreg:$0x7] =	wrdreg s3  }
0x18: {  	s15 =	sadd.s32 s18, s4;
	s16 =	sadd.s32 s19, s4;
	[dreg:$0xa] =	wrdreg s11  }
0x19: {  	s20 =	sadd.s32 s9, s4;
	s10 =	sadd.s32 s2, s17;
	[smem:$0x7FB] =	sst s0  }
0x1a: {  	s25 =	sadd.s32 s2, s18;
	s12 =	simm.s32 $0x300;
	[dreg:$0x11] =	wrdreg s21  }
0x1b: {  	s13 =	sadd.s32 s2, s19;
	s17 =	simm.s32 $0x400;
	[smem:$0x7FC] =	sst s23  }
0x1c: {  	s18 =	simm.s32 $0x480;
	s2 =	sadd.s32 s2, s9;
	[dreg:$0x14] =	wrdreg s26  }
0x1d: {  	s19 =	simm.s32 $0x500;
	s22 =	simm.s32 $0x680;
	[dreg:$0x18] =	wrdreg s14  }
0x1e: {  	s23 =	simm.s32 $0x4;
	s26 =	simm.s32 $0x800;
	[dreg:$0x1a] =	wrdreg s16  }
0x1f: {  	s3 =	simm.s32 $0x2;
	s0 =	simm.s32 $0x3;
	[dreg:$0x1b] =	wrdreg s20  }
0x20: {  	s21 =	simm.s32 $0xD00;
	s9 =	simm.s32 $0xD80;
	[dreg:$0xb] =	wrdreg s12  }
0x21: {  	s11 =	simm.s32 $0xE80;
	s10 =	sshrl.u32 s10, $0x3;
	[dreg:$0xd] =	wrdreg s17  }
0x22: {  	s14 =	smov.u32 s15;
	s16 =	simm.s32 $0x380;
	[dreg:$0xe] =	wrdreg s18  }
0x23: {  	s2 =	sshrl.u32 s2, $0x3;
	[dreg:$0xf] =	wrdreg s19;
	s20 =	simm.s32 $0x580  }
0x24: {  	[dreg:$0x12] =	wrdreg s22;
	s22 =	simm.s32 $0x9000;
	s15 =	simm.s32 $0xA00  }
0x25: {  	s17 =	simm.s32 $0xB00;
	s18 =	simm.s32 $0xB80;
	[dreg:$0xc] =	wrdreg s16  }
0x26: {  	s19 =	simm.s32 $0xC00;
	s12 =	simm.s32 $0xF00;
	[dreg:$0x10] =	wrdreg s20  }
0x27: {  	s10 =	sadd.s32 s8, s10;
	s2 =	sadd.s32 s8, s2;
	[dreg:$0x19] =	wrdreg s14  }
0x28: {  	s16 =	simm.s32 $0xA80;
	s20 =	simm.s32 $0xC80;
	[dreg:$0x1e] =	wrdreg s10  }
0x29: {  	s10 =	sshrl.u32 s25, $0x3;
	[smem:$0x7FA] =	sst s2;
	s25 =	simm.s32 $0x700  }
0x2a: {  	s2 =	simm.s32 $0x0;
	s10 =	sadd.s32 s8, s10;
	[dreg:$0x13] =	wrdreg s25  }
0x2b: {  	s25 =	simm.s32 $0x1000;
	[dreg:$0x1f] =	wrdreg s10;
	s10 =	sshrl.u32 s13, $0x3  }
0x2c: {  	[smem:$0x7FD] =	sst s2;
	s13 =	simm.s32 $0xF80;
	s10 =	sadd.s32 s8, s10  }
0x2d: {  	s8 =	simm.s32 $0x980;
	[smem:$0x7F9] =	sst s10;
	s10 =	simm.s32 $0xE00  }
.LBB2_1:
0x2e: {  	s2 =	rddreg [dreg:$0x16]  }
0x2f: {  	[tilespmem:s22], [sflag:$0x4] =	stream.linear.gather [hbm4b:s2+s6], $0x80, $0x38;
	[tilespmem:$0x1D580] =	vst v63  }
0x30: {  	_ =	swait.ge [sflag:s23], $0x80  }
0x31: {  	[sflag:s23] =	ssyncset.done $0x0  }
0x32: {  	[sflag:s23] =	ssyncadd.s32 $0xFFFFFF80  }
0x33: {  	s2 =	rddreg [dreg:$0x2]  }
0x34: {  	[tilespmem:s31], [sflag:$0x4] =	stream.linear.gather [hbm4b:s2+s6], $0x280, $0x38;
	[tilespmem:$0x1D580] =	vst v63  }
0x35: {  	_ =	swait.ge [sflag:s23], $0x280  }
0x36: {  	[sflag:s23] =	ssyncset.done $0x0  }
0x37: {  	s2 =	rddreg [dreg:$0x15];
	[sflag:s23] =	ssyncadd.s32 $0xFFFFFD80  }
0x38: {  	[tilespmem:s25], [sflag:$0x4] =	stream.linear.gather [hbm4b:s2+s6], $0x4000, $0x38;
	[tilespmem:$0x1D580] =	vst v63  }
0x39: {  	_ =	swait.ge [sflag:s23], $0x4000  }
0x3a: {  	[sflag:s23] =	ssyncset.done $0x0  }
0x3b: {  	[sflag:s23] =	ssyncadd.s32 $0xFFFFC000  }
0x3c: {  	[spmem:s24] =	stream.linear.scatter [tilespmem:s25], [sflag:$0x4], $0x4000, $0x38;
	[tilespmem:$0x1D580] =	vst v63  }
0x3d: {  	_ =	swait.ge [sflag:s23], $0x4000  }
0x3e: {  	[sflag:s23] =	ssyncset.done $0x0  }
0x3f: {  	s24 =	rddreg [dreg:$0x18];
	[sflag:s23] =	ssyncadd.s32 $0xFFFFC000  }
0x40: {  	[spmem:s24] =	stream.linear.scatter [tilespmem:s25], [sflag:$0x4], $0x4000, $0x38;
	[tilespmem:$0x1D580] =	vst v63  }
0x41: {  	_ =	swait.ge [sflag:s23], $0x4000  }
0x42: {  	[sflag:s23] =	ssyncset.done $0x0  }
0x43: {  	[sflag:s23] =	ssyncadd.s32 $0xFFFFC000  }
0x44: {  	[spmem:s14] =	stream.linear.scatter [tilespmem:s25], [sflag:$0x4], $0x4000, $0x38;
	[tilespmem:$0x1D580] =	vst v63  }
0x45: {  	_ =	swait.ge [sflag:s23], $0x4000  }
0x46: {  	[sflag:s23] =	ssyncset.done $0x0  }
0x47: {  	s14 =	rddreg [dreg:$0x1a];
	[sflag:s23] =	ssyncadd.s32 $0xFFFFC000  }
0x48: {  	[spmem:s14] =	stream.linear.scatter [tilespmem:s25], [sflag:$0x4], $0x4000, $0x38;
	[tilespmem:$0x1D580] =	vst v63  }
0x49: {  	_ =	swait.ge [sflag:s23], $0x4000  }
0x4a: {  	[sflag:s23] =	ssyncset.done $0x0  }
0x4b: {  	s24 =	rddreg [dreg:$0x1b];
	[sflag:s23] =	ssyncadd.s32 $0xFFFFC000  }
0x4c: {  	[spmem:s24] =	stream.linear.scatter [tilespmem:s25], [sflag:$0x4], $0x4000, $0x38;
	[tilespmem:$0x1D580] =	vst v63  }
0x4d: {  	_ =	swait.ge [sflag:s23], $0x4000  }
0x4e: {  	[sflag:s23] =	ssyncset.done $0x0  }
0x4f: {  	s14 =	rddreg [dreg:$0x1c];
	[sflag:s23] =	ssyncadd.s32 $0xFFFFC000  }
0x50: {  	[spmem:s14] =	stream.linear.scatter [tilespmem:s31], [sflag:$0x4], $0x280, $0x38;
	[tilespmem:$0x1D580] =	vst v63  }
0x51: {  	_ =	swait.ge [sflag:s23], $0x280  }
0x52: {  	[sflag:s23] =	ssyncset.done $0x0  }
0x53: {  	[sflag:s23] =	ssyncadd.s32 $0xFFFFFD80  }
0x54: {  	[bflag:$0x0] =	sbarrier.arrive $0xFFFF  }
0x55: {  	s24 =	rddreg [dreg:$0x7]  }
0x56: {  	s14 =	sadd.s32 $0x0, s24  }
0x57: {  	[tilespmem:s6], [sflag:$0x4] =	stream.linear.gather [hbm4b:s14+s6], $0x800, $0x38;
	[tilespmem:$0x1D580] =	vst v63  }
0x58: {  	_ =	swait.ge [sflag:s23], $0x800  }
0x59: {  	s2 =	rddreg [dreg:$0x6];
	[sflag:s23] =	ssyncset.done $0x0  }
0x5a: {  	[sflag:s23] =	ssyncadd.s32 $0xFFFFF800;
	s14 =	sadd.s32 $0x0, s2  }
0x5b: {  	[tilespmem:s26], [sflag:$0x4] =	stream.linear.gather [hbm4b:s14+s6], $0x800, $0x38;
	[tilespmem:$0x1D580] =	vst v63  }
0x5c: {  	_ =	swait.ge [sflag:s23], $0x800  }
0x5d: {  	[sflag:s23] =	ssyncset.done $0x0  }
0x5e: {  	[sflag:s23] =	ssyncadd.s32 $0xFFFFF800  }
0x5f: {  	[tilespmem:s25], [sflag:$0x1] =	stream.indirect.gather [hbm4b:s1+s28], $0x80, s6, s28, $0xb8;
	[tilespmem:$0x1D580] =	vst v63  }
0x60: {  	_ = 	snop  }
0x61: {  	[tilespmem:s29], [sflag:$0x2] =	stream.indirect.gather [hbm4b:s1+s28], $0x80, s28, s28, $0xb8;
	[tilespmem:$0x1D580] =	vst v63  }
0x62: {  	_ =	swait.ge [sflag:s30], $0x4000  }
0x63: {  	[sflag:s30] =	ssyncset.done $0x0  }
0x64: {  	[sflag:s30] =	ssyncadd.s32 $0xFFFFC000  }
0x65: {  	[spmem:s5] =	stream.indirect.scatter.add.f32 [tilespmem:s22], [sflag:$0x3], $0x1, s26, s28, $0xb8;
	[tilespmem:$0x1D580] =	vst v63  }
0x66: {  	_ = 	snop  }
0x67: {  	[spmem:s4] =	stream.indirect.scatter.add.f32 [tilespmem:s25], [sflag:$0x4], $0x80, s26, s28, $0xb8;
	[tilespmem:$0x1D580] =	vst v63  }
0x68: {  	_ =	swait.ge [sflag:s23], $0x4000  }
0x69: {  	[sflag:s23] =	ssyncset.done $0x0  }
0x6a: {  	[sflag:s23] =	ssyncadd.s32 $0xFFFFC000  }
0x6b: {  	[tilespmem:s25], [sflag:$0x1] =	stream.indirect.gather [hbm4b:s1+s28], $0x80, s7, s28, $0xb8;
	[tilespmem:$0x1D580] =	vst v63  }
0x6c: {  	_ =	swait.ge [sflag:s3], $0x4000  }
0x6d: {  	[sflag:s3] =	ssyncset.done $0x0  }
0x6e: {  	[sflag:s3] =	ssyncadd.s32 $0xFFFFC000  }
0x6f: {  	_ =	swait.ge [sflag:s0], $0x80  }
0x70: {  	[sflag:s0] =	ssyncset.done $0x0  }
0x71: {  	s24 =	simm.s32 $0x880;
	[sflag:s0] =	ssyncadd.s32 $0xFFFFFF80  }
0x72: {  	[spmem:s5] =	stream.indirect.scatter.add.f32 [tilespmem:s22], [sflag:$0x3], $0x1, s24, s28, $0xb8;
	[tilespmem:$0x1D580] =	vst v63  }
0x73: {  	_ = 	snop  }
0x74: {  	[spmem:s4] =	stream.indirect.scatter.add.f32 [tilespmem:s29], [sflag:$0x4], $0x80, s24, s28, $0xb8;
	[tilespmem:$0x1D580] =	vst v63  }
0x75: {  	_ =	swait.ge [sflag:s23], $0x4000  }
0x76: {  	[sflag:s23] =	ssyncset.done $0x0  }
0x77: {  	s2 =	rddreg [dreg:$0x8];
	[sflag:s23] =	ssyncadd.s32 $0xFFFFC000  }
0x78: {  	[tilespmem:s29], [sflag:$0x2] =	stream.indirect.gather [hbm4b:s1+s28], $0x80, s2, s28, $0xb8;
	[tilespmem:$0x1D580] =	vst v63  }
0x79: {  	_ =	swait.ge [sflag:s30], $0x4000  }
0x7a: {  	[sflag:s30] =	ssyncset.done $0x0  }
0x7b: {  	[sflag:s30] =	ssyncadd.s32 $0xFFFFC000  }
0x7c: {  	_ =	swait.ge [sflag:s0], $0x80  }
0x7d: {  	[sflag:s0] =	ssyncset.done $0x0  }
0x7e: {  	s24 =	simm.s32 $0x900;
	[sflag:s0] =	ssyncadd.s32 $0xFFFFFF80  }
0x7f: {  	[spmem:s5] =	stream.indirect.scatter.add.f32 [tilespmem:s22], [sflag:$0x3], $0x1, s24, s28, $0xb8;
	[tilespmem:$0x1D580] =	vst v63  }
0x80: {  	_ = 	snop  }
0x81: {  	[spmem:s4] =	stream.indirect.scatter.add.f32 [tilespmem:s25], [sflag:$0x4], $0x80, s24, s28, $0xb8;
	[tilespmem:$0x1D580] =	vst v63  }
0x82: {  	_ =	swait.ge [sflag:s23], $0x4000  }
0x83: {  	[sflag:s23] =	ssyncset.done $0x0  }
0x84: {  	s2 =	rddreg [dreg:$0x9];
	[sflag:s23] =	ssyncadd.s32 $0xFFFFC000  }
0x85: {  	[tilespmem:s25], [sflag:$0x1] =	stream.indirect.gather [hbm4b:s1+s28], $0x80, s2, s28, $0xb8;
	[tilespmem:$0x1D580] =	vst v63  }
0x86: {  	_ =	swait.ge [sflag:s3], $0x4000  }
0x87: {  	[sflag:s3] =	ssyncset.done $0x0  }
0x88: {  	[sflag:s3] =	ssyncadd.s32 $0xFFFFC000  }
0x89: {  	_ =	swait.ge [sflag:s0], $0x80  }
0x8a: {  	[sflag:s0] =	ssyncset.done $0x0  }
0x8b: {  	[sflag:s0] =	ssyncadd.s32 $0xFFFFFF80  }
0x8c: {  	[spmem:s5] =	stream.indirect.scatter.add.f32 [tilespmem:s22], [sflag:$0x3], $0x1, s8, s28, $0xb8;
	[tilespmem:$0x1D580] =	vst v63  }
0x8d: {  	_ = 	snop  }
0x8e: {  	[spmem:s4] =	stream.indirect.scatter.add.f32 [tilespmem:s29], [sflag:$0x4], $0x80, s8, s28, $0xb8;
	[tilespmem:$0x1D580] =	vst v63  }
0x8f: {  	_ =	swait.ge [sflag:s23], $0x4000  }
0x90: {  	[sflag:s23] =	ssyncset.done $0x0  }
0x91: {  	s24 =	rddreg [dreg:$0xa];
	[sflag:s23] =	ssyncadd.s32 $0xFFFFC000  }
0x92: {  	[tilespmem:s29], [sflag:$0x2] =	stream.indirect.gather [hbm4b:s1+s28], $0x80, s24, s28, $0xb8;
	[tilespmem:$0x1D580] =	vst v63  }
0x93: {  	_ =	swait.ge [sflag:s30], $0x4000  }
0x94: {  	[sflag:s30] =	ssyncset.done $0x0  }
0x95: {  	[sflag:s30] =	ssyncadd.s32 $0xFFFFC000  }
0x96: {  	_ =	swait.ge [sflag:s0], $0x80  }
0x97: {  	[sflag:s0] =	ssyncset.done $0x0  }
0x98: {  	[sflag:s0] =	ssyncadd.s32 $0xFFFFFF80  }
0x99: {  	[spmem:s5] =	stream.indirect.scatter.add.f32 [tilespmem:s22], [sflag:$0x3], $0x1, s15, s28, $0xb8;
	[tilespmem:$0x1D580] =	vst v63  }
0x9a: {  	_ = 	snop  }
0x9b: {  	[spmem:s4] =	stream.indirect.scatter.add.f32 [tilespmem:s25], [sflag:$0x4], $0x80, s15, s28, $0xb8;
	[tilespmem:$0x1D580] =	vst v63  }
0x9c: {  	_ =	swait.ge [sflag:s23], $0x4000  }
0x9d: {  	[sflag:s23] =	ssyncset.done $0x0  }
0x9e: {  	s2 =	rddreg [dreg:$0xb];
	[sflag:s23] =	ssyncadd.s32 $0xFFFFC000  }
0x9f: {  	[tilespmem:s25], [sflag:$0x1] =	stream.indirect.gather [hbm4b:s1+s28], $0x80, s2, s28, $0xb8;
	[tilespmem:$0x1D580] =	vst v63  }
0xa0: {  	_ =	swait.ge [sflag:s3], $0x4000  }
0xa1: {  	[sflag:s3] =	ssyncset.done $0x0  }
0xa2: {  	[sflag:s3] =	ssyncadd.s32 $0xFFFFC000  }
0xa3: {  	_ =	swait.ge [sflag:s0], $0x80  }
0xa4: {  	[sflag:s0] =	ssyncset.done $0x0  }
0xa5: {  	[sflag:s0] =	ssyncadd.s32 $0xFFFFFF80  }
0xa6: {  	[spmem:s5] =	stream.indirect.scatter.add.f32 [tilespmem:s22], [sflag:$0x3], $0x1, s16, s28, $0xb8;
	[tilespmem:$0x1D580] =	vst v63  }
0xa7: {  	_ = 	snop  }
0xa8: {  	[spmem:s4] =	stream.indirect.scatter.add.f32 [tilespmem:s29], [sflag:$0x4], $0x80, s16, s28, $0xb8;
	[tilespmem:$0x1D580] =	vst v63  }
0xa9: {  	_ =	swait.ge [sflag:s23], $0x4000  }
0xaa: {  	[sflag:s23] =	ssyncset.done $0x0  }
0xab: {  	s24 =	rddreg [dreg:$0xc];
	[sflag:s23] =	ssyncadd.s32 $0xFFFFC000  }
0xac: {  	[tilespmem:s29], [sflag:$0x2] =	stream.indirect.gather [hbm4b:s1+s28], $0x80, s24, s28, $0xb8;
	[tilespmem:$0x1D580] =	vst v63  }
0xad: {  	_ =	swait.ge [sflag:s30], $0x4000  }
0xae: {  	[sflag:s30] =	ssyncset.done $0x0  }
0xaf: {  	[sflag:s30] =	ssyncadd.s32 $0xFFFFC000  }
0xb0: {  	_ =	swait.ge [sflag:s0], $0x80  }
0xb1: {  	[sflag:s0] =	ssyncset.done $0x0  }
0xb2: {  	[sflag:s0] =	ssyncadd.s32 $0xFFFFFF80  }
0xb3: {  	[spmem:s5] =	stream.indirect.scatter.add.f32 [tilespmem:s22], [sflag:$0x3], $0x1, s17, s28, $0xb8;
	[tilespmem:$0x1D580] =	vst v63  }
0xb4: {  	_ = 	snop  }
0xb5: {  	[spmem:s4] =	stream.indirect.scatter.add.f32 [tilespmem:s25], [sflag:$0x4], $0x80, s17, s28, $0xb8;
	[tilespmem:$0x1D580] =	vst v63  }
0xb6: {  	_ =	swait.ge [sflag:s23], $0x4000  }
0xb7: {  	[sflag:s23] =	ssyncset.done $0x0  }
0xb8: {  	s2 =	rddreg [dreg:$0xd];
	[sflag:s23] =	ssyncadd.s32 $0xFFFFC000  }
0xb9: {  	[tilespmem:s25], [sflag:$0x1] =	stream.indirect.gather [hbm4b:s1+s28], $0x80, s2, s28, $0xb8;
	[tilespmem:$0x1D580] =	vst v63  }
0xba: {  	_ =	swait.ge [sflag:s3], $0x4000  }
0xbb: {  	[sflag:s3] =	ssyncset.done $0x0  }
0xbc: {  	[sflag:s3] =	ssyncadd.s32 $0xFFFFC000  }
0xbd: {  	_ =	swait.ge [sflag:s0], $0x80  }
0xbe: {  	[sflag:s0] =	ssyncset.done $0x0  }
0xbf: {  	[sflag:s0] =	ssyncadd.s32 $0xFFFFFF80  }
0xc0: {  	[spmem:s5] =	stream.indirect.scatter.add.f32 [tilespmem:s22], [sflag:$0x3], $0x1, s18, s28, $0xb8;
	[tilespmem:$0x1D580] =	vst v63  }
0xc1: {  	_ = 	snop  }
0xc2: {  	[spmem:s4] =	stream.indirect.scatter.add.f32 [tilespmem:s29], [sflag:$0x4], $0x80, s18, s28, $0xb8;
	[tilespmem:$0x1D580] =	vst v63  }
0xc3: {  	_ =	swait.ge [sflag:s23], $0x4000  }
0xc4: {  	[sflag:s23] =	ssyncset.done $0x0  }
0xc5: {  	s24 =	rddreg [dreg:$0xe];
	[sflag:s23] =	ssyncadd.s32 $0xFFFFC000  }
0xc6: {  	[tilespmem:s29], [sflag:$0x2] =	stream.indirect.gather [hbm4b:s1+s28], $0x80, s24, s28, $0xb8;
	[tilespmem:$0x1D580] =	vst v63  }
0xc7: {  	_ =	swait.ge [sflag:s30], $0x4000  }
0xc8: {  	[sflag:s30] =	ssyncset.done $0x0  }
0xc9: {  	[sflag:s30] =	ssyncadd.s32 $0xFFFFC000  }
0xca: {  	_ =	swait.ge [sflag:s0], $0x80  }
0xcb: {  	[sflag:s0] =	ssyncset.done $0x0  }
0xcc: {  	[sflag:s0] =	ssyncadd.s32 $0xFFFFFF80  }
0xcd: {  	[spmem:s5] =	stream.indirect.scatter.add.f32 [tilespmem:s22], [sflag:$0x3], $0x1, s19, s28, $0xb8;
	[tilespmem:$0x1D580] =	vst v63  }
0xce: {  	_ = 	snop  }
0xcf: {  	[spmem:s4] =	stream.indirect.scatter.add.f32 [tilespmem:s25], [sflag:$0x4], $0x80, s19, s28, $0xb8;
	[tilespmem:$0x1D580] =	vst v63  }
0xd0: {  	_ =	swait.ge [sflag:s23], $0x4000  }
0xd1: {  	[sflag:s23] =	ssyncset.done $0x0  }
0xd2: {  	s2 =	rddreg [dreg:$0xf];
	[sflag:s23] =	ssyncadd.s32 $0xFFFFC000  }
0xd3: {  	[tilespmem:s25], [sflag:$0x1] =	stream.indirect.gather [hbm4b:s1+s28], $0x80, s2, s28, $0xb8;
	[tilespmem:$0x1D580] =	vst v63  }
0xd4: {  	_ =	swait.ge [sflag:s3], $0x4000  }
0xd5: {  	[sflag:s3] =	ssyncset.done $0x0  }
0xd6: {  	[sflag:s3] =	ssyncadd.s32 $0xFFFFC000  }
0xd7: {  	_ =	swait.ge [sflag:s0], $0x80  }
0xd8: {  	[sflag:s0] =	ssyncset.done $0x0  }
0xd9: {  	[sflag:s0] =	ssyncadd.s32 $0xFFFFFF80  }
0xda: {  	[spmem:s5] =	stream.indirect.scatter.add.f32 [tilespmem:s22], [sflag:$0x3], $0x1, s20, s28, $0xb8;
	[tilespmem:$0x1D580] =	vst v63  }
0xdb: {  	_ = 	snop  }
0xdc: {  	[spmem:s4] =	stream.indirect.scatter.add.f32 [tilespmem:s29], [sflag:$0x4], $0x80, s20, s28, $0xb8;
	[tilespmem:$0x1D580] =	vst v63  }
0xdd: {  	_ =	swait.ge [sflag:s23], $0x4000  }
0xde: {  	[sflag:s23] =	ssyncset.done $0x0  }
0xdf: {  	s24 =	rddreg [dreg:$0x10];
	[sflag:s23] =	ssyncadd.s32 $0xFFFFC000  }
0xe0: {  	[tilespmem:s29], [sflag:$0x2] =	stream.indirect.gather [hbm4b:s1+s28], $0x80, s24, s28, $0xb8;
	[tilespmem:$0x1D580] =	vst v63  }
0xe1: {  	_ =	swait.ge [sflag:s30], $0x4000  }
0xe2: {  	[sflag:s30] =	ssyncset.done $0x0  }
0xe3: {  	[sflag:s30] =	ssyncadd.s32 $0xFFFFC000  }
0xe4: {  	_ =	swait.ge [sflag:s0], $0x80  }
0xe5: {  	[sflag:s0] =	ssyncset.done $0x0  }
0xe6: {  	[sflag:s0] =	ssyncadd.s32 $0xFFFFFF80  }
0xe7: {  	[spmem:s5] =	stream.indirect.scatter.add.f32 [tilespmem:s22], [sflag:$0x3], $0x1, s21, s28, $0xb8;
	[tilespmem:$0x1D580] =	vst v63  }
0xe8: {  	_ = 	snop  }
0xe9: {  	[spmem:s4] =	stream.indirect.scatter.add.f32 [tilespmem:s25], [sflag:$0x4], $0x80, s21, s28, $0xb8;
	[tilespmem:$0x1D580] =	vst v63  }
0xea: {  	_ =	swait.ge [sflag:s23], $0x4000  }
0xeb: {  	[sflag:s23] =	ssyncset.done $0x0  }
0xec: {  	s2 =	rddreg [dreg:$0x11];
	[sflag:s23] =	ssyncadd.s32 $0xFFFFC000  }
0xed: {  	[tilespmem:s25], [sflag:$0x1] =	stream.indirect.gather [hbm4b:s1+s28], $0x80, s2, s28, $0xb8;
	[tilespmem:$0x1D580] =	vst v63  }
0xee: {  	_ =	swait.ge [sflag:s3], $0x4000  }
0xef: {  	[sflag:s3] =	ssyncset.done $0x0  }
0xf0: {  	[sflag:s3] =	ssyncadd.s32 $0xFFFFC000  }
0xf1: {  	_ =	swait.ge [sflag:s0], $0x80  }
0xf2: {  	[sflag:s0] =	ssyncset.done $0x0  }
0xf3: {  	[sflag:s0] =	ssyncadd.s32 $0xFFFFFF80  }
0xf4: {  	[spmem:s5] =	stream.indirect.scatter.add.f32 [tilespmem:s22], [sflag:$0x3], $0x1, s9, s28, $0xb8;
	[tilespmem:$0x1D580] =	vst v63  }
0xf5: {  	_ = 	snop  }
0xf6: {  	[spmem:s4] =	stream.indirect.scatter.add.f32 [tilespmem:s29], [sflag:$0x4], $0x80, s9, s28, $0xb8;
	[tilespmem:$0x1D580] =	vst v63  }
0xf7: {  	_ =	swait.ge [sflag:s23], $0x4000  }
0xf8: {  	[sflag:s23] =	ssyncset.done $0x0  }
0xf9: {  	s24 =	rddreg [dreg:$0x12];
	[sflag:s23] =	ssyncadd.s32 $0xFFFFC000  }
0xfa: {  	[tilespmem:s29], [sflag:$0x2] =	stream.indirect.gather [hbm4b:s1+s28], $0x80, s24, s28, $0xb8;
	[tilespmem:$0x1D580] =	vst v63  }
0xfb: {  	_ =	swait.ge [sflag:s30], $0x4000  }
0xfc: {  	[sflag:s30] =	ssyncset.done $0x0  }
0xfd: {  	[sflag:s30] =	ssyncadd.s32 $0xFFFFC000  }
0xfe: {  	_ =	swait.ge [sflag:s0], $0x80  }
0xff: {  	[sflag:s0] =	ssyncset.done $0x0  }
0x100: {  	[sflag:s0] =	ssyncadd.s32 $0xFFFFFF80  }
0x101: {  	[spmem:s5] =	stream.indirect.scatter.add.f32 [tilespmem:s22], [sflag:$0x3], $0x1, s10, s28, $0xb8;
	[tilespmem:$0x1D580] =	vst v63  }
0x102: {  	_ = 	snop  }
0x103: {  	[spmem:s4] =	stream.indirect.scatter.add.f32 [tilespmem:s25], [sflag:$0x4], $0x80, s10, s28, $0xb8;
	[tilespmem:$0x1D580] =	vst v63  }
0x104: {  	_ =	swait.ge [sflag:s23], $0x4000  }
0x105: {  	[sflag:s23] =	ssyncset.done $0x0  }
0x106: {  	s2 =	rddreg [dreg:$0x13];
	[sflag:s23] =	ssyncadd.s32 $0xFFFFC000  }
0x107: {  	[tilespmem:s25], [sflag:$0x1] =	stream.indirect.gather [hbm4b:s1+s28], $0x80, s2, s28, $0xb8;
	[tilespmem:$0x1D580] =	vst v63  }
0x108: {  	_ =	swait.ge [sflag:s3], $0x4000  }
0x109: {  	[sflag:s3] =	ssyncset.done $0x0  }
0x10a: {  	[sflag:s3] =	ssyncadd.s32 $0xFFFFC000  }
0x10b: {  	_ =	swait.ge [sflag:s0], $0x80  }
0x10c: {  	[sflag:s0] =	ssyncset.done $0x0  }
0x10d: {  	[sflag:s0] =	ssyncadd.s32 $0xFFFFFF80  }
0x10e: {  	[spmem:s5] =	stream.indirect.scatter.add.f32 [tilespmem:s22], [sflag:$0x3], $0x1, s11, s28, $0xb8;
	[tilespmem:$0x1D580] =	vst v63  }
0x10f: {  	_ = 	snop  }
0x110: {  	[spmem:s4] =	stream.indirect.scatter.add.f32 [tilespmem:s29], [sflag:$0x4], $0x80, s11, s28, $0xb8;
	[tilespmem:$0x1D580] =	vst v63  }
0x111: {  	_ =	swait.ge [sflag:s23], $0x4000  }
0x112: {  	[sflag:s23] =	ssyncset.done $0x0  }
0x113: {  	s24 =	rddreg [dreg:$0x14];
	[sflag:s23] =	ssyncadd.s32 $0xFFFFC000  }
0x114: {  	[tilespmem:s29], [sflag:$0x2] =	stream.indirect.gather [hbm4b:s1+s28], $0x80, s24, s28, $0xb8;
	[tilespmem:$0x1D580] =	vst v63  }
0x115: {  	_ =	swait.ge [sflag:s30], $0x4000  }
0x116: {  	[sflag:s30] =	ssyncset.done $0x0  }
0x117: {  	[sflag:s30] =	ssyncadd.s32 $0xFFFFC000  }
0x118: {  	_ =	swait.ge [sflag:s0], $0x80  }
0x119: {  	[sflag:s0] =	ssyncset.done $0x0  }
0x11a: {  	[sflag:s0] =	ssyncadd.s32 $0xFFFFFF80  }
0x11b: {  	[spmem:s5] =	stream.indirect.scatter.add.f32 [tilespmem:s22], [sflag:$0x3], $0x1, s12, s28, $0xb8;
	[tilespmem:$0x1D580] =	vst v63  }
0x11c: {  	_ = 	snop  }
0x11d: {  	[spmem:s4] =	stream.indirect.scatter.add.f32 [tilespmem:s25], [sflag:$0x4], $0x80, s12, s28, $0xb8;
	[tilespmem:$0x1D580] =	vst v63  }
0x11e: {  	_ =	swait.ge [sflag:s23], $0x4000  }
0x11f: {  	[sflag:s23] =	ssyncset.done $0x0  }
0x120: {  	[sflag:s23] =	ssyncadd.s32 $0xFFFFC000  }
0x121: {  	_ =	swait.ge [sflag:s3], $0x4000  }
0x122: {  	[sflag:s3] =	ssyncset.done $0x0  }
0x123: {  	[sflag:s3] =	ssyncadd.s32 $0xFFFFC000  }
0x124: {  	_ =	swait.ge [sflag:s0], $0x80  }
0x125: {  	[sflag:s0] =	ssyncset.done $0x0  }
0x126: {  	[sflag:s0] =	ssyncadd.s32 $0xFFFFFF80  }
0x127: {  	[spmem:s5] =	stream.indirect.scatter.add.f32 [tilespmem:s22], [sflag:$0x3], $0x1, s13, s28, $0xb8;
	[tilespmem:$0x1D580] =	vst v63  }
0x128: {  	_ = 	snop  }
0x129: {  	[spmem:s4] =	stream.indirect.scatter.add.f32 [tilespmem:s29], [sflag:$0x4], $0x80, s13, s28, $0xb8;
	[tilespmem:$0x1D580] =	vst v63  }
0x12a: {  	_ =	swait.ge [sflag:s23], $0x4000  }
0x12b: {  	[sflag:s23] =	ssyncset.done $0x0  }
0x12c: {  	[sflag:s23] =	ssyncadd.s32 $0xFFFFC000  }
0x12d: {  	s14 =	simm.s32 $0x200;
	_ =	swait.ge [sflag:s0], $0x80  }
0x12e: {  	s24 =	simm.s32 $0x100;
	s31 =	rddreg [dreg:$0x7];
	[sflag:s0] =	ssyncset.done $0x0  }
.LBB2_2:
0x12f: {  	[sflag:s0] =	ssyncadd.s32 $0xFFFFFF80;
	s31 =	sadd.s32 s24, s31  }
0x130: {  	[tilespmem:s6], [sflag:$0x4] =	stream.linear.gather [hbm4b:s31+s6], $0x800, $0x38;
	[tilespmem:$0x1D580] =	vst v63  }
0x131: {  	_ =	swait.ge [sflag:s23], $0x800  }
0x132: {  	s31 =	rddreg [dreg:$0x6];
	[sflag:s23] =	ssyncset.done $0x0  }
0x133: {  	[sflag:s23] =	ssyncadd.s32 $0xFFFFF800;
	s31 =	sadd.s32 s24, s31  }
0x134: {  	[tilespmem:s26], [sflag:$0x4] =	stream.linear.gather [hbm4b:s31+s6], $0x800, $0x38;
	[tilespmem:$0x1D580] =	vst v63  }
0x135: {  	_ =	swait.ge [sflag:s23], $0x800  }
0x136: {  	[sflag:s23] =	ssyncset.done $0x0  }
0x137: {  	[sflag:s23] =	ssyncadd.s32 $0xFFFFF800  }
0x138: {  	[tilespmem:s25], [sflag:$0x1] =	stream.indirect.gather [hbm4b:s1+s28], $0x80, s6, s28, $0xb8;
	[tilespmem:$0x1D580] =	vst v63  }
0x139: {  	_ = 	snop  }
0x13a: {  	[tilespmem:s29], [sflag:$0x2] =	stream.indirect.gather [hbm4b:s1+s28], $0x80, s28, s28, $0xb8;
	[tilespmem:$0x1D580] =	vst v63  }
0x13b: {  	_ =	swait.ge [sflag:s30], $0x4000  }
0x13c: {  	[sflag:s30] =	ssyncset.done $0x0  }
0x13d: {  	[sflag:s30] =	ssyncadd.s32 $0xFFFFC000  }
0x13e: {  	[spmem:s5] =	stream.indirect.scatter.add.f32 [tilespmem:s22], [sflag:$0x3], $0x1, s26, s28, $0xb8;
	[tilespmem:$0x1D580] =	vst v63  }
0x13f: {  	_ = 	snop  }
0x140: {  	[spmem:s4] =	stream.indirect.scatter.add.f32 [tilespmem:s25], [sflag:$0x4], $0x80, s26, s28, $0xb8;
	[tilespmem:$0x1D580] =	vst v63  }
0x141: {  	_ =	swait.ge [sflag:s23], $0x4000  }
0x142: {  	[sflag:s23] =	ssyncset.done $0x0  }
0x143: {  	[sflag:s23] =	ssyncadd.s32 $0xFFFFC000  }
0x144: {  	[tilespmem:s25], [sflag:$0x1] =	stream.indirect.gather [hbm4b:s1+s28], $0x80, s7, s28, $0xb8;
	[tilespmem:$0x1D580] =	vst v63  }
0x145: {  	_ =	swait.ge [sflag:s3], $0x4000  }
0x146: {  	[sflag:s3] =	ssyncset.done $0x0  }
0x147: {  	[sflag:s3] =	ssyncadd.s32 $0xFFFFC000  }
0x148: {  	_ =	swait.ge [sflag:s0], $0x80  }
0x149: {  	s2 =	smov.u32 s14;
	[sflag:s0] =	ssyncset.done $0x0  }
0x14a: {  	s24 =	smov.u32 s2;
	s2 =	simm.s32 $0x880;
	[sflag:s0] =	ssyncadd.s32 $0xFFFFFF80  }
0x14b: {  	[spmem:s5] =	stream.indirect.scatter.add.f32 [tilespmem:s22], [sflag:$0x3], $0x1, s2, s28, $0xb8;
	[tilespmem:$0x1D580] =	vst v63  }
0x14c: {  	_ = 	snop  }
0x14d: {  	[spmem:s4] =	stream.indirect.scatter.add.f32 [tilespmem:s29], [sflag:$0x4], $0x80, s2, s28, $0xb8;
	[tilespmem:$0x1D580] =	vst v63  }
0x14e: {  	_ =	swait.ge [sflag:s23], $0x4000  }
0x14f: {  	[sflag:s23] =	ssyncset.done $0x0  }
0x150: {  	s2 =	rddreg [dreg:$0x8];
	[sflag:s23] =	ssyncadd.s32 $0xFFFFC000  }
0x151: {  	[tilespmem:s29], [sflag:$0x2] =	stream.indirect.gather [hbm4b:s1+s28], $0x80, s2, s28, $0xb8;
	[tilespmem:$0x1D580] =	vst v63  }
0x152: {  	_ =	swait.ge [sflag:s30], $0x4000  }
0x153: {  	[sflag:s30] =	ssyncset.done $0x0  }
0x154: {  	[sflag:s30] =	ssyncadd.s32 $0xFFFFC000  }
0x155: {  	_ =	swait.ge [sflag:s0], $0x80  }
0x156: {  	[sflag:s0] =	ssyncset.done $0x0  }
0x157: {  	s2 =	simm.s32 $0x900;
	[sflag:s0] =	ssyncadd.s32 $0xFFFFFF80  }
0x158: {  	[spmem:s5] =	stream.indirect.scatter.add.f32 [tilespmem:s22], [sflag:$0x3], $0x1, s2, s28, $0xb8;
	[tilespmem:$0x1D580] =	vst v63  }
0x159: {  	_ = 	snop  }
0x15a: {  	[spmem:s4] =	stream.indirect.scatter.add.f32 [tilespmem:s25], [sflag:$0x4], $0x80, s2, s28, $0xb8;
	[tilespmem:$0x1D580] =	vst v63  }
0x15b: {  	_ =	swait.ge [sflag:s23], $0x4000  }
0x15c: {  	[sflag:s23] =	ssyncset.done $0x0  }
0x15d: {  	s2 =	rddreg [dreg:$0x9];
	[sflag:s23] =	ssyncadd.s32 $0xFFFFC000  }
0x15e: {  	[tilespmem:s25], [sflag:$0x1] =	stream.indirect.gather [hbm4b:s1+s28], $0x80, s2, s28, $0xb8;
	[tilespmem:$0x1D580] =	vst v63  }
0x15f: {  	_ =	swait.ge [sflag:s3], $0x4000  }
0x160: {  	[sflag:s3] =	ssyncset.done $0x0  }
0x161: {  	[sflag:s3] =	ssyncadd.s32 $0xFFFFC000  }
0x162: {  	_ =	swait.ge [sflag:s0], $0x80  }
0x163: {  	[sflag:s0] =	ssyncset.done $0x0  }
0x164: {  	[sflag:s0] =	ssyncadd.s32 $0xFFFFFF80  }
0x165: {  	[spmem:s5] =	stream.indirect.scatter.add.f32 [tilespmem:s22], [sflag:$0x3], $0x1, s8, s28, $0xb8;
	[tilespmem:$0x1D580] =	vst v63  }
0x166: {  	_ = 	snop  }
0x167: {  	[spmem:s4] =	stream.indirect.scatter.add.f32 [tilespmem:s29], [sflag:$0x4], $0x80, s8, s28, $0xb8;
	[tilespmem:$0x1D580] =	vst v63  }
0x168: {  	_ =	swait.ge [sflag:s23], $0x4000  }
0x169: {  	[sflag:s23] =	ssyncset.done $0x0  }
0x16a: {  	s2 =	rddreg [dreg:$0xa];
	[sflag:s23] =	ssyncadd.s32 $0xFFFFC000  }
0x16b: {  	[tilespmem:s29], [sflag:$0x2] =	stream.indirect.gather [hbm4b:s1+s28], $0x80, s2, s28, $0xb8;
	[tilespmem:$0x1D580] =	vst v63  }
0x16c: {  	_ =	swait.ge [sflag:s30], $0x4000  }
0x16d: {  	[sflag:s30] =	ssyncset.done $0x0  }
0x16e: {  	[sflag:s30] =	ssyncadd.s32 $0xFFFFC000  }
0x16f: {  	_ =	swait.ge [sflag:s0], $0x80  }
0x170: {  	[sflag:s0] =	ssyncset.done $0x0  }
0x171: {  	[sflag:s0] =	ssyncadd.s32 $0xFFFFFF80  }
0x172: {  	[spmem:s5] =	stream.indirect.scatter.add.f32 [tilespmem:s22], [sflag:$0x3], $0x1, s15, s28, $0xb8;
	[tilespmem:$0x1D580] =	vst v63  }
0x173: {  	_ = 	snop  }
0x174: {  	[spmem:s4] =	stream.indirect.scatter.add.f32 [tilespmem:s25], [sflag:$0x4], $0x80, s15, s28, $0xb8;
	[tilespmem:$0x1D580] =	vst v63  }
0x175: {  	_ =	swait.ge [sflag:s23], $0x4000  }
0x176: {  	[sflag:s23] =	ssyncset.done $0x0  }
0x177: {  	s2 =	rddreg [dreg:$0xb];
	[sflag:s23] =	ssyncadd.s32 $0xFFFFC000  }
0x178: {  	[tilespmem:s25], [sflag:$0x1] =	stream.indirect.gather [hbm4b:s1+s28], $0x80, s2, s28, $0xb8;
	[tilespmem:$0x1D580] =	vst v63  }
0x179: {  	_ =	swait.ge [sflag:s3], $0x4000  }
0x17a: {  	[sflag:s3] =	ssyncset.done $0x0  }
0x17b: {  	[sflag:s3] =	ssyncadd.s32 $0xFFFFC000  }
0x17c: {  	_ =	swait.ge [sflag:s0], $0x80  }
0x17d: {  	[sflag:s0] =	ssyncset.done $0x0  }
0x17e: {  	[sflag:s0] =	ssyncadd.s32 $0xFFFFFF80  }
0x17f: {  	[spmem:s5] =	stream.indirect.scatter.add.f32 [tilespmem:s22], [sflag:$0x3], $0x1, s16, s28, $0xb8;
	[tilespmem:$0x1D580] =	vst v63  }
0x180: {  	_ = 	snop  }
0x181: {  	[spmem:s4] =	stream.indirect.scatter.add.f32 [tilespmem:s29], [sflag:$0x4], $0x80, s16, s28, $0xb8;
	[tilespmem:$0x1D580] =	vst v63  }
0x182: {  	_ =	swait.ge [sflag:s23], $0x4000  }
0x183: {  	[sflag:s23] =	ssyncset.done $0x0  }
0x184: {  	s2 =	rddreg [dreg:$0xc];
	[sflag:s23] =	ssyncadd.s32 $0xFFFFC000  }
0x185: {  	[tilespmem:s29], [sflag:$0x2] =	stream.indirect.gather [hbm4b:s1+s28], $0x80, s2, s28, $0xb8;
	[tilespmem:$0x1D580] =	vst v63  }
0x186: {  	_ =	swait.ge [sflag:s30], $0x4000  }
0x187: {  	[sflag:s30] =	ssyncset.done $0x0  }
0x188: {  	[sflag:s30] =	ssyncadd.s32 $0xFFFFC000  }
0x189: {  	_ =	swait.ge [sflag:s0], $0x80  }
0x18a: {  	[sflag:s0] =	ssyncset.done $0x0  }
0x18b: {  	[sflag:s0] =	ssyncadd.s32 $0xFFFFFF80  }
0x18c: {  	[spmem:s5] =	stream.indirect.scatter.add.f32 [tilespmem:s22], [sflag:$0x3], $0x1, s17, s28, $0xb8;
	[tilespmem:$0x1D580] =	vst v63  }
0x18d: {  	_ = 	snop  }
0x18e: {  	[spmem:s4] =	stream.indirect.scatter.add.f32 [tilespmem:s25], [sflag:$0x4], $0x80, s17, s28, $0xb8;
	[tilespmem:$0x1D580] =	vst v63  }
0x18f: {  	_ =	swait.ge [sflag:s23], $0x4000  }
0x190: {  	[sflag:s23] =	ssyncset.done $0x0  }
0x191: {  	s2 =	rddreg [dreg:$0xd];
	[sflag:s23] =	ssyncadd.s32 $0xFFFFC000  }
0x192: {  	[tilespmem:s25], [sflag:$0x1] =	stream.indirect.gather [hbm4b:s1+s28], $0x80, s2, s28, $0xb8;
	[tilespmem:$0x1D580] =	vst v63  }
0x193: {  	_ =	swait.ge [sflag:s3], $0x4000  }
0x194: {  	[sflag:s3] =	ssyncset.done $0x0  }
0x195: {  	[sflag:s3] =	ssyncadd.s32 $0xFFFFC000  }
0x196: {  	_ =	swait.ge [sflag:s0], $0x80  }
0x197: {  	[sflag:s0] =	ssyncset.done $0x0  }
0x198: {  	[sflag:s0] =	ssyncadd.s32 $0xFFFFFF80  }
0x199: {  	[spmem:s5] =	stream.indirect.scatter.add.f32 [tilespmem:s22], [sflag:$0x3], $0x1, s18, s28, $0xb8;
	[tilespmem:$0x1D580] =	vst v63  }
0x19a: {  	_ = 	snop  }
0x19b: {  	[spmem:s4] =	stream.indirect.scatter.add.f32 [tilespmem:s29], [sflag:$0x4], $0x80, s18, s28, $0xb8;
	[tilespmem:$0x1D580] =	vst v63  }
0x19c: {  	_ =	swait.ge [sflag:s23], $0x4000  }
0x19d: {  	[sflag:s23] =	ssyncset.done $0x0  }
0x19e: {  	s2 =	rddreg [dreg:$0xe];
	[sflag:s23] =	ssyncadd.s32 $0xFFFFC000  }
0x19f: {  	[tilespmem:s29], [sflag:$0x2] =	stream.indirect.gather [hbm4b:s1+s28], $0x80, s2, s28, $0xb8;
	[tilespmem:$0x1D580] =	vst v63  }
0x1a0: {  	_ =	swait.ge [sflag:s30], $0x4000  }
0x1a1: {  	[sflag:s30] =	ssyncset.done $0x0  }
0x1a2: {  	[sflag:s30] =	ssyncadd.s32 $0xFFFFC000  }
0x1a3: {  	_ =	swait.ge [sflag:s0], $0x80  }
0x1a4: {  	[sflag:s0] =	ssyncset.done $0x0  }
0x1a5: {  	[sflag:s0] =	ssyncadd.s32 $0xFFFFFF80  }
0x1a6: {  	[spmem:s5] =	stream.indirect.scatter.add.f32 [tilespmem:s22], [sflag:$0x3], $0x1, s19, s28, $0xb8;
	[tilespmem:$0x1D580] =	vst v63  }
0x1a7: {  	_ = 	snop  }
0x1a8: {  	[spmem:s4] =	stream.indirect.scatter.add.f32 [tilespmem:s25], [sflag:$0x4], $0x80, s19, s28, $0xb8;
	[tilespmem:$0x1D580] =	vst v63  }
0x1a9: {  	_ =	swait.ge [sflag:s23], $0x4000  }
0x1aa: {  	[sflag:s23] =	ssyncset.done $0x0  }
0x1ab: {  	s2 =	rddreg [dreg:$0xf];
	[sflag:s23] =	ssyncadd.s32 $0xFFFFC000  }
0x1ac: {  	[tilespmem:s25], [sflag:$0x1] =	stream.indirect.gather [hbm4b:s1+s28], $0x80, s2, s28, $0xb8;
	[tilespmem:$0x1D580] =	vst v63  }
0x1ad: {  	_ =	swait.ge [sflag:s3], $0x4000  }
0x1ae: {  	[sflag:s3] =	ssyncset.done $0x0  }
0x1af: {  	[sflag:s3] =	ssyncadd.s32 $0xFFFFC000  }
0x1b0: {  	_ =	swait.ge [sflag:s0], $0x80  }
0x1b1: {  	[sflag:s0] =	ssyncset.done $0x0  }
0x1b2: {  	[sflag:s0] =	ssyncadd.s32 $0xFFFFFF80  }
0x1b3: {  	[spmem:s5] =	stream.indirect.scatter.add.f32 [tilespmem:s22], [sflag:$0x3], $0x1, s20, s28, $0xb8;
	[tilespmem:$0x1D580] =	vst v63  }
0x1b4: {  	_ = 	snop  }
0x1b5: {  	[spmem:s4] =	stream.indirect.scatter.add.f32 [tilespmem:s29], [sflag:$0x4], $0x80, s20, s28, $0xb8;
	[tilespmem:$0x1D580] =	vst v63  }
0x1b6: {  	_ =	swait.ge [sflag:s23], $0x4000  }
0x1b7: {  	[sflag:s23] =	ssyncset.done $0x0  }
0x1b8: {  	s2 =	rddreg [dreg:$0x10];
	[sflag:s23] =	ssyncadd.s32 $0xFFFFC000  }
0x1b9: {  	[tilespmem:s29], [sflag:$0x2] =	stream.indirect.gather [hbm4b:s1+s28], $0x80, s2, s28, $0xb8;
	[tilespmem:$0x1D580] =	vst v63  }
0x1ba: {  	_ =	swait.ge [sflag:s30], $0x4000  }
0x1bb: {  	[sflag:s30] =	ssyncset.done $0x0  }
0x1bc: {  	[sflag:s30] =	ssyncadd.s32 $0xFFFFC000  }
0x1bd: {  	_ =	swait.ge [sflag:s0], $0x80  }
0x1be: {  	[sflag:s0] =	ssyncset.done $0x0  }
0x1bf: {  	[sflag:s0] =	ssyncadd.s32 $0xFFFFFF80  }
0x1c0: {  	[spmem:s5] =	stream.indirect.scatter.add.f32 [tilespmem:s22], [sflag:$0x3], $0x1, s21, s28, $0xb8;
	[tilespmem:$0x1D580] =	vst v63  }
0x1c1: {  	_ = 	snop  }
0x1c2: {  	[spmem:s4] =	stream.indirect.scatter.add.f32 [tilespmem:s25], [sflag:$0x4], $0x80, s21, s28, $0xb8;
	[tilespmem:$0x1D580] =	vst v63  }
0x1c3: {  	_ =	swait.ge [sflag:s23], $0x4000  }
0x1c4: {  	[sflag:s23] =	ssyncset.done $0x0  }
0x1c5: {  	s2 =	rddreg [dreg:$0x11];
	[sflag:s23] =	ssyncadd.s32 $0xFFFFC000  }
0x1c6: {  	[tilespmem:s25], [sflag:$0x1] =	stream.indirect.gather [hbm4b:s1+s28], $0x80, s2, s28, $0xb8;
	[tilespmem:$0x1D580] =	vst v63  }
0x1c7: {  	_ =	swait.ge [sflag:s3], $0x4000  }
0x1c8: {  	[sflag:s3] =	ssyncset.done $0x0  }
0x1c9: {  	[sflag:s3] =	ssyncadd.s32 $0xFFFFC000  }
0x1ca: {  	_ =	swait.ge [sflag:s0], $0x80  }
0x1cb: {  	[sflag:s0] =	ssyncset.done $0x0  }
0x1cc: {  	[sflag:s0] =	ssyncadd.s32 $0xFFFFFF80  }
0x1cd: {  	[spmem:s5] =	stream.indirect.scatter.add.f32 [tilespmem:s22], [sflag:$0x3], $0x1, s9, s28, $0xb8;
	[tilespmem:$0x1D580] =	vst v63  }
0x1ce: {  	_ = 	snop  }
0x1cf: {  	[spmem:s4] =	stream.indirect.scatter.add.f32 [tilespmem:s29], [sflag:$0x4], $0x80, s9, s28, $0xb8;
	[tilespmem:$0x1D580] =	vst v63  }
0x1d0: {  	_ =	swait.ge [sflag:s23], $0x4000  }
0x1d1: {  	[sflag:s23] =	ssyncset.done $0x0  }
0x1d2: {  	s2 =	rddreg [dreg:$0x12];
	[sflag:s23] =	ssyncadd.s32 $0xFFFFC000  }
0x1d3: {  	[tilespmem:s29], [sflag:$0x2] =	stream.indirect.gather [hbm4b:s1+s28], $0x80, s2, s28, $0xb8;
	[tilespmem:$0x1D580] =	vst v63  }
0x1d4: {  	_ =	swait.ge [sflag:s30], $0x4000  }
0x1d5: {  	[sflag:s30] =	ssyncset.done $0x0  }
0x1d6: {  	[sflag:s30] =	ssyncadd.s32 $0xFFFFC000  }
0x1d7: {  	_ =	swait.ge [sflag:s0], $0x80  }
0x1d8: {  	[sflag:s0] =	ssyncset.done $0x0  }
0x1d9: {  	[sflag:s0] =	ssyncadd.s32 $0xFFFFFF80  }
0x1da: {  	[spmem:s5] =	stream.indirect.scatter.add.f32 [tilespmem:s22], [sflag:$0x3], $0x1, s10, s28, $0xb8;
	[tilespmem:$0x1D580] =	vst v63  }
0x1db: {  	_ = 	snop  }
0x1dc: {  	[spmem:s4] =	stream.indirect.scatter.add.f32 [tilespmem:s25], [sflag:$0x4], $0x80, s10, s28, $0xb8;
	[tilespmem:$0x1D580] =	vst v63  }
0x1dd: {  	_ =	swait.ge [sflag:s23], $0x4000  }
0x1de: {  	[sflag:s23] =	ssyncset.done $0x0  }
0x1df: {  	s2 =	rddreg [dreg:$0x13];
	[sflag:s23] =	ssyncadd.s32 $0xFFFFC000  }
0x1e0: {  	[tilespmem:s25], [sflag:$0x1] =	stream.indirect.gather [hbm4b:s1+s28], $0x80, s2, s28, $0xb8;
	[tilespmem:$0x1D580] =	vst v63  }
0x1e1: {  	_ =	swait.ge [sflag:s3], $0x4000  }
0x1e2: {  	[sflag:s3] =	ssyncset.done $0x0  }
0x1e3: {  	[sflag:s3] =	ssyncadd.s32 $0xFFFFC000  }
0x1e4: {  	_ =	swait.ge [sflag:s0], $0x80  }
0x1e5: {  	[sflag:s0] =	ssyncset.done $0x0  }
0x1e6: {  	[sflag:s0] =	ssyncadd.s32 $0xFFFFFF80  }
0x1e7: {  	[spmem:s5] =	stream.indirect.scatter.add.f32 [tilespmem:s22], [sflag:$0x3], $0x1, s11, s28, $0xb8;
	[tilespmem:$0x1D580] =	vst v63  }
0x1e8: {  	_ = 	snop  }
0x1e9: {  	[spmem:s4] =	stream.indirect.scatter.add.f32 [tilespmem:s29], [sflag:$0x4], $0x80, s11, s28, $0xb8;
	[tilespmem:$0x1D580] =	vst v63  }
0x1ea: {  	_ =	swait.ge [sflag:s23], $0x4000  }
0x1eb: {  	[sflag:s23] =	ssyncset.done $0x0  }
0x1ec: {  	s2 =	rddreg [dreg:$0x14];
	[sflag:s23] =	ssyncadd.s32 $0xFFFFC000  }
0x1ed: {  	[tilespmem:s29], [sflag:$0x2] =	stream.indirect.gather [hbm4b:s1+s28], $0x80, s2, s28, $0xb8;
	[tilespmem:$0x1D580] =	vst v63  }
0x1ee: {  	_ =	swait.ge [sflag:s30], $0x4000  }
0x1ef: {  	[sflag:s30] =	ssyncset.done $0x0  }
0x1f0: {  	[sflag:s30] =	ssyncadd.s32 $0xFFFFC000  }
0x1f1: {  	_ =	swait.ge [sflag:s0], $0x80  }
0x1f2: {  	[sflag:s0] =	ssyncset.done $0x0  }
0x1f3: {  	[sflag:s0] =	ssyncadd.s32 $0xFFFFFF80  }
0x1f4: {  	[spmem:s5] =	stream.indirect.scatter.add.f32 [tilespmem:s22], [sflag:$0x3], $0x1, s12, s28, $0xb8;
	[tilespmem:$0x1D580] =	vst v63  }
0x1f5: {  	_ = 	snop  }
0x1f6: {  	[spmem:s4] =	stream.indirect.scatter.add.f32 [tilespmem:s25], [sflag:$0x4], $0x80, s12, s28, $0xb8;
	[tilespmem:$0x1D580] =	vst v63  }
0x1f7: {  	_ =	swait.ge [sflag:s23], $0x4000  }
0x1f8: {  	[sflag:s23] =	ssyncset.done $0x0  }
0x1f9: {  	[sflag:s23] =	ssyncadd.s32 $0xFFFFC000  }
0x1fa: {  	_ =	swait.ge [sflag:s3], $0x4000  }
0x1fb: {  	[sflag:s3] =	ssyncset.done $0x0  }
0x1fc: {  	[sflag:s3] =	ssyncadd.s32 $0xFFFFC000  }
0x1fd: {  	_ =	swait.ge [sflag:s0], $0x80  }
0x1fe: {  	[sflag:s0] =	ssyncset.done $0x0  }
0x1ff: {  	[sflag:s0] =	ssyncadd.s32 $0xFFFFFF80  }
0x200: {  	[spmem:s5] =	stream.indirect.scatter.add.f32 [tilespmem:s22], [sflag:$0x3], $0x1, s13, s28, $0xb8;
	[tilespmem:$0x1D580] =	vst v63  }
0x201: {  	p0 =	sne.s32 s14, $0x400  }
0x202: {  	[spmem:s4] =	stream.indirect.scatter.add.f32 [tilespmem:s29], [sflag:$0x4], $0x80, s13, s28, $0xb8;
	[tilespmem:$0x1D580] =	vst v63  }
.Ltmp0:
0x203: {  	_ =	swait.ge [sflag:s23], $0x4000;
	(pc) =	sbr.rel @p0 .LBB2_2-.Ltmp0, $4  }
0x204: {  	[sflag:s23] =	ssyncset.done $0x0  }
0x205: {  	[sflag:s23] =	ssyncadd.s32 $0xFFFFC000  }
0x206: {  	_ =	swait.ge [sflag:s0], $0x80  }
0x207: {  	s14 =	sadd.s32 $0x100, s14;
	s31 =	rddreg [dreg:$0x7];
	[sflag:s0] =	ssyncset.done $0x0  }
0x208: {  	[sflag:s0] =	ssyncadd.s32 $0xFFFFFF80;
	s2 =	sadd.s32 s24, s31  }
0x209: {  	[tilespmem:s6], [sflag:$0x4] =	stream.linear.gather [hbm4b:s2+s6], $0x800, $0x38;
	[tilespmem:$0x1D580] =	vst v63  }
0x20a: {  	_ =	swait.ge [sflag:s23], $0x800  }
0x20b: {  	s7 =	rddreg [dreg:$0x6];
	[sflag:s23] =	ssyncset.done $0x0  }
0x20c: {  	s2 =	sadd.s32 s24, s7;
	[sflag:s23] =	ssyncadd.s32 $0xFFFFF800  }
0x20d: {  	[tilespmem:s26], [sflag:$0x4] =	stream.linear.gather [hbm4b:s2+s6], $0x800, $0x38;
	[tilespmem:$0x1D580] =	vst v63  }
0x20e: {  	_ =	swait.ge [sflag:s23], $0x800  }
0x20f: {  	[sflag:s23] =	ssyncset.done $0x0  }
0x210: {  	[sflag:s23] =	ssyncadd.s32 $0xFFFFF800  }
0x211: {  	[tilespmem:s25], [sflag:$0x1] =	stream.indirect.gather [hbm4b:s1+s28], $0x80, s6, s28, $0xb8;
	[tilespmem:$0x1D580] =	vst v63  }
0x212: {  	_ = 	snop  }
0x213: {  	[tilespmem:s29], [sflag:$0x2] =	stream.indirect.gather [hbm4b:s1+s28], $0x80, s28, s28, $0xb8;
	[tilespmem:$0x1D580] =	vst v63  }
0x214: {  	_ =	swait.ge [sflag:s30], $0x4000  }
0x215: {  	[sflag:s30] =	ssyncset.done $0x0  }
0x216: {  	[sflag:s30] =	ssyncadd.s32 $0xFFFFC000  }
0x217: {  	[spmem:s5] =	stream.indirect.scatter.add.f32 [tilespmem:s22], [sflag:$0x3], $0x1, s26, s28, $0xb8;
	[tilespmem:$0x1D580] =	vst v63  }
0x218: {  	_ = 	snop  }
0x219: {  	[spmem:s4] =	stream.indirect.scatter.add.f32 [tilespmem:s25], [sflag:$0x4], $0x80, s26, s28, $0xb8;
	[tilespmem:$0x1D580] =	vst v63  }
0x21a: {  	_ =	swait.ge [sflag:s23], $0x4000  }
0x21b: {  	[sflag:s23] =	ssyncset.done $0x0  }
0x21c: {  	s24 =	simm.s32 $0x100;
	[sflag:s23] =	ssyncadd.s32 $0xFFFFC000  }
0x21d: {  	[tilespmem:s25], [sflag:$0x1] =	stream.indirect.gather [hbm4b:s1+s28], $0x80, s24, s28, $0xb8;
	[tilespmem:$0x1D580] =	vst v63  }
0x21e: {  	_ =	swait.ge [sflag:s3], $0x4000  }
0x21f: {  	[sflag:s3] =	ssyncset.done $0x0  }
0x220: {  	[sflag:s3] =	ssyncadd.s32 $0xFFFFC000  }
0x221: {  	_ =	swait.ge [sflag:s0], $0x80  }
0x222: {  	[sflag:s0] =	ssyncset.done $0x0  }
0x223: {  	s14 =	simm.s32 $0x880;
	[sflag:s0] =	ssyncadd.s32 $0xFFFFFF80  }
0x224: {  	[spmem:s5] =	stream.indirect.scatter.add.f32 [tilespmem:s22], [sflag:$0x3], $0x1, s14, s28, $0xb8;
	[tilespmem:$0x1D580] =	vst v63  }
0x225: {  	_ = 	snop  }
0x226: {  	[spmem:s4] =	stream.indirect.scatter.add.f32 [tilespmem:s29], [sflag:$0x4], $0x80, s14, s28, $0xb8;
	[tilespmem:$0x1D580] =	vst v63  }
0x227: {  	_ =	swait.ge [sflag:s23], $0x4000  }
0x228: {  	[sflag:s23] =	ssyncset.done $0x0  }
0x229: {  	s7 =	rddreg [dreg:$0x8];
	[sflag:s23] =	ssyncadd.s32 $0xFFFFC000  }
0x22a: {  	[tilespmem:s29], [sflag:$0x2] =	stream.indirect.gather [hbm4b:s1+s28], $0x80, s7, s28, $0xb8;
	[tilespmem:$0x1D580] =	vst v63  }
0x22b: {  	_ =	swait.ge [sflag:s30], $0x4000  }
0x22c: {  	[sflag:s30] =	ssyncset.done $0x0  }
0x22d: {  	[sflag:s30] =	ssyncadd.s32 $0xFFFFC000  }
0x22e: {  	_ =	swait.ge [sflag:s0], $0x80  }
0x22f: {  	[sflag:s0] =	ssyncset.done $0x0  }
0x230: {  	s14 =	simm.s32 $0x900;
	[sflag:s0] =	ssyncadd.s32 $0xFFFFFF80  }
0x231: {  	[spmem:s5] =	stream.indirect.scatter.add.f32 [tilespmem:s22], [sflag:$0x3], $0x1, s14, s28, $0xb8;
	[tilespmem:$0x1D580] =	vst v63  }
0x232: {  	_ = 	snop  }
0x233: {  	[spmem:s4] =	stream.indirect.scatter.add.f32 [tilespmem:s25], [sflag:$0x4], $0x80, s14, s28, $0xb8;
	[tilespmem:$0x1D580] =	vst v63  }
0x234: {  	_ =	swait.ge [sflag:s23], $0x4000  }
0x235: {  	[sflag:s23] =	ssyncset.done $0x0  }
0x236: {  	s7 =	rddreg [dreg:$0x9];
	[sflag:s23] =	ssyncadd.s32 $0xFFFFC000  }
0x237: {  	[tilespmem:s25], [sflag:$0x1] =	stream.indirect.gather [hbm4b:s1+s28], $0x80, s7, s28, $0xb8;
	[tilespmem:$0x1D580] =	vst v63  }
0x238: {  	_ =	swait.ge [sflag:s3], $0x4000  }
0x239: {  	[sflag:s3] =	ssyncset.done $0x0  }
0x23a: {  	[sflag:s3] =	ssyncadd.s32 $0xFFFFC000  }
0x23b: {  	_ =	swait.ge [sflag:s0], $0x80  }
0x23c: {  	[sflag:s0] =	ssyncset.done $0x0  }
0x23d: {  	[sflag:s0] =	ssyncadd.s32 $0xFFFFFF80  }
0x23e: {  	[spmem:s5] =	stream.indirect.scatter.add.f32 [tilespmem:s22], [sflag:$0x3], $0x1, s8, s28, $0xb8;
	[tilespmem:$0x1D580] =	vst v63  }
0x23f: {  	_ = 	snop  }
0x240: {  	[spmem:s4] =	stream.indirect.scatter.add.f32 [tilespmem:s29], [sflag:$0x4], $0x80, s8, s28, $0xb8;
	[tilespmem:$0x1D580] =	vst v63  }
0x241: {  	_ =	swait.ge [sflag:s23], $0x4000  }
0x242: {  	[sflag:s23] =	ssyncset.done $0x0  }
0x243: {  	s14 =	rddreg [dreg:$0xa];
	[sflag:s23] =	ssyncadd.s32 $0xFFFFC000  }
0x244: {  	[tilespmem:s29], [sflag:$0x2] =	stream.indirect.gather [hbm4b:s1+s28], $0x80, s14, s28, $0xb8;
	[tilespmem:$0x1D580] =	vst v63  }
0x245: {  	_ =	swait.ge [sflag:s30], $0x4000  }
0x246: {  	[sflag:s30] =	ssyncset.done $0x0  }
0x247: {  	[sflag:s30] =	ssyncadd.s32 $0xFFFFC000  }
0x248: {  	_ =	swait.ge [sflag:s0], $0x80  }
0x249: {  	[sflag:s0] =	ssyncset.done $0x0  }
0x24a: {  	[sflag:s0] =	ssyncadd.s32 $0xFFFFFF80  }
0x24b: {  	[spmem:s5] =	stream.indirect.scatter.add.f32 [tilespmem:s22], [sflag:$0x3], $0x1, s15, s28, $0xb8;
	[tilespmem:$0x1D580] =	vst v63  }
0x24c: {  	_ = 	snop  }
0x24d: {  	[spmem:s4] =	stream.indirect.scatter.add.f32 [tilespmem:s25], [sflag:$0x4], $0x80, s15, s28, $0xb8;
	[tilespmem:$0x1D580] =	vst v63  }
0x24e: {  	_ =	swait.ge [sflag:s23], $0x4000  }
0x24f: {  	[sflag:s23] =	ssyncset.done $0x0  }
0x250: {  	s7 =	rddreg [dreg:$0xb];
	[sflag:s23] =	ssyncadd.s32 $0xFFFFC000  }
0x251: {  	[tilespmem:s25], [sflag:$0x1] =	stream.indirect.gather [hbm4b:s1+s28], $0x80, s7, s28, $0xb8;
	[tilespmem:$0x1D580] =	vst v63  }
0x252: {  	_ =	swait.ge [sflag:s3], $0x4000  }
0x253: {  	[sflag:s3] =	ssyncset.done $0x0  }
0x254: {  	[sflag:s3] =	ssyncadd.s32 $0xFFFFC000  }
0x255: {  	_ =	swait.ge [sflag:s0], $0x80  }
0x256: {  	[sflag:s0] =	ssyncset.done $0x0  }
0x257: {  	[sflag:s0] =	ssyncadd.s32 $0xFFFFFF80  }
0x258: {  	[spmem:s5] =	stream.indirect.scatter.add.f32 [tilespmem:s22], [sflag:$0x3], $0x1, s16, s28, $0xb8;
	[tilespmem:$0x1D580] =	vst v63  }
0x259: {  	_ = 	snop  }
0x25a: {  	[spmem:s4] =	stream.indirect.scatter.add.f32 [tilespmem:s29], [sflag:$0x4], $0x80, s16, s28, $0xb8;
	[tilespmem:$0x1D580] =	vst v63  }
0x25b: {  	_ =	swait.ge [sflag:s23], $0x4000  }
0x25c: {  	[sflag:s23] =	ssyncset.done $0x0  }
0x25d: {  	s14 =	rddreg [dreg:$0xc];
	[sflag:s23] =	ssyncadd.s32 $0xFFFFC000  }
0x25e: {  	[tilespmem:s29], [sflag:$0x2] =	stream.indirect.gather [hbm4b:s1+s28], $0x80, s14, s28, $0xb8;
	[tilespmem:$0x1D580] =	vst v63  }
0x25f: {  	_ =	swait.ge [sflag:s30], $0x4000  }
0x260: {  	[sflag:s30] =	ssyncset.done $0x0  }
0x261: {  	[sflag:s30] =	ssyncadd.s32 $0xFFFFC000  }
0x262: {  	_ =	swait.ge [sflag:s0], $0x80  }
0x263: {  	[sflag:s0] =	ssyncset.done $0x0  }
0x264: {  	[sflag:s0] =	ssyncadd.s32 $0xFFFFFF80  }
0x265: {  	[spmem:s5] =	stream.indirect.scatter.add.f32 [tilespmem:s22], [sflag:$0x3], $0x1, s17, s28, $0xb8;
	[tilespmem:$0x1D580] =	vst v63  }
0x266: {  	_ = 	snop  }
0x267: {  	[spmem:s4] =	stream.indirect.scatter.add.f32 [tilespmem:s25], [sflag:$0x4], $0x80, s17, s28, $0xb8;
	[tilespmem:$0x1D580] =	vst v63  }
0x268: {  	_ =	swait.ge [sflag:s23], $0x4000  }
0x269: {  	[sflag:s23] =	ssyncset.done $0x0  }
0x26a: {  	s7 =	rddreg [dreg:$0xd];
	[sflag:s23] =	ssyncadd.s32 $0xFFFFC000  }
0x26b: {  	[tilespmem:s25], [sflag:$0x1] =	stream.indirect.gather [hbm4b:s1+s28], $0x80, s7, s28, $0xb8;
	[tilespmem:$0x1D580] =	vst v63  }
0x26c: {  	_ =	swait.ge [sflag:s3], $0x4000  }
0x26d: {  	[sflag:s3] =	ssyncset.done $0x0  }
0x26e: {  	[sflag:s3] =	ssyncadd.s32 $0xFFFFC000  }
0x26f: {  	_ =	swait.ge [sflag:s0], $0x80  }
0x270: {  	[sflag:s0] =	ssyncset.done $0x0  }
0x271: {  	[sflag:s0] =	ssyncadd.s32 $0xFFFFFF80  }
0x272: {  	[spmem:s5] =	stream.indirect.scatter.add.f32 [tilespmem:s22], [sflag:$0x3], $0x1, s18, s28, $0xb8;
	[tilespmem:$0x1D580] =	vst v63  }
0x273: {  	_ = 	snop  }
0x274: {  	[spmem:s4] =	stream.indirect.scatter.add.f32 [tilespmem:s29], [sflag:$0x4], $0x80, s18, s28, $0xb8;
	[tilespmem:$0x1D580] =	vst v63  }
0x275: {  	_ =	swait.ge [sflag:s23], $0x4000  }
0x276: {  	[sflag:s23] =	ssyncset.done $0x0  }
0x277: {  	s14 =	rddreg [dreg:$0xe];
	[sflag:s23] =	ssyncadd.s32 $0xFFFFC000  }
0x278: {  	[tilespmem:s29], [sflag:$0x2] =	stream.indirect.gather [hbm4b:s1+s28], $0x80, s14, s28, $0xb8;
	[tilespmem:$0x1D580] =	vst v63  }
0x279: {  	_ =	swait.ge [sflag:s30], $0x4000  }
0x27a: {  	[sflag:s30] =	ssyncset.done $0x0  }
0x27b: {  	[sflag:s30] =	ssyncadd.s32 $0xFFFFC000  }
0x27c: {  	_ =	swait.ge [sflag:s0], $0x80  }
0x27d: {  	[sflag:s0] =	ssyncset.done $0x0  }
0x27e: {  	[sflag:s0] =	ssyncadd.s32 $0xFFFFFF80  }
0x27f: {  	[spmem:s5] =	stream.indirect.scatter.add.f32 [tilespmem:s22], [sflag:$0x3], $0x1, s19, s28, $0xb8;
	[tilespmem:$0x1D580] =	vst v63  }
0x280: {  	_ = 	snop  }
0x281: {  	[spmem:s4] =	stream.indirect.scatter.add.f32 [tilespmem:s25], [sflag:$0x4], $0x80, s19, s28, $0xb8;
	[tilespmem:$0x1D580] =	vst v63  }
0x282: {  	_ =	swait.ge [sflag:s23], $0x4000  }
0x283: {  	[sflag:s23] =	ssyncset.done $0x0  }
0x284: {  	s7 =	rddreg [dreg:$0xf];
	[sflag:s23] =	ssyncadd.s32 $0xFFFFC000  }
0x285: {  	[tilespmem:s25], [sflag:$0x1] =	stream.indirect.gather [hbm4b:s1+s28], $0x80, s7, s28, $0xb8;
	[tilespmem:$0x1D580] =	vst v63  }
0x286: {  	_ =	swait.ge [sflag:s3], $0x4000  }
0x287: {  	[sflag:s3] =	ssyncset.done $0x0  }
0x288: {  	[sflag:s3] =	ssyncadd.s32 $0xFFFFC000  }
0x289: {  	_ =	swait.ge [sflag:s0], $0x80  }
0x28a: {  	[sflag:s0] =	ssyncset.done $0x0  }
0x28b: {  	[sflag:s0] =	ssyncadd.s32 $0xFFFFFF80  }
0x28c: {  	[spmem:s5] =	stream.indirect.scatter.add.f32 [tilespmem:s22], [sflag:$0x3], $0x1, s20, s28, $0xb8;
	[tilespmem:$0x1D580] =	vst v63  }
0x28d: {  	_ = 	snop  }
0x28e: {  	[spmem:s4] =	stream.indirect.scatter.add.f32 [tilespmem:s29], [sflag:$0x4], $0x80, s20, s28, $0xb8;
	[tilespmem:$0x1D580] =	vst v63  }
0x28f: {  	_ =	swait.ge [sflag:s23], $0x4000  }
0x290: {  	[sflag:s23] =	ssyncset.done $0x0  }
0x291: {  	s14 =	rddreg [dreg:$0x10];
	[sflag:s23] =	ssyncadd.s32 $0xFFFFC000  }
0x292: {  	[tilespmem:s29], [sflag:$0x2] =	stream.indirect.gather [hbm4b:s1+s28], $0x80, s14, s28, $0xb8;
	[tilespmem:$0x1D580] =	vst v63  }
0x293: {  	_ =	swait.ge [sflag:s30], $0x4000  }
0x294: {  	[sflag:s30] =	ssyncset.done $0x0  }
0x295: {  	[sflag:s30] =	ssyncadd.s32 $0xFFFFC000  }
0x296: {  	_ =	swait.ge [sflag:s0], $0x80  }
0x297: {  	[sflag:s0] =	ssyncset.done $0x0  }
0x298: {  	[sflag:s0] =	ssyncadd.s32 $0xFFFFFF80  }
0x299: {  	[spmem:s5] =	stream.indirect.scatter.add.f32 [tilespmem:s22], [sflag:$0x3], $0x1, s21, s28, $0xb8;
	[tilespmem:$0x1D580] =	vst v63  }
0x29a: {  	_ = 	snop  }
0x29b: {  	[spmem:s4] =	stream.indirect.scatter.add.f32 [tilespmem:s25], [sflag:$0x4], $0x80, s21, s28, $0xb8;
	[tilespmem:$0x1D580] =	vst v63  }
0x29c: {  	_ =	swait.ge [sflag:s23], $0x4000  }
0x29d: {  	[sflag:s23] =	ssyncset.done $0x0  }
0x29e: {  	s7 =	rddreg [dreg:$0x11];
	[sflag:s23] =	ssyncadd.s32 $0xFFFFC000  }
0x29f: {  	[tilespmem:s25], [sflag:$0x1] =	stream.indirect.gather [hbm4b:s1+s28], $0x80, s7, s28, $0xb8;
	[tilespmem:$0x1D580] =	vst v63  }
0x2a0: {  	_ =	swait.ge [sflag:s3], $0x4000  }
0x2a1: {  	[sflag:s3] =	ssyncset.done $0x0  }
0x2a2: {  	[sflag:s3] =	ssyncadd.s32 $0xFFFFC000  }
0x2a3: {  	_ =	swait.ge [sflag:s0], $0x80  }
0x2a4: {  	[sflag:s0] =	ssyncset.done $0x0  }
0x2a5: {  	[sflag:s0] =	ssyncadd.s32 $0xFFFFFF80  }
0x2a6: {  	[spmem:s5] =	stream.indirect.scatter.add.f32 [tilespmem:s22], [sflag:$0x3], $0x1, s9, s28, $0xb8;
	[tilespmem:$0x1D580] =	vst v63  }
0x2a7: {  	_ = 	snop  }
0x2a8: {  	[spmem:s4] =	stream.indirect.scatter.add.f32 [tilespmem:s29], [sflag:$0x4], $0x80, s9, s28, $0xb8;
	[tilespmem:$0x1D580] =	vst v63  }
0x2a9: {  	_ =	swait.ge [sflag:s23], $0x4000  }
0x2aa: {  	[sflag:s23] =	ssyncset.done $0x0  }
0x2ab: {  	s14 =	rddreg [dreg:$0x12];
	[sflag:s23] =	ssyncadd.s32 $0xFFFFC000  }
0x2ac: {  	[tilespmem:s29], [sflag:$0x2] =	stream.indirect.gather [hbm4b:s1+s28], $0x80, s14, s28, $0xb8;
	[tilespmem:$0x1D580] =	vst v63  }
0x2ad: {  	_ =	swait.ge [sflag:s30], $0x4000  }
0x2ae: {  	[sflag:s30] =	ssyncset.done $0x0  }
0x2af: {  	[sflag:s30] =	ssyncadd.s32 $0xFFFFC000  }
0x2b0: {  	_ =	swait.ge [sflag:s0], $0x80  }
0x2b1: {  	[sflag:s0] =	ssyncset.done $0x0  }
0x2b2: {  	[sflag:s0] =	ssyncadd.s32 $0xFFFFFF80  }
0x2b3: {  	[spmem:s5] =	stream.indirect.scatter.add.f32 [tilespmem:s22], [sflag:$0x3], $0x1, s10, s28, $0xb8;
	[tilespmem:$0x1D580] =	vst v63  }
0x2b4: {  	_ = 	snop  }
0x2b5: {  	[spmem:s4] =	stream.indirect.scatter.add.f32 [tilespmem:s25], [sflag:$0x4], $0x80, s10, s28, $0xb8;
	[tilespmem:$0x1D580] =	vst v63  }
0x2b6: {  	_ =	swait.ge [sflag:s23], $0x4000  }
0x2b7: {  	[sflag:s23] =	ssyncset.done $0x0  }
0x2b8: {  	s7 =	rddreg [dreg:$0x13];
	[sflag:s23] =	ssyncadd.s32 $0xFFFFC000  }
0x2b9: {  	[tilespmem:s25], [sflag:$0x1] =	stream.indirect.gather [hbm4b:s1+s28], $0x80, s7, s28, $0xb8;
	[tilespmem:$0x1D580] =	vst v63  }
0x2ba: {  	_ =	swait.ge [sflag:s3], $0x4000  }
0x2bb: {  	[sflag:s3] =	ssyncset.done $0x0  }
0x2bc: {  	[sflag:s3] =	ssyncadd.s32 $0xFFFFC000  }
0x2bd: {  	_ =	swait.ge [sflag:s0], $0x80  }
0x2be: {  	[sflag:s0] =	ssyncset.done $0x0  }
0x2bf: {  	[sflag:s0] =	ssyncadd.s32 $0xFFFFFF80  }
0x2c0: {  	[spmem:s5] =	stream.indirect.scatter.add.f32 [tilespmem:s22], [sflag:$0x3], $0x1, s11, s28, $0xb8;
	[tilespmem:$0x1D580] =	vst v63  }
0x2c1: {  	_ = 	snop  }
0x2c2: {  	[spmem:s4] =	stream.indirect.scatter.add.f32 [tilespmem:s29], [sflag:$0x4], $0x80, s11, s28, $0xb8;
	[tilespmem:$0x1D580] =	vst v63  }
0x2c3: {  	_ =	swait.ge [sflag:s23], $0x4000  }
0x2c4: {  	[sflag:s23] =	ssyncset.done $0x0  }
0x2c5: {  	s14 =	rddreg [dreg:$0x14];
	[sflag:s23] =	ssyncadd.s32 $0xFFFFC000  }
0x2c6: {  	[tilespmem:s29], [sflag:$0x2] =	stream.indirect.gather [hbm4b:s1+s28], $0x80, s14, s28, $0xb8;
	[tilespmem:$0x1D580] =	vst v63  }
0x2c7: {  	_ =	swait.ge [sflag:s30], $0x4000  }
0x2c8: {  	[sflag:s30] =	ssyncset.done $0x0  }
0x2c9: {  	[sflag:s30] =	ssyncadd.s32 $0xFFFFC000  }
0x2ca: {  	_ =	swait.ge [sflag:s0], $0x80  }
0x2cb: {  	[sflag:s0] =	ssyncset.done $0x0  }
0x2cc: {  	[sflag:s0] =	ssyncadd.s32 $0xFFFFFF80  }
0x2cd: {  	[spmem:s5] =	stream.indirect.scatter.add.f32 [tilespmem:s22], [sflag:$0x3], $0x1, s12, s28, $0xb8;
	[tilespmem:$0x1D580] =	vst v63  }
0x2ce: {  	_ = 	snop  }
0x2cf: {  	[spmem:s4] =	stream.indirect.scatter.add.f32 [tilespmem:s25], [sflag:$0x4], $0x80, s12, s28, $0xb8;
	[tilespmem:$0x1D580] =	vst v63  }
0x2d0: {  	_ =	swait.ge [sflag:s23], $0x4000  }
0x2d1: {  	[sflag:s23] =	ssyncset.done $0x0  }
0x2d2: {  	[sflag:s23] =	ssyncadd.s32 $0xFFFFC000  }
0x2d3: {  	_ =	swait.ge [sflag:s3], $0x4000  }
0x2d4: {  	[sflag:s3] =	ssyncset.done $0x0  }
0x2d5: {  	[sflag:s3] =	ssyncadd.s32 $0xFFFFC000  }
0x2d6: {  	_ =	swait.ge [sflag:s0], $0x80  }
0x2d7: {  	[sflag:s0] =	ssyncset.done $0x0  }
0x2d8: {  	[sflag:s0] =	ssyncadd.s32 $0xFFFFFF80  }
0x2d9: {  	[spmem:s5] =	stream.indirect.scatter.add.f32 [tilespmem:s22], [sflag:$0x3], $0x1, s13, s28, $0xb8;
	[tilespmem:$0x1D580] =	vst v63  }
0x2da: {  	_ = 	snop  }
0x2db: {  	[spmem:s4] =	stream.indirect.scatter.add.f32 [tilespmem:s29], [sflag:$0x4], $0x80, s13, s28, $0xb8;
	[tilespmem:$0x1D580] =	vst v63  }
0x2dc: {  	_ =	swait.ge [sflag:s23], $0x4000  }
0x2dd: {  	[sflag:s23] =	ssyncset.done $0x0  }
0x2de: {  	[sflag:s23] =	ssyncadd.s32 $0xFFFFC000  }
0x2df: {  	_ =	swait.ge [sflag:s0], $0x80  }
0x2e0: {  	[sflag:s0] =	ssyncset.done $0x0  }
0x2e1: {  	[sflag:s0] =	ssyncadd.s32 $0xFFFFFF80  }
0x2e2: {  	[bflag:$0x0] =	sbarrier.arrive $0xFFFF  }
0x2e3: {  	s7 =	rddreg [dreg:$0x17]  }
0x2e4: {  	[tilespmem:s25], [sflag:$0x4] =	stream.linear.gather [spmem:s7], $0x4000, $0x38;
	[tilespmem:$0x1D580] =	vst v63  }
0x2e5: {  	_ =	swait.ge [sflag:s23], $0x4000  }
0x2e6: {  	[sflag:s23] =	ssyncset.done $0x0  }
0x2e7: {  	s14 =	rddreg [dreg:$0x1d];
	[sflag:s23] =	ssyncadd.s32 $0xFFFFC000  }
0x2e8: {  	[hbm4b:s14+s6] =	stream.linear.scatter [tilespmem:s25], [sflag:$0x4], $0x4000, $0x38;
	[tilespmem:$0x1D580] =	vst v63  }
0x2e9: {  	_ =	swait.ge [sflag:s23], $0x4000  }
0x2ea: {  	[sflag:s23] =	ssyncset.done $0x0  }
0x2eb: {  	s7 =	rddreg [dreg:$0x18];
	[sflag:s23] =	ssyncadd.s32 $0xFFFFC000  }
0x2ec: {  	[tilespmem:s25], [sflag:$0x4] =	stream.linear.gather [spmem:s7], $0x4000, $0x38;
	[tilespmem:$0x1D580] =	vst v63  }
0x2ed: {  	_ =	swait.ge [sflag:s23], $0x4000  }
0x2ee: {  	[sflag:s23] =	ssyncset.done $0x0  }
0x2ef: {  	s14 =	rddreg [dreg:$0x1e];
	[sflag:s23] =	ssyncadd.s32 $0xFFFFC000  }
0x2f0: {  	[hbm4b:s14+s6] =	stream.linear.scatter [tilespmem:s25], [sflag:$0x4], $0x4000, $0x38;
	[tilespmem:$0x1D580] =	vst v63  }
0x2f1: {  	_ =	swait.ge [sflag:s23], $0x4000  }
0x2f2: {  	[sflag:s23] =	ssyncset.done $0x0  }
0x2f3: {  	s14 =	rddreg [dreg:$0x19];
	[sflag:s23] =	ssyncadd.s32 $0xFFFFC000  }
0x2f4: {  	[tilespmem:s25], [sflag:$0x4] =	stream.linear.gather [spmem:s14], $0x4000, $0x38;
	[tilespmem:$0x1D580] =	vst v63  }
0x2f5: {  	_ =	swait.ge [sflag:s23], $0x4000  }
0x2f6: {  	[sflag:s23] =	ssyncset.done $0x0  }
0x2f7: {  	s7 =	rddreg [dreg:$0x1f];
	[sflag:s23] =	ssyncadd.s32 $0xFFFFC000  }
0x2f8: {  	[hbm4b:s7+s6] =	stream.linear.scatter [tilespmem:s25], [sflag:$0x4], $0x4000, $0x38;
	[tilespmem:$0x1D580] =	vst v63  }
0x2f9: {  	_ =	swait.ge [sflag:s23], $0x4000  }
0x2fa: {  	[sflag:s23] =	ssyncset.done $0x0  }
0x2fb: {  	s7 =	rddreg [dreg:$0x1a];
	[sflag:s23] =	ssyncadd.s32 $0xFFFFC000  }
0x2fc: {  	[tilespmem:s25], [sflag:$0x4] =	stream.linear.gather [spmem:s7], $0x4000, $0x38;
	[tilespmem:$0x1D580] =	vst v63  }
0x2fd: {  	_ =	swait.ge [sflag:s23], $0x4000  }
0x2fe: {  	s7 =	sld [smem:$0x7F9]  }
0x2ff: {  	[sflag:s23] =	ssyncset.done $0x0  }
0x300: {  	[sflag:s23] =	ssyncadd.s32 $0xFFFFC000  }
0x301: {  	[hbm4b:s7+s6] =	stream.linear.scatter [tilespmem:s25], [sflag:$0x4], $0x4000, $0x38;
	[tilespmem:$0x1D580] =	vst v63  }
0x302: {  	_ =	swait.ge [sflag:s23], $0x4000  }
0x303: {  	[sflag:s23] =	ssyncset.done $0x0  }
0x304: {  	s7 =	rddreg [dreg:$0x1b];
	[sflag:s23] =	ssyncadd.s32 $0xFFFFC000  }
0x305: {  	[tilespmem:s25], [sflag:$0x4] =	stream.linear.gather [spmem:s7], $0x4000, $0x38;
	[tilespmem:$0x1D580] =	vst v63  }
0x306: {  	_ =	swait.ge [sflag:s23], $0x4000  }
0x307: {  	s7 =	sld [smem:$0x7FA]  }
0x308: {  	[sflag:s23] =	ssyncset.done $0x0  }
0x309: {  	[sflag:s23] =	ssyncadd.s32 $0xFFFFC000  }
0x30a: {  	[hbm4b:s7+s6] =	stream.linear.scatter [tilespmem:s25], [sflag:$0x4], $0x4000, $0x38;
	[tilespmem:$0x1D580] =	vst v63  }
0x30b: {  	_ =	swait.ge [sflag:s23], $0x4000  }
0x30c: {  	[sflag:s23] =	ssyncset.done $0x0  }
0x30d: {  	s31 =	simm.s32 $0x9080;
	s7 =	rddreg [dreg:$0x1c];
	[sflag:s23] =	ssyncadd.s32 $0xFFFFC000  }
0x30e: {  	[tilespmem:s31], [sflag:$0x4] =	stream.linear.gather [spmem:s7], $0x280, $0x38;
	[tilespmem:$0x1D580] =	vst v63  }
0x30f: {  	_ =	swait.ge [sflag:s23], $0x280  }
0x310: {  	s2 =	sld [smem:$0x7FB]  }
0x311: {  	[sflag:s23] =	ssyncset.done $0x0  }
0x312: {  	[sflag:s23] =	ssyncadd.s32 $0xFFFFFD80  }
0x313: {  	[hbm4b:s2+s28] =	stream.strided.scatter [tilespmem:s31], [sflag:$0x4], $0x280, s24, s28, $0x38;
	[tilespmem:$0x1D580] =	vst v63  }
0x314: {  	_ =	swait.ge [sflag:s23], $0x280  }
0x315: {  	s2 =	sld [smem:$0x7FD];
	_ =	sdelay $0x2  }
0x316: {  	s24 =	sadd.s32 $0x1, s2;
	s2 =	sld [smem:$0x7FC];
	_ =	sdelay $0x2  }
0x317: {  	p0 =	sne.s32 s24, s2  }
.Ltmp1:
0x318: {  	_ = 	snop;
	(pc) =	sbr.rel @p0 .LBB2_1-.Ltmp1, $3  }
0x319: {  	_ =	sdelay $0x1  }
0x31a: {  	[sflag:s23] =	ssyncset.done $0x0;
	[smem:$0x7FD] =	sst s24  }
0x31b: {  	s7 =	simm.s32 $0x100;
	[sflag:s23] =	ssyncadd.s32 $0xFFFFFD80;
	s24 =	rddreg [dreg:$0x17]  }
0x31c: {  	_ =	sfence.sel $0x180000  }
0x31d: {  	[bflag:$0x0] =	sbarrier.arrive $0xFFFF  }
0x31e: {  	_ =	strace $0x9000004A  }
0x31f: {  	s0 =	stileid.u32;
	[bflag:$0x2] =	sbarrier.arrive $0xFFFF  }
0x320: {  	p0 =	sne.s32 s0, $0x0;
	s0 =	rddreg [dreg:$0x5]  }
0x321: {  	s0 =	sadd.s32 @!p0 $0x100000, s0  }
0x322: {  	[sflag:s0] =	ssyncadd.tile.s32 @!p0 $0x1;
	_ =	shalt  }
.Lfunc_end2:
_tile_overlayer_lowered:
.L_overlay_start_2:
0x323: {  	(tag) =	ssettag $0x2  }
0x324: {  	s0 =	rddreg [dreg:$0x0];
	s2 =	stileid.u32  }
0x325: {  	s1 =	rddreg [dreg:$0x1];
	p0 =	sne.s32 s2, $0x0  }
0x326: {  	s3 =	rddreg [dreg:$0x2];
	[bflag:$0x3] =	sbarrier.arrive $0xFFFF;
	s2 =	simm.s32 @!p0 $0x1C04  }
0x327: {  	[timem:s3], [sflag:s2] =	dma.local @!p0 [hbm:s0], s1  }
0x328: {  	s0 =	simm.s32 @!p0 $0x4  }
0x329: {  	_ =	swait.ge @!p0 [sflag:s0], s1  }
0x32a: {  	s1 =	ssub.s32 @!p0 $0x0, s1;
	[sflag:s0] =	ssyncset.done @!p0 $0x0  }
0x32b: {  	[sflag:s0] =	ssyncadd.s32 @!p0 s1  }
0x32c: {  	[bflag:$0x3] =	sbarrier.arrive $0xFFFF  }
0x32d: {  	_ =	shalt  }

</sc_bundles>
